<compile_context>
chip_gen: v7x
topology: tpu7x:2x2x1
jax: 0.10.2.dev20260603
libtpu: 0.0.44.dev20260713+nightly
codegen_flags: <defaults>
</compile_context>

<pallas_src>
import jax
import jax.numpy as jnp
from jax.experimental import pallas as pl
from jax.experimental.pallas import tpu as pltpu
from jax.experimental.pallas import tpu_sc as plsc

B = 4
N = 2048
K = 20
D = 128
R_TOPK = 256
RB_CONV = 512
BF = jnp.bfloat16


def _topk_kernel(b0, xr_ref, xb_ref, nc_ref, idx_ref):
    b = pl.program_id(0) + b0
    xr = xr_ref[...]
    xb = xb_ref[...]
    mm = jax.lax.dot_general(
        xr.astype(BF), xb.astype(BF), (((1,), (1,)), ((), ())),
        preferred_element_type=jnp.float32)
    inner = -2.0 * mm
    nc = nc_ref[0]
    nr = jnp.sum(xr * xr, axis=1, keepdims=True)
    d0 = (-nc - inner) - nr
    base = b * N
    ninf = jnp.full((R_TOPK, 128), -jnp.inf, jnp.float32)
    v1 = v2 = v3 = v4 = ninf
    zero = jnp.zeros((R_TOPK, 128), jnp.int32)
    c1 = c2 = c3 = c4 = zero
    for c in range(N // 128):
        t = d0[:, c * 128:(c + 1) * 128]
        ci = jnp.full((R_TOPK, 128), c, jnp.int32)
        gt1 = t > v1
        gt2 = t > v2
        gt3 = t > v3
        gt4 = t > v4
        v4 = jnp.where(gt3, v3, jnp.where(gt4, t, v4))
        c4 = jnp.where(gt3, c3, jnp.where(gt4, ci, c4))
        v3 = jnp.where(gt2, v2, jnp.where(gt3, t, v3))
        c3 = jnp.where(gt2, c2, jnp.where(gt3, ci, c3))
        v2 = jnp.where(gt1, v1, jnp.where(gt2, t, v2))
        c2 = jnp.where(gt1, c1, jnp.where(gt2, ci, c2))
        v1 = jnp.where(gt1, t, v1)
        c1 = jnp.where(gt1, ci, c1)
    act, actc = v1, c1
    cnt = zero
    iota128 = jax.lax.broadcasted_iota(jnp.int32, (R_TOPK, 128), 1)
    cols = []
    for _ in range(K):
        m = jnp.max(act, axis=1, keepdims=True)
        eq = act == m
        sel = jnp.where(eq, iota128, jnp.int32(128))
        lane = jnp.min(sel, axis=1, keepdims=True)
        onemask = iota128 == lane
        cstar = jnp.max(jnp.where(onemask, actc, 0), axis=1, keepdims=True)
        cols.append(cstar * 128 + lane + base)
        nv = jnp.where(cnt == 0, v2,
                       jnp.where(cnt == 1, v3,
                                 jnp.where(cnt == 2, v4, ninf)))
        nci = jnp.where(cnt == 0, c2, jnp.where(cnt == 1, c3, c4))
        act = jnp.where(onemask, nv, act)
        actc = jnp.where(onemask, nci, actc)
        cnt = cnt + onemask.astype(jnp.int32)
    idx_ref[...] = jnp.concatenate(cols, axis=1)


def _topk(xt, nc, b0):
    cp = xt.shape[1]
    nb = N // R_TOPK
    import functools
    return pl.pallas_call(
        functools.partial(_topk_kernel, b0),
        grid=(B // 2, nb),
        in_specs=[
            pl.BlockSpec((R_TOPK, cp),
                         lambda b, r: ((b + b0) * (N // R_TOPK) + r, 0)),
            pl.BlockSpec((N, cp), lambda b, r: (b + b0, 0)),
            pl.BlockSpec((1, 1, N), lambda b, r: (b + b0, 0, 0)),
        ],
        out_specs=pl.BlockSpec(
            (R_TOPK, K), lambda b, r: (b * (N // R_TOPK) + r, 0)),
        out_shape=jax.ShapeDtypeStruct((B * N // 2, K), jnp.int32),
    )(xt, xt, nc)


def _sc_gather(table, flat_idx):
    n_idx = flat_idx.shape[1]
    cp = table.shape[1]
    win = 256
    mesh = plsc.VectorSubcoreMesh(core_axis_name="c", subcore_axis_name="s")

    @pl.kernel(
        out_type=jax.ShapeDtypeStruct((n_idx, cp), table.dtype),
        mesh=mesh,
    )
    def kern(x_hbm, i_hbm, o_hbm):
        def body(i_vmem, o_vmem):
            pltpu.sync_copy(x_hbm.at[i_vmem.at[0]], o_vmem)

        pltpu.emit_pipeline(
            body,
            grid=(n_idx // win,),
            in_specs=[pl.BlockSpec((1, win), index_map=lambda i: (0, i))],
            out_specs=[pl.BlockSpec((win, cp), index_map=lambda i: (i, 0))],
            core_axis_name=("c", "s"),
            dimension_semantics=(pltpu.PARALLEL,),
        )(i_hbm, o_hbm)

    return kern(table, flat_idx)


def _conv_kernel(g_ref, c_ref, w_ref, m_ref, sums_ref):
    i = pl.program_id(0)
    g = g_ref[...]
    ctr = c_ref[...]
    cp = ctr.shape[1]
    diff = g - ctr[None, :, :]
    fd = diff.astype(BF).reshape(K * RB_CONV, cp)
    fc = jnp.broadcast_to(
        ctr[None, :, :], g.shape).astype(BF).reshape(K * RB_CONV, cp)
    feat = jnp.concatenate([fd, fc], axis=1)
    y = jax.lax.dot_general(
        feat, w_ref[...].astype(BF), (((1,), (0,)), ((), ())),
        preferred_element_type=jnp.float32)
    m_ref[...] = jnp.max(y.reshape(K, RB_CONV, D), axis=0)
    part = jnp.concatenate(
        [
            jnp.sum(y, axis=0, keepdims=True),
            jnp.sum(y * y, axis=0, keepdims=True),
            jnp.zeros((6, D), jnp.float32),
        ],
        axis=0,
    )

    @pl.when(i == 0)
    def _():
        sums_ref[...] = part

    @pl.when(i != 0)
    def _():
        sums_ref[...] += part


def _conv(g3, xt, wt, h0):
    cp = xt.shape[1]
    hn = B * N // 2
    nrb = hn // RB_CONV
    off = h0 * nrb
    return pl.pallas_call(
        _conv_kernel,
        grid=(nrb,),
        in_specs=[
            pl.BlockSpec((K, RB_CONV, cp), lambda i: (0, i, 0)),
            pl.BlockSpec((RB_CONV, cp), lambda i: (i + off, 0)),
            pl.BlockSpec((2 * cp, D), lambda i: (0, 0)),
        ],
        out_specs=[
            pl.BlockSpec((RB_CONV, D), lambda i: (i, 0)),
            pl.BlockSpec((8, D), lambda i: (0, 0)),
        ],
        out_shape=[
            jax.ShapeDtypeStruct((hn, D), jnp.float32),
            jax.ShapeDtypeStruct((8, D), jnp.float32),
        ],
    )(g3, xt, wt)


def _affine_kernel(m_ref, mean_ref, den_ref, g_ref, b_ref, y_ref):
    yb = (m_ref[...] - mean_ref[...]) / den_ref[...] * g_ref[...] + b_ref[...]
    y_ref[...] = jnp.where(yb > 0, yb, 0.2 * yb)


def _affine(m, mean, den, gam, bet):
    vec = pl.BlockSpec((1, D), lambda b: (0, 0))
    return pl.pallas_call(
        _affine_kernel,
        grid=(B,),
        in_specs=[pl.BlockSpec((N, D), lambda b: (b, 0)), vec, vec, vec, vec],
        out_specs=pl.BlockSpec((N, D), lambda b: (b, 0)),
        out_shape=jax.ShapeDtypeStruct((B * N, D), jnp.float32),
    )(m, mean, den, gam, bet)


def _stage(xt, nc, w, gam, bet):
    cp = xt.shape[1]
    c = w.shape[1] // 2
    wt = jnp.zeros((2 * cp, D), jnp.float32)
    wt = wt.at[:c].set(w[:, :c].T).at[cp:cp + c].set(w[:, c:].T)

    hn = B * N // 2
    idx_a = _topk(xt, nc, 0)
    idx_b = _topk(xt, nc, B // 2)
    gat_a = _sc_gather(xt, jnp.swapaxes(idx_a, 0, 1).reshape(1, hn * K))
    gat_b = _sc_gather(xt, jnp.swapaxes(idx_b, 0, 1).reshape(1, hn * K))
    m_a, sums_a = _conv(gat_a.reshape(K, hn, cp), xt, wt, 0)
    m_b, sums_b = _conv(gat_b.reshape(K, hn, cp), xt, wt, 1)
    m = jnp.concatenate([m_a, m_b], axis=0)
    sums = sums_a + sums_b

    tot = float(B * N * K)
    mean = sums[0] / tot
    var = sums[1] / tot - mean * mean
    den = jnp.sqrt(var + 1e-5)
    return _affine(m, mean.reshape(1, D), den.reshape(1, D),
                   gam.reshape(1, D), bet.reshape(1, D))


def kernel(x, W1, g1, b1, W2, g2, b2):
    c1 = W1.shape[1] // 2
    xt1 = jnp.swapaxes(x, 1, 2)
    xt1 = jnp.pad(xt1, ((0, 0), (0, 0), (0, 128 - c1))).reshape(B * N, 128)
    nc1 = jnp.sum(x ** 2, axis=1, keepdims=True)
    x1 = _stage(xt1, nc1, W1, g1, b1)
    nc2 = jnp.sum(x1 * x1, axis=1).reshape(B, 1, N)
    x2 = _stage(x1, nc2, W2, g2, b2)
    return jnp.swapaxes(x2.reshape(B, N, D), 1, 2)

# --- scband reference (transcript-rebuilt; emitter-appended) ---
"""Pipeline reference for scband-local-embedder-22428319220593 (READ-ONLY COPY).

The authoritative reference and input builder live on the scoring server;
editing this copy changes nothing except your own understanding.
"""

import jax, jax.numpy as jnp
import numpy as np


def knn(x, k):
    inner = -2.0 * jnp.matmul(jnp.swapaxes(x, 2, 1), x)
    xx = jnp.sum(x ** 2, axis=1, keepdims=True)
    pairwise = -xx - inner - jnp.swapaxes(xx, 2, 1)
    return jax.lax.top_k(pairwise, k)[1]


def get_graph_feature(x, k):
    B, C, N = x.shape
    kk = N if N < k else k
    idx = knn(x, kk)
    idx_base = jnp.arange(B).reshape(-1, 1, 1) * N
    idxf = (idx + idx_base).reshape(-1)
    xt = jnp.swapaxes(x, 2, 1).reshape(B * N, C)
    feature = jnp.take(xt, idxf, axis=0).reshape(B, N, kk, C)
    xrep = jnp.broadcast_to(xt.reshape(B, N, 1, C), (B, N, kk, C))
    feature = jnp.concatenate([feature - xrep, xrep], axis=3)
    return jnp.transpose(feature, (0, 3, 1, 2))


def conv_bn_lrelu(x, W, gamma, beta):
    # Conv2d with kernel_size=1, bias=False == per-position channel matmul
    y = jnp.einsum('oc,bcnk->bonk', W, x)
    # BatchNorm2d in training mode: batch statistics over (B, N, K), biased var
    mean = jnp.mean(y, axis=(0, 2, 3), keepdims=True)
    var = jnp.var(y, axis=(0, 2, 3), keepdims=True)
    y = (y - mean) / jnp.sqrt(var + 1e-5)
    y = y * gamma.reshape(1, -1, 1, 1) + beta.reshape(1, -1, 1, 1)
    # LeakyReLU(negative_slope=0.2)
    return jnp.where(y > 0, y, 0.2 * y)


def setup_inputs(seed: int = 0):
    key = jax.random.key(seed)
    ks = jax.random.split(key, 3)
    B, C, N = 4, 3, 2048
    D = 128
    x = jax.random.normal(ks[0], (B, C, N), dtype=jnp.float32)
    W1 = jax.random.normal(ks[1], (D, 2 * C), dtype=jnp.float32) * (1.0 / np.sqrt(2 * C))
    g1 = jnp.ones((D,), dtype=jnp.float32)
    b1 = jnp.zeros((D,), dtype=jnp.float32)
    W2 = jax.random.normal(ks[2], (D, 2 * D), dtype=jnp.float32) * (1.0 / np.sqrt(2 * D))
    g2 = jnp.ones((D,), dtype=jnp.float32)
    b2 = jnp.zeros((D,), dtype=jnp.float32)
    return {"x": x, "W1": W1, "g1": g1, "b1": b1, "W2": W2, "g2": g2, "b2": b2}


def reference(x, W1, g1, b1, W2, g2, b2):
    k = 20
    # N = 2048 > 1, so the repeat branch in the original forward is not taken
    f = get_graph_feature(x, k)
    y = conv_bn_lrelu(f, W1, g1, b1)
    x1 = jnp.max(y, axis=-1)
    f2 = get_graph_feature(x1, k)
    y2 = conv_bn_lrelu(f2, W2, g2, b2)
    x2 = jnp.max(y2, axis=-1)
    return x2

if __name__ == "__main__":
    import jax
    _d = setup_inputs()
    print(jax.jit(kernel)(*tuple(_d.values())))

</pallas_src>

<mosaic_0001>
#map = affine_map<(d0, d1) -> (0, 0)>
module attributes {stable_mosaic.version = 14 : i64} {
  func.func @kern(%arg0: i32, %arg1: i32, %arg2: memref<8192x128xf32, #tpu.memory_space<hbm>>, %arg3: memref<1x81920xi32, #tpu.memory_space<hbm>>, %arg4: memref<81920x128xf32, #tpu.memory_space<hbm>>) attributes {dimension_semantics = [#tpu.dimension_semantics<core_parallel>, #tpu.dimension_semantics<subcore_parallel>], iteration_bounds = array<i64: 2, 16>, scalar_prefetch = 0 : i64, scratch_operands = 0 : i64, tpu.core_type = #tpu.core_type<sc_vector_subcore>, window_params = [{transform_indices = #map}, {transform_indices = #map}, {transform_indices = #map}]} {
    %mul3A = arith.constant 1 : i32
    %mul3A_0 = arith.muli %arg1, %mul3A : i32
    %add3A = arith.constant 0 : i32
    %add3A_1 = arith.addi %add3A, %mul3A_0 : i32
    %mul3A_2 = arith.constant 16 : i32
    %mul3A_3 = arith.muli %arg0, %mul3A_2 : i32
    %add3A_4 = arith.addi %add3A_1, %mul3A_3 : i32
    %mul3A_5 = arith.constant 10 : i32
    %mul3A_6 = arith.muli %add3A_4, %mul3A_5 : i32
    "tpu.region"() ({
      %run_scoped3A = memref.alloca() : memref<2x1x256xi32, #tpu.memory_space<vmem>>
      %run_scoped3A_7 = tpu.sem_alloc : memref<2x!tpu.dma_semaphore, #tpu.memory_space<semaphore_mem>>
      %run_scoped3A_8 = memref.alloca() : memref<2x256x128xf32, #tpu.memory_space<vmem>>
      %run_scoped3A_9 = tpu.sem_alloc : memref<2x!tpu.dma_semaphore, #tpu.memory_space<semaphore_mem>>
      %add3A_10 = arith.constant 0 : i32
      %add3A_11 = arith.addi %add3A_10, %mul3A_6 : i32
      %select_n3A = arith.constant true
      %select_n3A_12 = arith.constant 0 : i32
      %select_n3A_13 = arith.constant -1 : i32
      %select_n3A_14 = arith.select %select_n3A, %select_n3A_13, %select_n3A_12 : i32
      %eq3A = arith.constant -1 : i32
      %eq3A_15 = arith.cmpi eq, %select_n3A_14, %eq3A : i32
      %select_n3A_16 = arith.constant 9 : i32
      %select_n3A_17 = arith.select %eq3A_15, %select_n3A_16, %select_n3A_14 : i32
      %add3A_18 = arith.addi %select_n3A_17, %mul3A_6 : i32
      %select_n3A_19 = arith.constant true
      %select_n3A_20 = arith.constant 0 : i32
      %select_n3A_21 = arith.constant 1 : i32
      %select_n3A_22 = arith.select %select_n3A_19, %select_n3A_21, %select_n3A_20 : i32
      %eq3A_23 = arith.constant 10 : i32
      %eq3A_24 = arith.cmpi eq, %select_n3A_22, %eq3A_23 : i32
      %select_n3A_25 = arith.constant 0 : i32
      %select_n3A_26 = arith.select %eq3A_24, %select_n3A_25, %select_n3A_22 : i32
      %add3A_27 = arith.addi %select_n3A_26, %mul3A_6 : i32
      %add3A_28 = arith.constant 1 : i32
      %add3A_29 = arith.addi %select_n3A_26, %add3A_28 : i32
      %select_n3A_30 = arith.constant true
      %select_n3A_31 = arith.select %select_n3A_30, %add3A_29, %select_n3A_26 : i32
      %eq3A_32 = arith.constant 10 : i32
      %eq3A_33 = arith.cmpi eq, %select_n3A_31, %eq3A_32 : i32
      %select_n3A_34 = arith.constant 0 : i32
      %select_n3A_35 = arith.select %eq3A_33, %select_n3A_34, %select_n3A_31 : i32
      %add3A_36 = arith.addi %select_n3A_35, %mul3A_6 : i32
      "tpu.trace_start"() <{level = 10 : i32, message = "ep_initialize_0"}> : () -> ()
      %rem3A = arith.constant 0 : i32
      %rem3A_37 = arith.constant 2 : i32
      %rem3A_38 = arith.remui %rem3A, %rem3A_37 : i32
      %mul3A_39 = arith.constant 256 : i32
      %mul3A_40 = arith.muli %mul3A_39, %add3A_11 : i32
      %dma_start3A = arith.constant 0 : i32
      %dma_start3A_41 = arith.constant 0 : i32
      %dma_start3A_42 = tpu.memref_slice %run_scoped3A[%rem3A_38, %dma_start3A, %dma_start3A_41] : memref<2x1x256xi32, #tpu.memory_space<vmem>> -> memref<1x1x256xi32, #tpu.memory_space<vmem>>
      %dma_start3A_43 = tpu.memref_squeeze %dma_start3A_42 : memref<1x1x256xi32, #tpu.memory_space<vmem>> -> memref<1x256xi32, #tpu.memory_space<vmem>>
      %dma_start3A_44 = arith.constant 0 : i32
      %dma_start3A_45 = tpu.memref_slice %arg3[%dma_start3A_44, %mul3A_40] : memref<1x81920xi32, #tpu.memory_space<hbm>> -> memref<1x256xi32, #tpu.memory_space<hbm>>
      %dma_start3A_46 = tpu.memref_slice %run_scoped3A_7[%rem3A_38] : memref<2x!tpu.dma_semaphore, #tpu.memory_space<semaphore_mem>> -> memref<1x!tpu.dma_semaphore, #tpu.memory_space<semaphore_mem>>
      %dma_start3A_47 = tpu.memref_squeeze %dma_start3A_46 : memref<1x!tpu.dma_semaphore, #tpu.memory_space<semaphore_mem>> -> memref<!tpu.dma_semaphore, #tpu.memory_space<semaphore_mem>>
      %dma_start3A_48 = arith.constant 0 : i32
      %dma_start3A_49 = arith.constant 0 : i32
      %dma_start3A_50 = tpu.memref_slice %run_scoped3A[%rem3A_38, %dma_start3A_48, %dma_start3A_49] : memref<2x1x256xi32, #tpu.memory_space<vmem>> -> memref<1x1x256xi32, #tpu.memory_space<vmem>>
      %dma_start3A_51 = tpu.memref_squeeze %dma_start3A_50 : memref<1x1x256xi32, #tpu.memory_space<vmem>> -> memref<1x256xi32, #tpu.memory_space<vmem>>
      %dma_start3A_52 = arith.constant 0 : i32
      %dma_start3A_53 = tpu.memref_slice %arg3[%dma_start3A_52, %mul3A_40] : memref<1x81920xi32, #tpu.memory_space<hbm>> -> memref<1x256xi32, #tpu.memory_space<hbm>>
      tpu.enqueue_dma source(%dma_start3A_53 : memref<1x256xi32, #tpu.memory_space<hbm>>) target(%dma_start3A_51 : memref<1x256xi32, #tpu.memory_space<vmem>>) target_semaphore(%dma_start3A_47 : memref<!tpu.dma_semaphore, #tpu.memory_space<semaphore_mem>>)
      %add3A_54 = arith.constant 0 : i32
      %add3A_55 = arith.constant 1 : i32
      %add3A_56 = arith.addi %add3A_54, %add3A_55 : i32
      %select_n3A_57 = arith.constant true
      %select_n3A_58 = arith.constant 0 : i32
      %select_n3A_59 = arith.select %select_n3A_57, %add3A_56, %select_n3A_58 : i32
      "tpu.trace_stop"() : () -> ()
      %scan3A = arith.constant 0 : i32
      %scan3A_60 = arith.constant 0 : i32
      %scan3A_61 = arith.constant 0 : i32
      %scan3A_62 = arith.constant 0 : i32
      %scan3A_63 = arith.constant 0 : i32
      %scan3A_64 = arith.constant 10 : i32
      %scan3A_65 = arith.addi %scan3A_63, %scan3A_64 : i32
      %scan3A_66 = arith.constant 1 : i32
      %scan3A_67:5 = scf.for %scan3A_121 = %scan3A_63 to %scan3A_65 step %scan3A_66 iter_args(%scan3A_122 = %select_n3A_59, %scan3A_123 = %scan3A, %scan3A_124 = %scan3A_60, %scan3A_125 = %scan3A_61, %scan3A_126 = %scan3A_62) -> (i32, i32, i32, i32, i32)  : i32 {
        %eq3A_127 = arith.constant 0 : i32
        %eq3A_128 = arith.cmpi eq, %scan3A_121, %eq3A_127 : i32
        %eq3A_129 = arith.constant 9 : i32
        %eq3A_130 = arith.cmpi eq, %scan3A_121, %eq3A_129 : i32
        %add3A_131 = arith.addi %scan3A_126, %mul3A_6 : i32
        %sub3A_132 = arith.constant 1 : i32
        %sub3A_133 = arith.subi %scan3A_126, %sub3A_132 : i32
        %select_n3A_134 = arith.constant true
        %select_n3A_135 = arith.select %select_n3A_134, %sub3A_133, %scan3A_126 : i32
        %eq3A_136 = arith.constant -1 : i32
        %eq3A_137 = arith.cmpi eq, %select_n3A_135, %eq3A_136 : i32
        %select_n3A_138 = arith.constant 9 : i32
        %select_n3A_139 = arith.select %eq3A_137, %select_n3A_138, %select_n3A_135 : i32
        %add3A_140 = arith.addi %select_n3A_139, %mul3A_6 : i32
        %add3A_141 = arith.constant 1 : i32
        %add3A_142 = arith.addi %scan3A_126, %add3A_141 : i32
        %select_n3A_143 = arith.constant true
        %select_n3A_144 = arith.select %select_n3A_143, %add3A_142, %scan3A_126 : i32
        %eq3A_145 = arith.constant 10 : i32
        %eq3A_146 = arith.cmpi eq, %select_n3A_144, %eq3A_145 : i32
        %select_n3A_147 = arith.constant 0 : i32
        %select_n3A_148 = arith.select %eq3A_146, %select_n3A_147, %select_n3A_144 : i32
        %add3A_149 = arith.addi %select_n3A_148, %mul3A_6 : i32
        %add3A_150 = arith.constant 1 : i32
        %add3A_151 = arith.addi %select_n3A_148, %add3A_150 : i32
        %select_n3A_152 = arith.constant true
        %select_n3A_153 = arith.select %select_n3A_152, %add3A_151, %select_n3A_148 : i32
        %eq3A_154 = arith.constant 10 : i32
        %eq3A_155 = arith.cmpi eq, %select_n3A_153, %eq3A_154 : i32
        %select_n3A_156 = arith.constant 0 : i32
        %select_n3A_157 = arith.select %eq3A_155, %select_n3A_156, %select_n3A_153 : i32
        %add3A_158 = arith.addi %select_n3A_157, %mul3A_6 : i32
        %ne3A = arith.cmpi ne, %add3A_131, %add3A_149 : i32
        %or3A = arith.constant false
        %or3A_159 = arith.ori %or3A, %ne3A : i1
        %ge3A = arith.constant 9 : i32
        %ge3A_160 = arith.cmpi sge, %scan3A_121, %ge3A : i32
        %not3A = arith.constant true
        %not3A_161 = arith.xori %ge3A_160, %not3A : i1
        %and3A = arith.andi %or3A_159, %not3A_161 : i1
        %convert_element_type3A = arith.extui %and3A : i1 to i32
        %cond3A = arith.constant 0 : i32
        %cond3A_162 = arith.cmpi ne, %convert_element_type3A, %cond3A : i32
        scf.if %cond3A_162 {
          "tpu.trace_start"() <{level = 10 : i32, message = "ep_copy_in"}> : () -> ()
          %rem3A_264 = arith.constant 2 : i32
          %rem3A_265 = arith.remui %scan3A_122, %rem3A_264 : i32
          %mul3A_266 = arith.constant 256 : i32
          %mul3A_267 = arith.muli %mul3A_266, %add3A_149 : i32
          %dma_start3A_268 = arith.constant 0 : i32
          %dma_start3A_269 = arith.constant 0 : i32
          %dma_start3A_270 = tpu.memref_slice %run_scoped3A[%rem3A_265, %dma_start3A_268, %dma_start3A_269] : memref<2x1x256xi32, #tpu.memory_space<vmem>> -> memref<1x1x256xi32, #tpu.memory_space<vmem>>
          %dma_start3A_271 = tpu.memref_squeeze %dma_start3A_270 : memref<1x1x256xi32, #tpu.memory_space<vmem>> -> memref<1x256xi32, #tpu.memory_space<vmem>>
          %dma_start3A_272 = arith.constant 0 : i32
          %dma_start3A_273 = tpu.memref_slice %arg3[%dma_start3A_272, %mul3A_267] : memref<1x81920xi32, #tpu.memory_space<hbm>> -> memref<1x256xi32, #tpu.memory_space<hbm>>
          %dma_start3A_274 = tpu.memref_slice %run_scoped3A_7[%rem3A_265] : memref<2x!tpu.dma_semaphore, #tpu.memory_space<semaphore_mem>> -> memref<1x!tpu.dma_semaphore, #tpu.memory_space<semaphore_mem>>
          %dma_start3A_275 = tpu.memref_squeeze %dma_start3A_274 : memref<1x!tpu.dma_semaphore, #tpu.memory_space<semaphore_mem>> -> memref<!tpu.dma_semaphore, #tpu.memory_space<semaphore_mem>>
          %dma_start3A_276 = arith.constant 0 : i32
          %dma_start3A_277 = arith.constant 0 : i32
          %dma_start3A_278 = tpu.memref_slice %run_scoped3A[%rem3A_265, %dma_start3A_276, %dma_start3A_277] : memref<2x1x256xi32, #tpu.memory_space<vmem>> -> memref<1x1x256xi32, #tpu.memory_space<vmem>>
          %dma_start3A_279 = tpu.memref_squeeze %dma_start3A_278 : memref<1x1x256xi32, #tpu.memory_space<vmem>> -> memref<1x256xi32, #tpu.memory_space<vmem>>
          %dma_start3A_280 = arith.constant 0 : i32
          %dma_start3A_281 = tpu.memref_slice %arg3[%dma_start3A_280, %mul3A_267] : memref<1x81920xi32, #tpu.memory_space<hbm>> -> memref<1x256xi32, #tpu.memory_space<hbm>>
          tpu.enqueue_dma source(%dma_start3A_281 : memref<1x256xi32, #tpu.memory_space<hbm>>) target(%dma_start3A_279 : memref<1x256xi32, #tpu.memory_space<vmem>>) target_semaphore(%dma_start3A_275 : memref<!tpu.dma_semaphore, #tpu.memory_space<semaphore_mem>>)
          "tpu.trace_stop"() : () -> ()
        } else {
        }
        %and3A_163 = arith.constant true
        %and3A_164 = arith.andi %and3A, %and3A_163 : i1
        %add3A_165 = arith.constant 1 : i32
        %add3A_166 = arith.addi %scan3A_122, %add3A_165 : i32
        %select_n3A_167 = arith.select %and3A_164, %add3A_166, %scan3A_122 : i32
        %ne3A_168 = arith.cmpi ne, %add3A_131, %add3A_149 : i32
        %or3A_169 = arith.constant false
        %or3A_170 = arith.ori %or3A_169, %ne3A_168 : i1
        %or3A_171 = arith.constant false
        %or3A_172 = arith.ori %or3A_170, %or3A_171 : i1
        %ge3A_173 = arith.constant 9 : i32
        %ge3A_174 = arith.cmpi sge, %scan3A_121, %ge3A_173 : i32
        %not3A_175 = arith.constant true
        %not3A_176 = arith.xori %ge3A_174, %not3A_175 : i1
        %and3A_177 = arith.andi %or3A_172, %not3A_176 : i1
        %ne3A_178 = arith.cmpi ne, %add3A_131, %add3A_140 : i32
        %or3A_179 = arith.constant false
        %or3A_180 = arith.ori %or3A_179, %ne3A_178 : i1
        %or3A_181 = arith.ori %or3A_180, %eq3A_128 : i1
        %convert_element_type3A_182 = arith.extui %or3A_181 : i1 to i32
        %cond3A_183 = arith.constant 0 : i32
        %cond3A_184 = arith.cmpi ne, %convert_element_type3A_182, %cond3A_183 : i32
        scf.if %cond3A_184 {
          "tpu.trace_start"() <{level = 10 : i32, message = "ep_wait_in"}> : () -> ()
          %mul3A_264 = arith.constant 256 : i32
          %mul3A_265 = arith.muli %mul3A_264, %add3A_131 : i32
          %rem3A_266 = arith.constant 2 : i32
          %rem3A_267 = arith.remui %scan3A_123, %rem3A_266 : i32
          %dma_wait3A_268 = arith.constant 0 : i32
          %dma_wait3A_269 = arith.constant 0 : i32
          %dma_wait3A_270 = tpu.memref_slice %run_scoped3A[%rem3A_267, %dma_wait3A_268, %dma_wait3A_269] : memref<2x1x256xi32, #tpu.memory_space<vmem>> -> memref<1x1x256xi32, #tpu.memory_space<vmem>>
          %dma_wait3A_271 = tpu.memref_squeeze %dma_wait3A_270 : memref<1x1x256xi32, #tpu.memory_space<vmem>> -> memref<1x256xi32, #tpu.memory_space<vmem>>
          %dma_wait3A_272 = arith.constant 0 : i32
          %dma_wait3A_273 = tpu.memref_slice %arg3[%dma_wait3A_272, %mul3A_265] : memref<1x81920xi32, #tpu.memory_space<hbm>> -> memref<1x256xi32, #tpu.memory_space<hbm>>
          %dma_wait3A_274 = tpu.memref_slice %run_scoped3A_7[%rem3A_267] : memref<2x!tpu.dma_semaphore, #tpu.memory_space<semaphore_mem>> -> memref<1x!tpu.dma_semaphore, #tpu.memory_space<semaphore_mem>>
          %dma_wait3A_275 = tpu.memref_squeeze %dma_wait3A_274 : memref<1x!tpu.dma_semaphore, #tpu.memory_space<semaphore_mem>> -> memref<!tpu.dma_semaphore, #tpu.memory_space<semaphore_mem>>
          %dma_wait3A_276 = arith.constant 0 : i32
          %dma_wait3A_277 = arith.constant 0 : i32
          %dma_wait3A_278 = tpu.memref_slice %run_scoped3A[%rem3A_267, %dma_wait3A_276, %dma_wait3A_277] : memref<2x1x256xi32, #tpu.memory_space<vmem>> -> memref<1x1x256xi32, #tpu.memory_space<vmem>>
          %dma_wait3A_279 = tpu.memref_squeeze %dma_wait3A_278 : memref<1x1x256xi32, #tpu.memory_space<vmem>> -> memref<1x256xi32, #tpu.memory_space<vmem>>
          %dma_wait3A_280 = arith.constant 0 : i32
          %dma_wait3A_281 = tpu.memref_slice %arg3[%dma_wait3A_280, %mul3A_265] : memref<1x81920xi32, #tpu.memory_space<hbm>> -> memref<1x256xi32, #tpu.memory_space<hbm>>
          tpu.wait_dma2 semaphore(%dma_wait3A_275 : memref<!tpu.dma_semaphore, #tpu.memory_space<semaphore_mem>>) src(%dma_wait3A_281 : memref<1x256xi32, #tpu.memory_space<hbm>>) dst(%dma_wait3A_279 : memref<1x256xi32, #tpu.memory_space<vmem>>)
          "tpu.trace_stop"() : () -> ()
        } else {
        }
        %ne3A_185 = arith.cmpi ne, %add3A_131, %add3A_140 : i32
        %or3A_186 = arith.constant false
        %or3A_187 = arith.ori %or3A_186, %ne3A_185 : i1
        %or3A_188 = arith.constant false
        %or3A_189 = arith.ori %or3A_187, %or3A_188 : i1
        %or3A_190 = arith.ori %or3A_189, %eq3A_128 : i1
        %convert_element_type3A_191 = arith.extui %or3A_190 : i1 to i32
        %cond3A_192 = arith.constant 0 : i32
        %cond3A_193 = arith.cmpi ne, %convert_element_type3A_191, %cond3A_192 : i32
        scf.if %cond3A_193 {
        } else {
        }
        %rem3A_194 = arith.constant 2 : i32
        %rem3A_195 = arith.remui %scan3A_123, %rem3A_194 : i32
        %rem3A_196 = arith.constant 2 : i32
        %rem3A_197 = arith.remui %scan3A_124, %rem3A_196 : i32
        %run_scoped3A_198 = arith.constant 0 : i32
        "tpu.trace_start"() <{level = 10 : i32, message = "ep_run_kernel"}> : () -> ()
        "tpu.region"() ({
          %run_scoped3A_264 = tpu.sem_alloc : memref<!tpu.dma_semaphore, #tpu.memory_space<semaphore_mem>>
          %dma_start3A_265 = arith.constant 0 : i32
          %dma_start3A_266 = arith.constant 0 : i32
          %dma_start3A_267 = tpu.memref_slice %run_scoped3A_8[%rem3A_197, %dma_start3A_265, %dma_start3A_266] : memref<2x256x128xf32, #tpu.memory_space<vmem>> -> memref<1x256x128xf32, #tpu.memory_space<vmem>>
          %dma_start3A_268 = tpu.memref_squeeze %dma_start3A_267 : memref<1x256x128xf32, #tpu.memory_space<vmem>> -> memref<256x128xf32, #tpu.memory_space<vmem>>
          %dma_start3A_269 = arith.constant 0 : i32
          %dma_start3A_270 = arith.constant 0 : i32
          %dma_start3A_271 = tpu.memref_slice %run_scoped3A[%rem3A_195, %dma_start3A_269, %dma_start3A_270] : memref<2x1x256xi32, #tpu.memory_space<vmem>> -> memref<1x1x256xi32, #tpu.memory_space<vmem>>
          %dma_start3A_272 = tpu.memref_squeeze %dma_start3A_271 : memref<1x1x256xi32, #tpu.memory_space<vmem>> -> memref<1x256xi32, #tpu.memory_space<vmem>>
          %dma_start3A_273 = arith.constant 0 : i32
          %dma_start3A_274 = tpu.memref_slice %dma_start3A_272[%run_scoped3A_198, %dma_start3A_273] : memref<1x256xi32, #tpu.memory_space<vmem>> -> memref<1x256xi32, #tpu.memory_space<vmem>>
          %dma_start3A_275 = tpu.memref_squeeze %dma_start3A_274 : memref<1x256xi32, #tpu.memory_space<vmem>> -> memref<256xi32, #tpu.memory_space<vmem>>
          %dma_start3A_276 = arith.constant 0 : i32
          %dma_start3A_277 = arith.constant 0 : i32
          %dma_start3A_278 = tpu.memref_slice %arg2[%dma_start3A_276, %dma_start3A_277] : memref<8192x128xf32, #tpu.memory_space<hbm>> -> memref<8192x128xf32, #tpu.memory_space<hbm>>
          tpu.enqueue_indirect_dma source(%dma_start3A_278 : memref<8192x128xf32, #tpu.memory_space<hbm>>) target(%dma_start3A_268 : memref<256x128xf32, #tpu.memory_space<vmem>>) offsets(%dma_start3A_275 : memref<256xi32, #tpu.memory_space<vmem>>) semaphore(%run_scoped3A_264 : memref<!tpu.dma_semaphore, #tpu.memory_space<semaphore_mem>>)
          %dma_wait3A_279 = arith.constant 0 : i32
          %dma_wait3A_280 = arith.constant 0 : i32
          %dma_wait3A_281 = tpu.memref_slice %run_scoped3A_8[%rem3A_197, %dma_wait3A_279, %dma_wait3A_280] : memref<2x256x128xf32, #tpu.memory_space<vmem>> -> memref<1x256x128xf32, #tpu.memory_space<vmem>>
          %dma_wait3A_282 = tpu.memref_squeeze %dma_wait3A_281 : memref<1x256x128xf32, #tpu.memory_space<vmem>> -> memref<256x128xf32, #tpu.memory_space<vmem>>
          %dma_wait3A_283 = arith.constant 0 : i32
          %dma_wait3A_284 = arith.constant 0 : i32
          %dma_wait3A_285 = tpu.memref_slice %run_scoped3A[%rem3A_195, %dma_wait3A_283, %dma_wait3A_284] : memref<2x1x256xi32, #tpu.memory_space<vmem>> -> memref<1x1x256xi32, #tpu.memory_space<vmem>>
          %dma_wait3A_286 = tpu.memref_squeeze %dma_wait3A_285 : memref<1x1x256xi32, #tpu.memory_space<vmem>> -> memref<1x256xi32, #tpu.memory_space<vmem>>
          %dma_wait3A_287 = arith.constant 0 : i32
          %dma_wait3A_288 = tpu.memref_slice %dma_wait3A_286[%run_scoped3A_198, %dma_wait3A_287] : memref<1x256xi32, #tpu.memory_space<vmem>> -> memref<1x256xi32, #tpu.memory_space<vmem>>
          %dma_wait3A_289 = tpu.memref_squeeze %dma_wait3A_288 : memref<1x256xi32, #tpu.memory_space<vmem>> -> memref<256xi32, #tpu.memory_space<vmem>>
          %dma_wait3A_290 = arith.constant 0 : i32
          %dma_wait3A_291 = arith.constant 0 : i32
          %dma_wait3A_292 = tpu.memref_slice %arg2[%dma_wait3A_290, %dma_wait3A_291] : memref<8192x128xf32, #tpu.memory_space<hbm>> -> memref<8192x128xf32, #tpu.memory_space<hbm>>
          tpu.wait_indirect_dma semaphore(%run_scoped3A_264 : memref<!tpu.dma_semaphore, #tpu.memory_space<semaphore_mem>>) src(%dma_wait3A_292 : memref<8192x128xf32, #tpu.memory_space<hbm>>) dst(%dma_wait3A_282 : memref<256x128xf32, #tpu.memory_space<vmem>>)
          tpu.yield
        }) : () -> ()
        "tpu.trace_stop"() : () -> ()
        %ne3A_199 = arith.cmpi ne, %add3A_131, %add3A_149 : i32
        %or3A_200 = arith.constant false
        %or3A_201 = arith.ori %or3A_200, %ne3A_199 : i1
        %or3A_202 = arith.ori %or3A_201, %eq3A_130 : i1
        %convert_element_type3A_203 = arith.extui %or3A_202 : i1 to i32
        %cond3A_204 = arith.constant 0 : i32
        %cond3A_205 = arith.cmpi ne, %convert_element_type3A_203, %cond3A_204 : i32
        scf.if %cond3A_205 {
        } else {
        }
        %and3A_206 = arith.constant false
        %and3A_207 = arith.andi %or3A_202, %and3A_206 : i1
        %ne3A_208 = arith.cmpi ne, %add3A_131, %add3A_149 : i32
        %or3A_209 = arith.constant false
        %or3A_210 = arith.ori %or3A_209, %ne3A_208 : i1
        %or3A_211 = arith.constant false
        %or3A_212 = arith.ori %or3A_210, %or3A_211 : i1
        %or3A_213 = arith.ori %or3A_212, %eq3A_130 : i1
        %convert_element_type3A_214 = arith.extui %or3A_213 : i1 to i32
        %cond3A_215 = arith.constant 0 : i32
        %cond3A_216 = arith.cmpi ne, %convert_element_type3A_214, %cond3A_215 : i32
        scf.if %cond3A_216 {
          "tpu.trace_start"() <{level = 10 : i32, message = "ep_copy_out"}> : () -> ()
          %rem3A_264 = arith.constant 2 : i32
          %rem3A_265 = arith.remui %scan3A_124, %rem3A_264 : i32
          %mul3A_266 = arith.constant 256 : i32
          %mul3A_267 = arith.muli %mul3A_266, %add3A_131 : i32
          %dma_start3A_268 = arith.constant 0 : i32
          %dma_start3A_269 = arith.constant 0 : i32
          %dma_start3A_270 = tpu.memref_slice %run_scoped3A_8[%rem3A_265, %dma_start3A_268, %dma_start3A_269] : memref<2x256x128xf32, #tpu.memory_space<vmem>> -> memref<1x256x128xf32, #tpu.memory_space<vmem>>
          %dma_start3A_271 = tpu.memref_squeeze %dma_start3A_270 : memref<1x256x128xf32, #tpu.memory_space<vmem>> -> memref<256x128xf32, #tpu.memory_space<vmem>>
          %dma_start3A_272 = arith.constant 0 : i32
          %dma_start3A_273 = tpu.memref_slice %arg4[%mul3A_267, %dma_start3A_272] : memref<81920x128xf32, #tpu.memory_space<hbm>> -> memref<256x128xf32, #tpu.memory_space<hbm>>
          %dma_start3A_274 = tpu.memref_slice %run_scoped3A_9[%rem3A_265] : memref<2x!tpu.dma_semaphore, #tpu.memory_space<semaphore_mem>> -> memref<1x!tpu.dma_semaphore, #tpu.memory_space<semaphore_mem>>
          %dma_start3A_275 = tpu.memref_squeeze %dma_start3A_274 : memref<1x!tpu.dma_semaphore, #tpu.memory_space<semaphore_mem>> -> memref<!tpu.dma_semaphore, #tpu.memory_space<semaphore_mem>>
          %dma_start3A_276 = arith.constant 0 : i32
          %dma_start3A_277 = tpu.memref_slice %arg4[%mul3A_267, %dma_start3A_276] : memref<81920x128xf32, #tpu.memory_space<hbm>> -> memref<256x128xf32, #tpu.memory_space<hbm>>
          %dma_start3A_278 = arith.constant 0 : i32
          %dma_start3A_279 = arith.constant 0 : i32
          %dma_start3A_280 = tpu.memref_slice %run_scoped3A_8[%rem3A_265, %dma_start3A_278, %dma_start3A_279] : memref<2x256x128xf32, #tpu.memory_space<vmem>> -> memref<1x256x128xf32, #tpu.memory_space<vmem>>
          %dma_start3A_281 = tpu.memref_squeeze %dma_start3A_280 : memref<1x256x128xf32, #tpu.memory_space<vmem>> -> memref<256x128xf32, #tpu.memory_space<vmem>>
          tpu.enqueue_dma source(%dma_start3A_281 : memref<256x128xf32, #tpu.memory_space<vmem>>) target(%dma_start3A_277 : memref<256x128xf32, #tpu.memory_space<hbm>>) target_semaphore(%dma_start3A_275 : memref<!tpu.dma_semaphore, #tpu.memory_space<semaphore_mem>>)
          "tpu.trace_stop"() : () -> ()
        } else {
        }
        %and3A_217 = arith.constant true
        %and3A_218 = arith.andi %or3A_213, %and3A_217 : i1
        %add3A_219 = arith.constant 1 : i32
        %add3A_220 = arith.addi %scan3A_124, %add3A_219 : i32
        %select_n3A_221 = arith.select %and3A_218, %add3A_220, %scan3A_124 : i32
        %ne3A_222 = arith.cmpi ne, %add3A_131, %add3A_140 : i32
        %or3A_223 = arith.constant false
        %or3A_224 = arith.ori %or3A_223, %ne3A_222 : i1
        %not3A_225 = arith.constant true
        %not3A_226 = arith.xori %eq3A_128, %not3A_225 : i1
        %and3A_227 = arith.andi %or3A_224, %not3A_226 : i1
        %convert_element_type3A_228 = arith.extui %and3A_227 : i1 to i32
        %cond3A_229 = arith.constant 0 : i32
        %cond3A_230 = arith.cmpi ne, %convert_element_type3A_228, %cond3A_229 : i32
        scf.if %cond3A_230 {
        } else {
        }
        %and3A_231 = arith.constant false
        %and3A_232 = arith.andi %and3A_227, %and3A_231 : i1
        %ne3A_233 = arith.cmpi ne, %add3A_131, %add3A_140 : i32
        %or3A_234 = arith.constant false
        %or3A_235 = arith.ori %or3A_234, %ne3A_233 : i1
        %or3A_236 = arith.constant false
        %or3A_237 = arith.ori %or3A_235, %or3A_236 : i1
        %not3A_238 = arith.constant true
        %not3A_239 = arith.xori %eq3A_128, %not3A_238 : i1
        %and3A_240 = arith.andi %or3A_237, %not3A_239 : i1
        %convert_element_type3A_241 = arith.extui %and3A_240 : i1 to i32
        %cond3A_242 = arith.constant 0 : i32
        %cond3A_243 = arith.cmpi ne, %convert_element_type3A_241, %cond3A_242 : i32
        scf.if %cond3A_243 {
          "tpu.trace_start"() <{level = 10 : i32, message = "ep_wait_out"}> : () -> ()
          %rem3A_264 = arith.constant 2 : i32
          %rem3A_265 = arith.remui %scan3A_125, %rem3A_264 : i32
          %mul3A_266 = arith.constant 256 : i32
          %mul3A_267 = arith.muli %mul3A_266, %add3A_140 : i32
          %dma_wait3A_268 = arith.constant 0 : i32
          %dma_wait3A_269 = arith.constant 0 : i32
          %dma_wait3A_270 = tpu.memref_slice %run_scoped3A_8[%rem3A_265, %dma_wait3A_268, %dma_wait3A_269] : memref<2x256x128xf32, #tpu.memory_space<vmem>> -> memref<1x256x128xf32, #tpu.memory_space<vmem>>
          %dma_wait3A_271 = tpu.memref_squeeze %dma_wait3A_270 : memref<1x256x128xf32, #tpu.memory_space<vmem>> -> memref<256x128xf32, #tpu.memory_space<vmem>>
          %dma_wait3A_272 = arith.constant 0 : i32
          %dma_wait3A_273 = tpu.memref_slice %arg4[%mul3A_267, %dma_wait3A_272] : memref<81920x128xf32, #tpu.memory_space<hbm>> -> memref<256x128xf32, #tpu.memory_space<hbm>>
          %dma_wait3A_274 = tpu.memref_slice %run_scoped3A_9[%rem3A_265] : memref<2x!tpu.dma_semaphore, #tpu.memory_space<semaphore_mem>> -> memref<1x!tpu.dma_semaphore, #tpu.memory_space<semaphore_mem>>
          %dma_wait3A_275 = tpu.memref_squeeze %dma_wait3A_274 : memref<1x!tpu.dma_semaphore, #tpu.memory_space<semaphore_mem>> -> memref<!tpu.dma_semaphore, #tpu.memory_space<semaphore_mem>>
          %dma_wait3A_276 = arith.constant 0 : i32
          %dma_wait3A_277 = tpu.memref_slice %arg4[%mul3A_267, %dma_wait3A_276] : memref<81920x128xf32, #tpu.memory_space<hbm>> -> memref<256x128xf32, #tpu.memory_space<hbm>>
          %dma_wait3A_278 = arith.constant 0 : i32
          %dma_wait3A_279 = arith.constant 0 : i32
          %dma_wait3A_280 = tpu.memref_slice %run_scoped3A_8[%rem3A_265, %dma_wait3A_278, %dma_wait3A_279] : memref<2x256x128xf32, #tpu.memory_space<vmem>> -> memref<1x256x128xf32, #tpu.memory_space<vmem>>
          %dma_wait3A_281 = tpu.memref_squeeze %dma_wait3A_280 : memref<1x256x128xf32, #tpu.memory_space<vmem>> -> memref<256x128xf32, #tpu.memory_space<vmem>>
          tpu.wait_dma2 semaphore(%dma_wait3A_275 : memref<!tpu.dma_semaphore, #tpu.memory_space<semaphore_mem>>) src(%dma_wait3A_281 : memref<256x128xf32, #tpu.memory_space<vmem>>) dst(%dma_wait3A_277 : memref<256x128xf32, #tpu.memory_space<hbm>>)
          "tpu.trace_stop"() : () -> ()
        } else {
        }
        %and3A_244 = arith.constant true
        %and3A_245 = arith.andi %and3A_240, %and3A_244 : i1
        %add3A_246 = arith.constant 1 : i32
        %add3A_247 = arith.addi %scan3A_125, %add3A_246 : i32
        %select_n3A_248 = arith.select %and3A_245, %add3A_247, %scan3A_125 : i32
        %ne3A_249 = arith.cmpi ne, %add3A_131, %add3A_149 : i32
        %or3A_250 = arith.constant false
        %or3A_251 = arith.ori %or3A_250, %ne3A_249 : i1
        %or3A_252 = arith.ori %or3A_251, %eq3A_130 : i1
        %add3A_253 = arith.constant 1 : i32
        %add3A_254 = arith.addi %scan3A_123, %add3A_253 : i32
        %select_n3A_255 = arith.select %or3A_252, %add3A_254, %scan3A_123 : i32
        %add3A_256 = arith.constant 1 : i32
        %add3A_257 = arith.addi %scan3A_126, %add3A_256 : i32
        %select_n3A_258 = arith.constant true
        %select_n3A_259 = arith.select %select_n3A_258, %add3A_257, %scan3A_126 : i32
        %eq3A_260 = arith.constant 10 : i32
        %eq3A_261 = arith.cmpi eq, %select_n3A_259, %eq3A_260 : i32
        %select_n3A_262 = arith.constant 0 : i32
        %select_n3A_263 = arith.select %eq3A_261, %select_n3A_262, %select_n3A_259 : i32
        scf.yield %select_n3A_167, %select_n3A_255, %select_n3A_221, %select_n3A_248, %select_n3A_263 : i32, i32, i32, i32, i32
      }
      %scan3A_68 = arith.constant 10 : i32
      %sub3A = arith.constant 1 : i32
      %sub3A_69 = arith.subi %scan3A_67#4, %sub3A : i32
      %select_n3A_70 = arith.constant true
      %select_n3A_71 = arith.select %select_n3A_70, %sub3A_69, %scan3A_67#4 : i32
      %eq3A_72 = arith.constant -1 : i32
      %eq3A_73 = arith.cmpi eq, %select_n3A_71, %eq3A_72 : i32
      %select_n3A_74 = arith.constant 9 : i32
      %select_n3A_75 = arith.select %eq3A_73, %select_n3A_74, %select_n3A_71 : i32
      %add3A_76 = arith.addi %select_n3A_75, %mul3A_6 : i32
      %sub3A_77 = arith.constant 1 : i32
      %sub3A_78 = arith.subi %select_n3A_75, %sub3A_77 : i32
      %select_n3A_79 = arith.constant true
      %select_n3A_80 = arith.select %select_n3A_79, %sub3A_78, %select_n3A_75 : i32
      %eq3A_81 = arith.constant -1 : i32
      %eq3A_82 = arith.cmpi eq, %select_n3A_80, %eq3A_81 : i32
      %select_n3A_83 = arith.constant 9 : i32
      %select_n3A_84 = arith.select %eq3A_82, %select_n3A_83, %select_n3A_80 : i32
      %add3A_85 = arith.addi %select_n3A_84, %mul3A_6 : i32
      %add3A_86 = arith.constant 1 : i32
      %add3A_87 = arith.addi %select_n3A_75, %add3A_86 : i32
      %select_n3A_88 = arith.constant true
      %select_n3A_89 = arith.select %select_n3A_88, %add3A_87, %select_n3A_75 : i32
      %eq3A_90 = arith.constant 10 : i32
      %eq3A_91 = arith.cmpi eq, %select_n3A_89, %eq3A_90 : i32
      %select_n3A_92 = arith.constant 0 : i32
      %select_n3A_93 = arith.select %eq3A_91, %select_n3A_92, %select_n3A_89 : i32
      %add3A_94 = arith.addi %select_n3A_93, %mul3A_6 : i32
      %add3A_95 = arith.constant 1 : i32
      %add3A_96 = arith.addi %select_n3A_93, %add3A_95 : i32
      %select_n3A_97 = arith.constant true
      %select_n3A_98 = arith.select %select_n3A_97, %add3A_96, %select_n3A_93 : i32
      %eq3A_99 = arith.constant 10 : i32
      %eq3A_100 = arith.cmpi eq, %select_n3A_98, %eq3A_99 : i32
      %select_n3A_101 = arith.constant 0 : i32
      %select_n3A_102 = arith.select %eq3A_100, %select_n3A_101, %select_n3A_98 : i32
      %add3A_103 = arith.addi %select_n3A_102, %mul3A_6 : i32
      "tpu.trace_start"() <{level = 10 : i32, message = "ep_finalize"}> : () -> ()
      %rem3A_104 = arith.constant 2 : i32
      %rem3A_105 = arith.remui %scan3A_67#3, %rem3A_104 : i32
      %mul3A_106 = arith.constant 256 : i32
      %mul3A_107 = arith.muli %mul3A_106, %add3A_76 : i32
      %dma_wait3A = arith.constant 0 : i32
      %dma_wait3A_108 = arith.constant 0 : i32
      %dma_wait3A_109 = tpu.memref_slice %run_scoped3A_8[%rem3A_105, %dma_wait3A, %dma_wait3A_108] : memref<2x256x128xf32, #tpu.memory_space<vmem>> -> memref<1x256x128xf32, #tpu.memory_space<vmem>>
      %dma_wait3A_110 = tpu.memref_squeeze %dma_wait3A_109 : memref<1x256x128xf32, #tpu.memory_space<vmem>> -> memref<256x128xf32, #tpu.memory_space<vmem>>
      %dma_wait3A_111 = arith.constant 0 : i32
      %dma_wait3A_112 = tpu.memref_slice %arg4[%mul3A_107, %dma_wait3A_111] : memref<81920x128xf32, #tpu.memory_space<hbm>> -> memref<256x128xf32, #tpu.memory_space<hbm>>
      %dma_wait3A_113 = tpu.memref_slice %run_scoped3A_9[%rem3A_105] : memref<2x!tpu.dma_semaphore, #tpu.memory_space<semaphore_mem>> -> memref<1x!tpu.dma_semaphore, #tpu.memory_space<semaphore_mem>>
      %dma_wait3A_114 = tpu.memref_squeeze %dma_wait3A_113 : memref<1x!tpu.dma_semaphore, #tpu.memory_space<semaphore_mem>> -> memref<!tpu.dma_semaphore, #tpu.memory_space<semaphore_mem>>
      %dma_wait3A_115 = arith.constant 0 : i32
      %dma_wait3A_116 = tpu.memref_slice %arg4[%mul3A_107, %dma_wait3A_115] : memref<81920x128xf32, #tpu.memory_space<hbm>> -> memref<256x128xf32, #tpu.memory_space<hbm>>
      %dma_wait3A_117 = arith.constant 0 : i32
      %dma_wait3A_118 = arith.constant 0 : i32
      %dma_wait3A_119 = tpu.memref_slice %run_scoped3A_8[%rem3A_105, %dma_wait3A_117, %dma_wait3A_118] : memref<2x256x128xf32, #tpu.memory_space<vmem>> -> memref<1x256x128xf32, #tpu.memory_space<vmem>>
      %dma_wait3A_120 = tpu.memref_squeeze %dma_wait3A_119 : memref<1x256x128xf32, #tpu.memory_space<vmem>> -> memref<256x128xf32, #tpu.memory_space<vmem>>
      tpu.wait_dma2 semaphore(%dma_wait3A_114 : memref<!tpu.dma_semaphore, #tpu.memory_space<semaphore_mem>>) src(%dma_wait3A_120 : memref<256x128xf32, #tpu.memory_space<vmem>>) dst(%dma_wait3A_116 : memref<256x128xf32, #tpu.memory_space<hbm>>)
      "tpu.trace_stop"() : () -> ()
      tpu.yield
    }) : () -> ()
    return
  }
}

#map = affine_map<(d0, d1) -> (0, 0)>
module attributes {stable_mosaic.version = 14 : i64} {
  func.func @kern(%arg0: i32, %arg1: i32, %arg2: memref<8192x128xf32, #tpu.memory_space<hbm>>, %arg3: memref<1x81920xi32, #tpu.memory_space<hbm>>, %arg4: memref<81920x128xf32, #tpu.memory_space<hbm>>) attributes {dimension_semantics = [#tpu.dimension_semantics<core_parallel>, #tpu.dimension_semantics<subcore_parallel>], iteration_bounds = array<i64: 2, 16>, scalar_prefetch = 0 : i64, scratch_operands = 0 : i64, tpu.core_type = #tpu.core_type<sc_vector_subcore>, window_params = [{transform_indices = #map}, {transform_indices = #map}, {transform_indices = #map}]} {
    %mul3A = arith.constant 1 : i32
    %mul3A_0 = arith.muli %arg1, %mul3A : i32
    %add3A = arith.constant 0 : i32
    %add3A_1 = arith.addi %add3A, %mul3A_0 : i32
    %mul3A_2 = arith.constant 16 : i32
    %mul3A_3 = arith.muli %arg0, %mul3A_2 : i32
    %add3A_4 = arith.addi %add3A_1, %mul3A_3 : i32
    %mul3A_5 = arith.constant 10 : i32
    %mul3A_6 = arith.muli %add3A_4, %mul3A_5 : i32
    "tpu.region"() ({
      %run_scoped3A = memref.alloca() : memref<2x1x256xi32, #tpu.memory_space<vmem>>
      %run_scoped3A_7 = tpu.sem_alloc : memref<2x!tpu.dma_semaphore, #tpu.memory_space<semaphore_mem>>
      %run_scoped3A_8 = memref.alloca() : memref<2x256x128xf32, #tpu.memory_space<vmem>>
      %run_scoped3A_9 = tpu.sem_alloc : memref<2x!tpu.dma_semaphore, #tpu.memory_space<semaphore_mem>>
      %add3A_10 = arith.constant 0 : i32
      %add3A_11 = arith.addi %add3A_10, %mul3A_6 : i32
      %select_n3A = arith.constant true
      %select_n3A_12 = arith.constant 0 : i32
      %select_n3A_13 = arith.constant -1 : i32
      %select_n3A_14 = arith.select %select_n3A, %select_n3A_13, %select_n3A_12 : i32
      %eq3A = arith.constant -1 : i32
      %eq3A_15 = arith.cmpi eq, %select_n3A_14, %eq3A : i32
      %select_n3A_16 = arith.constant 9 : i32
      %select_n3A_17 = arith.select %eq3A_15, %select_n3A_16, %select_n3A_14 : i32
      %add3A_18 = arith.addi %select_n3A_17, %mul3A_6 : i32
      %select_n3A_19 = arith.constant true
      %select_n3A_20 = arith.constant 0 : i32
      %select_n3A_21 = arith.constant 1 : i32
      %select_n3A_22 = arith.select %select_n3A_19, %select_n3A_21, %select_n3A_20 : i32
      %eq3A_23 = arith.constant 10 : i32
      %eq3A_24 = arith.cmpi eq, %select_n3A_22, %eq3A_23 : i32
      %select_n3A_25 = arith.constant 0 : i32
      %select_n3A_26 = arith.select %eq3A_24, %select_n3A_25, %select_n3A_22 : i32
      %add3A_27 = arith.addi %select_n3A_26, %mul3A_6 : i32
      %add3A_28 = arith.constant 1 : i32
      %add3A_29 = arith.addi %select_n3A_26, %add3A_28 : i32
      %select_n3A_30 = arith.constant true
      %select_n3A_31 = arith.select %select_n3A_30, %add3A_29, %select_n3A_26 : i32
      %eq3A_32 = arith.constant 10 : i32
      %eq3A_33 = arith.cmpi eq, %select_n3A_31, %eq3A_32 : i32
      %select_n3A_34 = arith.constant 0 : i32
      %select_n3A_35 = arith.select %eq3A_33, %select_n3A_34, %select_n3A_31 : i32
      %add3A_36 = arith.addi %select_n3A_35, %mul3A_6 : i32
      "tpu.trace_start"() <{level = 10 : i32, message = "ep_initialize_0"}> : () -> ()
      %rem3A = arith.constant 0 : i32
      %rem3A_37 = arith.constant 2 : i32
      %rem3A_38 = arith.remui %rem3A, %rem3A_37 : i32
      %mul3A_39 = arith.constant 256 : i32
      %mul3A_40 = arith.muli %mul3A_39, %add3A_11 : i32
      %dma_start3A = arith.constant 0 : i32
      %dma_start3A_41 = arith.constant 0 : i32
      %dma_start3A_42 = tpu.memref_slice %run_scoped3A[%rem3A_38, %dma_start3A, %dma_start3A_41] : memref<2x1x256xi32, #tpu.memory_space<vmem>> -> memref<1x1x256xi32, #tpu.memory_space<vmem>>
      %dma_start3A_43 = tpu.memref_squeeze %dma_start3A_42 : memref<1x1x256xi32, #tpu.memory_space<vmem>> -> memref<1x256xi32, #tpu.memory_space<vmem>>
      %dma_start3A_44 = arith.constant 0 : i32
      %dma_start3A_45 = tpu.memref_slice %arg3[%dma_start3A_44, %mul3A_40] : memref<1x81920xi32, #tpu.memory_space<hbm>> -> memref<1x256xi32, #tpu.memory_space<hbm>>
      %dma_start3A_46 = tpu.memref_slice %run_scoped3A_7[%rem3A_38] : memref<2x!tpu.dma_semaphore, #tpu.memory_space<semaphore_mem>> -> memref<1x!tpu.dma_semaphore, #tpu.memory_space<semaphore_mem>>
      %dma_start3A_47 = tpu.memref_squeeze %dma_start3A_46 : memref<1x!tpu.dma_semaphore, #tpu.memory_space<semaphore_mem>> -> memref<!tpu.dma_semaphore, #tpu.memory_space<semaphore_mem>>
      %dma_start3A_48 = arith.constant 0 : i32
      %dma_start3A_49 = arith.constant 0 : i32
      %dma_start3A_50 = tpu.memref_slice %run_scoped3A[%rem3A_38, %dma_start3A_48, %dma_start3A_49] : memref<2x1x256xi32, #tpu.memory_space<vmem>> -> memref<1x1x256xi32, #tpu.memory_space<vmem>>
      %dma_start3A_51 = tpu.memref_squeeze %dma_start3A_50 : memref<1x1x256xi32, #tpu.memory_space<vmem>> -> memref<1x256xi32, #tpu.memory_space<vmem>>
      %dma_start3A_52 = arith.constant 0 : i32
      %dma_start3A_53 = tpu.memref_slice %arg3[%dma_start3A_52, %mul3A_40] : memref<1x81920xi32, #tpu.memory_space<hbm>> -> memref<1x256xi32, #tpu.memory_space<hbm>>
      tpu.enqueue_dma source(%dma_start3A_53 : memref<1x256xi32, #tpu.memory_space<hbm>>) target(%dma_start3A_51 : memref<1x256xi32, #tpu.memory_space<vmem>>) target_semaphore(%dma_start3A_47 : memref<!tpu.dma_semaphore, #tpu.memory_space<semaphore_mem>>)
      %add3A_54 = arith.constant 0 : i32
      %add3A_55 = arith.constant 1 : i32
      %add3A_56 = arith.addi %add3A_54, %add3A_55 : i32
      %select_n3A_57 = arith.constant true
      %select_n3A_58 = arith.constant 0 : i32
      %select_n3A_59 = arith.select %select_n3A_57, %add3A_56, %select_n3A_58 : i32
      "tpu.trace_stop"() : () -> ()
      %scan3A = arith.constant 0 : i32
      %scan3A_60 = arith.constant 0 : i32
      %scan3A_61 = arith.constant 0 : i32
      %scan3A_62 = arith.constant 0 : i32
      %scan3A_63 = arith.constant 0 : i32
      %scan3A_64 = arith.constant 10 : i32
      %scan3A_65 = arith.addi %scan3A_63, %scan3A_64 : i32
      %scan3A_66 = arith.constant 1 : i32
      %scan3A_67:5 = scf.for %scan3A_121 = %scan3A_63 to %scan3A_65 step %scan3A_66 iter_args(%scan3A_122 = %select_n3A_59, %scan3A_123 = %scan3A, %scan3A_124 = %scan3A_60, %scan3A_125 = %scan3A_61, %scan3A_126 = %scan3A_62) -> (i32, i32, i32, i32, i32)  : i32 {
        %eq3A_127 = arith.constant 0 : i32
        %eq3A_128 = arith.cmpi eq, %scan3A_121, %eq3A_127 : i32
        %eq3A_129 = arith.constant 9 : i32
        %eq3A_130 = arith.cmpi eq, %scan3A_121, %eq3A_129 : i32
        %add3A_131 = arith.addi %scan3A_126, %mul3A_6 : i32
        %sub3A_132 = arith.constant 1 : i32
        %sub3A_133 = arith.subi %scan3A_126, %sub3A_132 : i32
        %select_n3A_134 = arith.constant true
        %select_n3A_135 = arith.select %select_n3A_134, %sub3A_133, %scan3A_126 : i32
        %eq3A_136 = arith.constant -1 : i32
        %eq3A_137 = arith.cmpi eq, %select_n3A_135, %eq3A_136 : i32
        %select_n3A_138 = arith.constant 9 : i32
        %select_n3A_139 = arith.select %eq3A_137, %select_n3A_138, %select_n3A_135 : i32
        %add3A_140 = arith.addi %select_n3A_139, %mul3A_6 : i32
        %add3A_141 = arith.constant 1 : i32
        %add3A_142 = arith.addi %scan3A_126, %add3A_141 : i32
        %select_n3A_143 = arith.constant true
        %select_n3A_144 = arith.select %select_n3A_143, %add3A_142, %scan3A_126 : i32
        %eq3A_145 = arith.constant 10 : i32
        %eq3A_146 = arith.cmpi eq, %select_n3A_144, %eq3A_145 : i32
        %select_n3A_147 = arith.constant 0 : i32
        %select_n3A_148 = arith.select %eq3A_146, %select_n3A_147, %select_n3A_144 : i32
        %add3A_149 = arith.addi %select_n3A_148, %mul3A_6 : i32
        %add3A_150 = arith.constant 1 : i32
        %add3A_151 = arith.addi %select_n3A_148, %add3A_150 : i32
        %select_n3A_152 = arith.constant true
        %select_n3A_153 = arith.select %select_n3A_152, %add3A_151, %select_n3A_148 : i32
        %eq3A_154 = arith.constant 10 : i32
        %eq3A_155 = arith.cmpi eq, %select_n3A_153, %eq3A_154 : i32
        %select_n3A_156 = arith.constant 0 : i32
        %select_n3A_157 = arith.select %eq3A_155, %select_n3A_156, %select_n3A_153 : i32
        %add3A_158 = arith.addi %select_n3A_157, %mul3A_6 : i32
        %ne3A = arith.cmpi ne, %add3A_131, %add3A_149 : i32
        %or3A = arith.constant false
        %or3A_159 = arith.ori %or3A, %ne3A : i1
        %ge3A = arith.constant 9 : i32
        %ge3A_160 = arith.cmpi sge, %scan3A_121, %ge3A : i32
        %not3A = arith.constant true
        %not3A_161 = arith.xori %ge3A_160, %not3A : i1
        %and3A = arith.andi %or3A_159, %not3A_161 : i1
        %convert_element_type3A = arith.extui %and3A : i1 to i32
        %cond3A = arith.constant 0 : i32
        %cond3A_162 = arith.cmpi ne, %convert_element_type3A, %cond3A : i32
        scf.if %cond3A_162 {
          "tpu.trace_start"() <{level = 10 : i32, message = "ep_copy_in"}> : () -> ()
          %rem3A_264 = arith.constant 2 : i32
          %rem3A_265 = arith.remui %scan3A_122, %rem3A_264 : i32
          %mul3A_266 = arith.constant 256 : i32
          %mul3A_267 = arith.muli %mul3A_266, %add3A_149 : i32
          %dma_start3A_268 = arith.constant 0 : i32
          %dma_start3A_269 = arith.constant 0 : i32
          %dma_start3A_270 = tpu.memref_slice %run_scoped3A[%rem3A_265, %dma_start3A_268, %dma_start3A_269] : memref<2x1x256xi32, #tpu.memory_space<vmem>> -> memref<1x1x256xi32, #tpu.memory_space<vmem>>
          %dma_start3A_271 = tpu.memref_squeeze %dma_start3A_270 : memref<1x1x256xi32, #tpu.memory_space<vmem>> -> memref<1x256xi32, #tpu.memory_space<vmem>>
          %dma_start3A_272 = arith.constant 0 : i32
          %dma_start3A_273 = tpu.memref_slice %arg3[%dma_start3A_272, %mul3A_267] : memref<1x81920xi32, #tpu.memory_space<hbm>> -> memref<1x256xi32, #tpu.memory_space<hbm>>
          %dma_start3A_274 = tpu.memref_slice %run_scoped3A_7[%rem3A_265] : memref<2x!tpu.dma_semaphore, #tpu.memory_space<semaphore_mem>> -> memref<1x!tpu.dma_semaphore, #tpu.memory_space<semaphore_mem>>
          %dma_start3A_275 = tpu.memref_squeeze %dma_start3A_274 : memref<1x!tpu.dma_semaphore, #tpu.memory_space<semaphore_mem>> -> memref<!tpu.dma_semaphore, #tpu.memory_space<semaphore_mem>>
          %dma_start3A_276 = arith.constant 0 : i32
          %dma_start3A_277 = arith.constant 0 : i32
          %dma_start3A_278 = tpu.memref_slice %run_scoped3A[%rem3A_265, %dma_start3A_276, %dma_start3A_277] : memref<2x1x256xi32, #tpu.memory_space<vmem>> -> memref<1x1x256xi32, #tpu.memory_space<vmem>>
          %dma_start3A_279 = tpu.memref_squeeze %dma_start3A_278 : memref<1x1x256xi32, #tpu.memory_space<vmem>> -> memref<1x256xi32, #tpu.memory_space<vmem>>
          %dma_start3A_280 = arith.constant 0 : i32
          %dma_start3A_281 = tpu.memref_slice %arg3[%dma_start3A_280, %mul3A_267] : memref<1x81920xi32, #tpu.memory_space<hbm>> -> memref<1x256xi32, #tpu.memory_space<hbm>>
          tpu.enqueue_dma source(%dma_start3A_281 : memref<1x256xi32, #tpu.memory_space<hbm>>) target(%dma_start3A_279 : memref<1x256xi32, #tpu.memory_space<vmem>>) target_semaphore(%dma_start3A_275 : memref<!tpu.dma_semaphore, #tpu.memory_space<semaphore_mem>>)
          "tpu.trace_stop"() : () -> ()
        } else {
        }
        %and3A_163 = arith.constant true
        %and3A_164 = arith.andi %and3A, %and3A_163 : i1
        %add3A_165 = arith.constant 1 : i32
        %add3A_166 = arith.addi %scan3A_122, %add3A_165 : i32
        %select_n3A_167 = arith.select %and3A_164, %add3A_166, %scan3A_122 : i32
        %ne3A_168 = arith.cmpi ne, %add3A_131, %add3A_149 : i32
        %or3A_169 = arith.constant false
        %or3A_170 = arith.ori %or3A_169, %ne3A_168 : i1
        %or3A_171 = arith.constant false
        %or3A_172 = arith.ori %or3A_170, %or3A_171 : i1
        %ge3A_173 = arith.constant 9 : i32
        %ge3A_174 = arith.cmpi sge, %scan3A_121, %ge3A_173 : i32
        %not3A_175 = arith.constant true
        %not3A_176 = arith.xori %ge3A_174, %not3A_175 : i1
        %and3A_177 = arith.andi %or3A_172, %not3A_176 : i1
        %ne3A_178 = arith.cmpi ne, %add3A_131, %add3A_140 : i32
        %or3A_179 = arith.constant false
        %or3A_180 = arith.ori %or3A_179, %ne3A_178 : i1
        %or3A_181 = arith.ori %or3A_180, %eq3A_128 : i1
        %convert_element_type3A_182 = arith.extui %or3A_181 : i1 to i32
        %cond3A_183 = arith.constant 0 : i32
        %cond3A_184 = arith.cmpi ne, %convert_element_type3A_182, %cond3A_183 : i32
        scf.if %cond3A_184 {
          "tpu.trace_start"() <{level = 10 : i32, message = "ep_wait_in"}> : () -> ()
          %mul3A_264 = arith.constant 256 : i32
          %mul3A_265 = arith.muli %mul3A_264, %add3A_131 : i32
          %rem3A_266 = arith.constant 2 : i32
          %rem3A_267 = arith.remui %scan3A_123, %rem3A_266 : i32
          %dma_wait3A_268 = arith.constant 0 : i32
          %dma_wait3A_269 = arith.constant 0 : i32
          %dma_wait3A_270 = tpu.memref_slice %run_scoped3A[%rem3A_267, %dma_wait3A_268, %dma_wait3A_269] : memref<2x1x256xi32, #tpu.memory_space<vmem>> -> memref<1x1x256xi32, #tpu.memory_space<vmem>>
          %dma_wait3A_271 = tpu.memref_squeeze %dma_wait3A_270 : memref<1x1x256xi32, #tpu.memory_space<vmem>> -> memref<1x256xi32, #tpu.memory_space<vmem>>
          %dma_wait3A_272 = arith.constant 0 : i32
          %dma_wait3A_273 = tpu.memref_slice %arg3[%dma_wait3A_272, %mul3A_265] : memref<1x81920xi32, #tpu.memory_space<hbm>> -> memref<1x256xi32, #tpu.memory_space<hbm>>
          %dma_wait3A_274 = tpu.memref_slice %run_scoped3A_7[%rem3A_267] : memref<2x!tpu.dma_semaphore, #tpu.memory_space<semaphore_mem>> -> memref<1x!tpu.dma_semaphore, #tpu.memory_space<semaphore_mem>>
          %dma_wait3A_275 = tpu.memref_squeeze %dma_wait3A_274 : memref<1x!tpu.dma_semaphore, #tpu.memory_space<semaphore_mem>> -> memref<!tpu.dma_semaphore, #tpu.memory_space<semaphore_mem>>
          %dma_wait3A_276 = arith.constant 0 : i32
          %dma_wait3A_277 = arith.constant 0 : i32
          %dma_wait3A_278 = tpu.memref_slice %run_scoped3A[%rem3A_267, %dma_wait3A_276, %dma_wait3A_277] : memref<2x1x256xi32, #tpu.memory_space<vmem>> -> memref<1x1x256xi32, #tpu.memory_space<vmem>>
          %dma_wait3A_279 = tpu.memref_squeeze %dma_wait3A_278 : memref<1x1x256xi32, #tpu.memory_space<vmem>> -> memref<1x256xi32, #tpu.memory_space<vmem>>
          %dma_wait3A_280 = arith.constant 0 : i32
          %dma_wait3A_281 = tpu.memref_slice %arg3[%dma_wait3A_280, %mul3A_265] : memref<1x81920xi32, #tpu.memory_space<hbm>> -> memref<1x256xi32, #tpu.memory_space<hbm>>
          tpu.wait_dma2 semaphore(%dma_wait3A_275 : memref<!tpu.dma_semaphore, #tpu.memory_space<semaphore_mem>>) src(%dma_wait3A_281 : memref<1x256xi32, #tpu.memory_space<hbm>>) dst(%dma_wait3A_279 : memref<1x256xi32, #tpu.memory_space<vmem>>)
          "tpu.trace_stop"() : () -> ()
        } else {
        }
        %ne3A_185 = arith.cmpi ne, %add3A_131, %add3A_140 : i32
        %or3A_186 = arith.constant false
        %or3A_187 = arith.ori %or3A_186, %ne3A_185 : i1
        %or3A_188 = arith.constant false
        %or3A_189 = arith.ori %or3A_187, %or3A_188 : i1
        %or3A_190 = arith.ori %or3A_189, %eq3A_128 : i1
        %convert_element_type3A_191 = arith.extui %or3A_190 : i1 to i32
        %cond3A_192 = arith.constant 0 : i32
        %cond3A_193 = arith.cmpi ne, %convert_element_type3A_191, %cond3A_192 : i32
        scf.if %cond3A_193 {
        } else {
        }
        %rem3A_194 = arith.constant 2 : i32
        %rem3A_195 = arith.remui %scan3A_123, %rem3A_194 : i32
        %rem3A_196 = arith.constant 2 : i32
        %rem3A_197 = arith.remui %scan3A_124, %rem3A_196 : i32
        %run_scoped3A_198 = arith.constant 0 : i32
        "tpu.trace_start"() <{level = 10 : i32, message = "ep_run_kernel"}> : () -> ()
        "tpu.region"() ({
          %run_scoped3A_264 = tpu.sem_alloc : memref<!tpu.dma_semaphore, #tpu.memory_space<semaphore_mem>>
          %dma_start3A_265 = arith.constant 0 : i32
          %dma_start3A_266 = arith.constant 0 : i32
          %dma_start3A_267 = tpu.memref_slice %run_scoped3A_8[%rem3A_197, %dma_start3A_265, %dma_start3A_266] : memref<2x256x128xf32, #tpu.memory_space<vmem>> -> memref<1x256x128xf32, #tpu.memory_space<vmem>>
          %dma_start3A_268 = tpu.memref_squeeze %dma_start3A_267 : memref<1x256x128xf32, #tpu.memory_space<vmem>> -> memref<256x128xf32, #tpu.memory_space<vmem>>
          %dma_start3A_269 = arith.constant 0 : i32
          %dma_start3A_270 = arith.constant 0 : i32
          %dma_start3A_271 = tpu.memref_slice %run_scoped3A[%rem3A_195, %dma_start3A_269, %dma_start3A_270] : memref<2x1x256xi32, #tpu.memory_space<vmem>> -> memref<1x1x256xi32, #tpu.memory_space<vmem>>
          %dma_start3A_272 = tpu.memref_squeeze %dma_start3A_271 : memref<1x1x256xi32, #tpu.memory_space<vmem>> -> memref<1x256xi32, #tpu.memory_space<vmem>>
          %dma_start3A_273 = arith.constant 0 : i32
          %dma_start3A_274 = tpu.memref_slice %dma_start3A_272[%run_scoped3A_198, %dma_start3A_273] : memref<1x256xi32, #tpu.memory_space<vmem>> -> memref<1x256xi32, #tpu.memory_space<vmem>>
          %dma_start3A_275 = tpu.memref_squeeze %dma_start3A_274 : memref<1x256xi32, #tpu.memory_space<vmem>> -> memref<256xi32, #tpu.memory_space<vmem>>
          %dma_start3A_276 = arith.constant 0 : i32
          %dma_start3A_277 = arith.constant 0 : i32
          %dma_start3A_278 = tpu.memref_slice %arg2[%dma_start3A_276, %dma_start3A_277] : memref<8192x128xf32, #tpu.memory_space<hbm>> -> memref<8192x128xf32, #tpu.memory_space<hbm>>
          tpu.enqueue_indirect_dma source(%dma_start3A_278 : memref<8192x128xf32, #tpu.memory_space<hbm>>) target(%dma_start3A_268 : memref<256x128xf32, #tpu.memory_space<vmem>>) offsets(%dma_start3A_275 : memref<256xi32, #tpu.memory_space<vmem>>) semaphore(%run_scoped3A_264 : memref<!tpu.dma_semaphore, #tpu.memory_space<semaphore_mem>>)
          %dma_wait3A_279 = arith.constant 0 : i32
          %dma_wait3A_280 = arith.constant 0 : i32
          %dma_wait3A_281 = tpu.memref_slice %run_scoped3A_8[%rem3A_197, %dma_wait3A_279, %dma_wait3A_280] : memref<2x256x128xf32, #tpu.memory_space<vmem>> -> memref<1x256x128xf32, #tpu.memory_space<vmem>>
          %dma_wait3A_282 = tpu.memref_squeeze %dma_wait3A_281 : memref<1x256x128xf32, #tpu.memory_space<vmem>> -> memref<256x128xf32, #tpu.memory_space<vmem>>
          %dma_wait3A_283 = arith.constant 0 : i32
          %dma_wait3A_284 = arith.constant 0 : i32
          %dma_wait3A_285 = tpu.memref_slice %run_scoped3A[%rem3A_195, %dma_wait3A_283, %dma_wait3A_284] : memref<2x1x256xi32, #tpu.memory_space<vmem>> -> memref<1x1x256xi32, #tpu.memory_space<vmem>>
          %dma_wait3A_286 = tpu.memref_squeeze %dma_wait3A_285 : memref<1x1x256xi32, #tpu.memory_space<vmem>> -> memref<1x256xi32, #tpu.memory_space<vmem>>
          %dma_wait3A_287 = arith.constant 0 : i32
          %dma_wait3A_288 = tpu.memref_slice %dma_wait3A_286[%run_scoped3A_198, %dma_wait3A_287] : memref<1x256xi32, #tpu.memory_space<vmem>> -> memref<1x256xi32, #tpu.memory_space<vmem>>
          %dma_wait3A_289 = tpu.memref_squeeze %dma_wait3A_288 : memref<1x256xi32, #tpu.memory_space<vmem>> -> memref<256xi32, #tpu.memory_space<vmem>>
          %dma_wait3A_290 = arith.constant 0 : i32
          %dma_wait3A_291 = arith.constant 0 : i32
          %dma_wait3A_292 = tpu.memref_slice %arg2[%dma_wait3A_290, %dma_wait3A_291] : memref<8192x128xf32, #tpu.memory_space<hbm>> -> memref<8192x128xf32, #tpu.memory_space<hbm>>
          tpu.wait_indirect_dma semaphore(%run_scoped3A_264 : memref<!tpu.dma_semaphore, #tpu.memory_space<semaphore_mem>>) src(%dma_wait3A_292 : memref<8192x128xf32, #tpu.memory_space<hbm>>) dst(%dma_wait3A_282 : memref<256x128xf32, #tpu.memory_space<vmem>>)
          tpu.yield
        }) : () -> ()
        "tpu.trace_stop"() : () -> ()
        %ne3A_199 = arith.cmpi ne, %add3A_131, %add3A_149 : i32
        %or3A_200 = arith.constant false
        %or3A_201 = arith.ori %or3A_200, %ne3A_199 : i1
        %or3A_202 = arith.ori %or3A_201, %eq3A_130 : i1
        %convert_element_type3A_203 = arith.extui %or3A_202 : i1 to i32
        %cond3A_204 = arith.constant 0 : i32
        %cond3A_205 = arith.cmpi ne, %convert_element_type3A_203, %cond3A_204 : i32
        scf.if %cond3A_205 {
        } else {
        }
        %and3A_206 = arith.constant false
        %and3A_207 = arith.andi %or3A_202, %and3A_206 : i1
        %ne3A_208 = arith.cmpi ne, %add3A_131, %add3A_149 : i32
        %or3A_209 = arith.constant false
        %or3A_210 = arith.ori %or3A_209, %ne3A_208 : i1
        %or3A_211 = arith.constant false
        %or3A_212 = arith.ori %or3A_210, %or3A_211 : i1
        %or3A_213 = arith.ori %or3A_212, %eq3A_130 : i1
        %convert_element_type3A_214 = arith.extui %or3A_213 : i1 to i32
        %cond3A_215 = arith.constant 0 : i32
        %cond3A_216 = arith.cmpi ne, %convert_element_type3A_214, %cond3A_215 : i32
        scf.if %cond3A_216 {
          "tpu.trace_start"() <{level = 10 : i32, message = "ep_copy_out"}> : () -> ()
          %rem3A_264 = arith.constant 2 : i32
          %rem3A_265 = arith.remui %scan3A_124, %rem3A_264 : i32
          %mul3A_266 = arith.constant 256 : i32
          %mul3A_267 = arith.muli %mul3A_266, %add3A_131 : i32
          %dma_start3A_268 = arith.constant 0 : i32
          %dma_start3A_269 = arith.constant 0 : i32
          %dma_start3A_270 = tpu.memref_slice %run_scoped3A_8[%rem3A_265, %dma_start3A_268, %dma_start3A_269] : memref<2x256x128xf32, #tpu.memory_space<vmem>> -> memref<1x256x128xf32, #tpu.memory_space<vmem>>
          %dma_start3A_271 = tpu.memref_squeeze %dma_start3A_270 : memref<1x256x128xf32, #tpu.memory_space<vmem>> -> memref<256x128xf32, #tpu.memory_space<vmem>>
          %dma_start3A_272 = arith.constant 0 : i32
          %dma_start3A_273 = tpu.memref_slice %arg4[%mul3A_267, %dma_start3A_272] : memref<81920x128xf32, #tpu.memory_space<hbm>> -> memref<256x128xf32, #tpu.memory_space<hbm>>
          %dma_start3A_274 = tpu.memref_slice %run_scoped3A_9[%rem3A_265] : memref<2x!tpu.dma_semaphore, #tpu.memory_space<semaphore_mem>> -> memref<1x!tpu.dma_semaphore, #tpu.memory_space<semaphore_mem>>
          %dma_start3A_275 = tpu.memref_squeeze %dma_start3A_274 : memref<1x!tpu.dma_semaphore, #tpu.memory_space<semaphore_mem>> -> memref<!tpu.dma_semaphore, #tpu.memory_space<semaphore_mem>>
          %dma_start3A_276 = arith.constant 0 : i32
          %dma_start3A_277 = tpu.memref_slice %arg4[%mul3A_267, %dma_start3A_276] : memref<81920x128xf32, #tpu.memory_space<hbm>> -> memref<256x128xf32, #tpu.memory_space<hbm>>
          %dma_start3A_278 = arith.constant 0 : i32
          %dma_start3A_279 = arith.constant 0 : i32
          %dma_start3A_280 = tpu.memref_slice %run_scoped3A_8[%rem3A_265, %dma_start3A_278, %dma_start3A_279] : memref<2x256x128xf32, #tpu.memory_space<vmem>> -> memref<1x256x128xf32, #tpu.memory_space<vmem>>
          %dma_start3A_281 = tpu.memref_squeeze %dma_start3A_280 : memref<1x256x128xf32, #tpu.memory_space<vmem>> -> memref<256x128xf32, #tpu.memory_space<vmem>>
          tpu.enqueue_dma source(%dma_start3A_281 : memref<256x128xf32, #tpu.memory_space<vmem>>) target(%dma_start3A_277 : memref<256x128xf32, #tpu.memory_space<hbm>>) target_semaphore(%dma_start3A_275 : memref<!tpu.dma_semaphore, #tpu.memory_space<semaphore_mem>>)
          "tpu.trace_stop"() : () -> ()
        } else {
        }
        %and3A_217 = arith.constant true
        %and3A_218 = arith.andi %or3A_213, %and3A_217 : i1
        %add3A_219 = arith.constant 1 : i32
        %add3A_220 = arith.addi %scan3A_124, %add3A_219 : i32
        %select_n3A_221 = arith.select %and3A_218, %add3A_220, %scan3A_124 : i32
        %ne3A_222 = arith.cmpi ne, %add3A_131, %add3A_140 : i32
        %or3A_223 = arith.constant false
        %or3A_224 = arith.ori %or3A_223, %ne3A_222 : i1
        %not3A_225 = arith.constant true
        %not3A_226 = arith.xori %eq3A_128, %not3A_225 : i1
        %and3A_227 = arith.andi %or3A_224, %not3A_226 : i1
        %convert_element_type3A_228 = arith.extui %and3A_227 : i1 to i32
        %cond3A_229 = arith.constant 0 : i32
        %cond3A_230 = arith.cmpi ne, %convert_element_type3A_228, %cond3A_229 : i32
        scf.if %cond3A_230 {
        } else {
        }
        %and3A_231 = arith.constant false
        %and3A_232 = arith.andi %and3A_227, %and3A_231 : i1
        %ne3A_233 = arith.cmpi ne, %add3A_131, %add3A_140 : i32
        %or3A_234 = arith.constant false
        %or3A_235 = arith.ori %or3A_234, %ne3A_233 : i1
        %or3A_236 = arith.constant false
        %or3A_237 = arith.ori %or3A_235, %or3A_236 : i1
        %not3A_238 = arith.constant true
        %not3A_239 = arith.xori %eq3A_128, %not3A_238 : i1
        %and3A_240 = arith.andi %or3A_237, %not3A_239 : i1
        %convert_element_type3A_241 = arith.extui %and3A_240 : i1 to i32
        %cond3A_242 = arith.constant 0 : i32
        %cond3A_243 = arith.cmpi ne, %convert_element_type3A_241, %cond3A_242 : i32
        scf.if %cond3A_243 {
          "tpu.trace_start"() <{level = 10 : i32, message = "ep_wait_out"}> : () -> ()
          %rem3A_264 = arith.constant 2 : i32
          %rem3A_265 = arith.remui %scan3A_125, %rem3A_264 : i32
          %mul3A_266 = arith.constant 256 : i32
          %mul3A_267 = arith.muli %mul3A_266, %add3A_140 : i32
          %dma_wait3A_268 = arith.constant 0 : i32
          %dma_wait3A_269 = arith.constant 0 : i32
          %dma_wait3A_270 = tpu.memref_slice %run_scoped3A_8[%rem3A_265, %dma_wait3A_268, %dma_wait3A_269] : memref<2x256x128xf32, #tpu.memory_space<vmem>> -> memref<1x256x128xf32, #tpu.memory_space<vmem>>
          %dma_wait3A_271 = tpu.memref_squeeze %dma_wait3A_270 : memref<1x256x128xf32, #tpu.memory_space<vmem>> -> memref<256x128xf32, #tpu.memory_space<vmem>>
          %dma_wait3A_272 = arith.constant 0 : i32
          %dma_wait3A_273 = tpu.memref_slice %arg4[%mul3A_267, %dma_wait3A_272] : memref<81920x128xf32, #tpu.memory_space<hbm>> -> memref<256x128xf32, #tpu.memory_space<hbm>>
          %dma_wait3A_274 = tpu.memref_slice %run_scoped3A_9[%rem3A_265] : memref<2x!tpu.dma_semaphore, #tpu.memory_space<semaphore_mem>> -> memref<1x!tpu.dma_semaphore, #tpu.memory_space<semaphore_mem>>
          %dma_wait3A_275 = tpu.memref_squeeze %dma_wait3A_274 : memref<1x!tpu.dma_semaphore, #tpu.memory_space<semaphore_mem>> -> memref<!tpu.dma_semaphore, #tpu.memory_space<semaphore_mem>>
          %dma_wait3A_276 = arith.constant 0 : i32
          %dma_wait3A_277 = tpu.memref_slice %arg4[%mul3A_267, %dma_wait3A_276] : memref<81920x128xf32, #tpu.memory_space<hbm>> -> memref<256x128xf32, #tpu.memory_space<hbm>>
          %dma_wait3A_278 = arith.constant 0 : i32
          %dma_wait3A_279 = arith.constant 0 : i32
          %dma_wait3A_280 = tpu.memref_slice %run_scoped3A_8[%rem3A_265, %dma_wait3A_278, %dma_wait3A_279] : memref<2x256x128xf32, #tpu.memory_space<vmem>> -> memref<1x256x128xf32, #tpu.memory_space<vmem>>
          %dma_wait3A_281 = tpu.memref_squeeze %dma_wait3A_280 : memref<1x256x128xf32, #tpu.memory_space<vmem>> -> memref<256x128xf32, #tpu.memory_space<vmem>>
          tpu.wait_dma2 semaphore(%dma_wait3A_275 : memref<!tpu.dma_semaphore, #tpu.memory_space<semaphore_mem>>) src(%dma_wait3A_281 : memref<256x128xf32, #tpu.memory_space<vmem>>) dst(%dma_wait3A_277 : memref<256x128xf32, #tpu.memory_space<hbm>>)
          "tpu.trace_stop"() : () -> ()
        } else {
        }
        %and3A_244 = arith.constant true
        %and3A_245 = arith.andi %and3A_240, %and3A_244 : i1
        %add3A_246 = arith.constant 1 : i32
        %add3A_247 = arith.addi %scan3A_125, %add3A_246 : i32
        %select_n3A_248 = arith.select %and3A_245, %add3A_247, %scan3A_125 : i32
        %ne3A_249 = arith.cmpi ne, %add3A_131, %add3A_149 : i32
        %or3A_250 = arith.constant false
        %or3A_251 = arith.ori %or3A_250, %ne3A_249 : i1
        %or3A_252 = arith.ori %or3A_251, %eq3A_130 : i1
        %add3A_253 = arith.constant 1 : i32
        %add3A_254 = arith.addi %scan3A_123, %add3A_253 : i32
        %select_n3A_255 = arith.select %or3A_252, %add3A_254, %scan3A_123 : i32
        %add3A_256 = arith.constant 1 : i32
        %add3A_257 = arith.addi %scan3A_126, %add3A_256 : i32
        %select_n3A_258 = arith.constant true
        %select_n3A_259 = arith.select %select_n3A_258, %add3A_257, %scan3A_126 : i32
        %eq3A_260 = arith.constant 10 : i32
        %eq3A_261 = arith.cmpi eq, %select_n3A_259, %eq3A_260 : i32
        %select_n3A_262 = arith.constant 0 : i32
        %select_n3A_263 = arith.select %eq3A_261, %select_n3A_262, %select_n3A_259 : i32
        scf.yield %select_n3A_167, %select_n3A_255, %select_n3A_221, %select_n3A_248, %select_n3A_263 : i32, i32, i32, i32, i32
      }
      %scan3A_68 = arith.constant 10 : i32
      %sub3A = arith.constant 1 : i32
      %sub3A_69 = arith.subi %scan3A_67#4, %sub3A : i32
      %select_n3A_70 = arith.constant true
      %select_n3A_71 = arith.select %select_n3A_70, %sub3A_69, %scan3A_67#4 : i32
      %eq3A_72 = arith.constant -1 : i32
      %eq3A_73 = arith.cmpi eq, %select_n3A_71, %eq3A_72 : i32
      %select_n3A_74 = arith.constant 9 : i32
      %select_n3A_75 = arith.select %eq3A_73, %select_n3A_74, %select_n3A_71 : i32
      %add3A_76 = arith.addi %select_n3A_75, %mul3A_6 : i32
      %sub3A_77 = arith.constant 1 : i32
      %sub3A_78 = arith.subi %select_n3A_75, %sub3A_77 : i32
      %select_n3A_79 = arith.constant true
      %select_n3A_80 = arith.select %select_n3A_79, %sub3A_78, %select_n3A_75 : i32
      %eq3A_81 = arith.constant -1 : i32
      %eq3A_82 = arith.cmpi eq, %select_n3A_80, %eq3A_81 : i32
      %select_n3A_83 = arith.constant 9 : i32
      %select_n3A_84 = arith.select %eq3A_82, %select_n3A_83, %select_n3A_80 : i32
      %add3A_85 = arith.addi %select_n3A_84, %mul3A_6 : i32
      %add3A_86 = arith.constant 1 : i32
      %add3A_87 = arith.addi %select_n3A_75, %add3A_86 : i32
      %select_n3A_88 = arith.constant true
      %select_n3A_89 = arith.select %select_n3A_88, %add3A_87, %select_n3A_75 : i32
      %eq3A_90 = arith.constant 10 : i32
      %eq3A_91 = arith.cmpi eq, %select_n3A_89, %eq3A_90 : i32
      %select_n3A_92 = arith.constant 0 : i32
      %select_n3A_93 = arith.select %eq3A_91, %select_n3A_92, %select_n3A_89 : i32
      %add3A_94 = arith.addi %select_n3A_93, %mul3A_6 : i32
      %add3A_95 = arith.constant 1 : i32
      %add3A_96 = arith.addi %select_n3A_93, %add3A_95 : i32
      %select_n3A_97 = arith.constant true
      %select_n3A_98 = arith.select %select_n3A_97, %add3A_96, %select_n3A_93 : i32
      %eq3A_99 = arith.constant 10 : i32
      %eq3A_100 = arith.cmpi eq, %select_n3A_98, %eq3A_99 : i32
      %select_n3A_101 = arith.constant 0 : i32
      %select_n3A_102 = arith.select %eq3A_100, %select_n3A_101, %select_n3A_98 : i32
      %add3A_103 = arith.addi %select_n3A_102, %mul3A_6 : i32
      "tpu.trace_start"() <{level = 10 : i32, message = "ep_finalize"}> : () -> ()
      %rem3A_104 = arith.constant 2 : i32
      %rem3A_105 = arith.remui %scan3A_67#3, %rem3A_104 : i32
      %mul3A_106 = arith.constant 256 : i32
      %mul3A_107 = arith.muli %mul3A_106, %add3A_76 : i32
      %dma_wait3A = arith.constant 0 : i32
      %dma_wait3A_108 = arith.constant 0 : i32
      %dma_wait3A_109 = tpu.memref_slice %run_scoped3A_8[%rem3A_105, %dma_wait3A, %dma_wait3A_108] : memref<2x256x128xf32, #tpu.memory_space<vmem>> -> memref<1x256x128xf32, #tpu.memory_space<vmem>>
      %dma_wait3A_110 = tpu.memref_squeeze %dma_wait3A_109 : memref<1x256x128xf32, #tpu.memory_space<vmem>> -> memref<256x128xf32, #tpu.memory_space<vmem>>
      %dma_wait3A_111 = arith.constant 0 : i32
      %dma_wait3A_112 = tpu.memref_slice %arg4[%mul3A_107, %dma_wait3A_111] : memref<81920x128xf32, #tpu.memory_space<hbm>> -> memref<256x128xf32, #tpu.memory_space<hbm>>
      %dma_wait3A_113 = tpu.memref_slice %run_scoped3A_9[%rem3A_105] : memref<2x!tpu.dma_semaphore, #tpu.memory_space<semaphore_mem>> -> memref<1x!tpu.dma_semaphore, #tpu.memory_space<semaphore_mem>>
      %dma_wait3A_114 = tpu.memref_squeeze %dma_wait3A_113 : memref<1x!tpu.dma_semaphore, #tpu.memory_space<semaphore_mem>> -> memref<!tpu.dma_semaphore, #tpu.memory_space<semaphore_mem>>
      %dma_wait3A_115 = arith.constant 0 : i32
      %dma_wait3A_116 = tpu.memref_slice %arg4[%mul3A_107, %dma_wait3A_115] : memref<81920x128xf32, #tpu.memory_space<hbm>> -> memref<256x128xf32, #tpu.memory_space<hbm>>
      %dma_wait3A_117 = arith.constant 0 : i32
      %dma_wait3A_118 = arith.constant 0 : i32
      %dma_wait3A_119 = tpu.memref_slice %run_scoped3A_8[%rem3A_105, %dma_wait3A_117, %dma_wait3A_118] : memref<2x256x128xf32, #tpu.memory_space<vmem>> -> memref<1x256x128xf32, #tpu.memory_space<vmem>>
      %dma_wait3A_120 = tpu.memref_squeeze %dma_wait3A_119 : memref<1x256x128xf32, #tpu.memory_space<vmem>> -> memref<256x128xf32, #tpu.memory_space<vmem>>
      tpu.wait_dma2 semaphore(%dma_wait3A_114 : memref<!tpu.dma_semaphore, #tpu.memory_space<semaphore_mem>>) src(%dma_wait3A_120 : memref<256x128xf32, #tpu.memory_space<vmem>>) dst(%dma_wait3A_116 : memref<256x128xf32, #tpu.memory_space<hbm>>)
      "tpu.trace_stop"() : () -> ()
      tpu.yield
    }) : () -> ()
    return
  }
}

#map = affine_map<(d0, d1) -> (0, 0)>
module attributes {stable_mosaic.version = 14 : i64} {
  func.func @kern(%arg0: i32, %arg1: i32, %arg2: memref<8192x128xf32, #tpu.memory_space<hbm>>, %arg3: memref<1x81920xi32, #tpu.memory_space<hbm>>, %arg4: memref<81920x128xf32, #tpu.memory_space<hbm>>) attributes {dimension_semantics = [#tpu.dimension_semantics<core_parallel>, #tpu.dimension_semantics<subcore_parallel>], iteration_bounds = array<i64: 2, 16>, scalar_prefetch = 0 : i64, scratch_operands = 0 : i64, tpu.core_type = #tpu.core_type<sc_vector_subcore>, window_params = [{transform_indices = #map}, {transform_indices = #map}, {transform_indices = #map}]} {
    %mul3A = arith.constant 1 : i32
    %mul3A_0 = arith.muli %arg1, %mul3A : i32
    %add3A = arith.constant 0 : i32
    %add3A_1 = arith.addi %add3A, %mul3A_0 : i32
    %mul3A_2 = arith.constant 16 : i32
    %mul3A_3 = arith.muli %arg0, %mul3A_2 : i32
    %add3A_4 = arith.addi %add3A_1, %mul3A_3 : i32
    %mul3A_5 = arith.constant 10 : i32
    %mul3A_6 = arith.muli %add3A_4, %mul3A_5 : i32
    "tpu.region"() ({
      %run_scoped3A = memref.alloca() : memref<2x1x256xi32, #tpu.memory_space<vmem>>
      %run_scoped3A_7 = tpu.sem_alloc : memref<2x!tpu.dma_semaphore, #tpu.memory_space<semaphore_mem>>
      %run_scoped3A_8 = memref.alloca() : memref<2x256x128xf32, #tpu.memory_space<vmem>>
      %run_scoped3A_9 = tpu.sem_alloc : memref<2x!tpu.dma_semaphore, #tpu.memory_space<semaphore_mem>>
      %add3A_10 = arith.constant 0 : i32
      %add3A_11 = arith.addi %add3A_10, %mul3A_6 : i32
      %select_n3A = arith.constant true
      %select_n3A_12 = arith.constant 0 : i32
      %select_n3A_13 = arith.constant -1 : i32
      %select_n3A_14 = arith.select %select_n3A, %select_n3A_13, %select_n3A_12 : i32
      %eq3A = arith.constant -1 : i32
      %eq3A_15 = arith.cmpi eq, %select_n3A_14, %eq3A : i32
      %select_n3A_16 = arith.constant 9 : i32
      %select_n3A_17 = arith.select %eq3A_15, %select_n3A_16, %select_n3A_14 : i32
      %add3A_18 = arith.addi %select_n3A_17, %mul3A_6 : i32
      %select_n3A_19 = arith.constant true
      %select_n3A_20 = arith.constant 0 : i32
      %select_n3A_21 = arith.constant 1 : i32
      %select_n3A_22 = arith.select %select_n3A_19, %select_n3A_21, %select_n3A_20 : i32
      %eq3A_23 = arith.constant 10 : i32
      %eq3A_24 = arith.cmpi eq, %select_n3A_22, %eq3A_23 : i32
      %select_n3A_25 = arith.constant 0 : i32
      %select_n3A_26 = arith.select %eq3A_24, %select_n3A_25, %select_n3A_22 : i32
      %add3A_27 = arith.addi %select_n3A_26, %mul3A_6 : i32
      %add3A_28 = arith.constant 1 : i32
      %add3A_29 = arith.addi %select_n3A_26, %add3A_28 : i32
      %select_n3A_30 = arith.constant true
      %select_n3A_31 = arith.select %select_n3A_30, %add3A_29, %select_n3A_26 : i32
      %eq3A_32 = arith.constant 10 : i32
      %eq3A_33 = arith.cmpi eq, %select_n3A_31, %eq3A_32 : i32
      %select_n3A_34 = arith.constant 0 : i32
      %select_n3A_35 = arith.select %eq3A_33, %select_n3A_34, %select_n3A_31 : i32
      %add3A_36 = arith.addi %select_n3A_35, %mul3A_6 : i32
      "tpu.trace_start"() <{level = 10 : i32, message = "ep_initialize_0"}> : () -> ()
      %rem3A = arith.constant 0 : i32
      %rem3A_37 = arith.constant 2 : i32
      %rem3A_38 = arith.remui %rem3A, %rem3A_37 : i32
      %mul3A_39 = arith.constant 256 : i32
      %mul3A_40 = arith.muli %mul3A_39, %add3A_11 : i32
      %dma_start3A = arith.constant 0 : i32
      %dma_start3A_41 = arith.constant 0 : i32
      %dma_start3A_42 = tpu.memref_slice %run_scoped3A[%rem3A_38, %dma_start3A, %dma_start3A_41] : memref<2x1x256xi32, #tpu.memory_space<vmem>> -> memref<1x1x256xi32, #tpu.memory_space<vmem>>
      %dma_start3A_43 = tpu.memref_squeeze %dma_start3A_42 : memref<1x1x256xi32, #tpu.memory_space<vmem>> -> memref<1x256xi32, #tpu.memory_space<vmem>>
      %dma_start3A_44 = arith.constant 0 : i32
      %dma_start3A_45 = tpu.memref_slice %arg3[%dma_start3A_44, %mul3A_40] : memref<1x81920xi32, #tpu.memory_space<hbm>> -> memref<1x256xi32, #tpu.memory_space<hbm>>
      %dma_start3A_46 = tpu.memref_slice %run_scoped3A_7[%rem3A_38] : memref<2x!tpu.dma_semaphore, #tpu.memory_space<semaphore_mem>> -> memref<1x!tpu.dma_semaphore, #tpu.memory_space<semaphore_mem>>
      %dma_start3A_47 = tpu.memref_squeeze %dma_start3A_46 : memref<1x!tpu.dma_semaphore, #tpu.memory_space<semaphore_mem>> -> memref<!tpu.dma_semaphore, #tpu.memory_space<semaphore_mem>>
      %dma_start3A_48 = arith.constant 0 : i32
      %dma_start3A_49 = arith.constant 0 : i32
      %dma_start3A_50 = tpu.memref_slice %run_scoped3A[%rem3A_38, %dma_start3A_48, %dma_start3A_49] : memref<2x1x256xi32, #tpu.memory_space<vmem>> -> memref<1x1x256xi32, #tpu.memory_space<vmem>>
      %dma_start3A_51 = tpu.memref_squeeze %dma_start3A_50 : memref<1x1x256xi32, #tpu.memory_space<vmem>> -> memref<1x256xi32, #tpu.memory_space<vmem>>
      %dma_start3A_52 = arith.constant 0 : i32
      %dma_start3A_53 = tpu.memref_slice %arg3[%dma_start3A_52, %mul3A_40] : memref<1x81920xi32, #tpu.memory_space<hbm>> -> memref<1x256xi32, #tpu.memory_space<hbm>>
      tpu.enqueue_dma source(%dma_start3A_53 : memref<1x256xi32, #tpu.memory_space<hbm>>) target(%dma_start3A_51 : memref<1x256xi32, #tpu.memory_space<vmem>>) target_semaphore(%dma_start3A_47 : memref<!tpu.dma_semaphore, #tpu.memory_space<semaphore_mem>>)
      %add3A_54 = arith.constant 0 : i32
      %add3A_55 = arith.constant 1 : i32
      %add3A_56 = arith.addi %add3A_54, %add3A_55 : i32
      %select_n3A_57 = arith.constant true
      %select_n3A_58 = arith.constant 0 : i32
      %select_n3A_59 = arith.select %select_n3A_57, %add3A_56, %select_n3A_58 : i32
      "tpu.trace_stop"() : () -> ()
      %scan3A = arith.constant 0 : i32
      %scan3A_60 = arith.constant 0 : i32
      %scan3A_61 = arith.constant 0 : i32
      %scan3A_62 = arith.constant 0 : i32
      %scan3A_63 = arith.constant 0 : i32
      %scan3A_64 = arith.constant 10 : i32
      %scan3A_65 = arith.addi %scan3A_63, %scan3A_64 : i32
      %scan3A_66 = arith.constant 1 : i32
      %scan3A_67:5 = scf.for %scan3A_121 = %scan3A_63 to %scan3A_65 step %scan3A_66 iter_args(%scan3A_122 = %select_n3A_59, %scan3A_123 = %scan3A, %scan3A_124 = %scan3A_60, %scan3A_125 = %scan3A_61, %scan3A_126 = %scan3A_62) -> (i32, i32, i32, i32, i32)  : i32 {
        %eq3A_127 = arith.constant 0 : i32
        %eq3A_128 = arith.cmpi eq, %scan3A_121, %eq3A_127 : i32
        %eq3A_129 = arith.constant 9 : i32
        %eq3A_130 = arith.cmpi eq, %scan3A_121, %eq3A_129 : i32
        %add3A_131 = arith.addi %scan3A_126, %mul3A_6 : i32
        %sub3A_132 = arith.constant 1 : i32
        %sub3A_133 = arith.subi %scan3A_126, %sub3A_132 : i32
        %select_n3A_134 = arith.constant true
        %select_n3A_135 = arith.select %select_n3A_134, %sub3A_133, %scan3A_126 : i32
        %eq3A_136 = arith.constant -1 : i32
        %eq3A_137 = arith.cmpi eq, %select_n3A_135, %eq3A_136 : i32
        %select_n3A_138 = arith.constant 9 : i32
        %select_n3A_139 = arith.select %eq3A_137, %select_n3A_138, %select_n3A_135 : i32
        %add3A_140 = arith.addi %select_n3A_139, %mul3A_6 : i32
        %add3A_141 = arith.constant 1 : i32
        %add3A_142 = arith.addi %scan3A_126, %add3A_141 : i32
        %select_n3A_143 = arith.constant true
        %select_n3A_144 = arith.select %select_n3A_143, %add3A_142, %scan3A_126 : i32
        %eq3A_145 = arith.constant 10 : i32
        %eq3A_146 = arith.cmpi eq, %select_n3A_144, %eq3A_145 : i32
        %select_n3A_147 = arith.constant 0 : i32
        %select_n3A_148 = arith.select %eq3A_146, %select_n3A_147, %select_n3A_144 : i32
        %add3A_149 = arith.addi %select_n3A_148, %mul3A_6 : i32
        %add3A_150 = arith.constant 1 : i32
        %add3A_151 = arith.addi %select_n3A_148, %add3A_150 : i32
        %select_n3A_152 = arith.constant true
        %select_n3A_153 = arith.select %select_n3A_152, %add3A_151, %select_n3A_148 : i32
        %eq3A_154 = arith.constant 10 : i32
        %eq3A_155 = arith.cmpi eq, %select_n3A_153, %eq3A_154 : i32
        %select_n3A_156 = arith.constant 0 : i32
        %select_n3A_157 = arith.select %eq3A_155, %select_n3A_156, %select_n3A_153 : i32
        %add3A_158 = arith.addi %select_n3A_157, %mul3A_6 : i32
        %ne3A = arith.cmpi ne, %add3A_131, %add3A_149 : i32
        %or3A = arith.constant false
        %or3A_159 = arith.ori %or3A, %ne3A : i1
        %ge3A = arith.constant 9 : i32
        %ge3A_160 = arith.cmpi sge, %scan3A_121, %ge3A : i32
        %not3A = arith.constant true
        %not3A_161 = arith.xori %ge3A_160, %not3A : i1
        %and3A = arith.andi %or3A_159, %not3A_161 : i1
        %convert_element_type3A = arith.extui %and3A : i1 to i32
        %cond3A = arith.constant 0 : i32
        %cond3A_162 = arith.cmpi ne, %convert_element_type3A, %cond3A : i32
        scf.if %cond3A_162 {
          "tpu.trace_start"() <{level = 10 : i32, message = "ep_copy_in"}> : () -> ()
          %rem3A_264 = arith.constant 2 : i32
          %rem3A_265 = arith.remui %scan3A_122, %rem3A_264 : i32
          %mul3A_266 = arith.constant 256 : i32
          %mul3A_267 = arith.muli %mul3A_266, %add3A_149 : i32
          %dma_start3A_268 = arith.constant 0 : i32
          %dma_start3A_269 = arith.constant 0 : i32
          %dma_start3A_270 = tpu.memref_slice %run_scoped3A[%rem3A_265, %dma_start3A_268, %dma_start3A_269] : memref<2x1x256xi32, #tpu.memory_space<vmem>> -> memref<1x1x256xi32, #tpu.memory_space<vmem>>
          %dma_start3A_271 = tpu.memref_squeeze %dma_start3A_270 : memref<1x1x256xi32, #tpu.memory_space<vmem>> -> memref<1x256xi32, #tpu.memory_space<vmem>>
          %dma_start3A_272 = arith.constant 0 : i32
          %dma_start3A_273 = tpu.memref_slice %arg3[%dma_start3A_272, %mul3A_267] : memref<1x81920xi32, #tpu.memory_space<hbm>> -> memref<1x256xi32, #tpu.memory_space<hbm>>
          %dma_start3A_274 = tpu.memref_slice %run_scoped3A_7[%rem3A_265] : memref<2x!tpu.dma_semaphore, #tpu.memory_space<semaphore_mem>> -> memref<1x!tpu.dma_semaphore, #tpu.memory_space<semaphore_mem>>
          %dma_start3A_275 = tpu.memref_squeeze %dma_start3A_274 : memref<1x!tpu.dma_semaphore, #tpu.memory_space<semaphore_mem>> -> memref<!tpu.dma_semaphore, #tpu.memory_space<semaphore_mem>>
          %dma_start3A_276 = arith.constant 0 : i32
          %dma_start3A_277 = arith.constant 0 : i32
          %dma_start3A_278 = tpu.memref_slice %run_scoped3A[%rem3A_265, %dma_start3A_276, %dma_start3A_277] : memref<2x1x256xi32, #tpu.memory_space<vmem>> -> memref<1x1x256xi32, #tpu.memory_space<vmem>>
          %dma_start3A_279 = tpu.memref_squeeze %dma_start3A_278 : memref<1x1x256xi32, #tpu.memory_space<vmem>> -> memref<1x256xi32, #tpu.memory_space<vmem>>
          %dma_start3A_280 = arith.constant 0 : i32
          %dma_start3A_281 = tpu.memref_slice %arg3[%dma_start3A_280, %mul3A_267] : memref<1x81920xi32, #tpu.memory_space<hbm>> -> memref<1x256xi32, #tpu.memory_space<hbm>>
          tpu.enqueue_dma source(%dma_start3A_281 : memref<1x256xi32, #tpu.memory_space<hbm>>) target(%dma_start3A_279 : memref<1x256xi32, #tpu.memory_space<vmem>>) target_semaphore(%dma_start3A_275 : memref<!tpu.dma_semaphore, #tpu.memory_space<semaphore_mem>>)
          "tpu.trace_stop"() : () -> ()
        } else {
        }
        %and3A_163 = arith.constant true
        %and3A_164 = arith.andi %and3A, %and3A_163 : i1
        %add3A_165 = arith.constant 1 : i32
        %add3A_166 = arith.addi %scan3A_122, %add3A_165 : i32
        %select_n3A_167 = arith.select %and3A_164, %add3A_166, %scan3A_122 : i32
        %ne3A_168 = arith.cmpi ne, %add3A_131, %add3A_149 : i32
        %or3A_169 = arith.constant false
        %or3A_170 = arith.ori %or3A_169, %ne3A_168 : i1
        %or3A_171 = arith.constant false
        %or3A_172 = arith.ori %or3A_170, %or3A_171 : i1
        %ge3A_173 = arith.constant 9 : i32
        %ge3A_174 = arith.cmpi sge, %scan3A_121, %ge3A_173 : i32
        %not3A_175 = arith.constant true
        %not3A_176 = arith.xori %ge3A_174, %not3A_175 : i1
        %and3A_177 = arith.andi %or3A_172, %not3A_176 : i1
        %ne3A_178 = arith.cmpi ne, %add3A_131, %add3A_140 : i32
        %or3A_179 = arith.constant false
        %or3A_180 = arith.ori %or3A_179, %ne3A_178 : i1
        %or3A_181 = arith.ori %or3A_180, %eq3A_128 : i1
        %convert_element_type3A_182 = arith.extui %or3A_181 : i1 to i32
        %cond3A_183 = arith.constant 0 : i32
        %cond3A_184 = arith.cmpi ne, %convert_element_type3A_182, %cond3A_183 : i32
        scf.if %cond3A_184 {
          "tpu.trace_start"() <{level = 10 : i32, message = "ep_wait_in"}> : () -> ()
          %mul3A_264 = arith.constant 256 : i32
          %mul3A_265 = arith.muli %mul3A_264, %add3A_131 : i32
          %rem3A_266 = arith.constant 2 : i32
          %rem3A_267 = arith.remui %scan3A_123, %rem3A_266 : i32
          %dma_wait3A_268 = arith.constant 0 : i32
          %dma_wait3A_269 = arith.constant 0 : i32
          %dma_wait3A_270 = tpu.memref_slice %run_scoped3A[%rem3A_267, %dma_wait3A_268, %dma_wait3A_269] : memref<2x1x256xi32, #tpu.memory_space<vmem>> -> memref<1x1x256xi32, #tpu.memory_space<vmem>>
          %dma_wait3A_271 = tpu.memref_squeeze %dma_wait3A_270 : memref<1x1x256xi32, #tpu.memory_space<vmem>> -> memref<1x256xi32, #tpu.memory_space<vmem>>
          %dma_wait3A_272 = arith.constant 0 : i32
          %dma_wait3A_273 = tpu.memref_slice %arg3[%dma_wait3A_272, %mul3A_265] : memref<1x81920xi32, #tpu.memory_space<hbm>> -> memref<1x256xi32, #tpu.memory_space<hbm>>
          %dma_wait3A_274 = tpu.memref_slice %run_scoped3A_7[%rem3A_267] : memref<2x!tpu.dma_semaphore, #tpu.memory_space<semaphore_mem>> -> memref<1x!tpu.dma_semaphore, #tpu.memory_space<semaphore_mem>>
          %dma_wait3A_275 = tpu.memref_squeeze %dma_wait3A_274 : memref<1x!tpu.dma_semaphore, #tpu.memory_space<semaphore_mem>> -> memref<!tpu.dma_semaphore, #tpu.memory_space<semaphore_mem>>
          %dma_wait3A_276 = arith.constant 0 : i32
          %dma_wait3A_277 = arith.constant 0 : i32
          %dma_wait3A_278 = tpu.memref_slice %run_scoped3A[%rem3A_267, %dma_wait3A_276, %dma_wait3A_277] : memref<2x1x256xi32, #tpu.memory_space<vmem>> -> memref<1x1x256xi32, #tpu.memory_space<vmem>>
          %dma_wait3A_279 = tpu.memref_squeeze %dma_wait3A_278 : memref<1x1x256xi32, #tpu.memory_space<vmem>> -> memref<1x256xi32, #tpu.memory_space<vmem>>
          %dma_wait3A_280 = arith.constant 0 : i32
          %dma_wait3A_281 = tpu.memref_slice %arg3[%dma_wait3A_280, %mul3A_265] : memref<1x81920xi32, #tpu.memory_space<hbm>> -> memref<1x256xi32, #tpu.memory_space<hbm>>
          tpu.wait_dma2 semaphore(%dma_wait3A_275 : memref<!tpu.dma_semaphore, #tpu.memory_space<semaphore_mem>>) src(%dma_wait3A_281 : memref<1x256xi32, #tpu.memory_space<hbm>>) dst(%dma_wait3A_279 : memref<1x256xi32, #tpu.memory_space<vmem>>)
          "tpu.trace_stop"() : () -> ()
        } else {
        }
        %ne3A_185 = arith.cmpi ne, %add3A_131, %add3A_140 : i32
        %or3A_186 = arith.constant false
        %or3A_187 = arith.ori %or3A_186, %ne3A_185 : i1
        %or3A_188 = arith.constant false
        %or3A_189 = arith.ori %or3A_187, %or3A_188 : i1
        %or3A_190 = arith.ori %or3A_189, %eq3A_128 : i1
        %convert_element_type3A_191 = arith.extui %or3A_190 : i1 to i32
        %cond3A_192 = arith.constant 0 : i32
        %cond3A_193 = arith.cmpi ne, %convert_element_type3A_191, %cond3A_192 : i32
        scf.if %cond3A_193 {
        } else {
        }
        %rem3A_194 = arith.constant 2 : i32
        %rem3A_195 = arith.remui %scan3A_123, %rem3A_194 : i32
        %rem3A_196 = arith.constant 2 : i32
        %rem3A_197 = arith.remui %scan3A_124, %rem3A_196 : i32
        %run_scoped3A_198 = arith.constant 0 : i32
        "tpu.trace_start"() <{level = 10 : i32, message = "ep_run_kernel"}> : () -> ()
        "tpu.region"() ({
          %run_scoped3A_264 = tpu.sem_alloc : memref<!tpu.dma_semaphore, #tpu.memory_space<semaphore_mem>>
          %dma_start3A_265 = arith.constant 0 : i32
          %dma_start3A_266 = arith.constant 0 : i32
          %dma_start3A_267 = tpu.memref_slice %run_scoped3A_8[%rem3A_197, %dma_start3A_265, %dma_start3A_266] : memref<2x256x128xf32, #tpu.memory_space<vmem>> -> memref<1x256x128xf32, #tpu.memory_space<vmem>>
          %dma_start3A_268 = tpu.memref_squeeze %dma_start3A_267 : memref<1x256x128xf32, #tpu.memory_space<vmem>> -> memref<256x128xf32, #tpu.memory_space<vmem>>
          %dma_start3A_269 = arith.constant 0 : i32
          %dma_start3A_270 = arith.constant 0 : i32
          %dma_start3A_271 = tpu.memref_slice %run_scoped3A[%rem3A_195, %dma_start3A_269, %dma_start3A_270] : memref<2x1x256xi32, #tpu.memory_space<vmem>> -> memref<1x1x256xi32, #tpu.memory_space<vmem>>
          %dma_start3A_272 = tpu.memref_squeeze %dma_start3A_271 : memref<1x1x256xi32, #tpu.memory_space<vmem>> -> memref<1x256xi32, #tpu.memory_space<vmem>>
          %dma_start3A_273 = arith.constant 0 : i32
          %dma_start3A_274 = tpu.memref_slice %dma_start3A_272[%run_scoped3A_198, %dma_start3A_273] : memref<1x256xi32, #tpu.memory_space<vmem>> -> memref<1x256xi32, #tpu.memory_space<vmem>>
          %dma_start3A_275 = tpu.memref_squeeze %dma_start3A_274 : memref<1x256xi32, #tpu.memory_space<vmem>> -> memref<256xi32, #tpu.memory_space<vmem>>
          %dma_start3A_276 = arith.constant 0 : i32
          %dma_start3A_277 = arith.constant 0 : i32
          %dma_start3A_278 = tpu.memref_slice %arg2[%dma_start3A_276, %dma_start3A_277] : memref<8192x128xf32, #tpu.memory_space<hbm>> -> memref<8192x128xf32, #tpu.memory_space<hbm>>
          tpu.enqueue_indirect_dma source(%dma_start3A_278 : memref<8192x128xf32, #tpu.memory_space<hbm>>) target(%dma_start3A_268 : memref<256x128xf32, #tpu.memory_space<vmem>>) offsets(%dma_start3A_275 : memref<256xi32, #tpu.memory_space<vmem>>) semaphore(%run_scoped3A_264 : memref<!tpu.dma_semaphore, #tpu.memory_space<semaphore_mem>>)
          %dma_wait3A_279 = arith.constant 0 : i32
          %dma_wait3A_280 = arith.constant 0 : i32
          %dma_wait3A_281 = tpu.memref_slice %run_scoped3A_8[%rem3A_197, %dma_wait3A_279, %dma_wait3A_280] : memref<2x256x128xf32, #tpu.memory_space<vmem>> -> memref<1x256x128xf32, #tpu.memory_space<vmem>>
          %dma_wait3A_282 = tpu.memref_squeeze %dma_wait3A_281 : memref<1x256x128xf32, #tpu.memory_space<vmem>> -> memref<256x128xf32, #tpu.memory_space<vmem>>
          %dma_wait3A_283 = arith.constant 0 : i32
          %dma_wait3A_284 = arith.constant 0 : i32
          %dma_wait3A_285 = tpu.memref_slice %run_scoped3A[%rem3A_195, %dma_wait3A_283, %dma_wait3A_284] : memref<2x1x256xi32, #tpu.memory_space<vmem>> -> memref<1x1x256xi32, #tpu.memory_space<vmem>>
          %dma_wait3A_286 = tpu.memref_squeeze %dma_wait3A_285 : memref<1x1x256xi32, #tpu.memory_space<vmem>> -> memref<1x256xi32, #tpu.memory_space<vmem>>
          %dma_wait3A_287 = arith.constant 0 : i32
          %dma_wait3A_288 = tpu.memref_slice %dma_wait3A_286[%run_scoped3A_198, %dma_wait3A_287] : memref<1x256xi32, #tpu.memory_space<vmem>> -> memref<1x256xi32, #tpu.memory_space<vmem>>
          %dma_wait3A_289 = tpu.memref_squeeze %dma_wait3A_288 : memref<1x256xi32, #tpu.memory_space<vmem>> -> memref<256xi32, #tpu.memory_space<vmem>>
          %dma_wait3A_290 = arith.constant 0 : i32
          %dma_wait3A_291 = arith.constant 0 : i32
          %dma_wait3A_292 = tpu.memref_slice %arg2[%dma_wait3A_290, %dma_wait3A_291] : memref<8192x128xf32, #tpu.memory_space<hbm>> -> memref<8192x128xf32, #tpu.memory_space<hbm>>
          tpu.wait_indirect_dma semaphore(%run_scoped3A_264 : memref<!tpu.dma_semaphore, #tpu.memory_space<semaphore_mem>>) src(%dma_wait3A_292 : memref<8192x128xf32, #tpu.memory_space<hbm>>) dst(%dma_wait3A_282 : memref<256x128xf32, #tpu.memory_space<vmem>>)
          tpu.yield
        }) : () -> ()
        "tpu.trace_stop"() : () -> ()
        %ne3A_199 = arith.cmpi ne, %add3A_131, %add3A_149 : i32
        %or3A_200 = arith.constant false
        %or3A_201 = arith.ori %or3A_200, %ne3A_199 : i1
        %or3A_202 = arith.ori %or3A_201, %eq3A_130 : i1
        %convert_element_type3A_203 = arith.extui %or3A_202 : i1 to i32
        %cond3A_204 = arith.constant 0 : i32
        %cond3A_205 = arith.cmpi ne, %convert_element_type3A_203, %cond3A_204 : i32
        scf.if %cond3A_205 {
        } else {
        }
        %and3A_206 = arith.constant false
        %and3A_207 = arith.andi %or3A_202, %and3A_206 : i1
        %ne3A_208 = arith.cmpi ne, %add3A_131, %add3A_149 : i32
        %or3A_209 = arith.constant false
        %or3A_210 = arith.ori %or3A_209, %ne3A_208 : i1
        %or3A_211 = arith.constant false
        %or3A_212 = arith.ori %or3A_210, %or3A_211 : i1
        %or3A_213 = arith.ori %or3A_212, %eq3A_130 : i1
        %convert_element_type3A_214 = arith.extui %or3A_213 : i1 to i32
        %cond3A_215 = arith.constant 0 : i32
        %cond3A_216 = arith.cmpi ne, %convert_element_type3A_214, %cond3A_215 : i32
        scf.if %cond3A_216 {
          "tpu.trace_start"() <{level = 10 : i32, message = "ep_copy_out"}> : () -> ()
          %rem3A_264 = arith.constant 2 : i32
          %rem3A_265 = arith.remui %scan3A_124, %rem3A_264 : i32
          %mul3A_266 = arith.constant 256 : i32
          %mul3A_267 = arith.muli %mul3A_266, %add3A_131 : i32
          %dma_start3A_268 = arith.constant 0 : i32
          %dma_start3A_269 = arith.constant 0 : i32
          %dma_start3A_270 = tpu.memref_slice %run_scoped3A_8[%rem3A_265, %dma_start3A_268, %dma_start3A_269] : memref<2x256x128xf32, #tpu.memory_space<vmem>> -> memref<1x256x128xf32, #tpu.memory_space<vmem>>
          %dma_start3A_271 = tpu.memref_squeeze %dma_start3A_270 : memref<1x256x128xf32, #tpu.memory_space<vmem>> -> memref<256x128xf32, #tpu.memory_space<vmem>>
          %dma_start3A_272 = arith.constant 0 : i32
          %dma_start3A_273 = tpu.memref_slice %arg4[%mul3A_267, %dma_start3A_272] : memref<81920x128xf32, #tpu.memory_space<hbm>> -> memref<256x128xf32, #tpu.memory_space<hbm>>
          %dma_start3A_274 = tpu.memref_slice %run_scoped3A_9[%rem3A_265] : memref<2x!tpu.dma_semaphore, #tpu.memory_space<semaphore_mem>> -> memref<1x!tpu.dma_semaphore, #tpu.memory_space<semaphore_mem>>
          %dma_start3A_275 = tpu.memref_squeeze %dma_start3A_274 : memref<1x!tpu.dma_semaphore, #tpu.memory_space<semaphore_mem>> -> memref<!tpu.dma_semaphore, #tpu.memory_space<semaphore_mem>>
          %dma_start3A_276 = arith.constant 0 : i32
          %dma_start3A_277 = tpu.memref_slice %arg4[%mul3A_267, %dma_start3A_276] : memref<81920x128xf32, #tpu.memory_space<hbm>> -> memref<256x128xf32, #tpu.memory_space<hbm>>
          %dma_start3A_278 = arith.constant 0 : i32
          %dma_start3A_279 = arith.constant 0 : i32
          %dma_start3A_280 = tpu.memref_slice %run_scoped3A_8[%rem3A_265, %dma_start3A_278, %dma_start3A_279] : memref<2x256x128xf32, #tpu.memory_space<vmem>> -> memref<1x256x128xf32, #tpu.memory_space<vmem>>
          %dma_start3A_281 = tpu.memref_squeeze %dma_start3A_280 : memref<1x256x128xf32, #tpu.memory_space<vmem>> -> memref<256x128xf32, #tpu.memory_space<vmem>>
          tpu.enqueue_dma source(%dma_start3A_281 : memref<256x128xf32, #tpu.memory_space<vmem>>) target(%dma_start3A_277 : memref<256x128xf32, #tpu.memory_space<hbm>>) target_semaphore(%dma_start3A_275 : memref<!tpu.dma_semaphore, #tpu.memory_space<semaphore_mem>>)
          "tpu.trace_stop"() : () -> ()
        } else {
        }
        %and3A_217 = arith.constant true
        %and3A_218 = arith.andi %or3A_213, %and3A_217 : i1
        %add3A_219 = arith.constant 1 : i32
        %add3A_220 = arith.addi %scan3A_124, %add3A_219 : i32
        %select_n3A_221 = arith.select %and3A_218, %add3A_220, %scan3A_124 : i32
        %ne3A_222 = arith.cmpi ne, %add3A_131, %add3A_140 : i32
        %or3A_223 = arith.constant false
        %or3A_224 = arith.ori %or3A_223, %ne3A_222 : i1
        %not3A_225 = arith.constant true
        %not3A_226 = arith.xori %eq3A_128, %not3A_225 : i1
        %and3A_227 = arith.andi %or3A_224, %not3A_226 : i1
        %convert_element_type3A_228 = arith.extui %and3A_227 : i1 to i32
        %cond3A_229 = arith.constant 0 : i32
        %cond3A_230 = arith.cmpi ne, %convert_element_type3A_228, %cond3A_229 : i32
        scf.if %cond3A_230 {
        } else {
        }
        %and3A_231 = arith.constant false
        %and3A_232 = arith.andi %and3A_227, %and3A_231 : i1
        %ne3A_233 = arith.cmpi ne, %add3A_131, %add3A_140 : i32
        %or3A_234 = arith.constant false
        %or3A_235 = arith.ori %or3A_234, %ne3A_233 : i1
        %or3A_236 = arith.constant false
        %or3A_237 = arith.ori %or3A_235, %or3A_236 : i1
        %not3A_238 = arith.constant true
        %not3A_239 = arith.xori %eq3A_128, %not3A_238 : i1
        %and3A_240 = arith.andi %or3A_237, %not3A_239 : i1
        %convert_element_type3A_241 = arith.extui %and3A_240 : i1 to i32
        %cond3A_242 = arith.constant 0 : i32
        %cond3A_243 = arith.cmpi ne, %convert_element_type3A_241, %cond3A_242 : i32
        scf.if %cond3A_243 {
          "tpu.trace_start"() <{level = 10 : i32, message = "ep_wait_out"}> : () -> ()
          %rem3A_264 = arith.constant 2 : i32
          %rem3A_265 = arith.remui %scan3A_125, %rem3A_264 : i32
          %mul3A_266 = arith.constant 256 : i32
          %mul3A_267 = arith.muli %mul3A_266, %add3A_140 : i32
          %dma_wait3A_268 = arith.constant 0 : i32
          %dma_wait3A_269 = arith.constant 0 : i32
          %dma_wait3A_270 = tpu.memref_slice %run_scoped3A_8[%rem3A_265, %dma_wait3A_268, %dma_wait3A_269] : memref<2x256x128xf32, #tpu.memory_space<vmem>> -> memref<1x256x128xf32, #tpu.memory_space<vmem>>
          %dma_wait3A_271 = tpu.memref_squeeze %dma_wait3A_270 : memref<1x256x128xf32, #tpu.memory_space<vmem>> -> memref<256x128xf32, #tpu.memory_space<vmem>>
          %dma_wait3A_272 = arith.constant 0 : i32
          %dma_wait3A_273 = tpu.memref_slice %arg4[%mul3A_267, %dma_wait3A_272] : memref<81920x128xf32, #tpu.memory_space<hbm>> -> memref<256x128xf32, #tpu.memory_space<hbm>>
          %dma_wait3A_274 = tpu.memref_slice %run_scoped3A_9[%rem3A_265] : memref<2x!tpu.dma_semaphore, #tpu.memory_space<semaphore_mem>> -> memref<1x!tpu.dma_semaphore, #tpu.memory_space<semaphore_mem>>
          %dma_wait3A_275 = tpu.memref_squeeze %dma_wait3A_274 : memref<1x!tpu.dma_semaphore, #tpu.memory_space<semaphore_mem>> -> memref<!tpu.dma_semaphore, #tpu.memory_space<semaphore_mem>>
          %dma_wait3A_276 = arith.constant 0 : i32
          %dma_wait3A_277 = tpu.memref_slice %arg4[%mul3A_267, %dma_wait3A_276] : memref<81920x128xf32, #tpu.memory_space<hbm>> -> memref<256x128xf32, #tpu.memory_space<hbm>>
          %dma_wait3A_278 = arith.constant 0 : i32
          %dma_wait3A_279 = arith.constant 0 : i32
          %dma_wait3A_280 = tpu.memref_slice %run_scoped3A_8[%rem3A_265, %dma_wait3A_278, %dma_wait3A_279] : memref<2x256x128xf32, #tpu.memory_space<vmem>> -> memref<1x256x128xf32, #tpu.memory_space<vmem>>
          %dma_wait3A_281 = tpu.memref_squeeze %dma_wait3A_280 : memref<1x256x128xf32, #tpu.memory_space<vmem>> -> memref<256x128xf32, #tpu.memory_space<vmem>>
          tpu.wait_dma2 semaphore(%dma_wait3A_275 : memref<!tpu.dma_semaphore, #tpu.memory_space<semaphore_mem>>) src(%dma_wait3A_281 : memref<256x128xf32, #tpu.memory_space<vmem>>) dst(%dma_wait3A_277 : memref<256x128xf32, #tpu.memory_space<hbm>>)
          "tpu.trace_stop"() : () -> ()
        } else {
        }
        %and3A_244 = arith.constant true
        %and3A_245 = arith.andi %and3A_240, %and3A_244 : i1
        %add3A_246 = arith.constant 1 : i32
        %add3A_247 = arith.addi %scan3A_125, %add3A_246 : i32
        %select_n3A_248 = arith.select %and3A_245, %add3A_247, %scan3A_125 : i32
        %ne3A_249 = arith.cmpi ne, %add3A_131, %add3A_149 : i32
        %or3A_250 = arith.constant false
        %or3A_251 = arith.ori %or3A_250, %ne3A_249 : i1
        %or3A_252 = arith.ori %or3A_251, %eq3A_130 : i1
        %add3A_253 = arith.constant 1 : i32
        %add3A_254 = arith.addi %scan3A_123, %add3A_253 : i32
        %select_n3A_255 = arith.select %or3A_252, %add3A_254, %scan3A_123 : i32
        %add3A_256 = arith.constant 1 : i32
        %add3A_257 = arith.addi %scan3A_126, %add3A_256 : i32
        %select_n3A_258 = arith.constant true
        %select_n3A_259 = arith.select %select_n3A_258, %add3A_257, %scan3A_126 : i32
        %eq3A_260 = arith.constant 10 : i32
        %eq3A_261 = arith.cmpi eq, %select_n3A_259, %eq3A_260 : i32
        %select_n3A_262 = arith.constant 0 : i32
        %select_n3A_263 = arith.select %eq3A_261, %select_n3A_262, %select_n3A_259 : i32
        scf.yield %select_n3A_167, %select_n3A_255, %select_n3A_221, %select_n3A_248, %select_n3A_263 : i32, i32, i32, i32, i32
      }
      %scan3A_68 = arith.constant 10 : i32
      %sub3A = arith.constant 1 : i32
      %sub3A_69 = arith.subi %scan3A_67#4, %sub3A : i32
      %select_n3A_70 = arith.constant true
      %select_n3A_71 = arith.select %select_n3A_70, %sub3A_69, %scan3A_67#4 : i32
      %eq3A_72 = arith.constant -1 : i32
      %eq3A_73 = arith.cmpi eq, %select_n3A_71, %eq3A_72 : i32
      %select_n3A_74 = arith.constant 9 : i32
      %select_n3A_75 = arith.select %eq3A_73, %select_n3A_74, %select_n3A_71 : i32
      %add3A_76 = arith.addi %select_n3A_75, %mul3A_6 : i32
      %sub3A_77 = arith.constant 1 : i32
      %sub3A_78 = arith.subi %select_n3A_75, %sub3A_77 : i32
      %select_n3A_79 = arith.constant true
      %select_n3A_80 = arith.select %select_n3A_79, %sub3A_78, %select_n3A_75 : i32
      %eq3A_81 = arith.constant -1 : i32
      %eq3A_82 = arith.cmpi eq, %select_n3A_80, %eq3A_81 : i32
      %select_n3A_83 = arith.constant 9 : i32
      %select_n3A_84 = arith.select %eq3A_82, %select_n3A_83, %select_n3A_80 : i32
      %add3A_85 = arith.addi %select_n3A_84, %mul3A_6 : i32
      %add3A_86 = arith.constant 1 : i32
      %add3A_87 = arith.addi %select_n3A_75, %add3A_86 : i32
      %select_n3A_88 = arith.constant true
      %select_n3A_89 = arith.select %select_n3A_88, %add3A_87, %select_n3A_75 : i32
      %eq3A_90 = arith.constant 10 : i32
      %eq3A_91 = arith.cmpi eq, %select_n3A_89, %eq3A_90 : i32
      %select_n3A_92 = arith.constant 0 : i32
      %select_n3A_93 = arith.select %eq3A_91, %select_n3A_92, %select_n3A_89 : i32
      %add3A_94 = arith.addi %select_n3A_93, %mul3A_6 : i32
      %add3A_95 = arith.constant 1 : i32
      %add3A_96 = arith.addi %select_n3A_93, %add3A_95 : i32
      %select_n3A_97 = arith.constant true
      %select_n3A_98 = arith.select %select_n3A_97, %add3A_96, %select_n3A_93 : i32
      %eq3A_99 = arith.constant 10 : i32
      %eq3A_100 = arith.cmpi eq, %select_n3A_98, %eq3A_99 : i32
      %select_n3A_101 = arith.constant 0 : i32
      %select_n3A_102 = arith.select %eq3A_100, %select_n3A_101, %select_n3A_98 : i32
      %add3A_103 = arith.addi %select_n3A_102, %mul3A_6 : i32
      "tpu.trace_start"() <{level = 10 : i32, message = "ep_finalize"}> : () -> ()
      %rem3A_104 = arith.constant 2 : i32
      %rem3A_105 = arith.remui %scan3A_67#3, %rem3A_104 : i32
      %mul3A_106 = arith.constant 256 : i32
      %mul3A_107 = arith.muli %mul3A_106, %add3A_76 : i32
      %dma_wait3A = arith.constant 0 : i32
      %dma_wait3A_108 = arith.constant 0 : i32
      %dma_wait3A_109 = tpu.memref_slice %run_scoped3A_8[%rem3A_105, %dma_wait3A, %dma_wait3A_108] : memref<2x256x128xf32, #tpu.memory_space<vmem>> -> memref<1x256x128xf32, #tpu.memory_space<vmem>>
      %dma_wait3A_110 = tpu.memref_squeeze %dma_wait3A_109 : memref<1x256x128xf32, #tpu.memory_space<vmem>> -> memref<256x128xf32, #tpu.memory_space<vmem>>
      %dma_wait3A_111 = arith.constant 0 : i32
      %dma_wait3A_112 = tpu.memref_slice %arg4[%mul3A_107, %dma_wait3A_111] : memref<81920x128xf32, #tpu.memory_space<hbm>> -> memref<256x128xf32, #tpu.memory_space<hbm>>
      %dma_wait3A_113 = tpu.memref_slice %run_scoped3A_9[%rem3A_105] : memref<2x!tpu.dma_semaphore, #tpu.memory_space<semaphore_mem>> -> memref<1x!tpu.dma_semaphore, #tpu.memory_space<semaphore_mem>>
      %dma_wait3A_114 = tpu.memref_squeeze %dma_wait3A_113 : memref<1x!tpu.dma_semaphore, #tpu.memory_space<semaphore_mem>> -> memref<!tpu.dma_semaphore, #tpu.memory_space<semaphore_mem>>
      %dma_wait3A_115 = arith.constant 0 : i32
      %dma_wait3A_116 = tpu.memref_slice %arg4[%mul3A_107, %dma_wait3A_115] : memref<81920x128xf32, #tpu.memory_space<hbm>> -> memref<256x128xf32, #tpu.memory_space<hbm>>
      %dma_wait3A_117 = arith.constant 0 : i32
      %dma_wait3A_118 = arith.constant 0 : i32
      %dma_wait3A_119 = tpu.memref_slice %run_scoped3A_8[%rem3A_105, %dma_wait3A_117, %dma_wait3A_118] : memref<2x256x128xf32, #tpu.memory_space<vmem>> -> memref<1x256x128xf32, #tpu.memory_space<vmem>>
      %dma_wait3A_120 = tpu.memref_squeeze %dma_wait3A_119 : memref<1x256x128xf32, #tpu.memory_space<vmem>> -> memref<256x128xf32, #tpu.memory_space<vmem>>
      tpu.wait_dma2 semaphore(%dma_wait3A_114 : memref<!tpu.dma_semaphore, #tpu.memory_space<semaphore_mem>>) src(%dma_wait3A_120 : memref<256x128xf32, #tpu.memory_space<vmem>>) dst(%dma_wait3A_116 : memref<256x128xf32, #tpu.memory_space<hbm>>)
      "tpu.trace_stop"() : () -> ()
      tpu.yield
    }) : () -> ()
    return
  }
}

#map = affine_map<(d0, d1) -> (0, 0)>
module attributes {stable_mosaic.version = 14 : i64} {
  func.func @kern(%arg0: i32, %arg1: i32, %arg2: memref<8192x128xf32, #tpu.memory_space<hbm>>, %arg3: memref<1x81920xi32, #tpu.memory_space<hbm>>, %arg4: memref<81920x128xf32, #tpu.memory_space<hbm>>) attributes {dimension_semantics = [#tpu.dimension_semantics<core_parallel>, #tpu.dimension_semantics<subcore_parallel>], iteration_bounds = array<i64: 2, 16>, scalar_prefetch = 0 : i64, scratch_operands = 0 : i64, tpu.core_type = #tpu.core_type<sc_vector_subcore>, window_params = [{transform_indices = #map}, {transform_indices = #map}, {transform_indices = #map}]} {
    %mul3A = arith.constant 1 : i32
    %mul3A_0 = arith.muli %arg1, %mul3A : i32
    %add3A = arith.constant 0 : i32
    %add3A_1 = arith.addi %add3A, %mul3A_0 : i32
    %mul3A_2 = arith.constant 16 : i32
    %mul3A_3 = arith.muli %arg0, %mul3A_2 : i32
    %add3A_4 = arith.addi %add3A_1, %mul3A_3 : i32
    %mul3A_5 = arith.constant 10 : i32
    %mul3A_6 = arith.muli %add3A_4, %mul3A_5 : i32
    "tpu.region"() ({
      %run_scoped3A = memref.alloca() : memref<2x1x256xi32, #tpu.memory_space<vmem>>
      %run_scoped3A_7 = tpu.sem_alloc : memref<2x!tpu.dma_semaphore, #tpu.memory_space<semaphore_mem>>
      %run_scoped3A_8 = memref.alloca() : memref<2x256x128xf32, #tpu.memory_space<vmem>>
      %run_scoped3A_9 = tpu.sem_alloc : memref<2x!tpu.dma_semaphore, #tpu.memory_space<semaphore_mem>>
      %add3A_10 = arith.constant 0 : i32
      %add3A_11 = arith.addi %add3A_10, %mul3A_6 : i32
      %select_n3A = arith.constant true
      %select_n3A_12 = arith.constant 0 : i32
      %select_n3A_13 = arith.constant -1 : i32
      %select_n3A_14 = arith.select %select_n3A, %select_n3A_13, %select_n3A_12 : i32
      %eq3A = arith.constant -1 : i32
      %eq3A_15 = arith.cmpi eq, %select_n3A_14, %eq3A : i32
      %select_n3A_16 = arith.constant 9 : i32
      %select_n3A_17 = arith.select %eq3A_15, %select_n3A_16, %select_n3A_14 : i32
      %add3A_18 = arith.addi %select_n3A_17, %mul3A_6 : i32
      %select_n3A_19 = arith.constant true
      %select_n3A_20 = arith.constant 0 : i32
      %select_n3A_21 = arith.constant 1 : i32
      %select_n3A_22 = arith.select %select_n3A_19, %select_n3A_21, %select_n3A_20 : i32
      %eq3A_23 = arith.constant 10 : i32
      %eq3A_24 = arith.cmpi eq, %select_n3A_22, %eq3A_23 : i32
      %select_n3A_25 = arith.constant 0 : i32
      %select_n3A_26 = arith.select %eq3A_24, %select_n3A_25, %select_n3A_22 : i32
      %add3A_27 = arith.addi %select_n3A_26, %mul3A_6 : i32
      %add3A_28 = arith.constant 1 : i32
      %add3A_29 = arith.addi %select_n3A_26, %add3A_28 : i32
      %select_n3A_30 = arith.constant true
      %select_n3A_31 = arith.select %select_n3A_30, %add3A_29, %select_n3A_26 : i32
      %eq3A_32 = arith.constant 10 : i32
      %eq3A_33 = arith.cmpi eq, %select_n3A_31, %eq3A_32 : i32
      %select_n3A_34 = arith.constant 0 : i32
      %select_n3A_35 = arith.select %eq3A_33, %select_n3A_34, %select_n3A_31 : i32
      %add3A_36 = arith.addi %select_n3A_35, %mul3A_6 : i32
      "tpu.trace_start"() <{level = 10 : i32, message = "ep_initialize_0"}> : () -> ()
      %rem3A = arith.constant 0 : i32
      %rem3A_37 = arith.constant 2 : i32
      %rem3A_38 = arith.remui %rem3A, %rem3A_37 : i32
      %mul3A_39 = arith.constant 256 : i32
      %mul3A_40 = arith.muli %mul3A_39, %add3A_11 : i32
      %dma_start3A = arith.constant 0 : i32
      %dma_start3A_41 = arith.constant 0 : i32
      %dma_start3A_42 = tpu.memref_slice %run_scoped3A[%rem3A_38, %dma_start3A, %dma_start3A_41] : memref<2x1x256xi32, #tpu.memory_space<vmem>> -> memref<1x1x256xi32, #tpu.memory_space<vmem>>
      %dma_start3A_43 = tpu.memref_squeeze %dma_start3A_42 : memref<1x1x256xi32, #tpu.memory_space<vmem>> -> memref<1x256xi32, #tpu.memory_space<vmem>>
      %dma_start3A_44 = arith.constant 0 : i32
      %dma_start3A_45 = tpu.memref_slice %arg3[%dma_start3A_44, %mul3A_40] : memref<1x81920xi32, #tpu.memory_space<hbm>> -> memref<1x256xi32, #tpu.memory_space<hbm>>
      %dma_start3A_46 = tpu.memref_slice %run_scoped3A_7[%rem3A_38] : memref<2x!tpu.dma_semaphore, #tpu.memory_space<semaphore_mem>> -> memref<1x!tpu.dma_semaphore, #tpu.memory_space<semaphore_mem>>
      %dma_start3A_47 = tpu.memref_squeeze %dma_start3A_46 : memref<1x!tpu.dma_semaphore, #tpu.memory_space<semaphore_mem>> -> memref<!tpu.dma_semaphore, #tpu.memory_space<semaphore_mem>>
      %dma_start3A_48 = arith.constant 0 : i32
      %dma_start3A_49 = arith.constant 0 : i32
      %dma_start3A_50 = tpu.memref_slice %run_scoped3A[%rem3A_38, %dma_start3A_48, %dma_start3A_49] : memref<2x1x256xi32, #tpu.memory_space<vmem>> -> memref<1x1x256xi32, #tpu.memory_space<vmem>>
      %dma_start3A_51 = tpu.memref_squeeze %dma_start3A_50 : memref<1x1x256xi32, #tpu.memory_space<vmem>> -> memref<1x256xi32, #tpu.memory_space<vmem>>
      %dma_start3A_52 = arith.constant 0 : i32
      %dma_start3A_53 = tpu.memref_slice %arg3[%dma_start3A_52, %mul3A_40] : memref<1x81920xi32, #tpu.memory_space<hbm>> -> memref<1x256xi32, #tpu.memory_space<hbm>>
      tpu.enqueue_dma source(%dma_start3A_53 : memref<1x256xi32, #tpu.memory_space<hbm>>) target(%dma_start3A_51 : memref<1x256xi32, #tpu.memory_space<vmem>>) target_semaphore(%dma_start3A_47 : memref<!tpu.dma_semaphore, #tpu.memory_space<semaphore_mem>>)
      %add3A_54 = arith.constant 0 : i32
      %add3A_55 = arith.constant 1 : i32
      %add3A_56 = arith.addi %add3A_54, %add3A_55 : i32
      %select_n3A_57 = arith.constant true
      %select_n3A_58 = arith.constant 0 : i32
      %select_n3A_59 = arith.select %select_n3A_57, %add3A_56, %select_n3A_58 : i32
      "tpu.trace_stop"() : () -> ()
      %scan3A = arith.constant 0 : i32
      %scan3A_60 = arith.constant 0 : i32
      %scan3A_61 = arith.constant 0 : i32
      %scan3A_62 = arith.constant 0 : i32
      %scan3A_63 = arith.constant 0 : i32
      %scan3A_64 = arith.constant 10 : i32
      %scan3A_65 = arith.addi %scan3A_63, %scan3A_64 : i32
      %scan3A_66 = arith.constant 1 : i32
      %scan3A_67:5 = scf.for %scan3A_121 = %scan3A_63 to %scan3A_65 step %scan3A_66 iter_args(%scan3A_122 = %select_n3A_59, %scan3A_123 = %scan3A, %scan3A_124 = %scan3A_60, %scan3A_125 = %scan3A_61, %scan3A_126 = %scan3A_62) -> (i32, i32, i32, i32, i32)  : i32 {
        %eq3A_127 = arith.constant 0 : i32
        %eq3A_128 = arith.cmpi eq, %scan3A_121, %eq3A_127 : i32
        %eq3A_129 = arith.constant 9 : i32
        %eq3A_130 = arith.cmpi eq, %scan3A_121, %eq3A_129 : i32
        %add3A_131 = arith.addi %scan3A_126, %mul3A_6 : i32
        %sub3A_132 = arith.constant 1 : i32
        %sub3A_133 = arith.subi %scan3A_126, %sub3A_132 : i32
        %select_n3A_134 = arith.constant true
        %select_n3A_135 = arith.select %select_n3A_134, %sub3A_133, %scan3A_126 : i32
        %eq3A_136 = arith.constant -1 : i32
        %eq3A_137 = arith.cmpi eq, %select_n3A_135, %eq3A_136 : i32
        %select_n3A_138 = arith.constant 9 : i32
        %select_n3A_139 = arith.select %eq3A_137, %select_n3A_138, %select_n3A_135 : i32
        %add3A_140 = arith.addi %select_n3A_139, %mul3A_6 : i32
        %add3A_141 = arith.constant 1 : i32
        %add3A_142 = arith.addi %scan3A_126, %add3A_141 : i32
        %select_n3A_143 = arith.constant true
        %select_n3A_144 = arith.select %select_n3A_143, %add3A_142, %scan3A_126 : i32
        %eq3A_145 = arith.constant 10 : i32
        %eq3A_146 = arith.cmpi eq, %select_n3A_144, %eq3A_145 : i32
        %select_n3A_147 = arith.constant 0 : i32
        %select_n3A_148 = arith.select %eq3A_146, %select_n3A_147, %select_n3A_144 : i32
        %add3A_149 = arith.addi %select_n3A_148, %mul3A_6 : i32
        %add3A_150 = arith.constant 1 : i32
        %add3A_151 = arith.addi %select_n3A_148, %add3A_150 : i32
        %select_n3A_152 = arith.constant true
        %select_n3A_153 = arith.select %select_n3A_152, %add3A_151, %select_n3A_148 : i32
        %eq3A_154 = arith.constant 10 : i32
        %eq3A_155 = arith.cmpi eq, %select_n3A_153, %eq3A_154 : i32
        %select_n3A_156 = arith.constant 0 : i32
        %select_n3A_157 = arith.select %eq3A_155, %select_n3A_156, %select_n3A_153 : i32
        %add3A_158 = arith.addi %select_n3A_157, %mul3A_6 : i32
        %ne3A = arith.cmpi ne, %add3A_131, %add3A_149 : i32
        %or3A = arith.constant false
        %or3A_159 = arith.ori %or3A, %ne3A : i1
        %ge3A = arith.constant 9 : i32
        %ge3A_160 = arith.cmpi sge, %scan3A_121, %ge3A : i32
        %not3A = arith.constant true
        %not3A_161 = arith.xori %ge3A_160, %not3A : i1
        %and3A = arith.andi %or3A_159, %not3A_161 : i1
        %convert_element_type3A = arith.extui %and3A : i1 to i32
        %cond3A = arith.constant 0 : i32
        %cond3A_162 = arith.cmpi ne, %convert_element_type3A, %cond3A : i32
        scf.if %cond3A_162 {
          "tpu.trace_start"() <{level = 10 : i32, message = "ep_copy_in"}> : () -> ()
          %rem3A_264 = arith.constant 2 : i32
          %rem3A_265 = arith.remui %scan3A_122, %rem3A_264 : i32
          %mul3A_266 = arith.constant 256 : i32
          %mul3A_267 = arith.muli %mul3A_266, %add3A_149 : i32
          %dma_start3A_268 = arith.constant 0 : i32
          %dma_start3A_269 = arith.constant 0 : i32
          %dma_start3A_270 = tpu.memref_slice %run_scoped3A[%rem3A_265, %dma_start3A_268, %dma_start3A_269] : memref<2x1x256xi32, #tpu.memory_space<vmem>> -> memref<1x1x256xi32, #tpu.memory_space<vmem>>
          %dma_start3A_271 = tpu.memref_squeeze %dma_start3A_270 : memref<1x1x256xi32, #tpu.memory_space<vmem>> -> memref<1x256xi32, #tpu.memory_space<vmem>>
          %dma_start3A_272 = arith.constant 0 : i32
          %dma_start3A_273 = tpu.memref_slice %arg3[%dma_start3A_272, %mul3A_267] : memref<1x81920xi32, #tpu.memory_space<hbm>> -> memref<1x256xi32, #tpu.memory_space<hbm>>
          %dma_start3A_274 = tpu.memref_slice %run_scoped3A_7[%rem3A_265] : memref<2x!tpu.dma_semaphore, #tpu.memory_space<semaphore_mem>> -> memref<1x!tpu.dma_semaphore, #tpu.memory_space<semaphore_mem>>
          %dma_start3A_275 = tpu.memref_squeeze %dma_start3A_274 : memref<1x!tpu.dma_semaphore, #tpu.memory_space<semaphore_mem>> -> memref<!tpu.dma_semaphore, #tpu.memory_space<semaphore_mem>>
          %dma_start3A_276 = arith.constant 0 : i32
          %dma_start3A_277 = arith.constant 0 : i32
          %dma_start3A_278 = tpu.memref_slice %run_scoped3A[%rem3A_265, %dma_start3A_276, %dma_start3A_277] : memref<2x1x256xi32, #tpu.memory_space<vmem>> -> memref<1x1x256xi32, #tpu.memory_space<vmem>>
          %dma_start3A_279 = tpu.memref_squeeze %dma_start3A_278 : memref<1x1x256xi32, #tpu.memory_space<vmem>> -> memref<1x256xi32, #tpu.memory_space<vmem>>
          %dma_start3A_280 = arith.constant 0 : i32
          %dma_start3A_281 = tpu.memref_slice %arg3[%dma_start3A_280, %mul3A_267] : memref<1x81920xi32, #tpu.memory_space<hbm>> -> memref<1x256xi32, #tpu.memory_space<hbm>>
          tpu.enqueue_dma source(%dma_start3A_281 : memref<1x256xi32, #tpu.memory_space<hbm>>) target(%dma_start3A_279 : memref<1x256xi32, #tpu.memory_space<vmem>>) target_semaphore(%dma_start3A_275 : memref<!tpu.dma_semaphore, #tpu.memory_space<semaphore_mem>>)
          "tpu.trace_stop"() : () -> ()
        } else {
        }
        %and3A_163 = arith.constant true
        %and3A_164 = arith.andi %and3A, %and3A_163 : i1
        %add3A_165 = arith.constant 1 : i32
        %add3A_166 = arith.addi %scan3A_122, %add3A_165 : i32
        %select_n3A_167 = arith.select %and3A_164, %add3A_166, %scan3A_122 : i32
        %ne3A_168 = arith.cmpi ne, %add3A_131, %add3A_149 : i32
        %or3A_169 = arith.constant false
        %or3A_170 = arith.ori %or3A_169, %ne3A_168 : i1
        %or3A_171 = arith.constant false
        %or3A_172 = arith.ori %or3A_170, %or3A_171 : i1
        %ge3A_173 = arith.constant 9 : i32
        %ge3A_174 = arith.cmpi sge, %scan3A_121, %ge3A_173 : i32
        %not3A_175 = arith.constant true
        %not3A_176 = arith.xori %ge3A_174, %not3A_175 : i1
        %and3A_177 = arith.andi %or3A_172, %not3A_176 : i1
        %ne3A_178 = arith.cmpi ne, %add3A_131, %add3A_140 : i32
        %or3A_179 = arith.constant false
        %or3A_180 = arith.ori %or3A_179, %ne3A_178 : i1
        %or3A_181 = arith.ori %or3A_180, %eq3A_128 : i1
        %convert_element_type3A_182 = arith.extui %or3A_181 : i1 to i32
        %cond3A_183 = arith.constant 0 : i32
        %cond3A_184 = arith.cmpi ne, %convert_element_type3A_182, %cond3A_183 : i32
        scf.if %cond3A_184 {
          "tpu.trace_start"() <{level = 10 : i32, message = "ep_wait_in"}> : () -> ()
          %mul3A_264 = arith.constant 256 : i32
          %mul3A_265 = arith.muli %mul3A_264, %add3A_131 : i32
          %rem3A_266 = arith.constant 2 : i32
          %rem3A_267 = arith.remui %scan3A_123, %rem3A_266 : i32
          %dma_wait3A_268 = arith.constant 0 : i32
          %dma_wait3A_269 = arith.constant 0 : i32
          %dma_wait3A_270 = tpu.memref_slice %run_scoped3A[%rem3A_267, %dma_wait3A_268, %dma_wait3A_269] : memref<2x1x256xi32, #tpu.memory_space<vmem>> -> memref<1x1x256xi32, #tpu.memory_space<vmem>>
          %dma_wait3A_271 = tpu.memref_squeeze %dma_wait3A_270 : memref<1x1x256xi32, #tpu.memory_space<vmem>> -> memref<1x256xi32, #tpu.memory_space<vmem>>
          %dma_wait3A_272 = arith.constant 0 : i32
          %dma_wait3A_273 = tpu.memref_slice %arg3[%dma_wait3A_272, %mul3A_265] : memref<1x81920xi32, #tpu.memory_space<hbm>> -> memref<1x256xi32, #tpu.memory_space<hbm>>
          %dma_wait3A_274 = tpu.memref_slice %run_scoped3A_7[%rem3A_267] : memref<2x!tpu.dma_semaphore, #tpu.memory_space<semaphore_mem>> -> memref<1x!tpu.dma_semaphore, #tpu.memory_space<semaphore_mem>>
          %dma_wait3A_275 = tpu.memref_squeeze %dma_wait3A_274 : memref<1x!tpu.dma_semaphore, #tpu.memory_space<semaphore_mem>> -> memref<!tpu.dma_semaphore, #tpu.memory_space<semaphore_mem>>
          %dma_wait3A_276 = arith.constant 0 : i32
          %dma_wait3A_277 = arith.constant 0 : i32
          %dma_wait3A_278 = tpu.memref_slice %run_scoped3A[%rem3A_267, %dma_wait3A_276, %dma_wait3A_277] : memref<2x1x256xi32, #tpu.memory_space<vmem>> -> memref<1x1x256xi32, #tpu.memory_space<vmem>>
          %dma_wait3A_279 = tpu.memref_squeeze %dma_wait3A_278 : memref<1x1x256xi32, #tpu.memory_space<vmem>> -> memref<1x256xi32, #tpu.memory_space<vmem>>
          %dma_wait3A_280 = arith.constant 0 : i32
          %dma_wait3A_281 = tpu.memref_slice %arg3[%dma_wait3A_280, %mul3A_265] : memref<1x81920xi32, #tpu.memory_space<hbm>> -> memref<1x256xi32, #tpu.memory_space<hbm>>
          tpu.wait_dma2 semaphore(%dma_wait3A_275 : memref<!tpu.dma_semaphore, #tpu.memory_space<semaphore_mem>>) src(%dma_wait3A_281 : memref<1x256xi32, #tpu.memory_space<hbm>>) dst(%dma_wait3A_279 : memref<1x256xi32, #tpu.memory_space<vmem>>)
          "tpu.trace_stop"() : () -> ()
        } else {
        }
        %ne3A_185 = arith.cmpi ne, %add3A_131, %add3A_140 : i32
        %or3A_186 = arith.constant false
        %or3A_187 = arith.ori %or3A_186, %ne3A_185 : i1
        %or3A_188 = arith.constant false
        %or3A_189 = arith.ori %or3A_187, %or3A_188 : i1
        %or3A_190 = arith.ori %or3A_189, %eq3A_128 : i1
        %convert_element_type3A_191 = arith.extui %or3A_190 : i1 to i32
        %cond3A_192 = arith.constant 0 : i32
        %cond3A_193 = arith.cmpi ne, %convert_element_type3A_191, %cond3A_192 : i32
        scf.if %cond3A_193 {
        } else {
        }
        %rem3A_194 = arith.constant 2 : i32
        %rem3A_195 = arith.remui %scan3A_123, %rem3A_194 : i32
        %rem3A_196 = arith.constant 2 : i32
        %rem3A_197 = arith.remui %scan3A_124, %rem3A_196 : i32
        %run_scoped3A_198 = arith.constant 0 : i32
        "tpu.trace_start"() <{level = 10 : i32, message = "ep_run_kernel"}> : () -> ()
        "tpu.region"() ({
          %run_scoped3A_264 = tpu.sem_alloc : memref<!tpu.dma_semaphore, #tpu.memory_space<semaphore_mem>>
          %dma_start3A_265 = arith.constant 0 : i32
          %dma_start3A_266 = arith.constant 0 : i32
          %dma_start3A_267 = tpu.memref_slice %run_scoped3A_8[%rem3A_197, %dma_start3A_265, %dma_start3A_266] : memref<2x256x128xf32, #tpu.memory_space<vmem>> -> memref<1x256x128xf32, #tpu.memory_space<vmem>>
          %dma_start3A_268 = tpu.memref_squeeze %dma_start3A_267 : memref<1x256x128xf32, #tpu.memory_space<vmem>> -> memref<256x128xf32, #tpu.memory_space<vmem>>
          %dma_start3A_269 = arith.constant 0 : i32
          %dma_start3A_270 = arith.constant 0 : i32
          %dma_start3A_271 = tpu.memref_slice %run_scoped3A[%rem3A_195, %dma_start3A_269, %dma_start3A_270] : memref<2x1x256xi32, #tpu.memory_space<vmem>> -> memref<1x1x256xi32, #tpu.memory_space<vmem>>
          %dma_start3A_272 = tpu.memref_squeeze %dma_start3A_271 : memref<1x1x256xi32, #tpu.memory_space<vmem>> -> memref<1x256xi32, #tpu.memory_space<vmem>>
          %dma_start3A_273 = arith.constant 0 : i32
          %dma_start3A_274 = tpu.memref_slice %dma_start3A_272[%run_scoped3A_198, %dma_start3A_273] : memref<1x256xi32, #tpu.memory_space<vmem>> -> memref<1x256xi32, #tpu.memory_space<vmem>>
          %dma_start3A_275 = tpu.memref_squeeze %dma_start3A_274 : memref<1x256xi32, #tpu.memory_space<vmem>> -> memref<256xi32, #tpu.memory_space<vmem>>
          %dma_start3A_276 = arith.constant 0 : i32
          %dma_start3A_277 = arith.constant 0 : i32
          %dma_start3A_278 = tpu.memref_slice %arg2[%dma_start3A_276, %dma_start3A_277] : memref<8192x128xf32, #tpu.memory_space<hbm>> -> memref<8192x128xf32, #tpu.memory_space<hbm>>
          tpu.enqueue_indirect_dma source(%dma_start3A_278 : memref<8192x128xf32, #tpu.memory_space<hbm>>) target(%dma_start3A_268 : memref<256x128xf32, #tpu.memory_space<vmem>>) offsets(%dma_start3A_275 : memref<256xi32, #tpu.memory_space<vmem>>) semaphore(%run_scoped3A_264 : memref<!tpu.dma_semaphore, #tpu.memory_space<semaphore_mem>>)
          %dma_wait3A_279 = arith.constant 0 : i32
          %dma_wait3A_280 = arith.constant 0 : i32
          %dma_wait3A_281 = tpu.memref_slice %run_scoped3A_8[%rem3A_197, %dma_wait3A_279, %dma_wait3A_280] : memref<2x256x128xf32, #tpu.memory_space<vmem>> -> memref<1x256x128xf32, #tpu.memory_space<vmem>>
          %dma_wait3A_282 = tpu.memref_squeeze %dma_wait3A_281 : memref<1x256x128xf32, #tpu.memory_space<vmem>> -> memref<256x128xf32, #tpu.memory_space<vmem>>
          %dma_wait3A_283 = arith.constant 0 : i32
          %dma_wait3A_284 = arith.constant 0 : i32
          %dma_wait3A_285 = tpu.memref_slice %run_scoped3A[%rem3A_195, %dma_wait3A_283, %dma_wait3A_284] : memref<2x1x256xi32, #tpu.memory_space<vmem>> -> memref<1x1x256xi32, #tpu.memory_space<vmem>>
          %dma_wait3A_286 = tpu.memref_squeeze %dma_wait3A_285 : memref<1x1x256xi32, #tpu.memory_space<vmem>> -> memref<1x256xi32, #tpu.memory_space<vmem>>
          %dma_wait3A_287 = arith.constant 0 : i32
          %dma_wait3A_288 = tpu.memref_slice %dma_wait3A_286[%run_scoped3A_198, %dma_wait3A_287] : memref<1x256xi32, #tpu.memory_space<vmem>> -> memref<1x256xi32, #tpu.memory_space<vmem>>
          %dma_wait3A_289 = tpu.memref_squeeze %dma_wait3A_288 : memref<1x256xi32, #tpu.memory_space<vmem>> -> memref<256xi32, #tpu.memory_space<vmem>>
          %dma_wait3A_290 = arith.constant 0 : i32
          %dma_wait3A_291 = arith.constant 0 : i32
          %dma_wait3A_292 = tpu.memref_slice %arg2[%dma_wait3A_290, %dma_wait3A_291] : memref<8192x128xf32, #tpu.memory_space<hbm>> -> memref<8192x128xf32, #tpu.memory_space<hbm>>
          tpu.wait_indirect_dma semaphore(%run_scoped3A_264 : memref<!tpu.dma_semaphore, #tpu.memory_space<semaphore_mem>>) src(%dma_wait3A_292 : memref<8192x128xf32, #tpu.memory_space<hbm>>) dst(%dma_wait3A_282 : memref<256x128xf32, #tpu.memory_space<vmem>>)
          tpu.yield
        }) : () -> ()
        "tpu.trace_stop"() : () -> ()
        %ne3A_199 = arith.cmpi ne, %add3A_131, %add3A_149 : i32
        %or3A_200 = arith.constant false
        %or3A_201 = arith.ori %or3A_200, %ne3A_199 : i1
        %or3A_202 = arith.ori %or3A_201, %eq3A_130 : i1
        %convert_element_type3A_203 = arith.extui %or3A_202 : i1 to i32
        %cond3A_204 = arith.constant 0 : i32
        %cond3A_205 = arith.cmpi ne, %convert_element_type3A_203, %cond3A_204 : i32
        scf.if %cond3A_205 {
        } else {
        }
        %and3A_206 = arith.constant false
        %and3A_207 = arith.andi %or3A_202, %and3A_206 : i1
        %ne3A_208 = arith.cmpi ne, %add3A_131, %add3A_149 : i32
        %or3A_209 = arith.constant false
        %or3A_210 = arith.ori %or3A_209, %ne3A_208 : i1
        %or3A_211 = arith.constant false
        %or3A_212 = arith.ori %or3A_210, %or3A_211 : i1
        %or3A_213 = arith.ori %or3A_212, %eq3A_130 : i1
        %convert_element_type3A_214 = arith.extui %or3A_213 : i1 to i32
        %cond3A_215 = arith.constant 0 : i32
        %cond3A_216 = arith.cmpi ne, %convert_element_type3A_214, %cond3A_215 : i32
        scf.if %cond3A_216 {
          "tpu.trace_start"() <{level = 10 : i32, message = "ep_copy_out"}> : () -> ()
          %rem3A_264 = arith.constant 2 : i32
          %rem3A_265 = arith.remui %scan3A_124, %rem3A_264 : i32
          %mul3A_266 = arith.constant 256 : i32
          %mul3A_267 = arith.muli %mul3A_266, %add3A_131 : i32
          %dma_start3A_268 = arith.constant 0 : i32
          %dma_start3A_269 = arith.constant 0 : i32
          %dma_start3A_270 = tpu.memref_slice %run_scoped3A_8[%rem3A_265, %dma_start3A_268, %dma_start3A_269] : memref<2x256x128xf32, #tpu.memory_space<vmem>> -> memref<1x256x128xf32, #tpu.memory_space<vmem>>
          %dma_start3A_271 = tpu.memref_squeeze %dma_start3A_270 : memref<1x256x128xf32, #tpu.memory_space<vmem>> -> memref<256x128xf32, #tpu.memory_space<vmem>>
          %dma_start3A_272 = arith.constant 0 : i32
          %dma_start3A_273 = tpu.memref_slice %arg4[%mul3A_267, %dma_start3A_272] : memref<81920x128xf32, #tpu.memory_space<hbm>> -> memref<256x128xf32, #tpu.memory_space<hbm>>
          %dma_start3A_274 = tpu.memref_slice %run_scoped3A_9[%rem3A_265] : memref<2x!tpu.dma_semaphore, #tpu.memory_space<semaphore_mem>> -> memref<1x!tpu.dma_semaphore, #tpu.memory_space<semaphore_mem>>
          %dma_start3A_275 = tpu.memref_squeeze %dma_start3A_274 : memref<1x!tpu.dma_semaphore, #tpu.memory_space<semaphore_mem>> -> memref<!tpu.dma_semaphore, #tpu.memory_space<semaphore_mem>>
          %dma_start3A_276 = arith.constant 0 : i32
          %dma_start3A_277 = tpu.memref_slice %arg4[%mul3A_267, %dma_start3A_276] : memref<81920x128xf32, #tpu.memory_space<hbm>> -> memref<256x128xf32, #tpu.memory_space<hbm>>
          %dma_start3A_278 = arith.constant 0 : i32
          %dma_start3A_279 = arith.constant 0 : i32
          %dma_start3A_280 = tpu.memref_slice %run_scoped3A_8[%rem3A_265, %dma_start3A_278, %dma_start3A_279] : memref<2x256x128xf32, #tpu.memory_space<vmem>> -> memref<1x256x128xf32, #tpu.memory_space<vmem>>
          %dma_start3A_281 = tpu.memref_squeeze %dma_start3A_280 : memref<1x256x128xf32, #tpu.memory_space<vmem>> -> memref<256x128xf32, #tpu.memory_space<vmem>>
          tpu.enqueue_dma source(%dma_start3A_281 : memref<256x128xf32, #tpu.memory_space<vmem>>) target(%dma_start3A_277 : memref<256x128xf32, #tpu.memory_space<hbm>>) target_semaphore(%dma_start3A_275 : memref<!tpu.dma_semaphore, #tpu.memory_space<semaphore_mem>>)
          "tpu.trace_stop"() : () -> ()
        } else {
        }
        %and3A_217 = arith.constant true
        %and3A_218 = arith.andi %or3A_213, %and3A_217 : i1
        %add3A_219 = arith.constant 1 : i32
        %add3A_220 = arith.addi %scan3A_124, %add3A_219 : i32
        %select_n3A_221 = arith.select %and3A_218, %add3A_220, %scan3A_124 : i32
        %ne3A_222 = arith.cmpi ne, %add3A_131, %add3A_140 : i32
        %or3A_223 = arith.constant false
        %or3A_224 = arith.ori %or3A_223, %ne3A_222 : i1
        %not3A_225 = arith.constant true
        %not3A_226 = arith.xori %eq3A_128, %not3A_225 : i1
        %and3A_227 = arith.andi %or3A_224, %not3A_226 : i1
        %convert_element_type3A_228 = arith.extui %and3A_227 : i1 to i32
        %cond3A_229 = arith.constant 0 : i32
        %cond3A_230 = arith.cmpi ne, %convert_element_type3A_228, %cond3A_229 : i32
        scf.if %cond3A_230 {
        } else {
        }
        %and3A_231 = arith.constant false
        %and3A_232 = arith.andi %and3A_227, %and3A_231 : i1
        %ne3A_233 = arith.cmpi ne, %add3A_131, %add3A_140 : i32
        %or3A_234 = arith.constant false
        %or3A_235 = arith.ori %or3A_234, %ne3A_233 : i1
        %or3A_236 = arith.constant false
        %or3A_237 = arith.ori %or3A_235, %or3A_236 : i1
        %not3A_238 = arith.constant true
        %not3A_239 = arith.xori %eq3A_128, %not3A_238 : i1
        %and3A_240 = arith.andi %or3A_237, %not3A_239 : i1
        %convert_element_type3A_241 = arith.extui %and3A_240 : i1 to i32
        %cond3A_242 = arith.constant 0 : i32
        %cond3A_243 = arith.cmpi ne, %convert_element_type3A_241, %cond3A_242 : i32
        scf.if %cond3A_243 {
          "tpu.trace_start"() <{level = 10 : i32, message = "ep_wait_out"}> : () -> ()
          %rem3A_264 = arith.constant 2 : i32
          %rem3A_265 = arith.remui %scan3A_125, %rem3A_264 : i32
          %mul3A_266 = arith.constant 256 : i32
          %mul3A_267 = arith.muli %mul3A_266, %add3A_140 : i32
          %dma_wait3A_268 = arith.constant 0 : i32
          %dma_wait3A_269 = arith.constant 0 : i32
          %dma_wait3A_270 = tpu.memref_slice %run_scoped3A_8[%rem3A_265, %dma_wait3A_268, %dma_wait3A_269] : memref<2x256x128xf32, #tpu.memory_space<vmem>> -> memref<1x256x128xf32, #tpu.memory_space<vmem>>
          %dma_wait3A_271 = tpu.memref_squeeze %dma_wait3A_270 : memref<1x256x128xf32, #tpu.memory_space<vmem>> -> memref<256x128xf32, #tpu.memory_space<vmem>>
          %dma_wait3A_272 = arith.constant 0 : i32
          %dma_wait3A_273 = tpu.memref_slice %arg4[%mul3A_267, %dma_wait3A_272] : memref<81920x128xf32, #tpu.memory_space<hbm>> -> memref<256x128xf32, #tpu.memory_space<hbm>>
          %dma_wait3A_274 = tpu.memref_slice %run_scoped3A_9[%rem3A_265] : memref<2x!tpu.dma_semaphore, #tpu.memory_space<semaphore_mem>> -> memref<1x!tpu.dma_semaphore, #tpu.memory_space<semaphore_mem>>
          %dma_wait3A_275 = tpu.memref_squeeze %dma_wait3A_274 : memref<1x!tpu.dma_semaphore, #tpu.memory_space<semaphore_mem>> -> memref<!tpu.dma_semaphore, #tpu.memory_space<semaphore_mem>>
          %dma_wait3A_276 = arith.constant 0 : i32
          %dma_wait3A_277 = tpu.memref_slice %arg4[%mul3A_267, %dma_wait3A_276] : memref<81920x128xf32, #tpu.memory_space<hbm>> -> memref<256x128xf32, #tpu.memory_space<hbm>>
          %dma_wait3A_278 = arith.constant 0 : i32
          %dma_wait3A_279 = arith.constant 0 : i32
          %dma_wait3A_280 = tpu.memref_slice %run_scoped3A_8[%rem3A_265, %dma_wait3A_278, %dma_wait3A_279] : memref<2x256x128xf32, #tpu.memory_space<vmem>> -> memref<1x256x128xf32, #tpu.memory_space<vmem>>
          %dma_wait3A_281 = tpu.memref_squeeze %dma_wait3A_280 : memref<1x256x128xf32, #tpu.memory_space<vmem>> -> memref<256x128xf32, #tpu.memory_space<vmem>>
          tpu.wait_dma2 semaphore(%dma_wait3A_275 : memref<!tpu.dma_semaphore, #tpu.memory_space<semaphore_mem>>) src(%dma_wait3A_281 : memref<256x128xf32, #tpu.memory_space<vmem>>) dst(%dma_wait3A_277 : memref<256x128xf32, #tpu.memory_space<hbm>>)
          "tpu.trace_stop"() : () -> ()
        } else {
        }
        %and3A_244 = arith.constant true
        %and3A_245 = arith.andi %and3A_240, %and3A_244 : i1
        %add3A_246 = arith.constant 1 : i32
        %add3A_247 = arith.addi %scan3A_125, %add3A_246 : i32
        %select_n3A_248 = arith.select %and3A_245, %add3A_247, %scan3A_125 : i32
        %ne3A_249 = arith.cmpi ne, %add3A_131, %add3A_149 : i32
        %or3A_250 = arith.constant false
        %or3A_251 = arith.ori %or3A_250, %ne3A_249 : i1
        %or3A_252 = arith.ori %or3A_251, %eq3A_130 : i1
        %add3A_253 = arith.constant 1 : i32
        %add3A_254 = arith.addi %scan3A_123, %add3A_253 : i32
        %select_n3A_255 = arith.select %or3A_252, %add3A_254, %scan3A_123 : i32
        %add3A_256 = arith.constant 1 : i32
        %add3A_257 = arith.addi %scan3A_126, %add3A_256 : i32
        %select_n3A_258 = arith.constant true
        %select_n3A_259 = arith.select %select_n3A_258, %add3A_257, %scan3A_126 : i32
        %eq3A_260 = arith.constant 10 : i32
        %eq3A_261 = arith.cmpi eq, %select_n3A_259, %eq3A_260 : i32
        %select_n3A_262 = arith.constant 0 : i32
        %select_n3A_263 = arith.select %eq3A_261, %select_n3A_262, %select_n3A_259 : i32
        scf.yield %select_n3A_167, %select_n3A_255, %select_n3A_221, %select_n3A_248, %select_n3A_263 : i32, i32, i32, i32, i32
      }
      %scan3A_68 = arith.constant 10 : i32
      %sub3A = arith.constant 1 : i32
      %sub3A_69 = arith.subi %scan3A_67#4, %sub3A : i32
      %select_n3A_70 = arith.constant true
      %select_n3A_71 = arith.select %select_n3A_70, %sub3A_69, %scan3A_67#4 : i32
      %eq3A_72 = arith.constant -1 : i32
      %eq3A_73 = arith.cmpi eq, %select_n3A_71, %eq3A_72 : i32
      %select_n3A_74 = arith.constant 9 : i32
      %select_n3A_75 = arith.select %eq3A_73, %select_n3A_74, %select_n3A_71 : i32
      %add3A_76 = arith.addi %select_n3A_75, %mul3A_6 : i32
      %sub3A_77 = arith.constant 1 : i32
      %sub3A_78 = arith.subi %select_n3A_75, %sub3A_77 : i32
      %select_n3A_79 = arith.constant true
      %select_n3A_80 = arith.select %select_n3A_79, %sub3A_78, %select_n3A_75 : i32
      %eq3A_81 = arith.constant -1 : i32
      %eq3A_82 = arith.cmpi eq, %select_n3A_80, %eq3A_81 : i32
      %select_n3A_83 = arith.constant 9 : i32
      %select_n3A_84 = arith.select %eq3A_82, %select_n3A_83, %select_n3A_80 : i32
      %add3A_85 = arith.addi %select_n3A_84, %mul3A_6 : i32
      %add3A_86 = arith.constant 1 : i32
      %add3A_87 = arith.addi %select_n3A_75, %add3A_86 : i32
      %select_n3A_88 = arith.constant true
      %select_n3A_89 = arith.select %select_n3A_88, %add3A_87, %select_n3A_75 : i32
      %eq3A_90 = arith.constant 10 : i32
      %eq3A_91 = arith.cmpi eq, %select_n3A_89, %eq3A_90 : i32
      %select_n3A_92 = arith.constant 0 : i32
      %select_n3A_93 = arith.select %eq3A_91, %select_n3A_92, %select_n3A_89 : i32
      %add3A_94 = arith.addi %select_n3A_93, %mul3A_6 : i32
      %add3A_95 = arith.constant 1 : i32
      %add3A_96 = arith.addi %select_n3A_93, %add3A_95 : i32
      %select_n3A_97 = arith.constant true
      %select_n3A_98 = arith.select %select_n3A_97, %add3A_96, %select_n3A_93 : i32
      %eq3A_99 = arith.constant 10 : i32
      %eq3A_100 = arith.cmpi eq, %select_n3A_98, %eq3A_99 : i32
      %select_n3A_101 = arith.constant 0 : i32
      %select_n3A_102 = arith.select %eq3A_100, %select_n3A_101, %select_n3A_98 : i32
      %add3A_103 = arith.addi %select_n3A_102, %mul3A_6 : i32
      "tpu.trace_start"() <{level = 10 : i32, message = "ep_finalize"}> : () -> ()
      %rem3A_104 = arith.constant 2 : i32
      %rem3A_105 = arith.remui %scan3A_67#3, %rem3A_104 : i32
      %mul3A_106 = arith.constant 256 : i32
      %mul3A_107 = arith.muli %mul3A_106, %add3A_76 : i32
      %dma_wait3A = arith.constant 0 : i32
      %dma_wait3A_108 = arith.constant 0 : i32
      %dma_wait3A_109 = tpu.memref_slice %run_scoped3A_8[%rem3A_105, %dma_wait3A, %dma_wait3A_108] : memref<2x256x128xf32, #tpu.memory_space<vmem>> -> memref<1x256x128xf32, #tpu.memory_space<vmem>>
      %dma_wait3A_110 = tpu.memref_squeeze %dma_wait3A_109 : memref<1x256x128xf32, #tpu.memory_space<vmem>> -> memref<256x128xf32, #tpu.memory_space<vmem>>
      %dma_wait3A_111 = arith.constant 0 : i32
      %dma_wait3A_112 = tpu.memref_slice %arg4[%mul3A_107, %dma_wait3A_111] : memref<81920x128xf32, #tpu.memory_space<hbm>> -> memref<256x128xf32, #tpu.memory_space<hbm>>
      %dma_wait3A_113 = tpu.memref_slice %run_scoped3A_9[%rem3A_105] : memref<2x!tpu.dma_semaphore, #tpu.memory_space<semaphore_mem>> -> memref<1x!tpu.dma_semaphore, #tpu.memory_space<semaphore_mem>>
      %dma_wait3A_114 = tpu.memref_squeeze %dma_wait3A_113 : memref<1x!tpu.dma_semaphore, #tpu.memory_space<semaphore_mem>> -> memref<!tpu.dma_semaphore, #tpu.memory_space<semaphore_mem>>
      %dma_wait3A_115 = arith.constant 0 : i32
      %dma_wait3A_116 = tpu.memref_slice %arg4[%mul3A_107, %dma_wait3A_115] : memref<81920x128xf32, #tpu.memory_space<hbm>> -> memref<256x128xf32, #tpu.memory_space<hbm>>
      %dma_wait3A_117 = arith.constant 0 : i32
      %dma_wait3A_118 = arith.constant 0 : i32
      %dma_wait3A_119 = tpu.memref_slice %run_scoped3A_8[%rem3A_105, %dma_wait3A_117, %dma_wait3A_118] : memref<2x256x128xf32, #tpu.memory_space<vmem>> -> memref<1x256x128xf32, #tpu.memory_space<vmem>>
      %dma_wait3A_120 = tpu.memref_squeeze %dma_wait3A_119 : memref<1x256x128xf32, #tpu.memory_space<vmem>> -> memref<256x128xf32, #tpu.memory_space<vmem>>
      tpu.wait_dma2 semaphore(%dma_wait3A_114 : memref<!tpu.dma_semaphore, #tpu.memory_space<semaphore_mem>>) src(%dma_wait3A_120 : memref<256x128xf32, #tpu.memory_space<vmem>>) dst(%dma_wait3A_116 : memref<256x128xf32, #tpu.memory_space<hbm>>)
      "tpu.trace_stop"() : () -> ()
      tpu.yield
    }) : () -> ()
    return
  }
}

module attributes {stable_mosaic.version = 14 : i64} {
  func.func @_topk_kernel(%arg0: i32, %arg1: i32, %arg2: memref<256x128xf32, #tpu.memory_space<vmem>>, %arg3: memref<2048x128xf32, #tpu.memory_space<vmem>>, %arg4: memref<1x1x2048xf32, #tpu.memory_space<vmem>>, %arg5: memref<256x20xi32, #tpu.memory_space<vmem>>) attributes {dimension_semantics = [#tpu.dimension_semantics<arbitrary>, #tpu.dimension_semantics<arbitrary>], iteration_bounds = array<i64: 2, 8>, scalar_prefetch = 0 : i64, scratch_operands = 0 : i64, tpu.core_type = #tpu.core_type<tc>, window_params = [{transform_indices = @transform_0, window_bounds = array<i64: 256, 128>}, {transform_indices = @transform_1, window_bounds = array<i64: 2048, 128>}, {transform_indices = @transform_2, window_bounds = array<i64: 1, 1, 2048>}, {transform_indices = @transform_3, window_bounds = array<i64: 256, 20>}]} {
    %add3A = arith.constant 0 : i32
    %add3A_0 = arith.addi %arg0, %add3A : i32
    %get3A = arith.constant 0 : index
    %get3A_1 = arith.constant 0 : index
    %get3A_2 = vector.load %arg2[%get3A, %get3A_1] : memref<256x128xf32, #tpu.memory_space<vmem>>, vector<256x128xf32>
    %get3A_3 = arith.constant 0 : index
    %get3A_4 = arith.constant 0 : index
    %get3A_5 = vector.load %arg3[%get3A_3, %get3A_4] : memref<2048x128xf32, #tpu.memory_space<vmem>>, vector<2048x128xf32>
    %convert_element_type3A = arith.truncf %get3A_2 : vector<256x128xf32> to vector<256x128xbf16>
    %convert_element_type3A_6 = arith.truncf %get3A_5 : vector<2048x128xf32> to vector<2048x128xbf16>
    %dot_general3A = arith.constant dense<0.000000e+00> : vector<256x2048xf32>
    %dot_general3A_7 = tpu.matmul %convert_element_type3A, %convert_element_type3A_6, %dot_general3A {dimension_numbers = #tpu.dot_dimension_numbers<[1], [1], [0], [0], [0, 0, 1, 0], [], []>, transpose_lhs_hint = false} : vector<256x128xbf16>, vector<2048x128xbf16>, vector<256x2048xf32> -> vector<256x2048xf32>
    %mul3A = arith.constant -2.000000e+00 : f32
    %mul3A_8 = vector.broadcast %mul3A : f32 to vector<256x2048xf32>
    %mul3A_9 = arith.mulf %mul3A_8, %dot_general3A_7 : vector<256x2048xf32>
    %get3A_10 = arith.constant 0 : index
    %get3A_11 = arith.constant 0 : index
    %get3A_12 = arith.constant 0 : index
    %get3A_13 = vector.load %arg4[%get3A_10, %get3A_11, %get3A_12] : memref<1x1x2048xf32, #tpu.memory_space<vmem>>, vector<1x1x2048xf32>
    %get3A_14 = vector.shape_cast %get3A_13 : vector<1x1x2048xf32> to vector<1x2048xf32>
    %mul3A_15 = arith.mulf %get3A_2, %get3A_2 : vector<256x128xf32>
    %reduce_sum3A = arith.constant dense<0.000000e+00> : vector<256xf32>
    %reduce_sum3A_16 = vector.multi_reduction <add>, %mul3A_15, %reduce_sum3A [1] : vector<256x128xf32> to vector<256xf32>
    %broadcast_in_dim3A = vector.shape_cast %reduce_sum3A_16 : vector<256xf32> to vector<256x1xf32>
    %neg3A = arith.constant 0.000000e+00 : f32
    %neg3A_17 = vector.broadcast %neg3A : f32 to vector<1x2048xf32>
    %neg3A_18 = arith.subf %neg3A_17, %get3A_14 : vector<1x2048xf32>
    %sub3A = vector.broadcast %neg3A_18 : vector<1x2048xf32> to vector<256x2048xf32>
    %sub3A_19 = arith.subf %sub3A, %mul3A_9 : vector<256x2048xf32>
    %sub3A_20 = vector.broadcast %broadcast_in_dim3A : vector<256x1xf32> to vector<256x2048xf32>
    %sub3A_21 = arith.subf %sub3A_19, %sub3A_20 : vector<256x2048xf32>
    %mul3A_22 = arith.constant 2048 : i32
    %mul3A_23 = arith.muli %add3A_0, %mul3A_22 : i32
    %broadcast_in_dim3A_24 = arith.constant 0xFF800000 : f32
    %broadcast_in_dim3A_25 = vector.broadcast %broadcast_in_dim3A_24 : f32 to vector<256x128xf32>
    %broadcast_in_dim3A_26 = arith.constant 0 : i32
    %broadcast_in_dim3A_27 = vector.broadcast %broadcast_in_dim3A_26 : i32 to vector<256x128xi32>
    %slice3A = vector.extract_strided_slice %sub3A_21 {offsets = [0, 0], sizes = [256, 128], strides = [1, 1]} : vector<256x2048xf32> to vector<256x128xf32>
    %broadcast_in_dim3A_28 = arith.constant 0 : i32
    %broadcast_in_dim3A_29 = vector.broadcast %broadcast_in_dim3A_28 : i32 to vector<256x128xi32>
    %gt3A = arith.cmpf ogt, %slice3A, %broadcast_in_dim3A_25 : vector<256x128xf32>
    %gt3A_30 = arith.cmpf ogt, %slice3A, %broadcast_in_dim3A_25 : vector<256x128xf32>
    %gt3A_31 = arith.cmpf ogt, %slice3A, %broadcast_in_dim3A_25 : vector<256x128xf32>
    %gt3A_32 = arith.cmpf ogt, %slice3A, %broadcast_in_dim3A_25 : vector<256x128xf32>
    %select_n3A = arith.select %gt3A_32, %slice3A, %broadcast_in_dim3A_25 : vector<256x128xi1>, vector<256x128xf32>
    %select_n3A_33 = arith.select %gt3A_31, %broadcast_in_dim3A_25, %select_n3A : vector<256x128xi1>, vector<256x128xf32>
    %select_n3A_34 = arith.select %gt3A_32, %broadcast_in_dim3A_29, %broadcast_in_dim3A_27 : vector<256x128xi1>, vector<256x128xi32>
    %select_n3A_35 = arith.select %gt3A_31, %broadcast_in_dim3A_27, %select_n3A_34 : vector<256x128xi1>, vector<256x128xi32>
    %select_n3A_36 = arith.select %gt3A_31, %slice3A, %broadcast_in_dim3A_25 : vector<256x128xi1>, vector<256x128xf32>
    %select_n3A_37 = arith.select %gt3A_30, %broadcast_in_dim3A_25, %select_n3A_36 : vector<256x128xi1>, vector<256x128xf32>
    %select_n3A_38 = arith.select %gt3A_31, %broadcast_in_dim3A_29, %broadcast_in_dim3A_27 : vector<256x128xi1>, vector<256x128xi32>
    %select_n3A_39 = arith.select %gt3A_30, %broadcast_in_dim3A_27, %select_n3A_38 : vector<256x128xi1>, vector<256x128xi32>
    %select_n3A_40 = arith.select %gt3A_30, %slice3A, %broadcast_in_dim3A_25 : vector<256x128xi1>, vector<256x128xf32>
    %select_n3A_41 = arith.select %gt3A, %broadcast_in_dim3A_25, %select_n3A_40 : vector<256x128xi1>, vector<256x128xf32>
    %select_n3A_42 = arith.select %gt3A_30, %broadcast_in_dim3A_29, %broadcast_in_dim3A_27 : vector<256x128xi1>, vector<256x128xi32>
    %select_n3A_43 = arith.select %gt3A, %broadcast_in_dim3A_27, %select_n3A_42 : vector<256x128xi1>, vector<256x128xi32>
    %select_n3A_44 = arith.select %gt3A, %slice3A, %broadcast_in_dim3A_25 : vector<256x128xi1>, vector<256x128xf32>
    %select_n3A_45 = arith.select %gt3A, %broadcast_in_dim3A_29, %broadcast_in_dim3A_27 : vector<256x128xi1>, vector<256x128xi32>
    %slice3A_46 = vector.extract_strided_slice %sub3A_21 {offsets = [0, 128], sizes = [256, 128], strides = [1, 1]} : vector<256x2048xf32> to vector<256x128xf32>
    %broadcast_in_dim3A_47 = arith.constant 1 : i32
    %broadcast_in_dim3A_48 = vector.broadcast %broadcast_in_dim3A_47 : i32 to vector<256x128xi32>
    %gt3A_49 = arith.cmpf ogt, %slice3A_46, %select_n3A_44 : vector<256x128xf32>
    %gt3A_50 = arith.cmpf ogt, %slice3A_46, %select_n3A_41 : vector<256x128xf32>
    %gt3A_51 = arith.cmpf ogt, %slice3A_46, %select_n3A_37 : vector<256x128xf32>
    %gt3A_52 = arith.cmpf ogt, %slice3A_46, %select_n3A_33 : vector<256x128xf32>
    %select_n3A_53 = arith.select %gt3A_52, %slice3A_46, %select_n3A_33 : vector<256x128xi1>, vector<256x128xf32>
    %select_n3A_54 = arith.select %gt3A_51, %select_n3A_37, %select_n3A_53 : vector<256x128xi1>, vector<256x128xf32>
    %select_n3A_55 = arith.select %gt3A_52, %broadcast_in_dim3A_48, %select_n3A_35 : vector<256x128xi1>, vector<256x128xi32>
    %select_n3A_56 = arith.select %gt3A_51, %select_n3A_39, %select_n3A_55 : vector<256x128xi1>, vector<256x128xi32>
    %select_n3A_57 = arith.select %gt3A_51, %slice3A_46, %select_n3A_37 : vector<256x128xi1>, vector<256x128xf32>
    %select_n3A_58 = arith.select %gt3A_50, %select_n3A_41, %select_n3A_57 : vector<256x128xi1>, vector<256x128xf32>
    %select_n3A_59 = arith.select %gt3A_51, %broadcast_in_dim3A_48, %select_n3A_39 : vector<256x128xi1>, vector<256x128xi32>
    %select_n3A_60 = arith.select %gt3A_50, %select_n3A_43, %select_n3A_59 : vector<256x128xi1>, vector<256x128xi32>
    %select_n3A_61 = arith.select %gt3A_50, %slice3A_46, %select_n3A_41 : vector<256x128xi1>, vector<256x128xf32>
    %select_n3A_62 = arith.select %gt3A_49, %select_n3A_44, %select_n3A_61 : vector<256x128xi1>, vector<256x128xf32>
    %select_n3A_63 = arith.select %gt3A_50, %broadcast_in_dim3A_48, %select_n3A_43 : vector<256x128xi1>, vector<256x128xi32>
    %select_n3A_64 = arith.select %gt3A_49, %select_n3A_45, %select_n3A_63 : vector<256x128xi1>, vector<256x128xi32>
    %select_n3A_65 = arith.select %gt3A_49, %slice3A_46, %select_n3A_44 : vector<256x128xi1>, vector<256x128xf32>
    %select_n3A_66 = arith.select %gt3A_49, %broadcast_in_dim3A_48, %select_n3A_45 : vector<256x128xi1>, vector<256x128xi32>
    %slice3A_67 = vector.extract_strided_slice %sub3A_21 {offsets = [0, 256], sizes = [256, 128], strides = [1, 1]} : vector<256x2048xf32> to vector<256x128xf32>
    %broadcast_in_dim3A_68 = arith.constant 2 : i32
    %broadcast_in_dim3A_69 = vector.broadcast %broadcast_in_dim3A_68 : i32 to vector<256x128xi32>
    %gt3A_70 = arith.cmpf ogt, %slice3A_67, %select_n3A_65 : vector<256x128xf32>
    %gt3A_71 = arith.cmpf ogt, %slice3A_67, %select_n3A_62 : vector<256x128xf32>
    %gt3A_72 = arith.cmpf ogt, %slice3A_67, %select_n3A_58 : vector<256x128xf32>
    %gt3A_73 = arith.cmpf ogt, %slice3A_67, %select_n3A_54 : vector<256x128xf32>
    %select_n3A_74 = arith.select %gt3A_73, %slice3A_67, %select_n3A_54 : vector<256x128xi1>, vector<256x128xf32>
    %select_n3A_75 = arith.select %gt3A_72, %select_n3A_58, %select_n3A_74 : vector<256x128xi1>, vector<256x128xf32>
    %select_n3A_76 = arith.select %gt3A_73, %broadcast_in_dim3A_69, %select_n3A_56 : vector<256x128xi1>, vector<256x128xi32>
    %select_n3A_77 = arith.select %gt3A_72, %select_n3A_60, %select_n3A_76 : vector<256x128xi1>, vector<256x128xi32>
    %select_n3A_78 = arith.select %gt3A_72, %slice3A_67, %select_n3A_58 : vector<256x128xi1>, vector<256x128xf32>
    %select_n3A_79 = arith.select %gt3A_71, %select_n3A_62, %select_n3A_78 : vector<256x128xi1>, vector<256x128xf32>
    %select_n3A_80 = arith.select %gt3A_72, %broadcast_in_dim3A_69, %select_n3A_60 : vector<256x128xi1>, vector<256x128xi32>
    %select_n3A_81 = arith.select %gt3A_71, %select_n3A_64, %select_n3A_80 : vector<256x128xi1>, vector<256x128xi32>
    %select_n3A_82 = arith.select %gt3A_71, %slice3A_67, %select_n3A_62 : vector<256x128xi1>, vector<256x128xf32>
    %select_n3A_83 = arith.select %gt3A_70, %select_n3A_65, %select_n3A_82 : vector<256x128xi1>, vector<256x128xf32>
    %select_n3A_84 = arith.select %gt3A_71, %broadcast_in_dim3A_69, %select_n3A_64 : vector<256x128xi1>, vector<256x128xi32>
    %select_n3A_85 = arith.select %gt3A_70, %select_n3A_66, %select_n3A_84 : vector<256x128xi1>, vector<256x128xi32>
    %select_n3A_86 = arith.select %gt3A_70, %slice3A_67, %select_n3A_65 : vector<256x128xi1>, vector<256x128xf32>
    %select_n3A_87 = arith.select %gt3A_70, %broadcast_in_dim3A_69, %select_n3A_66 : vector<256x128xi1>, vector<256x128xi32>
    %slice3A_88 = vector.extract_strided_slice %sub3A_21 {offsets = [0, 384], sizes = [256, 128], strides = [1, 1]} : vector<256x2048xf32> to vector<256x128xf32>
    %broadcast_in_dim3A_89 = arith.constant 3 : i32
    %broadcast_in_dim3A_90 = vector.broadcast %broadcast_in_dim3A_89 : i32 to vector<256x128xi32>
    %gt3A_91 = arith.cmpf ogt, %slice3A_88, %select_n3A_86 : vector<256x128xf32>
    %gt3A_92 = arith.cmpf ogt, %slice3A_88, %select_n3A_83 : vector<256x128xf32>
    %gt3A_93 = arith.cmpf ogt, %slice3A_88, %select_n3A_79 : vector<256x128xf32>
    %gt3A_94 = arith.cmpf ogt, %slice3A_88, %select_n3A_75 : vector<256x128xf32>
    %select_n3A_95 = arith.select %gt3A_94, %slice3A_88, %select_n3A_75 : vector<256x128xi1>, vector<256x128xf32>
    %select_n3A_96 = arith.select %gt3A_93, %select_n3A_79, %select_n3A_95 : vector<256x128xi1>, vector<256x128xf32>
    %select_n3A_97 = arith.select %gt3A_94, %broadcast_in_dim3A_90, %select_n3A_77 : vector<256x128xi1>, vector<256x128xi32>
    %select_n3A_98 = arith.select %gt3A_93, %select_n3A_81, %select_n3A_97 : vector<256x128xi1>, vector<256x128xi32>
    %select_n3A_99 = arith.select %gt3A_93, %slice3A_88, %select_n3A_79 : vector<256x128xi1>, vector<256x128xf32>
    %select_n3A_100 = arith.select %gt3A_92, %select_n3A_83, %select_n3A_99 : vector<256x128xi1>, vector<256x128xf32>
    %select_n3A_101 = arith.select %gt3A_93, %broadcast_in_dim3A_90, %select_n3A_81 : vector<256x128xi1>, vector<256x128xi32>
    %select_n3A_102 = arith.select %gt3A_92, %select_n3A_85, %select_n3A_101 : vector<256x128xi1>, vector<256x128xi32>
    %select_n3A_103 = arith.select %gt3A_92, %slice3A_88, %select_n3A_83 : vector<256x128xi1>, vector<256x128xf32>
    %select_n3A_104 = arith.select %gt3A_91, %select_n3A_86, %select_n3A_103 : vector<256x128xi1>, vector<256x128xf32>
    %select_n3A_105 = arith.select %gt3A_92, %broadcast_in_dim3A_90, %select_n3A_85 : vector<256x128xi1>, vector<256x128xi32>
    %select_n3A_106 = arith.select %gt3A_91, %select_n3A_87, %select_n3A_105 : vector<256x128xi1>, vector<256x128xi32>
    %select_n3A_107 = arith.select %gt3A_91, %slice3A_88, %select_n3A_86 : vector<256x128xi1>, vector<256x128xf32>
    %select_n3A_108 = arith.select %gt3A_91, %broadcast_in_dim3A_90, %select_n3A_87 : vector<256x128xi1>, vector<256x128xi32>
    %slice3A_109 = vector.extract_strided_slice %sub3A_21 {offsets = [0, 512], sizes = [256, 128], strides = [1, 1]} : vector<256x2048xf32> to vector<256x128xf32>
    %broadcast_in_dim3A_110 = arith.constant 4 : i32
    %broadcast_in_dim3A_111 = vector.broadcast %broadcast_in_dim3A_110 : i32 to vector<256x128xi32>
    %gt3A_112 = arith.cmpf ogt, %slice3A_109, %select_n3A_107 : vector<256x128xf32>
    %gt3A_113 = arith.cmpf ogt, %slice3A_109, %select_n3A_104 : vector<256x128xf32>
    %gt3A_114 = arith.cmpf ogt, %slice3A_109, %select_n3A_100 : vector<256x128xf32>
    %gt3A_115 = arith.cmpf ogt, %slice3A_109, %select_n3A_96 : vector<256x128xf32>
    %select_n3A_116 = arith.select %gt3A_115, %slice3A_109, %select_n3A_96 : vector<256x128xi1>, vector<256x128xf32>
    %select_n3A_117 = arith.select %gt3A_114, %select_n3A_100, %select_n3A_116 : vector<256x128xi1>, vector<256x128xf32>
    %select_n3A_118 = arith.select %gt3A_115, %broadcast_in_dim3A_111, %select_n3A_98 : vector<256x128xi1>, vector<256x128xi32>
    %select_n3A_119 = arith.select %gt3A_114, %select_n3A_102, %select_n3A_118 : vector<256x128xi1>, vector<256x128xi32>
    %select_n3A_120 = arith.select %gt3A_114, %slice3A_109, %select_n3A_100 : vector<256x128xi1>, vector<256x128xf32>
    %select_n3A_121 = arith.select %gt3A_113, %select_n3A_104, %select_n3A_120 : vector<256x128xi1>, vector<256x128xf32>
    %select_n3A_122 = arith.select %gt3A_114, %broadcast_in_dim3A_111, %select_n3A_102 : vector<256x128xi1>, vector<256x128xi32>
    %select_n3A_123 = arith.select %gt3A_113, %select_n3A_106, %select_n3A_122 : vector<256x128xi1>, vector<256x128xi32>
    %select_n3A_124 = arith.select %gt3A_113, %slice3A_109, %select_n3A_104 : vector<256x128xi1>, vector<256x128xf32>
    %select_n3A_125 = arith.select %gt3A_112, %select_n3A_107, %select_n3A_124 : vector<256x128xi1>, vector<256x128xf32>
    %select_n3A_126 = arith.select %gt3A_113, %broadcast_in_dim3A_111, %select_n3A_106 : vector<256x128xi1>, vector<256x128xi32>
    %select_n3A_127 = arith.select %gt3A_112, %select_n3A_108, %select_n3A_126 : vector<256x128xi1>, vector<256x128xi32>
    %select_n3A_128 = arith.select %gt3A_112, %slice3A_109, %select_n3A_107 : vector<256x128xi1>, vector<256x128xf32>
    %select_n3A_129 = arith.select %gt3A_112, %broadcast_in_dim3A_111, %select_n3A_108 : vector<256x128xi1>, vector<256x128xi32>
    %slice3A_130 = vector.extract_strided_slice %sub3A_21 {offsets = [0, 640], sizes = [256, 128], strides = [1, 1]} : vector<256x2048xf32> to vector<256x128xf32>
    %broadcast_in_dim3A_131 = arith.constant 5 : i32
    %broadcast_in_dim3A_132 = vector.broadcast %broadcast_in_dim3A_131 : i32 to vector<256x128xi32>
    %gt3A_133 = arith.cmpf ogt, %slice3A_130, %select_n3A_128 : vector<256x128xf32>
    %gt3A_134 = arith.cmpf ogt, %slice3A_130, %select_n3A_125 : vector<256x128xf32>
    %gt3A_135 = arith.cmpf ogt, %slice3A_130, %select_n3A_121 : vector<256x128xf32>
    %gt3A_136 = arith.cmpf ogt, %slice3A_130, %select_n3A_117 : vector<256x128xf32>
    %select_n3A_137 = arith.select %gt3A_136, %slice3A_130, %select_n3A_117 : vector<256x128xi1>, vector<256x128xf32>
    %select_n3A_138 = arith.select %gt3A_135, %select_n3A_121, %select_n3A_137 : vector<256x128xi1>, vector<256x128xf32>
    %select_n3A_139 = arith.select %gt3A_136, %broadcast_in_dim3A_132, %select_n3A_119 : vector<256x128xi1>, vector<256x128xi32>
    %select_n3A_140 = arith.select %gt3A_135, %select_n3A_123, %select_n3A_139 : vector<256x128xi1>, vector<256x128xi32>
    %select_n3A_141 = arith.select %gt3A_135, %slice3A_130, %select_n3A_121 : vector<256x128xi1>, vector<256x128xf32>
    %select_n3A_142 = arith.select %gt3A_134, %select_n3A_125, %select_n3A_141 : vector<256x128xi1>, vector<256x128xf32>
    %select_n3A_143 = arith.select %gt3A_135, %broadcast_in_dim3A_132, %select_n3A_123 : vector<256x128xi1>, vector<256x128xi32>
    %select_n3A_144 = arith.select %gt3A_134, %select_n3A_127, %select_n3A_143 : vector<256x128xi1>, vector<256x128xi32>
    %select_n3A_145 = arith.select %gt3A_134, %slice3A_130, %select_n3A_125 : vector<256x128xi1>, vector<256x128xf32>
    %select_n3A_146 = arith.select %gt3A_133, %select_n3A_128, %select_n3A_145 : vector<256x128xi1>, vector<256x128xf32>
    %select_n3A_147 = arith.select %gt3A_134, %broadcast_in_dim3A_132, %select_n3A_127 : vector<256x128xi1>, vector<256x128xi32>
    %select_n3A_148 = arith.select %gt3A_133, %select_n3A_129, %select_n3A_147 : vector<256x128xi1>, vector<256x128xi32>
    %select_n3A_149 = arith.select %gt3A_133, %slice3A_130, %select_n3A_128 : vector<256x128xi1>, vector<256x128xf32>
    %select_n3A_150 = arith.select %gt3A_133, %broadcast_in_dim3A_132, %select_n3A_129 : vector<256x128xi1>, vector<256x128xi32>
    %slice3A_151 = vector.extract_strided_slice %sub3A_21 {offsets = [0, 768], sizes = [256, 128], strides = [1, 1]} : vector<256x2048xf32> to vector<256x128xf32>
    %broadcast_in_dim3A_152 = arith.constant 6 : i32
    %broadcast_in_dim3A_153 = vector.broadcast %broadcast_in_dim3A_152 : i32 to vector<256x128xi32>
    %gt3A_154 = arith.cmpf ogt, %slice3A_151, %select_n3A_149 : vector<256x128xf32>
    %gt3A_155 = arith.cmpf ogt, %slice3A_151, %select_n3A_146 : vector<256x128xf32>
    %gt3A_156 = arith.cmpf ogt, %slice3A_151, %select_n3A_142 : vector<256x128xf32>
    %gt3A_157 = arith.cmpf ogt, %slice3A_151, %select_n3A_138 : vector<256x128xf32>
    %select_n3A_158 = arith.select %gt3A_157, %slice3A_151, %select_n3A_138 : vector<256x128xi1>, vector<256x128xf32>
    %select_n3A_159 = arith.select %gt3A_156, %select_n3A_142, %select_n3A_158 : vector<256x128xi1>, vector<256x128xf32>
    %select_n3A_160 = arith.select %gt3A_157, %broadcast_in_dim3A_153, %select_n3A_140 : vector<256x128xi1>, vector<256x128xi32>
    %select_n3A_161 = arith.select %gt3A_156, %select_n3A_144, %select_n3A_160 : vector<256x128xi1>, vector<256x128xi32>
    %select_n3A_162 = arith.select %gt3A_156, %slice3A_151, %select_n3A_142 : vector<256x128xi1>, vector<256x128xf32>
    %select_n3A_163 = arith.select %gt3A_155, %select_n3A_146, %select_n3A_162 : vector<256x128xi1>, vector<256x128xf32>
    %select_n3A_164 = arith.select %gt3A_156, %broadcast_in_dim3A_153, %select_n3A_144 : vector<256x128xi1>, vector<256x128xi32>
    %select_n3A_165 = arith.select %gt3A_155, %select_n3A_148, %select_n3A_164 : vector<256x128xi1>, vector<256x128xi32>
    %select_n3A_166 = arith.select %gt3A_155, %slice3A_151, %select_n3A_146 : vector<256x128xi1>, vector<256x128xf32>
    %select_n3A_167 = arith.select %gt3A_154, %select_n3A_149, %select_n3A_166 : vector<256x128xi1>, vector<256x128xf32>
    %select_n3A_168 = arith.select %gt3A_155, %broadcast_in_dim3A_153, %select_n3A_148 : vector<256x128xi1>, vector<256x128xi32>
    %select_n3A_169 = arith.select %gt3A_154, %select_n3A_150, %select_n3A_168 : vector<256x128xi1>, vector<256x128xi32>
    %select_n3A_170 = arith.select %gt3A_154, %slice3A_151, %select_n3A_149 : vector<256x128xi1>, vector<256x128xf32>
    %select_n3A_171 = arith.select %gt3A_154, %broadcast_in_dim3A_153, %select_n3A_150 : vector<256x128xi1>, vector<256x128xi32>
    %slice3A_172 = vector.extract_strided_slice %sub3A_21 {offsets = [0, 896], sizes = [256, 128], strides = [1, 1]} : vector<256x2048xf32> to vector<256x128xf32>
    %broadcast_in_dim3A_173 = arith.constant 7 : i32
    %broadcast_in_dim3A_174 = vector.broadcast %broadcast_in_dim3A_173 : i32 to vector<256x128xi32>
    %gt3A_175 = arith.cmpf ogt, %slice3A_172, %select_n3A_170 : vector<256x128xf32>
    %gt3A_176 = arith.cmpf ogt, %slice3A_172, %select_n3A_167 : vector<256x128xf32>
    %gt3A_177 = arith.cmpf ogt, %slice3A_172, %select_n3A_163 : vector<256x128xf32>
    %gt3A_178 = arith.cmpf ogt, %slice3A_172, %select_n3A_159 : vector<256x128xf32>
    %select_n3A_179 = arith.select %gt3A_178, %slice3A_172, %select_n3A_159 : vector<256x128xi1>, vector<256x128xf32>
    %select_n3A_180 = arith.select %gt3A_177, %select_n3A_163, %select_n3A_179 : vector<256x128xi1>, vector<256x128xf32>
    %select_n3A_181 = arith.select %gt3A_178, %broadcast_in_dim3A_174, %select_n3A_161 : vector<256x128xi1>, vector<256x128xi32>
    %select_n3A_182 = arith.select %gt3A_177, %select_n3A_165, %select_n3A_181 : vector<256x128xi1>, vector<256x128xi32>
    %select_n3A_183 = arith.select %gt3A_177, %slice3A_172, %select_n3A_163 : vector<256x128xi1>, vector<256x128xf32>
    %select_n3A_184 = arith.select %gt3A_176, %select_n3A_167, %select_n3A_183 : vector<256x128xi1>, vector<256x128xf32>
    %select_n3A_185 = arith.select %gt3A_177, %broadcast_in_dim3A_174, %select_n3A_165 : vector<256x128xi1>, vector<256x128xi32>
    %select_n3A_186 = arith.select %gt3A_176, %select_n3A_169, %select_n3A_185 : vector<256x128xi1>, vector<256x128xi32>
    %select_n3A_187 = arith.select %gt3A_176, %slice3A_172, %select_n3A_167 : vector<256x128xi1>, vector<256x128xf32>
    %select_n3A_188 = arith.select %gt3A_175, %select_n3A_170, %select_n3A_187 : vector<256x128xi1>, vector<256x128xf32>
    %select_n3A_189 = arith.select %gt3A_176, %broadcast_in_dim3A_174, %select_n3A_169 : vector<256x128xi1>, vector<256x128xi32>
    %select_n3A_190 = arith.select %gt3A_175, %select_n3A_171, %select_n3A_189 : vector<256x128xi1>, vector<256x128xi32>
    %select_n3A_191 = arith.select %gt3A_175, %slice3A_172, %select_n3A_170 : vector<256x128xi1>, vector<256x128xf32>
    %select_n3A_192 = arith.select %gt3A_175, %broadcast_in_dim3A_174, %select_n3A_171 : vector<256x128xi1>, vector<256x128xi32>
    %slice3A_193 = vector.extract_strided_slice %sub3A_21 {offsets = [0, 1024], sizes = [256, 128], strides = [1, 1]} : vector<256x2048xf32> to vector<256x128xf32>
    %broadcast_in_dim3A_194 = arith.constant 8 : i32
    %broadcast_in_dim3A_195 = vector.broadcast %broadcast_in_dim3A_194 : i32 to vector<256x128xi32>
    %gt3A_196 = arith.cmpf ogt, %slice3A_193, %select_n3A_191 : vector<256x128xf32>
    %gt3A_197 = arith.cmpf ogt, %slice3A_193, %select_n3A_188 : vector<256x128xf32>
    %gt3A_198 = arith.cmpf ogt, %slice3A_193, %select_n3A_184 : vector<256x128xf32>
    %gt3A_199 = arith.cmpf ogt, %slice3A_193, %select_n3A_180 : vector<256x128xf32>
    %select_n3A_200 = arith.select %gt3A_199, %slice3A_193, %select_n3A_180 : vector<256x128xi1>, vector<256x128xf32>
    %select_n3A_201 = arith.select %gt3A_198, %select_n3A_184, %select_n3A_200 : vector<256x128xi1>, vector<256x128xf32>
    %select_n3A_202 = arith.select %gt3A_199, %broadcast_in_dim3A_195, %select_n3A_182 : vector<256x128xi1>, vector<256x128xi32>
    %select_n3A_203 = arith.select %gt3A_198, %select_n3A_186, %select_n3A_202 : vector<256x128xi1>, vector<256x128xi32>
    %select_n3A_204 = arith.select %gt3A_198, %slice3A_193, %select_n3A_184 : vector<256x128xi1>, vector<256x128xf32>
    %select_n3A_205 = arith.select %gt3A_197, %select_n3A_188, %select_n3A_204 : vector<256x128xi1>, vector<256x128xf32>
    %select_n3A_206 = arith.select %gt3A_198, %broadcast_in_dim3A_195, %select_n3A_186 : vector<256x128xi1>, vector<256x128xi32>
    %select_n3A_207 = arith.select %gt3A_197, %select_n3A_190, %select_n3A_206 : vector<256x128xi1>, vector<256x128xi32>
    %select_n3A_208 = arith.select %gt3A_197, %slice3A_193, %select_n3A_188 : vector<256x128xi1>, vector<256x128xf32>
    %select_n3A_209 = arith.select %gt3A_196, %select_n3A_191, %select_n3A_208 : vector<256x128xi1>, vector<256x128xf32>
    %select_n3A_210 = arith.select %gt3A_197, %broadcast_in_dim3A_195, %select_n3A_190 : vector<256x128xi1>, vector<256x128xi32>
    %select_n3A_211 = arith.select %gt3A_196, %select_n3A_192, %select_n3A_210 : vector<256x128xi1>, vector<256x128xi32>
    %select_n3A_212 = arith.select %gt3A_196, %slice3A_193, %select_n3A_191 : vector<256x128xi1>, vector<256x128xf32>
    %select_n3A_213 = arith.select %gt3A_196, %broadcast_in_dim3A_195, %select_n3A_192 : vector<256x128xi1>, vector<256x128xi32>
    %slice3A_214 = vector.extract_strided_slice %sub3A_21 {offsets = [0, 1152], sizes = [256, 128], strides = [1, 1]} : vector<256x2048xf32> to vector<256x128xf32>
    %broadcast_in_dim3A_215 = arith.constant 9 : i32
    %broadcast_in_dim3A_216 = vector.broadcast %broadcast_in_dim3A_215 : i32 to vector<256x128xi32>
    %gt3A_217 = arith.cmpf ogt, %slice3A_214, %select_n3A_212 : vector<256x128xf32>
    %gt3A_218 = arith.cmpf ogt, %slice3A_214, %select_n3A_209 : vector<256x128xf32>
    %gt3A_219 = arith.cmpf ogt, %slice3A_214, %select_n3A_205 : vector<256x128xf32>
    %gt3A_220 = arith.cmpf ogt, %slice3A_214, %select_n3A_201 : vector<256x128xf32>
    %select_n3A_221 = arith.select %gt3A_220, %slice3A_214, %select_n3A_201 : vector<256x128xi1>, vector<256x128xf32>
    %select_n3A_222 = arith.select %gt3A_219, %select_n3A_205, %select_n3A_221 : vector<256x128xi1>, vector<256x128xf32>
    %select_n3A_223 = arith.select %gt3A_220, %broadcast_in_dim3A_216, %select_n3A_203 : vector<256x128xi1>, vector<256x128xi32>
    %select_n3A_224 = arith.select %gt3A_219, %select_n3A_207, %select_n3A_223 : vector<256x128xi1>, vector<256x128xi32>
    %select_n3A_225 = arith.select %gt3A_219, %slice3A_214, %select_n3A_205 : vector<256x128xi1>, vector<256x128xf32>
    %select_n3A_226 = arith.select %gt3A_218, %select_n3A_209, %select_n3A_225 : vector<256x128xi1>, vector<256x128xf32>
    %select_n3A_227 = arith.select %gt3A_219, %broadcast_in_dim3A_216, %select_n3A_207 : vector<256x128xi1>, vector<256x128xi32>
    %select_n3A_228 = arith.select %gt3A_218, %select_n3A_211, %select_n3A_227 : vector<256x128xi1>, vector<256x128xi32>
    %select_n3A_229 = arith.select %gt3A_218, %slice3A_214, %select_n3A_209 : vector<256x128xi1>, vector<256x128xf32>
    %select_n3A_230 = arith.select %gt3A_217, %select_n3A_212, %select_n3A_229 : vector<256x128xi1>, vector<256x128xf32>
    %select_n3A_231 = arith.select %gt3A_218, %broadcast_in_dim3A_216, %select_n3A_211 : vector<256x128xi1>, vector<256x128xi32>
    %select_n3A_232 = arith.select %gt3A_217, %select_n3A_213, %select_n3A_231 : vector<256x128xi1>, vector<256x128xi32>
    %select_n3A_233 = arith.select %gt3A_217, %slice3A_214, %select_n3A_212 : vector<256x128xi1>, vector<256x128xf32>
    %select_n3A_234 = arith.select %gt3A_217, %broadcast_in_dim3A_216, %select_n3A_213 : vector<256x128xi1>, vector<256x128xi32>
    %slice3A_235 = vector.extract_strided_slice %sub3A_21 {offsets = [0, 1280], sizes = [256, 128], strides = [1, 1]} : vector<256x2048xf32> to vector<256x128xf32>
    %broadcast_in_dim3A_236 = arith.constant 10 : i32
    %broadcast_in_dim3A_237 = vector.broadcast %broadcast_in_dim3A_236 : i32 to vector<256x128xi32>
    %gt3A_238 = arith.cmpf ogt, %slice3A_235, %select_n3A_233 : vector<256x128xf32>
    %gt3A_239 = arith.cmpf ogt, %slice3A_235, %select_n3A_230 : vector<256x128xf32>
    %gt3A_240 = arith.cmpf ogt, %slice3A_235, %select_n3A_226 : vector<256x128xf32>
    %gt3A_241 = arith.cmpf ogt, %slice3A_235, %select_n3A_222 : vector<256x128xf32>
    %select_n3A_242 = arith.select %gt3A_241, %slice3A_235, %select_n3A_222 : vector<256x128xi1>, vector<256x128xf32>
    %select_n3A_243 = arith.select %gt3A_240, %select_n3A_226, %select_n3A_242 : vector<256x128xi1>, vector<256x128xf32>
    %select_n3A_244 = arith.select %gt3A_241, %broadcast_in_dim3A_237, %select_n3A_224 : vector<256x128xi1>, vector<256x128xi32>
    %select_n3A_245 = arith.select %gt3A_240, %select_n3A_228, %select_n3A_244 : vector<256x128xi1>, vector<256x128xi32>
    %select_n3A_246 = arith.select %gt3A_240, %slice3A_235, %select_n3A_226 : vector<256x128xi1>, vector<256x128xf32>
    %select_n3A_247 = arith.select %gt3A_239, %select_n3A_230, %select_n3A_246 : vector<256x128xi1>, vector<256x128xf32>
    %select_n3A_248 = arith.select %gt3A_240, %broadcast_in_dim3A_237, %select_n3A_228 : vector<256x128xi1>, vector<256x128xi32>
    %select_n3A_249 = arith.select %gt3A_239, %select_n3A_232, %select_n3A_248 : vector<256x128xi1>, vector<256x128xi32>
    %select_n3A_250 = arith.select %gt3A_239, %slice3A_235, %select_n3A_230 : vector<256x128xi1>, vector<256x128xf32>
    %select_n3A_251 = arith.select %gt3A_238, %select_n3A_233, %select_n3A_250 : vector<256x128xi1>, vector<256x128xf32>
    %select_n3A_252 = arith.select %gt3A_239, %broadcast_in_dim3A_237, %select_n3A_232 : vector<256x128xi1>, vector<256x128xi32>
    %select_n3A_253 = arith.select %gt3A_238, %select_n3A_234, %select_n3A_252 : vector<256x128xi1>, vector<256x128xi32>
    %select_n3A_254 = arith.select %gt3A_238, %slice3A_235, %select_n3A_233 : vector<256x128xi1>, vector<256x128xf32>
    %select_n3A_255 = arith.select %gt3A_238, %broadcast_in_dim3A_237, %select_n3A_234 : vector<256x128xi1>, vector<256x128xi32>
    %slice3A_256 = vector.extract_strided_slice %sub3A_21 {offsets = [0, 1408], sizes = [256, 128], strides = [1, 1]} : vector<256x2048xf32> to vector<256x128xf32>
    %broadcast_in_dim3A_257 = arith.constant 11 : i32
    %broadcast_in_dim3A_258 = vector.broadcast %broadcast_in_dim3A_257 : i32 to vector<256x128xi32>
    %gt3A_259 = arith.cmpf ogt, %slice3A_256, %select_n3A_254 : vector<256x128xf32>
    %gt3A_260 = arith.cmpf ogt, %slice3A_256, %select_n3A_251 : vector<256x128xf32>
    %gt3A_261 = arith.cmpf ogt, %slice3A_256, %select_n3A_247 : vector<256x128xf32>
    %gt3A_262 = arith.cmpf ogt, %slice3A_256, %select_n3A_243 : vector<256x128xf32>
    %select_n3A_263 = arith.select %gt3A_262, %slice3A_256, %select_n3A_243 : vector<256x128xi1>, vector<256x128xf32>
    %select_n3A_264 = arith.select %gt3A_261, %select_n3A_247, %select_n3A_263 : vector<256x128xi1>, vector<256x128xf32>
    %select_n3A_265 = arith.select %gt3A_262, %broadcast_in_dim3A_258, %select_n3A_245 : vector<256x128xi1>, vector<256x128xi32>
    %select_n3A_266 = arith.select %gt3A_261, %select_n3A_249, %select_n3A_265 : vector<256x128xi1>, vector<256x128xi32>
    %select_n3A_267 = arith.select %gt3A_261, %slice3A_256, %select_n3A_247 : vector<256x128xi1>, vector<256x128xf32>
    %select_n3A_268 = arith.select %gt3A_260, %select_n3A_251, %select_n3A_267 : vector<256x128xi1>, vector<256x128xf32>
    %select_n3A_269 = arith.select %gt3A_261, %broadcast_in_dim3A_258, %select_n3A_249 : vector<256x128xi1>, vector<256x128xi32>
    %select_n3A_270 = arith.select %gt3A_260, %select_n3A_253, %select_n3A_269 : vector<256x128xi1>, vector<256x128xi32>
    %select_n3A_271 = arith.select %gt3A_260, %slice3A_256, %select_n3A_251 : vector<256x128xi1>, vector<256x128xf32>
    %select_n3A_272 = arith.select %gt3A_259, %select_n3A_254, %select_n3A_271 : vector<256x128xi1>, vector<256x128xf32>
    %select_n3A_273 = arith.select %gt3A_260, %broadcast_in_dim3A_258, %select_n3A_253 : vector<256x128xi1>, vector<256x128xi32>
    %select_n3A_274 = arith.select %gt3A_259, %select_n3A_255, %select_n3A_273 : vector<256x128xi1>, vector<256x128xi32>
    %select_n3A_275 = arith.select %gt3A_259, %slice3A_256, %select_n3A_254 : vector<256x128xi1>, vector<256x128xf32>
    %select_n3A_276 = arith.select %gt3A_259, %broadcast_in_dim3A_258, %select_n3A_255 : vector<256x128xi1>, vector<256x128xi32>
    %slice3A_277 = vector.extract_strided_slice %sub3A_21 {offsets = [0, 1536], sizes = [256, 128], strides = [1, 1]} : vector<256x2048xf32> to vector<256x128xf32>
    %broadcast_in_dim3A_278 = arith.constant 12 : i32
    %broadcast_in_dim3A_279 = vector.broadcast %broadcast_in_dim3A_278 : i32 to vector<256x128xi32>
    %gt3A_280 = arith.cmpf ogt, %slice3A_277, %select_n3A_275 : vector<256x128xf32>
    %gt3A_281 = arith.cmpf ogt, %slice3A_277, %select_n3A_272 : vector<256x128xf32>
    %gt3A_282 = arith.cmpf ogt, %slice3A_277, %select_n3A_268 : vector<256x128xf32>
    %gt3A_283 = arith.cmpf ogt, %slice3A_277, %select_n3A_264 : vector<256x128xf32>
    %select_n3A_284 = arith.select %gt3A_283, %slice3A_277, %select_n3A_264 : vector<256x128xi1>, vector<256x128xf32>
    %select_n3A_285 = arith.select %gt3A_282, %select_n3A_268, %select_n3A_284 : vector<256x128xi1>, vector<256x128xf32>
    %select_n3A_286 = arith.select %gt3A_283, %broadcast_in_dim3A_279, %select_n3A_266 : vector<256x128xi1>, vector<256x128xi32>
    %select_n3A_287 = arith.select %gt3A_282, %select_n3A_270, %select_n3A_286 : vector<256x128xi1>, vector<256x128xi32>
    %select_n3A_288 = arith.select %gt3A_282, %slice3A_277, %select_n3A_268 : vector<256x128xi1>, vector<256x128xf32>
    %select_n3A_289 = arith.select %gt3A_281, %select_n3A_272, %select_n3A_288 : vector<256x128xi1>, vector<256x128xf32>
    %select_n3A_290 = arith.select %gt3A_282, %broadcast_in_dim3A_279, %select_n3A_270 : vector<256x128xi1>, vector<256x128xi32>
    %select_n3A_291 = arith.select %gt3A_281, %select_n3A_274, %select_n3A_290 : vector<256x128xi1>, vector<256x128xi32>
    %select_n3A_292 = arith.select %gt3A_281, %slice3A_277, %select_n3A_272 : vector<256x128xi1>, vector<256x128xf32>
    %select_n3A_293 = arith.select %gt3A_280, %select_n3A_275, %select_n3A_292 : vector<256x128xi1>, vector<256x128xf32>
    %select_n3A_294 = arith.select %gt3A_281, %broadcast_in_dim3A_279, %select_n3A_274 : vector<256x128xi1>, vector<256x128xi32>
    %select_n3A_295 = arith.select %gt3A_280, %select_n3A_276, %select_n3A_294 : vector<256x128xi1>, vector<256x128xi32>
    %select_n3A_296 = arith.select %gt3A_280, %slice3A_277, %select_n3A_275 : vector<256x128xi1>, vector<256x128xf32>
    %select_n3A_297 = arith.select %gt3A_280, %broadcast_in_dim3A_279, %select_n3A_276 : vector<256x128xi1>, vector<256x128xi32>
    %slice3A_298 = vector.extract_strided_slice %sub3A_21 {offsets = [0, 1664], sizes = [256, 128], strides = [1, 1]} : vector<256x2048xf32> to vector<256x128xf32>
    %broadcast_in_dim3A_299 = arith.constant 13 : i32
    %broadcast_in_dim3A_300 = vector.broadcast %broadcast_in_dim3A_299 : i32 to vector<256x128xi32>
    %gt3A_301 = arith.cmpf ogt, %slice3A_298, %select_n3A_296 : vector<256x128xf32>
    %gt3A_302 = arith.cmpf ogt, %slice3A_298, %select_n3A_293 : vector<256x128xf32>
    %gt3A_303 = arith.cmpf ogt, %slice3A_298, %select_n3A_289 : vector<256x128xf32>
    %gt3A_304 = arith.cmpf ogt, %slice3A_298, %select_n3A_285 : vector<256x128xf32>
    %select_n3A_305 = arith.select %gt3A_304, %slice3A_298, %select_n3A_285 : vector<256x128xi1>, vector<256x128xf32>
    %select_n3A_306 = arith.select %gt3A_303, %select_n3A_289, %select_n3A_305 : vector<256x128xi1>, vector<256x128xf32>
    %select_n3A_307 = arith.select %gt3A_304, %broadcast_in_dim3A_300, %select_n3A_287 : vector<256x128xi1>, vector<256x128xi32>
    %select_n3A_308 = arith.select %gt3A_303, %select_n3A_291, %select_n3A_307 : vector<256x128xi1>, vector<256x128xi32>
    %select_n3A_309 = arith.select %gt3A_303, %slice3A_298, %select_n3A_289 : vector<256x128xi1>, vector<256x128xf32>
    %select_n3A_310 = arith.select %gt3A_302, %select_n3A_293, %select_n3A_309 : vector<256x128xi1>, vector<256x128xf32>
    %select_n3A_311 = arith.select %gt3A_303, %broadcast_in_dim3A_300, %select_n3A_291 : vector<256x128xi1>, vector<256x128xi32>
    %select_n3A_312 = arith.select %gt3A_302, %select_n3A_295, %select_n3A_311 : vector<256x128xi1>, vector<256x128xi32>
    %select_n3A_313 = arith.select %gt3A_302, %slice3A_298, %select_n3A_293 : vector<256x128xi1>, vector<256x128xf32>
    %select_n3A_314 = arith.select %gt3A_301, %select_n3A_296, %select_n3A_313 : vector<256x128xi1>, vector<256x128xf32>
    %select_n3A_315 = arith.select %gt3A_302, %broadcast_in_dim3A_300, %select_n3A_295 : vector<256x128xi1>, vector<256x128xi32>
    %select_n3A_316 = arith.select %gt3A_301, %select_n3A_297, %select_n3A_315 : vector<256x128xi1>, vector<256x128xi32>
    %select_n3A_317 = arith.select %gt3A_301, %slice3A_298, %select_n3A_296 : vector<256x128xi1>, vector<256x128xf32>
    %select_n3A_318 = arith.select %gt3A_301, %broadcast_in_dim3A_300, %select_n3A_297 : vector<256x128xi1>, vector<256x128xi32>
    %slice3A_319 = vector.extract_strided_slice %sub3A_21 {offsets = [0, 1792], sizes = [256, 128], strides = [1, 1]} : vector<256x2048xf32> to vector<256x128xf32>
    %broadcast_in_dim3A_320 = arith.constant 14 : i32
    %broadcast_in_dim3A_321 = vector.broadcast %broadcast_in_dim3A_320 : i32 to vector<256x128xi32>
    %gt3A_322 = arith.cmpf ogt, %slice3A_319, %select_n3A_317 : vector<256x128xf32>
    %gt3A_323 = arith.cmpf ogt, %slice3A_319, %select_n3A_314 : vector<256x128xf32>
    %gt3A_324 = arith.cmpf ogt, %slice3A_319, %select_n3A_310 : vector<256x128xf32>
    %gt3A_325 = arith.cmpf ogt, %slice3A_319, %select_n3A_306 : vector<256x128xf32>
    %select_n3A_326 = arith.select %gt3A_325, %slice3A_319, %select_n3A_306 : vector<256x128xi1>, vector<256x128xf32>
    %select_n3A_327 = arith.select %gt3A_324, %select_n3A_310, %select_n3A_326 : vector<256x128xi1>, vector<256x128xf32>
    %select_n3A_328 = arith.select %gt3A_325, %broadcast_in_dim3A_321, %select_n3A_308 : vector<256x128xi1>, vector<256x128xi32>
    %select_n3A_329 = arith.select %gt3A_324, %select_n3A_312, %select_n3A_328 : vector<256x128xi1>, vector<256x128xi32>
    %select_n3A_330 = arith.select %gt3A_324, %slice3A_319, %select_n3A_310 : vector<256x128xi1>, vector<256x128xf32>
    %select_n3A_331 = arith.select %gt3A_323, %select_n3A_314, %select_n3A_330 : vector<256x128xi1>, vector<256x128xf32>
    %select_n3A_332 = arith.select %gt3A_324, %broadcast_in_dim3A_321, %select_n3A_312 : vector<256x128xi1>, vector<256x128xi32>
    %select_n3A_333 = arith.select %gt3A_323, %select_n3A_316, %select_n3A_332 : vector<256x128xi1>, vector<256x128xi32>
    %select_n3A_334 = arith.select %gt3A_323, %slice3A_319, %select_n3A_314 : vector<256x128xi1>, vector<256x128xf32>
    %select_n3A_335 = arith.select %gt3A_322, %select_n3A_317, %select_n3A_334 : vector<256x128xi1>, vector<256x128xf32>
    %select_n3A_336 = arith.select %gt3A_323, %broadcast_in_dim3A_321, %select_n3A_316 : vector<256x128xi1>, vector<256x128xi32>
    %select_n3A_337 = arith.select %gt3A_322, %select_n3A_318, %select_n3A_336 : vector<256x128xi1>, vector<256x128xi32>
    %select_n3A_338 = arith.select %gt3A_322, %slice3A_319, %select_n3A_317 : vector<256x128xi1>, vector<256x128xf32>
    %select_n3A_339 = arith.select %gt3A_322, %broadcast_in_dim3A_321, %select_n3A_318 : vector<256x128xi1>, vector<256x128xi32>
    %slice3A_340 = vector.extract_strided_slice %sub3A_21 {offsets = [0, 1920], sizes = [256, 128], strides = [1, 1]} : vector<256x2048xf32> to vector<256x128xf32>
    %broadcast_in_dim3A_341 = arith.constant 15 : i32
    %broadcast_in_dim3A_342 = vector.broadcast %broadcast_in_dim3A_341 : i32 to vector<256x128xi32>
    %gt3A_343 = arith.cmpf ogt, %slice3A_340, %select_n3A_338 : vector<256x128xf32>
    %gt3A_344 = arith.cmpf ogt, %slice3A_340, %select_n3A_335 : vector<256x128xf32>
    %gt3A_345 = arith.cmpf ogt, %slice3A_340, %select_n3A_331 : vector<256x128xf32>
    %gt3A_346 = arith.cmpf ogt, %slice3A_340, %select_n3A_327 : vector<256x128xf32>
    %select_n3A_347 = arith.select %gt3A_346, %slice3A_340, %select_n3A_327 : vector<256x128xi1>, vector<256x128xf32>
    %select_n3A_348 = arith.select %gt3A_345, %select_n3A_331, %select_n3A_347 : vector<256x128xi1>, vector<256x128xf32>
    %select_n3A_349 = arith.select %gt3A_346, %broadcast_in_dim3A_342, %select_n3A_329 : vector<256x128xi1>, vector<256x128xi32>
    %select_n3A_350 = arith.select %gt3A_345, %select_n3A_333, %select_n3A_349 : vector<256x128xi1>, vector<256x128xi32>
    %select_n3A_351 = arith.select %gt3A_345, %slice3A_340, %select_n3A_331 : vector<256x128xi1>, vector<256x128xf32>
    %select_n3A_352 = arith.select %gt3A_344, %select_n3A_335, %select_n3A_351 : vector<256x128xi1>, vector<256x128xf32>
    %select_n3A_353 = arith.select %gt3A_345, %broadcast_in_dim3A_342, %select_n3A_333 : vector<256x128xi1>, vector<256x128xi32>
    %select_n3A_354 = arith.select %gt3A_344, %select_n3A_337, %select_n3A_353 : vector<256x128xi1>, vector<256x128xi32>
    %select_n3A_355 = arith.select %gt3A_344, %slice3A_340, %select_n3A_335 : vector<256x128xi1>, vector<256x128xf32>
    %select_n3A_356 = arith.select %gt3A_343, %select_n3A_338, %select_n3A_355 : vector<256x128xi1>, vector<256x128xf32>
    %select_n3A_357 = arith.select %gt3A_344, %broadcast_in_dim3A_342, %select_n3A_337 : vector<256x128xi1>, vector<256x128xi32>
    %select_n3A_358 = arith.select %gt3A_343, %select_n3A_339, %select_n3A_357 : vector<256x128xi1>, vector<256x128xi32>
    %select_n3A_359 = arith.select %gt3A_343, %slice3A_340, %select_n3A_338 : vector<256x128xi1>, vector<256x128xf32>
    %select_n3A_360 = arith.select %gt3A_343, %broadcast_in_dim3A_342, %select_n3A_339 : vector<256x128xi1>, vector<256x128xi32>
    %iota3A = tpu.iota {dimensions = array<i32: 1>} : vector<256x128xi32>
    %reduce_max3A = arith.constant dense<0xFF800000> : vector<256xf32>
    %reduce_max3A_361 = vector.multi_reduction <maximumf>, %select_n3A_359, %reduce_max3A [1] : vector<256x128xf32> to vector<256xf32>
    %broadcast_in_dim3A_362 = vector.shape_cast %reduce_max3A_361 : vector<256xf32> to vector<256x1xf32>
    %eq3A = vector.broadcast %broadcast_in_dim3A_362 : vector<256x1xf32> to vector<256x128xf32>
    %eq3A_363 = arith.cmpf oeq, %select_n3A_359, %eq3A : vector<256x128xf32>
    %jit3A = arith.constant 128 : i32
    %broadcast_in_dim3A_364 = vector.broadcast %jit3A : i32 to vector<256x128xi32>
    %select_n3A_365 = arith.select %eq3A_363, %iota3A, %broadcast_in_dim3A_364 : vector<256x128xi1>, vector<256x128xi32>
    %reduce_min3A = arith.constant dense<2147483647> : vector<256xi32>
    %reduce_min3A_366 = vector.multi_reduction <minsi>, %select_n3A_365, %reduce_min3A [1] : vector<256x128xi32> to vector<256xi32>
    %broadcast_in_dim3A_367 = vector.shape_cast %reduce_min3A_366 : vector<256xi32> to vector<256x1xi32>
    %eq3A_368 = vector.broadcast %broadcast_in_dim3A_367 : vector<256x1xi32> to vector<256x128xi32>
    %eq3A_369 = arith.cmpi eq, %iota3A, %eq3A_368 : vector<256x128xi32>
    %jit3A_370 = arith.constant 0 : i32
    %broadcast_in_dim3A_371 = vector.broadcast %jit3A_370 : i32 to vector<256x128xi32>
    %select_n3A_372 = arith.select %eq3A_369, %select_n3A_360, %broadcast_in_dim3A_371 : vector<256x128xi1>, vector<256x128xi32>
    %reduce_max3A_373 = arith.constant dense<-2147483648> : vector<256xi32>
    %reduce_max3A_374 = vector.multi_reduction <maxsi>, %select_n3A_372, %reduce_max3A_373 [1] : vector<256x128xi32> to vector<256xi32>
    %broadcast_in_dim3A_375 = vector.shape_cast %reduce_max3A_374 : vector<256xi32> to vector<256x1xi32>
    %mul3A_376 = arith.constant 128 : i32
    %mul3A_377 = vector.broadcast %mul3A_376 : i32 to vector<256x1xi32>
    %mul3A_378 = arith.muli %broadcast_in_dim3A_375, %mul3A_377 : vector<256x1xi32>
    %add3A_379 = arith.addi %mul3A_378, %broadcast_in_dim3A_367 : vector<256x1xi32>
    %add3A_380 = vector.broadcast %mul3A_23 : i32 to vector<256x1xi32>
    %add3A_381 = arith.addi %add3A_379, %add3A_380 : vector<256x1xi32>
    %eq3A_382 = arith.constant 0 : i32
    %eq3A_383 = vector.broadcast %eq3A_382 : i32 to vector<256x128xi32>
    %eq3A_384 = arith.cmpi eq, %broadcast_in_dim3A_27, %eq3A_383 : vector<256x128xi32>
    %eq3A_385 = arith.constant 1 : i32
    %eq3A_386 = vector.broadcast %eq3A_385 : i32 to vector<256x128xi32>
    %eq3A_387 = arith.cmpi eq, %broadcast_in_dim3A_27, %eq3A_386 : vector<256x128xi32>
    %eq3A_388 = arith.constant 2 : i32
    %eq3A_389 = vector.broadcast %eq3A_388 : i32 to vector<256x128xi32>
    %eq3A_390 = arith.cmpi eq, %broadcast_in_dim3A_27, %eq3A_389 : vector<256x128xi32>
    %select_n3A_391 = arith.select %eq3A_390, %select_n3A_348, %broadcast_in_dim3A_25 : vector<256x128xi1>, vector<256x128xf32>
    %select_n3A_392 = arith.select %eq3A_387, %select_n3A_352, %select_n3A_391 : vector<256x128xi1>, vector<256x128xf32>
    %select_n3A_393 = arith.select %eq3A_384, %select_n3A_356, %select_n3A_392 : vector<256x128xi1>, vector<256x128xf32>
    %eq3A_394 = arith.constant 0 : i32
    %eq3A_395 = vector.broadcast %eq3A_394 : i32 to vector<256x128xi32>
    %eq3A_396 = arith.cmpi eq, %broadcast_in_dim3A_27, %eq3A_395 : vector<256x128xi32>
    %eq3A_397 = arith.constant 1 : i32
    %eq3A_398 = vector.broadcast %eq3A_397 : i32 to vector<256x128xi32>
    %eq3A_399 = arith.cmpi eq, %broadcast_in_dim3A_27, %eq3A_398 : vector<256x128xi32>
    %select_n3A_400 = arith.select %eq3A_399, %select_n3A_354, %select_n3A_350 : vector<256x128xi1>, vector<256x128xi32>
    %select_n3A_401 = arith.select %eq3A_396, %select_n3A_358, %select_n3A_400 : vector<256x128xi1>, vector<256x128xi32>
    %select_n3A_402 = arith.select %eq3A_369, %select_n3A_393, %select_n3A_359 : vector<256x128xi1>, vector<256x128xf32>
    %select_n3A_403 = arith.select %eq3A_369, %select_n3A_401, %select_n3A_360 : vector<256x128xi1>, vector<256x128xi32>
    %convert_element_type3A_404 = arith.extui %eq3A_369 : vector<256x128xi1> to vector<256x128xi32>
    %add3A_405 = arith.addi %broadcast_in_dim3A_27, %convert_element_type3A_404 : vector<256x128xi32>
    %reduce_max3A_406 = arith.constant dense<0xFF800000> : vector<256xf32>
    %reduce_max3A_407 = vector.multi_reduction <maximumf>, %select_n3A_402, %reduce_max3A_406 [1] : vector<256x128xf32> to vector<256xf32>
    %broadcast_in_dim3A_408 = vector.shape_cast %reduce_max3A_407 : vector<256xf32> to vector<256x1xf32>
    %eq3A_409 = vector.broadcast %broadcast_in_dim3A_408 : vector<256x1xf32> to vector<256x128xf32>
    %eq3A_410 = arith.cmpf oeq, %select_n3A_402, %eq3A_409 : vector<256x128xf32>
    %jit3A_411 = arith.constant 128 : i32
    %broadcast_in_dim3A_412 = vector.broadcast %jit3A_411 : i32 to vector<256x128xi32>
    %select_n3A_413 = arith.select %eq3A_410, %iota3A, %broadcast_in_dim3A_412 : vector<256x128xi1>, vector<256x128xi32>
    %reduce_min3A_414 = arith.constant dense<2147483647> : vector<256xi32>
    %reduce_min3A_415 = vector.multi_reduction <minsi>, %select_n3A_413, %reduce_min3A_414 [1] : vector<256x128xi32> to vector<256xi32>
    %broadcast_in_dim3A_416 = vector.shape_cast %reduce_min3A_415 : vector<256xi32> to vector<256x1xi32>
    %eq3A_417 = vector.broadcast %broadcast_in_dim3A_416 : vector<256x1xi32> to vector<256x128xi32>
    %eq3A_418 = arith.cmpi eq, %iota3A, %eq3A_417 : vector<256x128xi32>
    %jit3A_419 = arith.constant 0 : i32
    %broadcast_in_dim3A_420 = vector.broadcast %jit3A_419 : i32 to vector<256x128xi32>
    %select_n3A_421 = arith.select %eq3A_418, %select_n3A_403, %broadcast_in_dim3A_420 : vector<256x128xi1>, vector<256x128xi32>
    %reduce_max3A_422 = arith.constant dense<-2147483648> : vector<256xi32>
    %reduce_max3A_423 = vector.multi_reduction <maxsi>, %select_n3A_421, %reduce_max3A_422 [1] : vector<256x128xi32> to vector<256xi32>
    %broadcast_in_dim3A_424 = vector.shape_cast %reduce_max3A_423 : vector<256xi32> to vector<256x1xi32>
    %mul3A_425 = arith.constant 128 : i32
    %mul3A_426 = vector.broadcast %mul3A_425 : i32 to vector<256x1xi32>
    %mul3A_427 = arith.muli %broadcast_in_dim3A_424, %mul3A_426 : vector<256x1xi32>
    %add3A_428 = arith.addi %mul3A_427, %broadcast_in_dim3A_416 : vector<256x1xi32>
    %add3A_429 = vector.broadcast %mul3A_23 : i32 to vector<256x1xi32>
    %add3A_430 = arith.addi %add3A_428, %add3A_429 : vector<256x1xi32>
    %eq3A_431 = arith.constant 0 : i32
    %eq3A_432 = vector.broadcast %eq3A_431 : i32 to vector<256x128xi32>
    %eq3A_433 = arith.cmpi eq, %add3A_405, %eq3A_432 : vector<256x128xi32>
    %eq3A_434 = arith.constant 1 : i32
    %eq3A_435 = vector.broadcast %eq3A_434 : i32 to vector<256x128xi32>
    %eq3A_436 = arith.cmpi eq, %add3A_405, %eq3A_435 : vector<256x128xi32>
    %eq3A_437 = arith.constant 2 : i32
    %eq3A_438 = vector.broadcast %eq3A_437 : i32 to vector<256x128xi32>
    %eq3A_439 = arith.cmpi eq, %add3A_405, %eq3A_438 : vector<256x128xi32>
    %select_n3A_440 = arith.select %eq3A_439, %select_n3A_348, %broadcast_in_dim3A_25 : vector<256x128xi1>, vector<256x128xf32>
    %select_n3A_441 = arith.select %eq3A_436, %select_n3A_352, %select_n3A_440 : vector<256x128xi1>, vector<256x128xf32>
    %select_n3A_442 = arith.select %eq3A_433, %select_n3A_356, %select_n3A_441 : vector<256x128xi1>, vector<256x128xf32>
    %eq3A_443 = arith.constant 0 : i32
    %eq3A_444 = vector.broadcast %eq3A_443 : i32 to vector<256x128xi32>
    %eq3A_445 = arith.cmpi eq, %add3A_405, %eq3A_444 : vector<256x128xi32>
    %eq3A_446 = arith.constant 1 : i32
    %eq3A_447 = vector.broadcast %eq3A_446 : i32 to vector<256x128xi32>
    %eq3A_448 = arith.cmpi eq, %add3A_405, %eq3A_447 : vector<256x128xi32>
    %select_n3A_449 = arith.select %eq3A_448, %select_n3A_354, %select_n3A_350 : vector<256x128xi1>, vector<256x128xi32>
    %select_n3A_450 = arith.select %eq3A_445, %select_n3A_358, %select_n3A_449 : vector<256x128xi1>, vector<256x128xi32>
    %select_n3A_451 = arith.select %eq3A_418, %select_n3A_442, %select_n3A_402 : vector<256x128xi1>, vector<256x128xf32>
    %select_n3A_452 = arith.select %eq3A_418, %select_n3A_450, %select_n3A_403 : vector<256x128xi1>, vector<256x128xi32>
    %convert_element_type3A_453 = arith.extui %eq3A_418 : vector<256x128xi1> to vector<256x128xi32>
    %add3A_454 = arith.addi %add3A_405, %convert_element_type3A_453 : vector<256x128xi32>
    %reduce_max3A_455 = arith.constant dense<0xFF800000> : vector<256xf32>
    %reduce_max3A_456 = vector.multi_reduction <maximumf>, %select_n3A_451, %reduce_max3A_455 [1] : vector<256x128xf32> to vector<256xf32>
    %broadcast_in_dim3A_457 = vector.shape_cast %reduce_max3A_456 : vector<256xf32> to vector<256x1xf32>
    %eq3A_458 = vector.broadcast %broadcast_in_dim3A_457 : vector<256x1xf32> to vector<256x128xf32>
    %eq3A_459 = arith.cmpf oeq, %select_n3A_451, %eq3A_458 : vector<256x128xf32>
    %jit3A_460 = arith.constant 128 : i32
    %broadcast_in_dim3A_461 = vector.broadcast %jit3A_460 : i32 to vector<256x128xi32>
    %select_n3A_462 = arith.select %eq3A_459, %iota3A, %broadcast_in_dim3A_461 : vector<256x128xi1>, vector<256x128xi32>
    %reduce_min3A_463 = arith.constant dense<2147483647> : vector<256xi32>
    %reduce_min3A_464 = vector.multi_reduction <minsi>, %select_n3A_462, %reduce_min3A_463 [1] : vector<256x128xi32> to vector<256xi32>
    %broadcast_in_dim3A_465 = vector.shape_cast %reduce_min3A_464 : vector<256xi32> to vector<256x1xi32>
    %eq3A_466 = vector.broadcast %broadcast_in_dim3A_465 : vector<256x1xi32> to vector<256x128xi32>
    %eq3A_467 = arith.cmpi eq, %iota3A, %eq3A_466 : vector<256x128xi32>
    %jit3A_468 = arith.constant 0 : i32
    %broadcast_in_dim3A_469 = vector.broadcast %jit3A_468 : i32 to vector<256x128xi32>
    %select_n3A_470 = arith.select %eq3A_467, %select_n3A_452, %broadcast_in_dim3A_469 : vector<256x128xi1>, vector<256x128xi32>
    %reduce_max3A_471 = arith.constant dense<-2147483648> : vector<256xi32>
    %reduce_max3A_472 = vector.multi_reduction <maxsi>, %select_n3A_470, %reduce_max3A_471 [1] : vector<256x128xi32> to vector<256xi32>
    %broadcast_in_dim3A_473 = vector.shape_cast %reduce_max3A_472 : vector<256xi32> to vector<256x1xi32>
    %mul3A_474 = arith.constant 128 : i32
    %mul3A_475 = vector.broadcast %mul3A_474 : i32 to vector<256x1xi32>
    %mul3A_476 = arith.muli %broadcast_in_dim3A_473, %mul3A_475 : vector<256x1xi32>
    %add3A_477 = arith.addi %mul3A_476, %broadcast_in_dim3A_465 : vector<256x1xi32>
    %add3A_478 = vector.broadcast %mul3A_23 : i32 to vector<256x1xi32>
    %add3A_479 = arith.addi %add3A_477, %add3A_478 : vector<256x1xi32>
    %eq3A_480 = arith.constant 0 : i32
    %eq3A_481 = vector.broadcast %eq3A_480 : i32 to vector<256x128xi32>
    %eq3A_482 = arith.cmpi eq, %add3A_454, %eq3A_481 : vector<256x128xi32>
    %eq3A_483 = arith.constant 1 : i32
    %eq3A_484 = vector.broadcast %eq3A_483 : i32 to vector<256x128xi32>
    %eq3A_485 = arith.cmpi eq, %add3A_454, %eq3A_484 : vector<256x128xi32>
    %eq3A_486 = arith.constant 2 : i32
    %eq3A_487 = vector.broadcast %eq3A_486 : i32 to vector<256x128xi32>
    %eq3A_488 = arith.cmpi eq, %add3A_454, %eq3A_487 : vector<256x128xi32>
    %select_n3A_489 = arith.select %eq3A_488, %select_n3A_348, %broadcast_in_dim3A_25 : vector<256x128xi1>, vector<256x128xf32>
    %select_n3A_490 = arith.select %eq3A_485, %select_n3A_352, %select_n3A_489 : vector<256x128xi1>, vector<256x128xf32>
    %select_n3A_491 = arith.select %eq3A_482, %select_n3A_356, %select_n3A_490 : vector<256x128xi1>, vector<256x128xf32>
    %eq3A_492 = arith.constant 0 : i32
    %eq3A_493 = vector.broadcast %eq3A_492 : i32 to vector<256x128xi32>
    %eq3A_494 = arith.cmpi eq, %add3A_454, %eq3A_493 : vector<256x128xi32>
    %eq3A_495 = arith.constant 1 : i32
    %eq3A_496 = vector.broadcast %eq3A_495 : i32 to vector<256x128xi32>
    %eq3A_497 = arith.cmpi eq, %add3A_454, %eq3A_496 : vector<256x128xi32>
    %select_n3A_498 = arith.select %eq3A_497, %select_n3A_354, %select_n3A_350 : vector<256x128xi1>, vector<256x128xi32>
    %select_n3A_499 = arith.select %eq3A_494, %select_n3A_358, %select_n3A_498 : vector<256x128xi1>, vector<256x128xi32>
    %select_n3A_500 = arith.select %eq3A_467, %select_n3A_491, %select_n3A_451 : vector<256x128xi1>, vector<256x128xf32>
    %select_n3A_501 = arith.select %eq3A_467, %select_n3A_499, %select_n3A_452 : vector<256x128xi1>, vector<256x128xi32>
    %convert_element_type3A_502 = arith.extui %eq3A_467 : vector<256x128xi1> to vector<256x128xi32>
    %add3A_503 = arith.addi %add3A_454, %convert_element_type3A_502 : vector<256x128xi32>
    %reduce_max3A_504 = arith.constant dense<0xFF800000> : vector<256xf32>
    %reduce_max3A_505 = vector.multi_reduction <maximumf>, %select_n3A_500, %reduce_max3A_504 [1] : vector<256x128xf32> to vector<256xf32>
    %broadcast_in_dim3A_506 = vector.shape_cast %reduce_max3A_505 : vector<256xf32> to vector<256x1xf32>
    %eq3A_507 = vector.broadcast %broadcast_in_dim3A_506 : vector<256x1xf32> to vector<256x128xf32>
    %eq3A_508 = arith.cmpf oeq, %select_n3A_500, %eq3A_507 : vector<256x128xf32>
    %jit3A_509 = arith.constant 128 : i32
    %broadcast_in_dim3A_510 = vector.broadcast %jit3A_509 : i32 to vector<256x128xi32>
    %select_n3A_511 = arith.select %eq3A_508, %iota3A, %broadcast_in_dim3A_510 : vector<256x128xi1>, vector<256x128xi32>
    %reduce_min3A_512 = arith.constant dense<2147483647> : vector<256xi32>
    %reduce_min3A_513 = vector.multi_reduction <minsi>, %select_n3A_511, %reduce_min3A_512 [1] : vector<256x128xi32> to vector<256xi32>
    %broadcast_in_dim3A_514 = vector.shape_cast %reduce_min3A_513 : vector<256xi32> to vector<256x1xi32>
    %eq3A_515 = vector.broadcast %broadcast_in_dim3A_514 : vector<256x1xi32> to vector<256x128xi32>
    %eq3A_516 = arith.cmpi eq, %iota3A, %eq3A_515 : vector<256x128xi32>
    %jit3A_517 = arith.constant 0 : i32
    %broadcast_in_dim3A_518 = vector.broadcast %jit3A_517 : i32 to vector<256x128xi32>
    %select_n3A_519 = arith.select %eq3A_516, %select_n3A_501, %broadcast_in_dim3A_518 : vector<256x128xi1>, vector<256x128xi32>
    %reduce_max3A_520 = arith.constant dense<-2147483648> : vector<256xi32>
    %reduce_max3A_521 = vector.multi_reduction <maxsi>, %select_n3A_519, %reduce_max3A_520 [1] : vector<256x128xi32> to vector<256xi32>
    %broadcast_in_dim3A_522 = vector.shape_cast %reduce_max3A_521 : vector<256xi32> to vector<256x1xi32>
    %mul3A_523 = arith.constant 128 : i32
    %mul3A_524 = vector.broadcast %mul3A_523 : i32 to vector<256x1xi32>
    %mul3A_525 = arith.muli %broadcast_in_dim3A_522, %mul3A_524 : vector<256x1xi32>
    %add3A_526 = arith.addi %mul3A_525, %broadcast_in_dim3A_514 : vector<256x1xi32>
    %add3A_527 = vector.broadcast %mul3A_23 : i32 to vector<256x1xi32>
    %add3A_528 = arith.addi %add3A_526, %add3A_527 : vector<256x1xi32>
    %eq3A_529 = arith.constant 0 : i32
    %eq3A_530 = vector.broadcast %eq3A_529 : i32 to vector<256x128xi32>
    %eq3A_531 = arith.cmpi eq, %add3A_503, %eq3A_530 : vector<256x128xi32>
    %eq3A_532 = arith.constant 1 : i32
    %eq3A_533 = vector.broadcast %eq3A_532 : i32 to vector<256x128xi32>
    %eq3A_534 = arith.cmpi eq, %add3A_503, %eq3A_533 : vector<256x128xi32>
    %eq3A_535 = arith.constant 2 : i32
    %eq3A_536 = vector.broadcast %eq3A_535 : i32 to vector<256x128xi32>
    %eq3A_537 = arith.cmpi eq, %add3A_503, %eq3A_536 : vector<256x128xi32>
    %select_n3A_538 = arith.select %eq3A_537, %select_n3A_348, %broadcast_in_dim3A_25 : vector<256x128xi1>, vector<256x128xf32>
    %select_n3A_539 = arith.select %eq3A_534, %select_n3A_352, %select_n3A_538 : vector<256x128xi1>, vector<256x128xf32>
    %select_n3A_540 = arith.select %eq3A_531, %select_n3A_356, %select_n3A_539 : vector<256x128xi1>, vector<256x128xf32>
    %eq3A_541 = arith.constant 0 : i32
    %eq3A_542 = vector.broadcast %eq3A_541 : i32 to vector<256x128xi32>
    %eq3A_543 = arith.cmpi eq, %add3A_503, %eq3A_542 : vector<256x128xi32>
    %eq3A_544 = arith.constant 1 : i32
    %eq3A_545 = vector.broadcast %eq3A_544 : i32 to vector<256x128xi32>
    %eq3A_546 = arith.cmpi eq, %add3A_503, %eq3A_545 : vector<256x128xi32>
    %select_n3A_547 = arith.select %eq3A_546, %select_n3A_354, %select_n3A_350 : vector<256x128xi1>, vector<256x128xi32>
    %select_n3A_548 = arith.select %eq3A_543, %select_n3A_358, %select_n3A_547 : vector<256x128xi1>, vector<256x128xi32>
    %select_n3A_549 = arith.select %eq3A_516, %select_n3A_540, %select_n3A_500 : vector<256x128xi1>, vector<256x128xf32>
    %select_n3A_550 = arith.select %eq3A_516, %select_n3A_548, %select_n3A_501 : vector<256x128xi1>, vector<256x128xi32>
    %convert_element_type3A_551 = arith.extui %eq3A_516 : vector<256x128xi1> to vector<256x128xi32>
    %add3A_552 = arith.addi %add3A_503, %convert_element_type3A_551 : vector<256x128xi32>
    %reduce_max3A_553 = arith.constant dense<0xFF800000> : vector<256xf32>
    %reduce_max3A_554 = vector.multi_reduction <maximumf>, %select_n3A_549, %reduce_max3A_553 [1] : vector<256x128xf32> to vector<256xf32>
    %broadcast_in_dim3A_555 = vector.shape_cast %reduce_max3A_554 : vector<256xf32> to vector<256x1xf32>
    %eq3A_556 = vector.broadcast %broadcast_in_dim3A_555 : vector<256x1xf32> to vector<256x128xf32>
    %eq3A_557 = arith.cmpf oeq, %select_n3A_549, %eq3A_556 : vector<256x128xf32>
    %jit3A_558 = arith.constant 128 : i32
    %broadcast_in_dim3A_559 = vector.broadcast %jit3A_558 : i32 to vector<256x128xi32>
    %select_n3A_560 = arith.select %eq3A_557, %iota3A, %broadcast_in_dim3A_559 : vector<256x128xi1>, vector<256x128xi32>
    %reduce_min3A_561 = arith.constant dense<2147483647> : vector<256xi32>
    %reduce_min3A_562 = vector.multi_reduction <minsi>, %select_n3A_560, %reduce_min3A_561 [1] : vector<256x128xi32> to vector<256xi32>
    %broadcast_in_dim3A_563 = vector.shape_cast %reduce_min3A_562 : vector<256xi32> to vector<256x1xi32>
    %eq3A_564 = vector.broadcast %broadcast_in_dim3A_563 : vector<256x1xi32> to vector<256x128xi32>
    %eq3A_565 = arith.cmpi eq, %iota3A, %eq3A_564 : vector<256x128xi32>
    %jit3A_566 = arith.constant 0 : i32
    %broadcast_in_dim3A_567 = vector.broadcast %jit3A_566 : i32 to vector<256x128xi32>
    %select_n3A_568 = arith.select %eq3A_565, %select_n3A_550, %broadcast_in_dim3A_567 : vector<256x128xi1>, vector<256x128xi32>
    %reduce_max3A_569 = arith.constant dense<-2147483648> : vector<256xi32>
    %reduce_max3A_570 = vector.multi_reduction <maxsi>, %select_n3A_568, %reduce_max3A_569 [1] : vector<256x128xi32> to vector<256xi32>
    %broadcast_in_dim3A_571 = vector.shape_cast %reduce_max3A_570 : vector<256xi32> to vector<256x1xi32>
    %mul3A_572 = arith.constant 128 : i32
    %mul3A_573 = vector.broadcast %mul3A_572 : i32 to vector<256x1xi32>
    %mul3A_574 = arith.muli %broadcast_in_dim3A_571, %mul3A_573 : vector<256x1xi32>
    %add3A_575 = arith.addi %mul3A_574, %broadcast_in_dim3A_563 : vector<256x1xi32>
    %add3A_576 = vector.broadcast %mul3A_23 : i32 to vector<256x1xi32>
    %add3A_577 = arith.addi %add3A_575, %add3A_576 : vector<256x1xi32>
    %eq3A_578 = arith.constant 0 : i32
    %eq3A_579 = vector.broadcast %eq3A_578 : i32 to vector<256x128xi32>
    %eq3A_580 = arith.cmpi eq, %add3A_552, %eq3A_579 : vector<256x128xi32>
    %eq3A_581 = arith.constant 1 : i32
    %eq3A_582 = vector.broadcast %eq3A_581 : i32 to vector<256x128xi32>
    %eq3A_583 = arith.cmpi eq, %add3A_552, %eq3A_582 : vector<256x128xi32>
    %eq3A_584 = arith.constant 2 : i32
    %eq3A_585 = vector.broadcast %eq3A_584 : i32 to vector<256x128xi32>
    %eq3A_586 = arith.cmpi eq, %add3A_552, %eq3A_585 : vector<256x128xi32>
    %select_n3A_587 = arith.select %eq3A_586, %select_n3A_348, %broadcast_in_dim3A_25 : vector<256x128xi1>, vector<256x128xf32>
    %select_n3A_588 = arith.select %eq3A_583, %select_n3A_352, %select_n3A_587 : vector<256x128xi1>, vector<256x128xf32>
    %select_n3A_589 = arith.select %eq3A_580, %select_n3A_356, %select_n3A_588 : vector<256x128xi1>, vector<256x128xf32>
    %eq3A_590 = arith.constant 0 : i32
    %eq3A_591 = vector.broadcast %eq3A_590 : i32 to vector<256x128xi32>
    %eq3A_592 = arith.cmpi eq, %add3A_552, %eq3A_591 : vector<256x128xi32>
    %eq3A_593 = arith.constant 1 : i32
    %eq3A_594 = vector.broadcast %eq3A_593 : i32 to vector<256x128xi32>
    %eq3A_595 = arith.cmpi eq, %add3A_552, %eq3A_594 : vector<256x128xi32>
    %select_n3A_596 = arith.select %eq3A_595, %select_n3A_354, %select_n3A_350 : vector<256x128xi1>, vector<256x128xi32>
    %select_n3A_597 = arith.select %eq3A_592, %select_n3A_358, %select_n3A_596 : vector<256x128xi1>, vector<256x128xi32>
    %select_n3A_598 = arith.select %eq3A_565, %select_n3A_589, %select_n3A_549 : vector<256x128xi1>, vector<256x128xf32>
    %select_n3A_599 = arith.select %eq3A_565, %select_n3A_597, %select_n3A_550 : vector<256x128xi1>, vector<256x128xi32>
    %convert_element_type3A_600 = arith.extui %eq3A_565 : vector<256x128xi1> to vector<256x128xi32>
    %add3A_601 = arith.addi %add3A_552, %convert_element_type3A_600 : vector<256x128xi32>
    %reduce_max3A_602 = arith.constant dense<0xFF800000> : vector<256xf32>
    %reduce_max3A_603 = vector.multi_reduction <maximumf>, %select_n3A_598, %reduce_max3A_602 [1] : vector<256x128xf32> to vector<256xf32>
    %broadcast_in_dim3A_604 = vector.shape_cast %reduce_max3A_603 : vector<256xf32> to vector<256x1xf32>
    %eq3A_605 = vector.broadcast %broadcast_in_dim3A_604 : vector<256x1xf32> to vector<256x128xf32>
    %eq3A_606 = arith.cmpf oeq, %select_n3A_598, %eq3A_605 : vector<256x128xf32>
    %jit3A_607 = arith.constant 128 : i32
    %broadcast_in_dim3A_608 = vector.broadcast %jit3A_607 : i32 to vector<256x128xi32>
    %select_n3A_609 = arith.select %eq3A_606, %iota3A, %broadcast_in_dim3A_608 : vector<256x128xi1>, vector<256x128xi32>
    %reduce_min3A_610 = arith.constant dense<2147483647> : vector<256xi32>
    %reduce_min3A_611 = vector.multi_reduction <minsi>, %select_n3A_609, %reduce_min3A_610 [1] : vector<256x128xi32> to vector<256xi32>
    %broadcast_in_dim3A_612 = vector.shape_cast %reduce_min3A_611 : vector<256xi32> to vector<256x1xi32>
    %eq3A_613 = vector.broadcast %broadcast_in_dim3A_612 : vector<256x1xi32> to vector<256x128xi32>
    %eq3A_614 = arith.cmpi eq, %iota3A, %eq3A_613 : vector<256x128xi32>
    %jit3A_615 = arith.constant 0 : i32
    %broadcast_in_dim3A_616 = vector.broadcast %jit3A_615 : i32 to vector<256x128xi32>
    %select_n3A_617 = arith.select %eq3A_614, %select_n3A_599, %broadcast_in_dim3A_616 : vector<256x128xi1>, vector<256x128xi32>
    %reduce_max3A_618 = arith.constant dense<-2147483648> : vector<256xi32>
    %reduce_max3A_619 = vector.multi_reduction <maxsi>, %select_n3A_617, %reduce_max3A_618 [1] : vector<256x128xi32> to vector<256xi32>
    %broadcast_in_dim3A_620 = vector.shape_cast %reduce_max3A_619 : vector<256xi32> to vector<256x1xi32>
    %mul3A_621 = arith.constant 128 : i32
    %mul3A_622 = vector.broadcast %mul3A_621 : i32 to vector<256x1xi32>
    %mul3A_623 = arith.muli %broadcast_in_dim3A_620, %mul3A_622 : vector<256x1xi32>
    %add3A_624 = arith.addi %mul3A_623, %broadcast_in_dim3A_612 : vector<256x1xi32>
    %add3A_625 = vector.broadcast %mul3A_23 : i32 to vector<256x1xi32>
    %add3A_626 = arith.addi %add3A_624, %add3A_625 : vector<256x1xi32>
    %eq3A_627 = arith.constant 0 : i32
    %eq3A_628 = vector.broadcast %eq3A_627 : i32 to vector<256x128xi32>
    %eq3A_629 = arith.cmpi eq, %add3A_601, %eq3A_628 : vector<256x128xi32>
    %eq3A_630 = arith.constant 1 : i32
    %eq3A_631 = vector.broadcast %eq3A_630 : i32 to vector<256x128xi32>
    %eq3A_632 = arith.cmpi eq, %add3A_601, %eq3A_631 : vector<256x128xi32>
    %eq3A_633 = arith.constant 2 : i32
    %eq3A_634 = vector.broadcast %eq3A_633 : i32 to vector<256x128xi32>
    %eq3A_635 = arith.cmpi eq, %add3A_601, %eq3A_634 : vector<256x128xi32>
    %select_n3A_636 = arith.select %eq3A_635, %select_n3A_348, %broadcast_in_dim3A_25 : vector<256x128xi1>, vector<256x128xf32>
    %select_n3A_637 = arith.select %eq3A_632, %select_n3A_352, %select_n3A_636 : vector<256x128xi1>, vector<256x128xf32>
    %select_n3A_638 = arith.select %eq3A_629, %select_n3A_356, %select_n3A_637 : vector<256x128xi1>, vector<256x128xf32>
    %eq3A_639 = arith.constant 0 : i32
    %eq3A_640 = vector.broadcast %eq3A_639 : i32 to vector<256x128xi32>
    %eq3A_641 = arith.cmpi eq, %add3A_601, %eq3A_640 : vector<256x128xi32>
    %eq3A_642 = arith.constant 1 : i32
    %eq3A_643 = vector.broadcast %eq3A_642 : i32 to vector<256x128xi32>
    %eq3A_644 = arith.cmpi eq, %add3A_601, %eq3A_643 : vector<256x128xi32>
    %select_n3A_645 = arith.select %eq3A_644, %select_n3A_354, %select_n3A_350 : vector<256x128xi1>, vector<256x128xi32>
    %select_n3A_646 = arith.select %eq3A_641, %select_n3A_358, %select_n3A_645 : vector<256x128xi1>, vector<256x128xi32>
    %select_n3A_647 = arith.select %eq3A_614, %select_n3A_638, %select_n3A_598 : vector<256x128xi1>, vector<256x128xf32>
    %select_n3A_648 = arith.select %eq3A_614, %select_n3A_646, %select_n3A_599 : vector<256x128xi1>, vector<256x128xi32>
    %convert_element_type3A_649 = arith.extui %eq3A_614 : vector<256x128xi1> to vector<256x128xi32>
    %add3A_650 = arith.addi %add3A_601, %convert_element_type3A_649 : vector<256x128xi32>
    %reduce_max3A_651 = arith.constant dense<0xFF800000> : vector<256xf32>
    %reduce_max3A_652 = vector.multi_reduction <maximumf>, %select_n3A_647, %reduce_max3A_651 [1] : vector<256x128xf32> to vector<256xf32>
    %broadcast_in_dim3A_653 = vector.shape_cast %reduce_max3A_652 : vector<256xf32> to vector<256x1xf32>
    %eq3A_654 = vector.broadcast %broadcast_in_dim3A_653 : vector<256x1xf32> to vector<256x128xf32>
    %eq3A_655 = arith.cmpf oeq, %select_n3A_647, %eq3A_654 : vector<256x128xf32>
    %jit3A_656 = arith.constant 128 : i32
    %broadcast_in_dim3A_657 = vector.broadcast %jit3A_656 : i32 to vector<256x128xi32>
    %select_n3A_658 = arith.select %eq3A_655, %iota3A, %broadcast_in_dim3A_657 : vector<256x128xi1>, vector<256x128xi32>
    %reduce_min3A_659 = arith.constant dense<2147483647> : vector<256xi32>
    %reduce_min3A_660 = vector.multi_reduction <minsi>, %select_n3A_658, %reduce_min3A_659 [1] : vector<256x128xi32> to vector<256xi32>
    %broadcast_in_dim3A_661 = vector.shape_cast %reduce_min3A_660 : vector<256xi32> to vector<256x1xi32>
    %eq3A_662 = vector.broadcast %broadcast_in_dim3A_661 : vector<256x1xi32> to vector<256x128xi32>
    %eq3A_663 = arith.cmpi eq, %iota3A, %eq3A_662 : vector<256x128xi32>
    %jit3A_664 = arith.constant 0 : i32
    %broadcast_in_dim3A_665 = vector.broadcast %jit3A_664 : i32 to vector<256x128xi32>
    %select_n3A_666 = arith.select %eq3A_663, %select_n3A_648, %broadcast_in_dim3A_665 : vector<256x128xi1>, vector<256x128xi32>
    %reduce_max3A_667 = arith.constant dense<-2147483648> : vector<256xi32>
    %reduce_max3A_668 = vector.multi_reduction <maxsi>, %select_n3A_666, %reduce_max3A_667 [1] : vector<256x128xi32> to vector<256xi32>
    %broadcast_in_dim3A_669 = vector.shape_cast %reduce_max3A_668 : vector<256xi32> to vector<256x1xi32>
    %mul3A_670 = arith.constant 128 : i32
    %mul3A_671 = vector.broadcast %mul3A_670 : i32 to vector<256x1xi32>
    %mul3A_672 = arith.muli %broadcast_in_dim3A_669, %mul3A_671 : vector<256x1xi32>
    %add3A_673 = arith.addi %mul3A_672, %broadcast_in_dim3A_661 : vector<256x1xi32>
    %add3A_674 = vector.broadcast %mul3A_23 : i32 to vector<256x1xi32>
    %add3A_675 = arith.addi %add3A_673, %add3A_674 : vector<256x1xi32>
    %eq3A_676 = arith.constant 0 : i32
    %eq3A_677 = vector.broadcast %eq3A_676 : i32 to vector<256x128xi32>
    %eq3A_678 = arith.cmpi eq, %add3A_650, %eq3A_677 : vector<256x128xi32>
    %eq3A_679 = arith.constant 1 : i32
    %eq3A_680 = vector.broadcast %eq3A_679 : i32 to vector<256x128xi32>
    %eq3A_681 = arith.cmpi eq, %add3A_650, %eq3A_680 : vector<256x128xi32>
    %eq3A_682 = arith.constant 2 : i32
    %eq3A_683 = vector.broadcast %eq3A_682 : i32 to vector<256x128xi32>
    %eq3A_684 = arith.cmpi eq, %add3A_650, %eq3A_683 : vector<256x128xi32>
    %select_n3A_685 = arith.select %eq3A_684, %select_n3A_348, %broadcast_in_dim3A_25 : vector<256x128xi1>, vector<256x128xf32>
    %select_n3A_686 = arith.select %eq3A_681, %select_n3A_352, %select_n3A_685 : vector<256x128xi1>, vector<256x128xf32>
    %select_n3A_687 = arith.select %eq3A_678, %select_n3A_356, %select_n3A_686 : vector<256x128xi1>, vector<256x128xf32>
    %eq3A_688 = arith.constant 0 : i32
    %eq3A_689 = vector.broadcast %eq3A_688 : i32 to vector<256x128xi32>
    %eq3A_690 = arith.cmpi eq, %add3A_650, %eq3A_689 : vector<256x128xi32>
    %eq3A_691 = arith.constant 1 : i32
    %eq3A_692 = vector.broadcast %eq3A_691 : i32 to vector<256x128xi32>
    %eq3A_693 = arith.cmpi eq, %add3A_650, %eq3A_692 : vector<256x128xi32>
    %select_n3A_694 = arith.select %eq3A_693, %select_n3A_354, %select_n3A_350 : vector<256x128xi1>, vector<256x128xi32>
    %select_n3A_695 = arith.select %eq3A_690, %select_n3A_358, %select_n3A_694 : vector<256x128xi1>, vector<256x128xi32>
    %select_n3A_696 = arith.select %eq3A_663, %select_n3A_687, %select_n3A_647 : vector<256x128xi1>, vector<256x128xf32>
    %select_n3A_697 = arith.select %eq3A_663, %select_n3A_695, %select_n3A_648 : vector<256x128xi1>, vector<256x128xi32>
    %convert_element_type3A_698 = arith.extui %eq3A_663 : vector<256x128xi1> to vector<256x128xi32>
    %add3A_699 = arith.addi %add3A_650, %convert_element_type3A_698 : vector<256x128xi32>
    %reduce_max3A_700 = arith.constant dense<0xFF800000> : vector<256xf32>
    %reduce_max3A_701 = vector.multi_reduction <maximumf>, %select_n3A_696, %reduce_max3A_700 [1] : vector<256x128xf32> to vector<256xf32>
    %broadcast_in_dim3A_702 = vector.shape_cast %reduce_max3A_701 : vector<256xf32> to vector<256x1xf32>
    %eq3A_703 = vector.broadcast %broadcast_in_dim3A_702 : vector<256x1xf32> to vector<256x128xf32>
    %eq3A_704 = arith.cmpf oeq, %select_n3A_696, %eq3A_703 : vector<256x128xf32>
    %jit3A_705 = arith.constant 128 : i32
    %broadcast_in_dim3A_706 = vector.broadcast %jit3A_705 : i32 to vector<256x128xi32>
    %select_n3A_707 = arith.select %eq3A_704, %iota3A, %broadcast_in_dim3A_706 : vector<256x128xi1>, vector<256x128xi32>
    %reduce_min3A_708 = arith.constant dense<2147483647> : vector<256xi32>
    %reduce_min3A_709 = vector.multi_reduction <minsi>, %select_n3A_707, %reduce_min3A_708 [1] : vector<256x128xi32> to vector<256xi32>
    %broadcast_in_dim3A_710 = vector.shape_cast %reduce_min3A_709 : vector<256xi32> to vector<256x1xi32>
    %eq3A_711 = vector.broadcast %broadcast_in_dim3A_710 : vector<256x1xi32> to vector<256x128xi32>
    %eq3A_712 = arith.cmpi eq, %iota3A, %eq3A_711 : vector<256x128xi32>
    %jit3A_713 = arith.constant 0 : i32
    %broadcast_in_dim3A_714 = vector.broadcast %jit3A_713 : i32 to vector<256x128xi32>
    %select_n3A_715 = arith.select %eq3A_712, %select_n3A_697, %broadcast_in_dim3A_714 : vector<256x128xi1>, vector<256x128xi32>
    %reduce_max3A_716 = arith.constant dense<-2147483648> : vector<256xi32>
    %reduce_max3A_717 = vector.multi_reduction <maxsi>, %select_n3A_715, %reduce_max3A_716 [1] : vector<256x128xi32> to vector<256xi32>
    %broadcast_in_dim3A_718 = vector.shape_cast %reduce_max3A_717 : vector<256xi32> to vector<256x1xi32>
    %mul3A_719 = arith.constant 128 : i32
    %mul3A_720 = vector.broadcast %mul3A_719 : i32 to vector<256x1xi32>
    %mul3A_721 = arith.muli %broadcast_in_dim3A_718, %mul3A_720 : vector<256x1xi32>
    %add3A_722 = arith.addi %mul3A_721, %broadcast_in_dim3A_710 : vector<256x1xi32>
    %add3A_723 = vector.broadcast %mul3A_23 : i32 to vector<256x1xi32>
    %add3A_724 = arith.addi %add3A_722, %add3A_723 : vector<256x1xi32>
    %eq3A_725 = arith.constant 0 : i32
    %eq3A_726 = vector.broadcast %eq3A_725 : i32 to vector<256x128xi32>
    %eq3A_727 = arith.cmpi eq, %add3A_699, %eq3A_726 : vector<256x128xi32>
    %eq3A_728 = arith.constant 1 : i32
    %eq3A_729 = vector.broadcast %eq3A_728 : i32 to vector<256x128xi32>
    %eq3A_730 = arith.cmpi eq, %add3A_699, %eq3A_729 : vector<256x128xi32>
    %eq3A_731 = arith.constant 2 : i32
    %eq3A_732 = vector.broadcast %eq3A_731 : i32 to vector<256x128xi32>
    %eq3A_733 = arith.cmpi eq, %add3A_699, %eq3A_732 : vector<256x128xi32>
    %select_n3A_734 = arith.select %eq3A_733, %select_n3A_348, %broadcast_in_dim3A_25 : vector<256x128xi1>, vector<256x128xf32>
    %select_n3A_735 = arith.select %eq3A_730, %select_n3A_352, %select_n3A_734 : vector<256x128xi1>, vector<256x128xf32>
    %select_n3A_736 = arith.select %eq3A_727, %select_n3A_356, %select_n3A_735 : vector<256x128xi1>, vector<256x128xf32>
    %eq3A_737 = arith.constant 0 : i32
    %eq3A_738 = vector.broadcast %eq3A_737 : i32 to vector<256x128xi32>
    %eq3A_739 = arith.cmpi eq, %add3A_699, %eq3A_738 : vector<256x128xi32>
    %eq3A_740 = arith.constant 1 : i32
    %eq3A_741 = vector.broadcast %eq3A_740 : i32 to vector<256x128xi32>
    %eq3A_742 = arith.cmpi eq, %add3A_699, %eq3A_741 : vector<256x128xi32>
    %select_n3A_743 = arith.select %eq3A_742, %select_n3A_354, %select_n3A_350 : vector<256x128xi1>, vector<256x128xi32>
    %select_n3A_744 = arith.select %eq3A_739, %select_n3A_358, %select_n3A_743 : vector<256x128xi1>, vector<256x128xi32>
    %select_n3A_745 = arith.select %eq3A_712, %select_n3A_736, %select_n3A_696 : vector<256x128xi1>, vector<256x128xf32>
    %select_n3A_746 = arith.select %eq3A_712, %select_n3A_744, %select_n3A_697 : vector<256x128xi1>, vector<256x128xi32>
    %convert_element_type3A_747 = arith.extui %eq3A_712 : vector<256x128xi1> to vector<256x128xi32>
    %add3A_748 = arith.addi %add3A_699, %convert_element_type3A_747 : vector<256x128xi32>
    %reduce_max3A_749 = arith.constant dense<0xFF800000> : vector<256xf32>
    %reduce_max3A_750 = vector.multi_reduction <maximumf>, %select_n3A_745, %reduce_max3A_749 [1] : vector<256x128xf32> to vector<256xf32>
    %broadcast_in_dim3A_751 = vector.shape_cast %reduce_max3A_750 : vector<256xf32> to vector<256x1xf32>
    %eq3A_752 = vector.broadcast %broadcast_in_dim3A_751 : vector<256x1xf32> to vector<256x128xf32>
    %eq3A_753 = arith.cmpf oeq, %select_n3A_745, %eq3A_752 : vector<256x128xf32>
    %jit3A_754 = arith.constant 128 : i32
    %broadcast_in_dim3A_755 = vector.broadcast %jit3A_754 : i32 to vector<256x128xi32>
    %select_n3A_756 = arith.select %eq3A_753, %iota3A, %broadcast_in_dim3A_755 : vector<256x128xi1>, vector<256x128xi32>
    %reduce_min3A_757 = arith.constant dense<2147483647> : vector<256xi32>
    %reduce_min3A_758 = vector.multi_reduction <minsi>, %select_n3A_756, %reduce_min3A_757 [1] : vector<256x128xi32> to vector<256xi32>
    %broadcast_in_dim3A_759 = vector.shape_cast %reduce_min3A_758 : vector<256xi32> to vector<256x1xi32>
    %eq3A_760 = vector.broadcast %broadcast_in_dim3A_759 : vector<256x1xi32> to vector<256x128xi32>
    %eq3A_761 = arith.cmpi eq, %iota3A, %eq3A_760 : vector<256x128xi32>
    %jit3A_762 = arith.constant 0 : i32
    %broadcast_in_dim3A_763 = vector.broadcast %jit3A_762 : i32 to vector<256x128xi32>
    %select_n3A_764 = arith.select %eq3A_761, %select_n3A_746, %broadcast_in_dim3A_763 : vector<256x128xi1>, vector<256x128xi32>
    %reduce_max3A_765 = arith.constant dense<-2147483648> : vector<256xi32>
    %reduce_max3A_766 = vector.multi_reduction <maxsi>, %select_n3A_764, %reduce_max3A_765 [1] : vector<256x128xi32> to vector<256xi32>
    %broadcast_in_dim3A_767 = vector.shape_cast %reduce_max3A_766 : vector<256xi32> to vector<256x1xi32>
    %mul3A_768 = arith.constant 128 : i32
    %mul3A_769 = vector.broadcast %mul3A_768 : i32 to vector<256x1xi32>
    %mul3A_770 = arith.muli %broadcast_in_dim3A_767, %mul3A_769 : vector<256x1xi32>
    %add3A_771 = arith.addi %mul3A_770, %broadcast_in_dim3A_759 : vector<256x1xi32>
    %add3A_772 = vector.broadcast %mul3A_23 : i32 to vector<256x1xi32>
    %add3A_773 = arith.addi %add3A_771, %add3A_772 : vector<256x1xi32>
    %eq3A_774 = arith.constant 0 : i32
    %eq3A_775 = vector.broadcast %eq3A_774 : i32 to vector<256x128xi32>
    %eq3A_776 = arith.cmpi eq, %add3A_748, %eq3A_775 : vector<256x128xi32>
    %eq3A_777 = arith.constant 1 : i32
    %eq3A_778 = vector.broadcast %eq3A_777 : i32 to vector<256x128xi32>
    %eq3A_779 = arith.cmpi eq, %add3A_748, %eq3A_778 : vector<256x128xi32>
    %eq3A_780 = arith.constant 2 : i32
    %eq3A_781 = vector.broadcast %eq3A_780 : i32 to vector<256x128xi32>
    %eq3A_782 = arith.cmpi eq, %add3A_748, %eq3A_781 : vector<256x128xi32>
    %select_n3A_783 = arith.select %eq3A_782, %select_n3A_348, %broadcast_in_dim3A_25 : vector<256x128xi1>, vector<256x128xf32>
    %select_n3A_784 = arith.select %eq3A_779, %select_n3A_352, %select_n3A_783 : vector<256x128xi1>, vector<256x128xf32>
    %select_n3A_785 = arith.select %eq3A_776, %select_n3A_356, %select_n3A_784 : vector<256x128xi1>, vector<256x128xf32>
    %eq3A_786 = arith.constant 0 : i32
    %eq3A_787 = vector.broadcast %eq3A_786 : i32 to vector<256x128xi32>
    %eq3A_788 = arith.cmpi eq, %add3A_748, %eq3A_787 : vector<256x128xi32>
    %eq3A_789 = arith.constant 1 : i32
    %eq3A_790 = vector.broadcast %eq3A_789 : i32 to vector<256x128xi32>
    %eq3A_791 = arith.cmpi eq, %add3A_748, %eq3A_790 : vector<256x128xi32>
    %select_n3A_792 = arith.select %eq3A_791, %select_n3A_354, %select_n3A_350 : vector<256x128xi1>, vector<256x128xi32>
    %select_n3A_793 = arith.select %eq3A_788, %select_n3A_358, %select_n3A_792 : vector<256x128xi1>, vector<256x128xi32>
    %select_n3A_794 = arith.select %eq3A_761, %select_n3A_785, %select_n3A_745 : vector<256x128xi1>, vector<256x128xf32>
    %select_n3A_795 = arith.select %eq3A_761, %select_n3A_793, %select_n3A_746 : vector<256x128xi1>, vector<256x128xi32>
    %convert_element_type3A_796 = arith.extui %eq3A_761 : vector<256x128xi1> to vector<256x128xi32>
    %add3A_797 = arith.addi %add3A_748, %convert_element_type3A_796 : vector<256x128xi32>
    %reduce_max3A_798 = arith.constant dense<0xFF800000> : vector<256xf32>
    %reduce_max3A_799 = vector.multi_reduction <maximumf>, %select_n3A_794, %reduce_max3A_798 [1] : vector<256x128xf32> to vector<256xf32>
    %broadcast_in_dim3A_800 = vector.shape_cast %reduce_max3A_799 : vector<256xf32> to vector<256x1xf32>
    %eq3A_801 = vector.broadcast %broadcast_in_dim3A_800 : vector<256x1xf32> to vector<256x128xf32>
    %eq3A_802 = arith.cmpf oeq, %select_n3A_794, %eq3A_801 : vector<256x128xf32>
    %jit3A_803 = arith.constant 128 : i32
    %broadcast_in_dim3A_804 = vector.broadcast %jit3A_803 : i32 to vector<256x128xi32>
    %select_n3A_805 = arith.select %eq3A_802, %iota3A, %broadcast_in_dim3A_804 : vector<256x128xi1>, vector<256x128xi32>
    %reduce_min3A_806 = arith.constant dense<2147483647> : vector<256xi32>
    %reduce_min3A_807 = vector.multi_reduction <minsi>, %select_n3A_805, %reduce_min3A_806 [1] : vector<256x128xi32> to vector<256xi32>
    %broadcast_in_dim3A_808 = vector.shape_cast %reduce_min3A_807 : vector<256xi32> to vector<256x1xi32>
    %eq3A_809 = vector.broadcast %broadcast_in_dim3A_808 : vector<256x1xi32> to vector<256x128xi32>
    %eq3A_810 = arith.cmpi eq, %iota3A, %eq3A_809 : vector<256x128xi32>
    %jit3A_811 = arith.constant 0 : i32
    %broadcast_in_dim3A_812 = vector.broadcast %jit3A_811 : i32 to vector<256x128xi32>
    %select_n3A_813 = arith.select %eq3A_810, %select_n3A_795, %broadcast_in_dim3A_812 : vector<256x128xi1>, vector<256x128xi32>
    %reduce_max3A_814 = arith.constant dense<-2147483648> : vector<256xi32>
    %reduce_max3A_815 = vector.multi_reduction <maxsi>, %select_n3A_813, %reduce_max3A_814 [1] : vector<256x128xi32> to vector<256xi32>
    %broadcast_in_dim3A_816 = vector.shape_cast %reduce_max3A_815 : vector<256xi32> to vector<256x1xi32>
    %mul3A_817 = arith.constant 128 : i32
    %mul3A_818 = vector.broadcast %mul3A_817 : i32 to vector<256x1xi32>
    %mul3A_819 = arith.muli %broadcast_in_dim3A_816, %mul3A_818 : vector<256x1xi32>
    %add3A_820 = arith.addi %mul3A_819, %broadcast_in_dim3A_808 : vector<256x1xi32>
    %add3A_821 = vector.broadcast %mul3A_23 : i32 to vector<256x1xi32>
    %add3A_822 = arith.addi %add3A_820, %add3A_821 : vector<256x1xi32>
    %eq3A_823 = arith.constant 0 : i32
    %eq3A_824 = vector.broadcast %eq3A_823 : i32 to vector<256x128xi32>
    %eq3A_825 = arith.cmpi eq, %add3A_797, %eq3A_824 : vector<256x128xi32>
    %eq3A_826 = arith.constant 1 : i32
    %eq3A_827 = vector.broadcast %eq3A_826 : i32 to vector<256x128xi32>
    %eq3A_828 = arith.cmpi eq, %add3A_797, %eq3A_827 : vector<256x128xi32>
    %eq3A_829 = arith.constant 2 : i32
    %eq3A_830 = vector.broadcast %eq3A_829 : i32 to vector<256x128xi32>
    %eq3A_831 = arith.cmpi eq, %add3A_797, %eq3A_830 : vector<256x128xi32>
    %select_n3A_832 = arith.select %eq3A_831, %select_n3A_348, %broadcast_in_dim3A_25 : vector<256x128xi1>, vector<256x128xf32>
    %select_n3A_833 = arith.select %eq3A_828, %select_n3A_352, %select_n3A_832 : vector<256x128xi1>, vector<256x128xf32>
    %select_n3A_834 = arith.select %eq3A_825, %select_n3A_356, %select_n3A_833 : vector<256x128xi1>, vector<256x128xf32>
    %eq3A_835 = arith.constant 0 : i32
    %eq3A_836 = vector.broadcast %eq3A_835 : i32 to vector<256x128xi32>
    %eq3A_837 = arith.cmpi eq, %add3A_797, %eq3A_836 : vector<256x128xi32>
    %eq3A_838 = arith.constant 1 : i32
    %eq3A_839 = vector.broadcast %eq3A_838 : i32 to vector<256x128xi32>
    %eq3A_840 = arith.cmpi eq, %add3A_797, %eq3A_839 : vector<256x128xi32>
    %select_n3A_841 = arith.select %eq3A_840, %select_n3A_354, %select_n3A_350 : vector<256x128xi1>, vector<256x128xi32>
    %select_n3A_842 = arith.select %eq3A_837, %select_n3A_358, %select_n3A_841 : vector<256x128xi1>, vector<256x128xi32>
    %select_n3A_843 = arith.select %eq3A_810, %select_n3A_834, %select_n3A_794 : vector<256x128xi1>, vector<256x128xf32>
    %select_n3A_844 = arith.select %eq3A_810, %select_n3A_842, %select_n3A_795 : vector<256x128xi1>, vector<256x128xi32>
    %convert_element_type3A_845 = arith.extui %eq3A_810 : vector<256x128xi1> to vector<256x128xi32>
    %add3A_846 = arith.addi %add3A_797, %convert_element_type3A_845 : vector<256x128xi32>
    %reduce_max3A_847 = arith.constant dense<0xFF800000> : vector<256xf32>
    %reduce_max3A_848 = vector.multi_reduction <maximumf>, %select_n3A_843, %reduce_max3A_847 [1] : vector<256x128xf32> to vector<256xf32>
    %broadcast_in_dim3A_849 = vector.shape_cast %reduce_max3A_848 : vector<256xf32> to vector<256x1xf32>
    %eq3A_850 = vector.broadcast %broadcast_in_dim3A_849 : vector<256x1xf32> to vector<256x128xf32>
    %eq3A_851 = arith.cmpf oeq, %select_n3A_843, %eq3A_850 : vector<256x128xf32>
    %jit3A_852 = arith.constant 128 : i32
    %broadcast_in_dim3A_853 = vector.broadcast %jit3A_852 : i32 to vector<256x128xi32>
    %select_n3A_854 = arith.select %eq3A_851, %iota3A, %broadcast_in_dim3A_853 : vector<256x128xi1>, vector<256x128xi32>
    %reduce_min3A_855 = arith.constant dense<2147483647> : vector<256xi32>
    %reduce_min3A_856 = vector.multi_reduction <minsi>, %select_n3A_854, %reduce_min3A_855 [1] : vector<256x128xi32> to vector<256xi32>
    %broadcast_in_dim3A_857 = vector.shape_cast %reduce_min3A_856 : vector<256xi32> to vector<256x1xi32>
    %eq3A_858 = vector.broadcast %broadcast_in_dim3A_857 : vector<256x1xi32> to vector<256x128xi32>
    %eq3A_859 = arith.cmpi eq, %iota3A, %eq3A_858 : vector<256x128xi32>
    %jit3A_860 = arith.constant 0 : i32
    %broadcast_in_dim3A_861 = vector.broadcast %jit3A_860 : i32 to vector<256x128xi32>
    %select_n3A_862 = arith.select %eq3A_859, %select_n3A_844, %broadcast_in_dim3A_861 : vector<256x128xi1>, vector<256x128xi32>
    %reduce_max3A_863 = arith.constant dense<-2147483648> : vector<256xi32>
    %reduce_max3A_864 = vector.multi_reduction <maxsi>, %select_n3A_862, %reduce_max3A_863 [1] : vector<256x128xi32> to vector<256xi32>
    %broadcast_in_dim3A_865 = vector.shape_cast %reduce_max3A_864 : vector<256xi32> to vector<256x1xi32>
    %mul3A_866 = arith.constant 128 : i32
    %mul3A_867 = vector.broadcast %mul3A_866 : i32 to vector<256x1xi32>
    %mul3A_868 = arith.muli %broadcast_in_dim3A_865, %mul3A_867 : vector<256x1xi32>
    %add3A_869 = arith.addi %mul3A_868, %broadcast_in_dim3A_857 : vector<256x1xi32>
    %add3A_870 = vector.broadcast %mul3A_23 : i32 to vector<256x1xi32>
    %add3A_871 = arith.addi %add3A_869, %add3A_870 : vector<256x1xi32>
    %eq3A_872 = arith.constant 0 : i32
    %eq3A_873 = vector.broadcast %eq3A_872 : i32 to vector<256x128xi32>
    %eq3A_874 = arith.cmpi eq, %add3A_846, %eq3A_873 : vector<256x128xi32>
    %eq3A_875 = arith.constant 1 : i32
    %eq3A_876 = vector.broadcast %eq3A_875 : i32 to vector<256x128xi32>
    %eq3A_877 = arith.cmpi eq, %add3A_846, %eq3A_876 : vector<256x128xi32>
    %eq3A_878 = arith.constant 2 : i32
    %eq3A_879 = vector.broadcast %eq3A_878 : i32 to vector<256x128xi32>
    %eq3A_880 = arith.cmpi eq, %add3A_846, %eq3A_879 : vector<256x128xi32>
    %select_n3A_881 = arith.select %eq3A_880, %select_n3A_348, %broadcast_in_dim3A_25 : vector<256x128xi1>, vector<256x128xf32>
    %select_n3A_882 = arith.select %eq3A_877, %select_n3A_352, %select_n3A_881 : vector<256x128xi1>, vector<256x128xf32>
    %select_n3A_883 = arith.select %eq3A_874, %select_n3A_356, %select_n3A_882 : vector<256x128xi1>, vector<256x128xf32>
    %eq3A_884 = arith.constant 0 : i32
    %eq3A_885 = vector.broadcast %eq3A_884 : i32 to vector<256x128xi32>
    %eq3A_886 = arith.cmpi eq, %add3A_846, %eq3A_885 : vector<256x128xi32>
    %eq3A_887 = arith.constant 1 : i32
    %eq3A_888 = vector.broadcast %eq3A_887 : i32 to vector<256x128xi32>
    %eq3A_889 = arith.cmpi eq, %add3A_846, %eq3A_888 : vector<256x128xi32>
    %select_n3A_890 = arith.select %eq3A_889, %select_n3A_354, %select_n3A_350 : vector<256x128xi1>, vector<256x128xi32>
    %select_n3A_891 = arith.select %eq3A_886, %select_n3A_358, %select_n3A_890 : vector<256x128xi1>, vector<256x128xi32>
    %select_n3A_892 = arith.select %eq3A_859, %select_n3A_883, %select_n3A_843 : vector<256x128xi1>, vector<256x128xf32>
    %select_n3A_893 = arith.select %eq3A_859, %select_n3A_891, %select_n3A_844 : vector<256x128xi1>, vector<256x128xi32>
    %convert_element_type3A_894 = arith.extui %eq3A_859 : vector<256x128xi1> to vector<256x128xi32>
    %add3A_895 = arith.addi %add3A_846, %convert_element_type3A_894 : vector<256x128xi32>
    %reduce_max3A_896 = arith.constant dense<0xFF800000> : vector<256xf32>
    %reduce_max3A_897 = vector.multi_reduction <maximumf>, %select_n3A_892, %reduce_max3A_896 [1] : vector<256x128xf32> to vector<256xf32>
    %broadcast_in_dim3A_898 = vector.shape_cast %reduce_max3A_897 : vector<256xf32> to vector<256x1xf32>
    %eq3A_899 = vector.broadcast %broadcast_in_dim3A_898 : vector<256x1xf32> to vector<256x128xf32>
    %eq3A_900 = arith.cmpf oeq, %select_n3A_892, %eq3A_899 : vector<256x128xf32>
    %jit3A_901 = arith.constant 128 : i32
    %broadcast_in_dim3A_902 = vector.broadcast %jit3A_901 : i32 to vector<256x128xi32>
    %select_n3A_903 = arith.select %eq3A_900, %iota3A, %broadcast_in_dim3A_902 : vector<256x128xi1>, vector<256x128xi32>
    %reduce_min3A_904 = arith.constant dense<2147483647> : vector<256xi32>
    %reduce_min3A_905 = vector.multi_reduction <minsi>, %select_n3A_903, %reduce_min3A_904 [1] : vector<256x128xi32> to vector<256xi32>
    %broadcast_in_dim3A_906 = vector.shape_cast %reduce_min3A_905 : vector<256xi32> to vector<256x1xi32>
    %eq3A_907 = vector.broadcast %broadcast_in_dim3A_906 : vector<256x1xi32> to vector<256x128xi32>
    %eq3A_908 = arith.cmpi eq, %iota3A, %eq3A_907 : vector<256x128xi32>
    %jit3A_909 = arith.constant 0 : i32
    %broadcast_in_dim3A_910 = vector.broadcast %jit3A_909 : i32 to vector<256x128xi32>
    %select_n3A_911 = arith.select %eq3A_908, %select_n3A_893, %broadcast_in_dim3A_910 : vector<256x128xi1>, vector<256x128xi32>
    %reduce_max3A_912 = arith.constant dense<-2147483648> : vector<256xi32>
    %reduce_max3A_913 = vector.multi_reduction <maxsi>, %select_n3A_911, %reduce_max3A_912 [1] : vector<256x128xi32> to vector<256xi32>
    %broadcast_in_dim3A_914 = vector.shape_cast %reduce_max3A_913 : vector<256xi32> to vector<256x1xi32>
    %mul3A_915 = arith.constant 128 : i32
    %mul3A_916 = vector.broadcast %mul3A_915 : i32 to vector<256x1xi32>
    %mul3A_917 = arith.muli %broadcast_in_dim3A_914, %mul3A_916 : vector<256x1xi32>
    %add3A_918 = arith.addi %mul3A_917, %broadcast_in_dim3A_906 : vector<256x1xi32>
    %add3A_919 = vector.broadcast %mul3A_23 : i32 to vector<256x1xi32>
    %add3A_920 = arith.addi %add3A_918, %add3A_919 : vector<256x1xi32>
    %eq3A_921 = arith.constant 0 : i32
    %eq3A_922 = vector.broadcast %eq3A_921 : i32 to vector<256x128xi32>
    %eq3A_923 = arith.cmpi eq, %add3A_895, %eq3A_922 : vector<256x128xi32>
    %eq3A_924 = arith.constant 1 : i32
    %eq3A_925 = vector.broadcast %eq3A_924 : i32 to vector<256x128xi32>
    %eq3A_926 = arith.cmpi eq, %add3A_895, %eq3A_925 : vector<256x128xi32>
    %eq3A_927 = arith.constant 2 : i32
    %eq3A_928 = vector.broadcast %eq3A_927 : i32 to vector<256x128xi32>
    %eq3A_929 = arith.cmpi eq, %add3A_895, %eq3A_928 : vector<256x128xi32>
    %select_n3A_930 = arith.select %eq3A_929, %select_n3A_348, %broadcast_in_dim3A_25 : vector<256x128xi1>, vector<256x128xf32>
    %select_n3A_931 = arith.select %eq3A_926, %select_n3A_352, %select_n3A_930 : vector<256x128xi1>, vector<256x128xf32>
    %select_n3A_932 = arith.select %eq3A_923, %select_n3A_356, %select_n3A_931 : vector<256x128xi1>, vector<256x128xf32>
    %eq3A_933 = arith.constant 0 : i32
    %eq3A_934 = vector.broadcast %eq3A_933 : i32 to vector<256x128xi32>
    %eq3A_935 = arith.cmpi eq, %add3A_895, %eq3A_934 : vector<256x128xi32>
    %eq3A_936 = arith.constant 1 : i32
    %eq3A_937 = vector.broadcast %eq3A_936 : i32 to vector<256x128xi32>
    %eq3A_938 = arith.cmpi eq, %add3A_895, %eq3A_937 : vector<256x128xi32>
    %select_n3A_939 = arith.select %eq3A_938, %select_n3A_354, %select_n3A_350 : vector<256x128xi1>, vector<256x128xi32>
    %select_n3A_940 = arith.select %eq3A_935, %select_n3A_358, %select_n3A_939 : vector<256x128xi1>, vector<256x128xi32>
    %select_n3A_941 = arith.select %eq3A_908, %select_n3A_932, %select_n3A_892 : vector<256x128xi1>, vector<256x128xf32>
    %select_n3A_942 = arith.select %eq3A_908, %select_n3A_940, %select_n3A_893 : vector<256x128xi1>, vector<256x128xi32>
    %convert_element_type3A_943 = arith.extui %eq3A_908 : vector<256x128xi1> to vector<256x128xi32>
    %add3A_944 = arith.addi %add3A_895, %convert_element_type3A_943 : vector<256x128xi32>
    %reduce_max3A_945 = arith.constant dense<0xFF800000> : vector<256xf32>
    %reduce_max3A_946 = vector.multi_reduction <maximumf>, %select_n3A_941, %reduce_max3A_945 [1] : vector<256x128xf32> to vector<256xf32>
    %broadcast_in_dim3A_947 = vector.shape_cast %reduce_max3A_946 : vector<256xf32> to vector<256x1xf32>
    %eq3A_948 = vector.broadcast %broadcast_in_dim3A_947 : vector<256x1xf32> to vector<256x128xf32>
    %eq3A_949 = arith.cmpf oeq, %select_n3A_941, %eq3A_948 : vector<256x128xf32>
    %jit3A_950 = arith.constant 128 : i32
    %broadcast_in_dim3A_951 = vector.broadcast %jit3A_950 : i32 to vector<256x128xi32>
    %select_n3A_952 = arith.select %eq3A_949, %iota3A, %broadcast_in_dim3A_951 : vector<256x128xi1>, vector<256x128xi32>
    %reduce_min3A_953 = arith.constant dense<2147483647> : vector<256xi32>
    %reduce_min3A_954 = vector.multi_reduction <minsi>, %select_n3A_952, %reduce_min3A_953 [1] : vector<256x128xi32> to vector<256xi32>
    %broadcast_in_dim3A_955 = vector.shape_cast %reduce_min3A_954 : vector<256xi32> to vector<256x1xi32>
    %eq3A_956 = vector.broadcast %broadcast_in_dim3A_955 : vector<256x1xi32> to vector<256x128xi32>
    %eq3A_957 = arith.cmpi eq, %iota3A, %eq3A_956 : vector<256x128xi32>
    %jit3A_958 = arith.constant 0 : i32
    %broadcast_in_dim3A_959 = vector.broadcast %jit3A_958 : i32 to vector<256x128xi32>
    %select_n3A_960 = arith.select %eq3A_957, %select_n3A_942, %broadcast_in_dim3A_959 : vector<256x128xi1>, vector<256x128xi32>
    %reduce_max3A_961 = arith.constant dense<-2147483648> : vector<256xi32>
    %reduce_max3A_962 = vector.multi_reduction <maxsi>, %select_n3A_960, %reduce_max3A_961 [1] : vector<256x128xi32> to vector<256xi32>
    %broadcast_in_dim3A_963 = vector.shape_cast %reduce_max3A_962 : vector<256xi32> to vector<256x1xi32>
    %mul3A_964 = arith.constant 128 : i32
    %mul3A_965 = vector.broadcast %mul3A_964 : i32 to vector<256x1xi32>
    %mul3A_966 = arith.muli %broadcast_in_dim3A_963, %mul3A_965 : vector<256x1xi32>
    %add3A_967 = arith.addi %mul3A_966, %broadcast_in_dim3A_955 : vector<256x1xi32>
    %add3A_968 = vector.broadcast %mul3A_23 : i32 to vector<256x1xi32>
    %add3A_969 = arith.addi %add3A_967, %add3A_968 : vector<256x1xi32>
    %eq3A_970 = arith.constant 0 : i32
    %eq3A_971 = vector.broadcast %eq3A_970 : i32 to vector<256x128xi32>
    %eq3A_972 = arith.cmpi eq, %add3A_944, %eq3A_971 : vector<256x128xi32>
    %eq3A_973 = arith.constant 1 : i32
    %eq3A_974 = vector.broadcast %eq3A_973 : i32 to vector<256x128xi32>
    %eq3A_975 = arith.cmpi eq, %add3A_944, %eq3A_974 : vector<256x128xi32>
    %eq3A_976 = arith.constant 2 : i32
    %eq3A_977 = vector.broadcast %eq3A_976 : i32 to vector<256x128xi32>
    %eq3A_978 = arith.cmpi eq, %add3A_944, %eq3A_977 : vector<256x128xi32>
    %select_n3A_979 = arith.select %eq3A_978, %select_n3A_348, %broadcast_in_dim3A_25 : vector<256x128xi1>, vector<256x128xf32>
    %select_n3A_980 = arith.select %eq3A_975, %select_n3A_352, %select_n3A_979 : vector<256x128xi1>, vector<256x128xf32>
    %select_n3A_981 = arith.select %eq3A_972, %select_n3A_356, %select_n3A_980 : vector<256x128xi1>, vector<256x128xf32>
    %eq3A_982 = arith.constant 0 : i32
    %eq3A_983 = vector.broadcast %eq3A_982 : i32 to vector<256x128xi32>
    %eq3A_984 = arith.cmpi eq, %add3A_944, %eq3A_983 : vector<256x128xi32>
    %eq3A_985 = arith.constant 1 : i32
    %eq3A_986 = vector.broadcast %eq3A_985 : i32 to vector<256x128xi32>
    %eq3A_987 = arith.cmpi eq, %add3A_944, %eq3A_986 : vector<256x128xi32>
    %select_n3A_988 = arith.select %eq3A_987, %select_n3A_354, %select_n3A_350 : vector<256x128xi1>, vector<256x128xi32>
    %select_n3A_989 = arith.select %eq3A_984, %select_n3A_358, %select_n3A_988 : vector<256x128xi1>, vector<256x128xi32>
    %select_n3A_990 = arith.select %eq3A_957, %select_n3A_981, %select_n3A_941 : vector<256x128xi1>, vector<256x128xf32>
    %select_n3A_991 = arith.select %eq3A_957, %select_n3A_989, %select_n3A_942 : vector<256x128xi1>, vector<256x128xi32>
    %convert_element_type3A_992 = arith.extui %eq3A_957 : vector<256x128xi1> to vector<256x128xi32>
    %add3A_993 = arith.addi %add3A_944, %convert_element_type3A_992 : vector<256x128xi32>
    %reduce_max3A_994 = arith.constant dense<0xFF800000> : vector<256xf32>
    %reduce_max3A_995 = vector.multi_reduction <maximumf>, %select_n3A_990, %reduce_max3A_994 [1] : vector<256x128xf32> to vector<256xf32>
    %broadcast_in_dim3A_996 = vector.shape_cast %reduce_max3A_995 : vector<256xf32> to vector<256x1xf32>
    %eq3A_997 = vector.broadcast %broadcast_in_dim3A_996 : vector<256x1xf32> to vector<256x128xf32>
    %eq3A_998 = arith.cmpf oeq, %select_n3A_990, %eq3A_997 : vector<256x128xf32>
    %jit3A_999 = arith.constant 128 : i32
    %broadcast_in_dim3A_1000 = vector.broadcast %jit3A_999 : i32 to vector<256x128xi32>
    %select_n3A_1001 = arith.select %eq3A_998, %iota3A, %broadcast_in_dim3A_1000 : vector<256x128xi1>, vector<256x128xi32>
    %reduce_min3A_1002 = arith.constant dense<2147483647> : vector<256xi32>
    %reduce_min3A_1003 = vector.multi_reduction <minsi>, %select_n3A_1001, %reduce_min3A_1002 [1] : vector<256x128xi32> to vector<256xi32>
    %broadcast_in_dim3A_1004 = vector.shape_cast %reduce_min3A_1003 : vector<256xi32> to vector<256x1xi32>
    %eq3A_1005 = vector.broadcast %broadcast_in_dim3A_1004 : vector<256x1xi32> to vector<256x128xi32>
    %eq3A_1006 = arith.cmpi eq, %iota3A, %eq3A_1005 : vector<256x128xi32>
    %jit3A_1007 = arith.constant 0 : i32
    %broadcast_in_dim3A_1008 = vector.broadcast %jit3A_1007 : i32 to vector<256x128xi32>
    %select_n3A_1009 = arith.select %eq3A_1006, %select_n3A_991, %broadcast_in_dim3A_1008 : vector<256x128xi1>, vector<256x128xi32>
    %reduce_max3A_1010 = arith.constant dense<-2147483648> : vector<256xi32>
    %reduce_max3A_1011 = vector.multi_reduction <maxsi>, %select_n3A_1009, %reduce_max3A_1010 [1] : vector<256x128xi32> to vector<256xi32>
    %broadcast_in_dim3A_1012 = vector.shape_cast %reduce_max3A_1011 : vector<256xi32> to vector<256x1xi32>
    %mul3A_1013 = arith.constant 128 : i32
    %mul3A_1014 = vector.broadcast %mul3A_1013 : i32 to vector<256x1xi32>
    %mul3A_1015 = arith.muli %broadcast_in_dim3A_1012, %mul3A_1014 : vector<256x1xi32>
    %add3A_1016 = arith.addi %mul3A_1015, %broadcast_in_dim3A_1004 : vector<256x1xi32>
    %add3A_1017 = vector.broadcast %mul3A_23 : i32 to vector<256x1xi32>
    %add3A_1018 = arith.addi %add3A_1016, %add3A_1017 : vector<256x1xi32>
    %eq3A_1019 = arith.constant 0 : i32
    %eq3A_1020 = vector.broadcast %eq3A_1019 : i32 to vector<256x128xi32>
    %eq3A_1021 = arith.cmpi eq, %add3A_993, %eq3A_1020 : vector<256x128xi32>
    %eq3A_1022 = arith.constant 1 : i32
    %eq3A_1023 = vector.broadcast %eq3A_1022 : i32 to vector<256x128xi32>
    %eq3A_1024 = arith.cmpi eq, %add3A_993, %eq3A_1023 : vector<256x128xi32>
    %eq3A_1025 = arith.constant 2 : i32
    %eq3A_1026 = vector.broadcast %eq3A_1025 : i32 to vector<256x128xi32>
    %eq3A_1027 = arith.cmpi eq, %add3A_993, %eq3A_1026 : vector<256x128xi32>
    %select_n3A_1028 = arith.select %eq3A_1027, %select_n3A_348, %broadcast_in_dim3A_25 : vector<256x128xi1>, vector<256x128xf32>
    %select_n3A_1029 = arith.select %eq3A_1024, %select_n3A_352, %select_n3A_1028 : vector<256x128xi1>, vector<256x128xf32>
    %select_n3A_1030 = arith.select %eq3A_1021, %select_n3A_356, %select_n3A_1029 : vector<256x128xi1>, vector<256x128xf32>
    %eq3A_1031 = arith.constant 0 : i32
    %eq3A_1032 = vector.broadcast %eq3A_1031 : i32 to vector<256x128xi32>
    %eq3A_1033 = arith.cmpi eq, %add3A_993, %eq3A_1032 : vector<256x128xi32>
    %eq3A_1034 = arith.constant 1 : i32
    %eq3A_1035 = vector.broadcast %eq3A_1034 : i32 to vector<256x128xi32>
    %eq3A_1036 = arith.cmpi eq, %add3A_993, %eq3A_1035 : vector<256x128xi32>
    %select_n3A_1037 = arith.select %eq3A_1036, %select_n3A_354, %select_n3A_350 : vector<256x128xi1>, vector<256x128xi32>
    %select_n3A_1038 = arith.select %eq3A_1033, %select_n3A_358, %select_n3A_1037 : vector<256x128xi1>, vector<256x128xi32>
    %select_n3A_1039 = arith.select %eq3A_1006, %select_n3A_1030, %select_n3A_990 : vector<256x128xi1>, vector<256x128xf32>
    %select_n3A_1040 = arith.select %eq3A_1006, %select_n3A_1038, %select_n3A_991 : vector<256x128xi1>, vector<256x128xi32>
    %convert_element_type3A_1041 = arith.extui %eq3A_1006 : vector<256x128xi1> to vector<256x128xi32>
    %add3A_1042 = arith.addi %add3A_993, %convert_element_type3A_1041 : vector<256x128xi32>
    %reduce_max3A_1043 = arith.constant dense<0xFF800000> : vector<256xf32>
    %reduce_max3A_1044 = vector.multi_reduction <maximumf>, %select_n3A_1039, %reduce_max3A_1043 [1] : vector<256x128xf32> to vector<256xf32>
    %broadcast_in_dim3A_1045 = vector.shape_cast %reduce_max3A_1044 : vector<256xf32> to vector<256x1xf32>
    %eq3A_1046 = vector.broadcast %broadcast_in_dim3A_1045 : vector<256x1xf32> to vector<256x128xf32>
    %eq3A_1047 = arith.cmpf oeq, %select_n3A_1039, %eq3A_1046 : vector<256x128xf32>
    %jit3A_1048 = arith.constant 128 : i32
    %broadcast_in_dim3A_1049 = vector.broadcast %jit3A_1048 : i32 to vector<256x128xi32>
    %select_n3A_1050 = arith.select %eq3A_1047, %iota3A, %broadcast_in_dim3A_1049 : vector<256x128xi1>, vector<256x128xi32>
    %reduce_min3A_1051 = arith.constant dense<2147483647> : vector<256xi32>
    %reduce_min3A_1052 = vector.multi_reduction <minsi>, %select_n3A_1050, %reduce_min3A_1051 [1] : vector<256x128xi32> to vector<256xi32>
    %broadcast_in_dim3A_1053 = vector.shape_cast %reduce_min3A_1052 : vector<256xi32> to vector<256x1xi32>
    %eq3A_1054 = vector.broadcast %broadcast_in_dim3A_1053 : vector<256x1xi32> to vector<256x128xi32>
    %eq3A_1055 = arith.cmpi eq, %iota3A, %eq3A_1054 : vector<256x128xi32>
    %jit3A_1056 = arith.constant 0 : i32
    %broadcast_in_dim3A_1057 = vector.broadcast %jit3A_1056 : i32 to vector<256x128xi32>
    %select_n3A_1058 = arith.select %eq3A_1055, %select_n3A_1040, %broadcast_in_dim3A_1057 : vector<256x128xi1>, vector<256x128xi32>
    %reduce_max3A_1059 = arith.constant dense<-2147483648> : vector<256xi32>
    %reduce_max3A_1060 = vector.multi_reduction <maxsi>, %select_n3A_1058, %reduce_max3A_1059 [1] : vector<256x128xi32> to vector<256xi32>
    %broadcast_in_dim3A_1061 = vector.shape_cast %reduce_max3A_1060 : vector<256xi32> to vector<256x1xi32>
    %mul3A_1062 = arith.constant 128 : i32
    %mul3A_1063 = vector.broadcast %mul3A_1062 : i32 to vector<256x1xi32>
    %mul3A_1064 = arith.muli %broadcast_in_dim3A_1061, %mul3A_1063 : vector<256x1xi32>
    %add3A_1065 = arith.addi %mul3A_1064, %broadcast_in_dim3A_1053 : vector<256x1xi32>
    %add3A_1066 = vector.broadcast %mul3A_23 : i32 to vector<256x1xi32>
    %add3A_1067 = arith.addi %add3A_1065, %add3A_1066 : vector<256x1xi32>
    %eq3A_1068 = arith.constant 0 : i32
    %eq3A_1069 = vector.broadcast %eq3A_1068 : i32 to vector<256x128xi32>
    %eq3A_1070 = arith.cmpi eq, %add3A_1042, %eq3A_1069 : vector<256x128xi32>
    %eq3A_1071 = arith.constant 1 : i32
    %eq3A_1072 = vector.broadcast %eq3A_1071 : i32 to vector<256x128xi32>
    %eq3A_1073 = arith.cmpi eq, %add3A_1042, %eq3A_1072 : vector<256x128xi32>
    %eq3A_1074 = arith.constant 2 : i32
    %eq3A_1075 = vector.broadcast %eq3A_1074 : i32 to vector<256x128xi32>
    %eq3A_1076 = arith.cmpi eq, %add3A_1042, %eq3A_1075 : vector<256x128xi32>
    %select_n3A_1077 = arith.select %eq3A_1076, %select_n3A_348, %broadcast_in_dim3A_25 : vector<256x128xi1>, vector<256x128xf32>
    %select_n3A_1078 = arith.select %eq3A_1073, %select_n3A_352, %select_n3A_1077 : vector<256x128xi1>, vector<256x128xf32>
    %select_n3A_1079 = arith.select %eq3A_1070, %select_n3A_356, %select_n3A_1078 : vector<256x128xi1>, vector<256x128xf32>
    %eq3A_1080 = arith.constant 0 : i32
    %eq3A_1081 = vector.broadcast %eq3A_1080 : i32 to vector<256x128xi32>
    %eq3A_1082 = arith.cmpi eq, %add3A_1042, %eq3A_1081 : vector<256x128xi32>
    %eq3A_1083 = arith.constant 1 : i32
    %eq3A_1084 = vector.broadcast %eq3A_1083 : i32 to vector<256x128xi32>
    %eq3A_1085 = arith.cmpi eq, %add3A_1042, %eq3A_1084 : vector<256x128xi32>
    %select_n3A_1086 = arith.select %eq3A_1085, %select_n3A_354, %select_n3A_350 : vector<256x128xi1>, vector<256x128xi32>
    %select_n3A_1087 = arith.select %eq3A_1082, %select_n3A_358, %select_n3A_1086 : vector<256x128xi1>, vector<256x128xi32>
    %select_n3A_1088 = arith.select %eq3A_1055, %select_n3A_1079, %select_n3A_1039 : vector<256x128xi1>, vector<256x128xf32>
    %select_n3A_1089 = arith.select %eq3A_1055, %select_n3A_1087, %select_n3A_1040 : vector<256x128xi1>, vector<256x128xi32>
    %convert_element_type3A_1090 = arith.extui %eq3A_1055 : vector<256x128xi1> to vector<256x128xi32>
    %add3A_1091 = arith.addi %add3A_1042, %convert_element_type3A_1090 : vector<256x128xi32>
    %reduce_max3A_1092 = arith.constant dense<0xFF800000> : vector<256xf32>
    %reduce_max3A_1093 = vector.multi_reduction <maximumf>, %select_n3A_1088, %reduce_max3A_1092 [1] : vector<256x128xf32> to vector<256xf32>
    %broadcast_in_dim3A_1094 = vector.shape_cast %reduce_max3A_1093 : vector<256xf32> to vector<256x1xf32>
    %eq3A_1095 = vector.broadcast %broadcast_in_dim3A_1094 : vector<256x1xf32> to vector<256x128xf32>
    %eq3A_1096 = arith.cmpf oeq, %select_n3A_1088, %eq3A_1095 : vector<256x128xf32>
    %jit3A_1097 = arith.constant 128 : i32
    %broadcast_in_dim3A_1098 = vector.broadcast %jit3A_1097 : i32 to vector<256x128xi32>
    %select_n3A_1099 = arith.select %eq3A_1096, %iota3A, %broadcast_in_dim3A_1098 : vector<256x128xi1>, vector<256x128xi32>
    %reduce_min3A_1100 = arith.constant dense<2147483647> : vector<256xi32>
    %reduce_min3A_1101 = vector.multi_reduction <minsi>, %select_n3A_1099, %reduce_min3A_1100 [1] : vector<256x128xi32> to vector<256xi32>
    %broadcast_in_dim3A_1102 = vector.shape_cast %reduce_min3A_1101 : vector<256xi32> to vector<256x1xi32>
    %eq3A_1103 = vector.broadcast %broadcast_in_dim3A_1102 : vector<256x1xi32> to vector<256x128xi32>
    %eq3A_1104 = arith.cmpi eq, %iota3A, %eq3A_1103 : vector<256x128xi32>
    %jit3A_1105 = arith.constant 0 : i32
    %broadcast_in_dim3A_1106 = vector.broadcast %jit3A_1105 : i32 to vector<256x128xi32>
    %select_n3A_1107 = arith.select %eq3A_1104, %select_n3A_1089, %broadcast_in_dim3A_1106 : vector<256x128xi1>, vector<256x128xi32>
    %reduce_max3A_1108 = arith.constant dense<-2147483648> : vector<256xi32>
    %reduce_max3A_1109 = vector.multi_reduction <maxsi>, %select_n3A_1107, %reduce_max3A_1108 [1] : vector<256x128xi32> to vector<256xi32>
    %broadcast_in_dim3A_1110 = vector.shape_cast %reduce_max3A_1109 : vector<256xi32> to vector<256x1xi32>
    %mul3A_1111 = arith.constant 128 : i32
    %mul3A_1112 = vector.broadcast %mul3A_1111 : i32 to vector<256x1xi32>
    %mul3A_1113 = arith.muli %broadcast_in_dim3A_1110, %mul3A_1112 : vector<256x1xi32>
    %add3A_1114 = arith.addi %mul3A_1113, %broadcast_in_dim3A_1102 : vector<256x1xi32>
    %add3A_1115 = vector.broadcast %mul3A_23 : i32 to vector<256x1xi32>
    %add3A_1116 = arith.addi %add3A_1114, %add3A_1115 : vector<256x1xi32>
    %eq3A_1117 = arith.constant 0 : i32
    %eq3A_1118 = vector.broadcast %eq3A_1117 : i32 to vector<256x128xi32>
    %eq3A_1119 = arith.cmpi eq, %add3A_1091, %eq3A_1118 : vector<256x128xi32>
    %eq3A_1120 = arith.constant 1 : i32
    %eq3A_1121 = vector.broadcast %eq3A_1120 : i32 to vector<256x128xi32>
    %eq3A_1122 = arith.cmpi eq, %add3A_1091, %eq3A_1121 : vector<256x128xi32>
    %eq3A_1123 = arith.constant 2 : i32
    %eq3A_1124 = vector.broadcast %eq3A_1123 : i32 to vector<256x128xi32>
    %eq3A_1125 = arith.cmpi eq, %add3A_1091, %eq3A_1124 : vector<256x128xi32>
    %select_n3A_1126 = arith.select %eq3A_1125, %select_n3A_348, %broadcast_in_dim3A_25 : vector<256x128xi1>, vector<256x128xf32>
    %select_n3A_1127 = arith.select %eq3A_1122, %select_n3A_352, %select_n3A_1126 : vector<256x128xi1>, vector<256x128xf32>
    %select_n3A_1128 = arith.select %eq3A_1119, %select_n3A_356, %select_n3A_1127 : vector<256x128xi1>, vector<256x128xf32>
    %eq3A_1129 = arith.constant 0 : i32
    %eq3A_1130 = vector.broadcast %eq3A_1129 : i32 to vector<256x128xi32>
    %eq3A_1131 = arith.cmpi eq, %add3A_1091, %eq3A_1130 : vector<256x128xi32>
    %eq3A_1132 = arith.constant 1 : i32
    %eq3A_1133 = vector.broadcast %eq3A_1132 : i32 to vector<256x128xi32>
    %eq3A_1134 = arith.cmpi eq, %add3A_1091, %eq3A_1133 : vector<256x128xi32>
    %select_n3A_1135 = arith.select %eq3A_1134, %select_n3A_354, %select_n3A_350 : vector<256x128xi1>, vector<256x128xi32>
    %select_n3A_1136 = arith.select %eq3A_1131, %select_n3A_358, %select_n3A_1135 : vector<256x128xi1>, vector<256x128xi32>
    %select_n3A_1137 = arith.select %eq3A_1104, %select_n3A_1128, %select_n3A_1088 : vector<256x128xi1>, vector<256x128xf32>
    %select_n3A_1138 = arith.select %eq3A_1104, %select_n3A_1136, %select_n3A_1089 : vector<256x128xi1>, vector<256x128xi32>
    %convert_element_type3A_1139 = arith.extui %eq3A_1104 : vector<256x128xi1> to vector<256x128xi32>
    %add3A_1140 = arith.addi %add3A_1091, %convert_element_type3A_1139 : vector<256x128xi32>
    %reduce_max3A_1141 = arith.constant dense<0xFF800000> : vector<256xf32>
    %reduce_max3A_1142 = vector.multi_reduction <maximumf>, %select_n3A_1137, %reduce_max3A_1141 [1] : vector<256x128xf32> to vector<256xf32>
    %broadcast_in_dim3A_1143 = vector.shape_cast %reduce_max3A_1142 : vector<256xf32> to vector<256x1xf32>
    %eq3A_1144 = vector.broadcast %broadcast_in_dim3A_1143 : vector<256x1xf32> to vector<256x128xf32>
    %eq3A_1145 = arith.cmpf oeq, %select_n3A_1137, %eq3A_1144 : vector<256x128xf32>
    %jit3A_1146 = arith.constant 128 : i32
    %broadcast_in_dim3A_1147 = vector.broadcast %jit3A_1146 : i32 to vector<256x128xi32>
    %select_n3A_1148 = arith.select %eq3A_1145, %iota3A, %broadcast_in_dim3A_1147 : vector<256x128xi1>, vector<256x128xi32>
    %reduce_min3A_1149 = arith.constant dense<2147483647> : vector<256xi32>
    %reduce_min3A_1150 = vector.multi_reduction <minsi>, %select_n3A_1148, %reduce_min3A_1149 [1] : vector<256x128xi32> to vector<256xi32>
    %broadcast_in_dim3A_1151 = vector.shape_cast %reduce_min3A_1150 : vector<256xi32> to vector<256x1xi32>
    %eq3A_1152 = vector.broadcast %broadcast_in_dim3A_1151 : vector<256x1xi32> to vector<256x128xi32>
    %eq3A_1153 = arith.cmpi eq, %iota3A, %eq3A_1152 : vector<256x128xi32>
    %jit3A_1154 = arith.constant 0 : i32
    %broadcast_in_dim3A_1155 = vector.broadcast %jit3A_1154 : i32 to vector<256x128xi32>
    %select_n3A_1156 = arith.select %eq3A_1153, %select_n3A_1138, %broadcast_in_dim3A_1155 : vector<256x128xi1>, vector<256x128xi32>
    %reduce_max3A_1157 = arith.constant dense<-2147483648> : vector<256xi32>
    %reduce_max3A_1158 = vector.multi_reduction <maxsi>, %select_n3A_1156, %reduce_max3A_1157 [1] : vector<256x128xi32> to vector<256xi32>
    %broadcast_in_dim3A_1159 = vector.shape_cast %reduce_max3A_1158 : vector<256xi32> to vector<256x1xi32>
    %mul3A_1160 = arith.constant 128 : i32
    %mul3A_1161 = vector.broadcast %mul3A_1160 : i32 to vector<256x1xi32>
    %mul3A_1162 = arith.muli %broadcast_in_dim3A_1159, %mul3A_1161 : vector<256x1xi32>
    %add3A_1163 = arith.addi %mul3A_1162, %broadcast_in_dim3A_1151 : vector<256x1xi32>
    %add3A_1164 = vector.broadcast %mul3A_23 : i32 to vector<256x1xi32>
    %add3A_1165 = arith.addi %add3A_1163, %add3A_1164 : vector<256x1xi32>
    %eq3A_1166 = arith.constant 0 : i32
    %eq3A_1167 = vector.broadcast %eq3A_1166 : i32 to vector<256x128xi32>
    %eq3A_1168 = arith.cmpi eq, %add3A_1140, %eq3A_1167 : vector<256x128xi32>
    %eq3A_1169 = arith.constant 1 : i32
    %eq3A_1170 = vector.broadcast %eq3A_1169 : i32 to vector<256x128xi32>
    %eq3A_1171 = arith.cmpi eq, %add3A_1140, %eq3A_1170 : vector<256x128xi32>
    %eq3A_1172 = arith.constant 2 : i32
    %eq3A_1173 = vector.broadcast %eq3A_1172 : i32 to vector<256x128xi32>
    %eq3A_1174 = arith.cmpi eq, %add3A_1140, %eq3A_1173 : vector<256x128xi32>
    %select_n3A_1175 = arith.select %eq3A_1174, %select_n3A_348, %broadcast_in_dim3A_25 : vector<256x128xi1>, vector<256x128xf32>
    %select_n3A_1176 = arith.select %eq3A_1171, %select_n3A_352, %select_n3A_1175 : vector<256x128xi1>, vector<256x128xf32>
    %select_n3A_1177 = arith.select %eq3A_1168, %select_n3A_356, %select_n3A_1176 : vector<256x128xi1>, vector<256x128xf32>
    %eq3A_1178 = arith.constant 0 : i32
    %eq3A_1179 = vector.broadcast %eq3A_1178 : i32 to vector<256x128xi32>
    %eq3A_1180 = arith.cmpi eq, %add3A_1140, %eq3A_1179 : vector<256x128xi32>
    %eq3A_1181 = arith.constant 1 : i32
    %eq3A_1182 = vector.broadcast %eq3A_1181 : i32 to vector<256x128xi32>
    %eq3A_1183 = arith.cmpi eq, %add3A_1140, %eq3A_1182 : vector<256x128xi32>
    %select_n3A_1184 = arith.select %eq3A_1183, %select_n3A_354, %select_n3A_350 : vector<256x128xi1>, vector<256x128xi32>
    %select_n3A_1185 = arith.select %eq3A_1180, %select_n3A_358, %select_n3A_1184 : vector<256x128xi1>, vector<256x128xi32>
    %select_n3A_1186 = arith.select %eq3A_1153, %select_n3A_1177, %select_n3A_1137 : vector<256x128xi1>, vector<256x128xf32>
    %select_n3A_1187 = arith.select %eq3A_1153, %select_n3A_1185, %select_n3A_1138 : vector<256x128xi1>, vector<256x128xi32>
    %convert_element_type3A_1188 = arith.extui %eq3A_1153 : vector<256x128xi1> to vector<256x128xi32>
    %add3A_1189 = arith.addi %add3A_1140, %convert_element_type3A_1188 : vector<256x128xi32>
    %reduce_max3A_1190 = arith.constant dense<0xFF800000> : vector<256xf32>
    %reduce_max3A_1191 = vector.multi_reduction <maximumf>, %select_n3A_1186, %reduce_max3A_1190 [1] : vector<256x128xf32> to vector<256xf32>
    %broadcast_in_dim3A_1192 = vector.shape_cast %reduce_max3A_1191 : vector<256xf32> to vector<256x1xf32>
    %eq3A_1193 = vector.broadcast %broadcast_in_dim3A_1192 : vector<256x1xf32> to vector<256x128xf32>
    %eq3A_1194 = arith.cmpf oeq, %select_n3A_1186, %eq3A_1193 : vector<256x128xf32>
    %jit3A_1195 = arith.constant 128 : i32
    %broadcast_in_dim3A_1196 = vector.broadcast %jit3A_1195 : i32 to vector<256x128xi32>
    %select_n3A_1197 = arith.select %eq3A_1194, %iota3A, %broadcast_in_dim3A_1196 : vector<256x128xi1>, vector<256x128xi32>
    %reduce_min3A_1198 = arith.constant dense<2147483647> : vector<256xi32>
    %reduce_min3A_1199 = vector.multi_reduction <minsi>, %select_n3A_1197, %reduce_min3A_1198 [1] : vector<256x128xi32> to vector<256xi32>
    %broadcast_in_dim3A_1200 = vector.shape_cast %reduce_min3A_1199 : vector<256xi32> to vector<256x1xi32>
    %eq3A_1201 = vector.broadcast %broadcast_in_dim3A_1200 : vector<256x1xi32> to vector<256x128xi32>
    %eq3A_1202 = arith.cmpi eq, %iota3A, %eq3A_1201 : vector<256x128xi32>
    %jit3A_1203 = arith.constant 0 : i32
    %broadcast_in_dim3A_1204 = vector.broadcast %jit3A_1203 : i32 to vector<256x128xi32>
    %select_n3A_1205 = arith.select %eq3A_1202, %select_n3A_1187, %broadcast_in_dim3A_1204 : vector<256x128xi1>, vector<256x128xi32>
    %reduce_max3A_1206 = arith.constant dense<-2147483648> : vector<256xi32>
    %reduce_max3A_1207 = vector.multi_reduction <maxsi>, %select_n3A_1205, %reduce_max3A_1206 [1] : vector<256x128xi32> to vector<256xi32>
    %broadcast_in_dim3A_1208 = vector.shape_cast %reduce_max3A_1207 : vector<256xi32> to vector<256x1xi32>
    %mul3A_1209 = arith.constant 128 : i32
    %mul3A_1210 = vector.broadcast %mul3A_1209 : i32 to vector<256x1xi32>
    %mul3A_1211 = arith.muli %broadcast_in_dim3A_1208, %mul3A_1210 : vector<256x1xi32>
    %add3A_1212 = arith.addi %mul3A_1211, %broadcast_in_dim3A_1200 : vector<256x1xi32>
    %add3A_1213 = vector.broadcast %mul3A_23 : i32 to vector<256x1xi32>
    %add3A_1214 = arith.addi %add3A_1212, %add3A_1213 : vector<256x1xi32>
    %eq3A_1215 = arith.constant 0 : i32
    %eq3A_1216 = vector.broadcast %eq3A_1215 : i32 to vector<256x128xi32>
    %eq3A_1217 = arith.cmpi eq, %add3A_1189, %eq3A_1216 : vector<256x128xi32>
    %eq3A_1218 = arith.constant 1 : i32
    %eq3A_1219 = vector.broadcast %eq3A_1218 : i32 to vector<256x128xi32>
    %eq3A_1220 = arith.cmpi eq, %add3A_1189, %eq3A_1219 : vector<256x128xi32>
    %eq3A_1221 = arith.constant 2 : i32
    %eq3A_1222 = vector.broadcast %eq3A_1221 : i32 to vector<256x128xi32>
    %eq3A_1223 = arith.cmpi eq, %add3A_1189, %eq3A_1222 : vector<256x128xi32>
    %select_n3A_1224 = arith.select %eq3A_1223, %select_n3A_348, %broadcast_in_dim3A_25 : vector<256x128xi1>, vector<256x128xf32>
    %select_n3A_1225 = arith.select %eq3A_1220, %select_n3A_352, %select_n3A_1224 : vector<256x128xi1>, vector<256x128xf32>
    %select_n3A_1226 = arith.select %eq3A_1217, %select_n3A_356, %select_n3A_1225 : vector<256x128xi1>, vector<256x128xf32>
    %eq3A_1227 = arith.constant 0 : i32
    %eq3A_1228 = vector.broadcast %eq3A_1227 : i32 to vector<256x128xi32>
    %eq3A_1229 = arith.cmpi eq, %add3A_1189, %eq3A_1228 : vector<256x128xi32>
    %eq3A_1230 = arith.constant 1 : i32
    %eq3A_1231 = vector.broadcast %eq3A_1230 : i32 to vector<256x128xi32>
    %eq3A_1232 = arith.cmpi eq, %add3A_1189, %eq3A_1231 : vector<256x128xi32>
    %select_n3A_1233 = arith.select %eq3A_1232, %select_n3A_354, %select_n3A_350 : vector<256x128xi1>, vector<256x128xi32>
    %select_n3A_1234 = arith.select %eq3A_1229, %select_n3A_358, %select_n3A_1233 : vector<256x128xi1>, vector<256x128xi32>
    %select_n3A_1235 = arith.select %eq3A_1202, %select_n3A_1226, %select_n3A_1186 : vector<256x128xi1>, vector<256x128xf32>
    %select_n3A_1236 = arith.select %eq3A_1202, %select_n3A_1234, %select_n3A_1187 : vector<256x128xi1>, vector<256x128xi32>
    %convert_element_type3A_1237 = arith.extui %eq3A_1202 : vector<256x128xi1> to vector<256x128xi32>
    %add3A_1238 = arith.addi %add3A_1189, %convert_element_type3A_1237 : vector<256x128xi32>
    %reduce_max3A_1239 = arith.constant dense<0xFF800000> : vector<256xf32>
    %reduce_max3A_1240 = vector.multi_reduction <maximumf>, %select_n3A_1235, %reduce_max3A_1239 [1] : vector<256x128xf32> to vector<256xf32>
    %broadcast_in_dim3A_1241 = vector.shape_cast %reduce_max3A_1240 : vector<256xf32> to vector<256x1xf32>
    %eq3A_1242 = vector.broadcast %broadcast_in_dim3A_1241 : vector<256x1xf32> to vector<256x128xf32>
    %eq3A_1243 = arith.cmpf oeq, %select_n3A_1235, %eq3A_1242 : vector<256x128xf32>
    %jit3A_1244 = arith.constant 128 : i32
    %broadcast_in_dim3A_1245 = vector.broadcast %jit3A_1244 : i32 to vector<256x128xi32>
    %select_n3A_1246 = arith.select %eq3A_1243, %iota3A, %broadcast_in_dim3A_1245 : vector<256x128xi1>, vector<256x128xi32>
    %reduce_min3A_1247 = arith.constant dense<2147483647> : vector<256xi32>
    %reduce_min3A_1248 = vector.multi_reduction <minsi>, %select_n3A_1246, %reduce_min3A_1247 [1] : vector<256x128xi32> to vector<256xi32>
    %broadcast_in_dim3A_1249 = vector.shape_cast %reduce_min3A_1248 : vector<256xi32> to vector<256x1xi32>
    %eq3A_1250 = vector.broadcast %broadcast_in_dim3A_1249 : vector<256x1xi32> to vector<256x128xi32>
    %eq3A_1251 = arith.cmpi eq, %iota3A, %eq3A_1250 : vector<256x128xi32>
    %jit3A_1252 = arith.constant 0 : i32
    %broadcast_in_dim3A_1253 = vector.broadcast %jit3A_1252 : i32 to vector<256x128xi32>
    %select_n3A_1254 = arith.select %eq3A_1251, %select_n3A_1236, %broadcast_in_dim3A_1253 : vector<256x128xi1>, vector<256x128xi32>
    %reduce_max3A_1255 = arith.constant dense<-2147483648> : vector<256xi32>
    %reduce_max3A_1256 = vector.multi_reduction <maxsi>, %select_n3A_1254, %reduce_max3A_1255 [1] : vector<256x128xi32> to vector<256xi32>
    %broadcast_in_dim3A_1257 = vector.shape_cast %reduce_max3A_1256 : vector<256xi32> to vector<256x1xi32>
    %mul3A_1258 = arith.constant 128 : i32
    %mul3A_1259 = vector.broadcast %mul3A_1258 : i32 to vector<256x1xi32>
    %mul3A_1260 = arith.muli %broadcast_in_dim3A_1257, %mul3A_1259 : vector<256x1xi32>
    %add3A_1261 = arith.addi %mul3A_1260, %broadcast_in_dim3A_1249 : vector<256x1xi32>
    %add3A_1262 = vector.broadcast %mul3A_23 : i32 to vector<256x1xi32>
    %add3A_1263 = arith.addi %add3A_1261, %add3A_1262 : vector<256x1xi32>
    %eq3A_1264 = arith.constant 0 : i32
    %eq3A_1265 = vector.broadcast %eq3A_1264 : i32 to vector<256x128xi32>
    %eq3A_1266 = arith.cmpi eq, %add3A_1238, %eq3A_1265 : vector<256x128xi32>
    %eq3A_1267 = arith.constant 1 : i32
    %eq3A_1268 = vector.broadcast %eq3A_1267 : i32 to vector<256x128xi32>
    %eq3A_1269 = arith.cmpi eq, %add3A_1238, %eq3A_1268 : vector<256x128xi32>
    %eq3A_1270 = arith.constant 2 : i32
    %eq3A_1271 = vector.broadcast %eq3A_1270 : i32 to vector<256x128xi32>
    %eq3A_1272 = arith.cmpi eq, %add3A_1238, %eq3A_1271 : vector<256x128xi32>
    %select_n3A_1273 = arith.select %eq3A_1272, %select_n3A_348, %broadcast_in_dim3A_25 : vector<256x128xi1>, vector<256x128xf32>
    %select_n3A_1274 = arith.select %eq3A_1269, %select_n3A_352, %select_n3A_1273 : vector<256x128xi1>, vector<256x128xf32>
    %select_n3A_1275 = arith.select %eq3A_1266, %select_n3A_356, %select_n3A_1274 : vector<256x128xi1>, vector<256x128xf32>
    %eq3A_1276 = arith.constant 0 : i32
    %eq3A_1277 = vector.broadcast %eq3A_1276 : i32 to vector<256x128xi32>
    %eq3A_1278 = arith.cmpi eq, %add3A_1238, %eq3A_1277 : vector<256x128xi32>
    %eq3A_1279 = arith.constant 1 : i32
    %eq3A_1280 = vector.broadcast %eq3A_1279 : i32 to vector<256x128xi32>
    %eq3A_1281 = arith.cmpi eq, %add3A_1238, %eq3A_1280 : vector<256x128xi32>
    %select_n3A_1282 = arith.select %eq3A_1281, %select_n3A_354, %select_n3A_350 : vector<256x128xi1>, vector<256x128xi32>
    %select_n3A_1283 = arith.select %eq3A_1278, %select_n3A_358, %select_n3A_1282 : vector<256x128xi1>, vector<256x128xi32>
    %select_n3A_1284 = arith.select %eq3A_1251, %select_n3A_1275, %select_n3A_1235 : vector<256x128xi1>, vector<256x128xf32>
    %select_n3A_1285 = arith.select %eq3A_1251, %select_n3A_1283, %select_n3A_1236 : vector<256x128xi1>, vector<256x128xi32>
    %reduce_max3A_1286 = arith.constant dense<0xFF800000> : vector<256xf32>
    %reduce_max3A_1287 = vector.multi_reduction <maximumf>, %select_n3A_1284, %reduce_max3A_1286 [1] : vector<256x128xf32> to vector<256xf32>
    %broadcast_in_dim3A_1288 = vector.shape_cast %reduce_max3A_1287 : vector<256xf32> to vector<256x1xf32>
    %eq3A_1289 = vector.broadcast %broadcast_in_dim3A_1288 : vector<256x1xf32> to vector<256x128xf32>
    %eq3A_1290 = arith.cmpf oeq, %select_n3A_1284, %eq3A_1289 : vector<256x128xf32>
    %jit3A_1291 = arith.constant 128 : i32
    %broadcast_in_dim3A_1292 = vector.broadcast %jit3A_1291 : i32 to vector<256x128xi32>
    %select_n3A_1293 = arith.select %eq3A_1290, %iota3A, %broadcast_in_dim3A_1292 : vector<256x128xi1>, vector<256x128xi32>
    %reduce_min3A_1294 = arith.constant dense<2147483647> : vector<256xi32>
    %reduce_min3A_1295 = vector.multi_reduction <minsi>, %select_n3A_1293, %reduce_min3A_1294 [1] : vector<256x128xi32> to vector<256xi32>
    %broadcast_in_dim3A_1296 = vector.shape_cast %reduce_min3A_1295 : vector<256xi32> to vector<256x1xi32>
    %eq3A_1297 = vector.broadcast %broadcast_in_dim3A_1296 : vector<256x1xi32> to vector<256x128xi32>
    %eq3A_1298 = arith.cmpi eq, %iota3A, %eq3A_1297 : vector<256x128xi32>
    %jit3A_1299 = arith.constant 0 : i32
    %broadcast_in_dim3A_1300 = vector.broadcast %jit3A_1299 : i32 to vector<256x128xi32>
    %select_n3A_1301 = arith.select %eq3A_1298, %select_n3A_1285, %broadcast_in_dim3A_1300 : vector<256x128xi1>, vector<256x128xi32>
    %reduce_max3A_1302 = arith.constant dense<-2147483648> : vector<256xi32>
    %reduce_max3A_1303 = vector.multi_reduction <maxsi>, %select_n3A_1301, %reduce_max3A_1302 [1] : vector<256x128xi32> to vector<256xi32>
    %broadcast_in_dim3A_1304 = vector.shape_cast %reduce_max3A_1303 : vector<256xi32> to vector<256x1xi32>
    %mul3A_1305 = arith.constant 128 : i32
    %mul3A_1306 = vector.broadcast %mul3A_1305 : i32 to vector<256x1xi32>
    %mul3A_1307 = arith.muli %broadcast_in_dim3A_1304, %mul3A_1306 : vector<256x1xi32>
    %add3A_1308 = arith.addi %mul3A_1307, %broadcast_in_dim3A_1296 : vector<256x1xi32>
    %add3A_1309 = vector.broadcast %mul3A_23 : i32 to vector<256x1xi32>
    %add3A_1310 = arith.addi %add3A_1308, %add3A_1309 : vector<256x1xi32>
    %concatenate3A = tpu.concatenate %add3A_381, %add3A_430, %add3A_479, %add3A_528, %add3A_577, %add3A_626, %add3A_675, %add3A_724, %add3A_773, %add3A_822, %add3A_871, %add3A_920, %add3A_969, %add3A_1018, %add3A_1067, %add3A_1116, %add3A_1165, %add3A_1214, %add3A_1263, %add3A_1310 in 1 : vector<256x1xi32>, vector<256x1xi32>, vector<256x1xi32>, vector<256x1xi32>, vector<256x1xi32>, vector<256x1xi32>, vector<256x1xi32>, vector<256x1xi32>, vector<256x1xi32>, vector<256x1xi32>, vector<256x1xi32>, vector<256x1xi32>, vector<256x1xi32>, vector<256x1xi32>, vector<256x1xi32>, vector<256x1xi32>, vector<256x1xi32>, vector<256x1xi32>, vector<256x1xi32>, vector<256x1xi32> -> vector<256x20xi32>
    %swap3A = arith.constant 0 : index
    %swap3A_1311 = arith.constant 0 : index
    %swap3A_1312 = vector.load %arg5[%swap3A, %swap3A_1311] : memref<256x20xi32, #tpu.memory_space<vmem>>, vector<256x20xi32>
    tpu.vector_store %arg5[%swap3A, %swap3A_1311], %concatenate3A {strides = array<i32>} : memref<256x20xi32, #tpu.memory_space<vmem>>, vector<256x20xi32>,
    return
  }
  func.func @transform_0(%arg0: i32, %arg1: i32) -> (i32, i32) {
    %add3A = arith.constant 0 : i32
    %add3A_0 = arith.addi %arg0, %add3A : i32
    %mul3A = arith.constant 8 : i32
    %mul3A_1 = arith.muli %add3A_0, %mul3A : i32
    %add3A_2 = arith.addi %mul3A_1, %arg1 : i32
    %c0_i32 = arith.constant 0 : i32
    %c0_i32_3 = arith.constant 0 : i32
    return %add3A_2, %c0_i32 : i32, i32
  }
  func.func @transform_1(%arg0: i32, %arg1: i32) -> (i32, i32) {
    %add3A = arith.constant 0 : i32
    %add3A_0 = arith.addi %arg0, %add3A : i32
    %c0_i32 = arith.constant 0 : i32
    %c0_i32_1 = arith.constant 0 : i32
    return %add3A_0, %c0_i32 : i32, i32
  }
  func.func @transform_2(%arg0: i32, %arg1: i32) -> (i32, i32, i32) {
    %add3A = arith.constant 0 : i32
    %add3A_0 = arith.addi %arg0, %add3A : i32
    %c0_i32 = arith.constant 0 : i32
    %c0_i32_1 = arith.constant 0 : i32
    %c0_i32_2 = arith.constant 0 : i32
    return %add3A_0, %c0_i32, %c0_i32_1 : i32, i32, i32
  }
  func.func @transform_3(%arg0: i32, %arg1: i32) -> (i32, i32) {
    %mul3A = arith.constant 8 : i32
    %mul3A_0 = arith.muli %arg0, %mul3A : i32
    %add3A = arith.addi %mul3A_0, %arg1 : i32
    %c0_i32 = arith.constant 0 : i32
    %c0_i32_1 = arith.constant 0 : i32
    return %add3A, %c0_i32 : i32, i32
  }
}

module attributes {stable_mosaic.version = 14 : i64} {
  func.func @_topk_kernel(%arg0: i32, %arg1: i32, %arg2: memref<256x128xf32, #tpu.memory_space<vmem>>, %arg3: memref<2048x128xf32, #tpu.memory_space<vmem>>, %arg4: memref<1x1x2048xf32, #tpu.memory_space<vmem>>, %arg5: memref<256x20xi32, #tpu.memory_space<vmem>>) attributes {dimension_semantics = [#tpu.dimension_semantics<arbitrary>, #tpu.dimension_semantics<arbitrary>], iteration_bounds = array<i64: 2, 8>, scalar_prefetch = 0 : i64, scratch_operands = 0 : i64, tpu.core_type = #tpu.core_type<tc>, window_params = [{transform_indices = @transform_0, window_bounds = array<i64: 256, 128>}, {transform_indices = @transform_1, window_bounds = array<i64: 2048, 128>}, {transform_indices = @transform_2, window_bounds = array<i64: 1, 1, 2048>}, {transform_indices = @transform_3, window_bounds = array<i64: 256, 20>}]} {
    %add3A = arith.constant 2 : i32
    %add3A_0 = arith.addi %arg0, %add3A : i32
    %get3A = arith.constant 0 : index
    %get3A_1 = arith.constant 0 : index
    %get3A_2 = vector.load %arg2[%get3A, %get3A_1] : memref<256x128xf32, #tpu.memory_space<vmem>>, vector<256x128xf32>
    %get3A_3 = arith.constant 0 : index
    %get3A_4 = arith.constant 0 : index
    %get3A_5 = vector.load %arg3[%get3A_3, %get3A_4] : memref<2048x128xf32, #tpu.memory_space<vmem>>, vector<2048x128xf32>
    %convert_element_type3A = arith.truncf %get3A_2 : vector<256x128xf32> to vector<256x128xbf16>
    %convert_element_type3A_6 = arith.truncf %get3A_5 : vector<2048x128xf32> to vector<2048x128xbf16>
    %dot_general3A = arith.constant dense<0.000000e+00> : vector<256x2048xf32>
    %dot_general3A_7 = tpu.matmul %convert_element_type3A, %convert_element_type3A_6, %dot_general3A {dimension_numbers = #tpu.dot_dimension_numbers<[1], [1], [0], [0], [0, 0, 1, 0], [], []>, transpose_lhs_hint = false} : vector<256x128xbf16>, vector<2048x128xbf16>, vector<256x2048xf32> -> vector<256x2048xf32>
    %mul3A = arith.constant -2.000000e+00 : f32
    %mul3A_8 = vector.broadcast %mul3A : f32 to vector<256x2048xf32>
    %mul3A_9 = arith.mulf %mul3A_8, %dot_general3A_7 : vector<256x2048xf32>
    %get3A_10 = arith.constant 0 : index
    %get3A_11 = arith.constant 0 : index
    %get3A_12 = arith.constant 0 : index
    %get3A_13 = vector.load %arg4[%get3A_10, %get3A_11, %get3A_12] : memref<1x1x2048xf32, #tpu.memory_space<vmem>>, vector<1x1x2048xf32>
    %get3A_14 = vector.shape_cast %get3A_13 : vector<1x1x2048xf32> to vector<1x2048xf32>
    %mul3A_15 = arith.mulf %get3A_2, %get3A_2 : vector<256x128xf32>
    %reduce_sum3A = arith.constant dense<0.000000e+00> : vector<256xf32>
    %reduce_sum3A_16 = vector.multi_reduction <add>, %mul3A_15, %reduce_sum3A [1] : vector<256x128xf32> to vector<256xf32>
    %broadcast_in_dim3A = vector.shape_cast %reduce_sum3A_16 : vector<256xf32> to vector<256x1xf32>
    %neg3A = arith.constant 0.000000e+00 : f32
    %neg3A_17 = vector.broadcast %neg3A : f32 to vector<1x2048xf32>
    %neg3A_18 = arith.subf %neg3A_17, %get3A_14 : vector<1x2048xf32>
    %sub3A = vector.broadcast %neg3A_18 : vector<1x2048xf32> to vector<256x2048xf32>
    %sub3A_19 = arith.subf %sub3A, %mul3A_9 : vector<256x2048xf32>
    %sub3A_20 = vector.broadcast %broadcast_in_dim3A : vector<256x1xf32> to vector<256x2048xf32>
    %sub3A_21 = arith.subf %sub3A_19, %sub3A_20 : vector<256x2048xf32>
    %mul3A_22 = arith.constant 2048 : i32
    %mul3A_23 = arith.muli %add3A_0, %mul3A_22 : i32
    %broadcast_in_dim3A_24 = arith.constant 0xFF800000 : f32
    %broadcast_in_dim3A_25 = vector.broadcast %broadcast_in_dim3A_24 : f32 to vector<256x128xf32>
    %broadcast_in_dim3A_26 = arith.constant 0 : i32
    %broadcast_in_dim3A_27 = vector.broadcast %broadcast_in_dim3A_26 : i32 to vector<256x128xi32>
    %slice3A = vector.extract_strided_slice %sub3A_21 {offsets = [0, 0], sizes = [256, 128], strides = [1, 1]} : vector<256x2048xf32> to vector<256x128xf32>
    %broadcast_in_dim3A_28 = arith.constant 0 : i32
    %broadcast_in_dim3A_29 = vector.broadcast %broadcast_in_dim3A_28 : i32 to vector<256x128xi32>
    %gt3A = arith.cmpf ogt, %slice3A, %broadcast_in_dim3A_25 : vector<256x128xf32>
    %gt3A_30 = arith.cmpf ogt, %slice3A, %broadcast_in_dim3A_25 : vector<256x128xf32>
    %gt3A_31 = arith.cmpf ogt, %slice3A, %broadcast_in_dim3A_25 : vector<256x128xf32>
    %gt3A_32 = arith.cmpf ogt, %slice3A, %broadcast_in_dim3A_25 : vector<256x128xf32>
    %select_n3A = arith.select %gt3A_32, %slice3A, %broadcast_in_dim3A_25 : vector<256x128xi1>, vector<256x128xf32>
    %select_n3A_33 = arith.select %gt3A_31, %broadcast_in_dim3A_25, %select_n3A : vector<256x128xi1>, vector<256x128xf32>
    %select_n3A_34 = arith.select %gt3A_32, %broadcast_in_dim3A_29, %broadcast_in_dim3A_27 : vector<256x128xi1>, vector<256x128xi32>
    %select_n3A_35 = arith.select %gt3A_31, %broadcast_in_dim3A_27, %select_n3A_34 : vector<256x128xi1>, vector<256x128xi32>
    %select_n3A_36 = arith.select %gt3A_31, %slice3A, %broadcast_in_dim3A_25 : vector<256x128xi1>, vector<256x128xf32>
    %select_n3A_37 = arith.select %gt3A_30, %broadcast_in_dim3A_25, %select_n3A_36 : vector<256x128xi1>, vector<256x128xf32>
    %select_n3A_38 = arith.select %gt3A_31, %broadcast_in_dim3A_29, %broadcast_in_dim3A_27 : vector<256x128xi1>, vector<256x128xi32>
    %select_n3A_39 = arith.select %gt3A_30, %broadcast_in_dim3A_27, %select_n3A_38 : vector<256x128xi1>, vector<256x128xi32>
    %select_n3A_40 = arith.select %gt3A_30, %slice3A, %broadcast_in_dim3A_25 : vector<256x128xi1>, vector<256x128xf32>
    %select_n3A_41 = arith.select %gt3A, %broadcast_in_dim3A_25, %select_n3A_40 : vector<256x128xi1>, vector<256x128xf32>
    %select_n3A_42 = arith.select %gt3A_30, %broadcast_in_dim3A_29, %broadcast_in_dim3A_27 : vector<256x128xi1>, vector<256x128xi32>
    %select_n3A_43 = arith.select %gt3A, %broadcast_in_dim3A_27, %select_n3A_42 : vector<256x128xi1>, vector<256x128xi32>
    %select_n3A_44 = arith.select %gt3A, %slice3A, %broadcast_in_dim3A_25 : vector<256x128xi1>, vector<256x128xf32>
    %select_n3A_45 = arith.select %gt3A, %broadcast_in_dim3A_29, %broadcast_in_dim3A_27 : vector<256x128xi1>, vector<256x128xi32>
    %slice3A_46 = vector.extract_strided_slice %sub3A_21 {offsets = [0, 128], sizes = [256, 128], strides = [1, 1]} : vector<256x2048xf32> to vector<256x128xf32>
    %broadcast_in_dim3A_47 = arith.constant 1 : i32
    %broadcast_in_dim3A_48 = vector.broadcast %broadcast_in_dim3A_47 : i32 to vector<256x128xi32>
    %gt3A_49 = arith.cmpf ogt, %slice3A_46, %select_n3A_44 : vector<256x128xf32>
    %gt3A_50 = arith.cmpf ogt, %slice3A_46, %select_n3A_41 : vector<256x128xf32>
    %gt3A_51 = arith.cmpf ogt, %slice3A_46, %select_n3A_37 : vector<256x128xf32>
    %gt3A_52 = arith.cmpf ogt, %slice3A_46, %select_n3A_33 : vector<256x128xf32>
    %select_n3A_53 = arith.select %gt3A_52, %slice3A_46, %select_n3A_33 : vector<256x128xi1>, vector<256x128xf32>
    %select_n3A_54 = arith.select %gt3A_51, %select_n3A_37, %select_n3A_53 : vector<256x128xi1>, vector<256x128xf32>
    %select_n3A_55 = arith.select %gt3A_52, %broadcast_in_dim3A_48, %select_n3A_35 : vector<256x128xi1>, vector<256x128xi32>
    %select_n3A_56 = arith.select %gt3A_51, %select_n3A_39, %select_n3A_55 : vector<256x128xi1>, vector<256x128xi32>
    %select_n3A_57 = arith.select %gt3A_51, %slice3A_46, %select_n3A_37 : vector<256x128xi1>, vector<256x128xf32>
    %select_n3A_58 = arith.select %gt3A_50, %select_n3A_41, %select_n3A_57 : vector<256x128xi1>, vector<256x128xf32>
    %select_n3A_59 = arith.select %gt3A_51, %broadcast_in_dim3A_48, %select_n3A_39 : vector<256x128xi1>, vector<256x128xi32>
    %select_n3A_60 = arith.select %gt3A_50, %select_n3A_43, %select_n3A_59 : vector<256x128xi1>, vector<256x128xi32>
    %select_n3A_61 = arith.select %gt3A_50, %slice3A_46, %select_n3A_41 : vector<256x128xi1>, vector<256x128xf32>
    %select_n3A_62 = arith.select %gt3A_49, %select_n3A_44, %select_n3A_61 : vector<256x128xi1>, vector<256x128xf32>
    %select_n3A_63 = arith.select %gt3A_50, %broadcast_in_dim3A_48, %select_n3A_43 : vector<256x128xi1>, vector<256x128xi32>
    %select_n3A_64 = arith.select %gt3A_49, %select_n3A_45, %select_n3A_63 : vector<256x128xi1>, vector<256x128xi32>
    %select_n3A_65 = arith.select %gt3A_49, %slice3A_46, %select_n3A_44 : vector<256x128xi1>, vector<256x128xf32>
    %select_n3A_66 = arith.select %gt3A_49, %broadcast_in_dim3A_48, %select_n3A_45 : vector<256x128xi1>, vector<256x128xi32>
    %slice3A_67 = vector.extract_strided_slice %sub3A_21 {offsets = [0, 256], sizes = [256, 128], strides = [1, 1]} : vector<256x2048xf32> to vector<256x128xf32>
    %broadcast_in_dim3A_68 = arith.constant 2 : i32
    %broadcast_in_dim3A_69 = vector.broadcast %broadcast_in_dim3A_68 : i32 to vector<256x128xi32>
    %gt3A_70 = arith.cmpf ogt, %slice3A_67, %select_n3A_65 : vector<256x128xf32>
    %gt3A_71 = arith.cmpf ogt, %slice3A_67, %select_n3A_62 : vector<256x128xf32>
    %gt3A_72 = arith.cmpf ogt, %slice3A_67, %select_n3A_58 : vector<256x128xf32>
    %gt3A_73 = arith.cmpf ogt, %slice3A_67, %select_n3A_54 : vector<256x128xf32>
    %select_n3A_74 = arith.select %gt3A_73, %slice3A_67, %select_n3A_54 : vector<256x128xi1>, vector<256x128xf32>
    %select_n3A_75 = arith.select %gt3A_72, %select_n3A_58, %select_n3A_74 : vector<256x128xi1>, vector<256x128xf32>
    %select_n3A_76 = arith.select %gt3A_73, %broadcast_in_dim3A_69, %select_n3A_56 : vector<256x128xi1>, vector<256x128xi32>
    %select_n3A_77 = arith.select %gt3A_72, %select_n3A_60, %select_n3A_76 : vector<256x128xi1>, vector<256x128xi32>
    %select_n3A_78 = arith.select %gt3A_72, %slice3A_67, %select_n3A_58 : vector<256x128xi1>, vector<256x128xf32>
    %select_n3A_79 = arith.select %gt3A_71, %select_n3A_62, %select_n3A_78 : vector<256x128xi1>, vector<256x128xf32>
    %select_n3A_80 = arith.select %gt3A_72, %broadcast_in_dim3A_69, %select_n3A_60 : vector<256x128xi1>, vector<256x128xi32>
    %select_n3A_81 = arith.select %gt3A_71, %select_n3A_64, %select_n3A_80 : vector<256x128xi1>, vector<256x128xi32>
    %select_n3A_82 = arith.select %gt3A_71, %slice3A_67, %select_n3A_62 : vector<256x128xi1>, vector<256x128xf32>
    %select_n3A_83 = arith.select %gt3A_70, %select_n3A_65, %select_n3A_82 : vector<256x128xi1>, vector<256x128xf32>
    %select_n3A_84 = arith.select %gt3A_71, %broadcast_in_dim3A_69, %select_n3A_64 : vector<256x128xi1>, vector<256x128xi32>
    %select_n3A_85 = arith.select %gt3A_70, %select_n3A_66, %select_n3A_84 : vector<256x128xi1>, vector<256x128xi32>
    %select_n3A_86 = arith.select %gt3A_70, %slice3A_67, %select_n3A_65 : vector<256x128xi1>, vector<256x128xf32>
    %select_n3A_87 = arith.select %gt3A_70, %broadcast_in_dim3A_69, %select_n3A_66 : vector<256x128xi1>, vector<256x128xi32>
    %slice3A_88 = vector.extract_strided_slice %sub3A_21 {offsets = [0, 384], sizes = [256, 128], strides = [1, 1]} : vector<256x2048xf32> to vector<256x128xf32>
    %broadcast_in_dim3A_89 = arith.constant 3 : i32
    %broadcast_in_dim3A_90 = vector.broadcast %broadcast_in_dim3A_89 : i32 to vector<256x128xi32>
    %gt3A_91 = arith.cmpf ogt, %slice3A_88, %select_n3A_86 : vector<256x128xf32>
    %gt3A_92 = arith.cmpf ogt, %slice3A_88, %select_n3A_83 : vector<256x128xf32>
    %gt3A_93 = arith.cmpf ogt, %slice3A_88, %select_n3A_79 : vector<256x128xf32>
    %gt3A_94 = arith.cmpf ogt, %slice3A_88, %select_n3A_75 : vector<256x128xf32>
    %select_n3A_95 = arith.select %gt3A_94, %slice3A_88, %select_n3A_75 : vector<256x128xi1>, vector<256x128xf32>
    %select_n3A_96 = arith.select %gt3A_93, %select_n3A_79, %select_n3A_95 : vector<256x128xi1>, vector<256x128xf32>
    %select_n3A_97 = arith.select %gt3A_94, %broadcast_in_dim3A_90, %select_n3A_77 : vector<256x128xi1>, vector<256x128xi32>
    %select_n3A_98 = arith.select %gt3A_93, %select_n3A_81, %select_n3A_97 : vector<256x128xi1>, vector<256x128xi32>
    %select_n3A_99 = arith.select %gt3A_93, %slice3A_88, %select_n3A_79 : vector<256x128xi1>, vector<256x128xf32>
    %select_n3A_100 = arith.select %gt3A_92, %select_n3A_83, %select_n3A_99 : vector<256x128xi1>, vector<256x128xf32>
    %select_n3A_101 = arith.select %gt3A_93, %broadcast_in_dim3A_90, %select_n3A_81 : vector<256x128xi1>, vector<256x128xi32>
    %select_n3A_102 = arith.select %gt3A_92, %select_n3A_85, %select_n3A_101 : vector<256x128xi1>, vector<256x128xi32>
    %select_n3A_103 = arith.select %gt3A_92, %slice3A_88, %select_n3A_83 : vector<256x128xi1>, vector<256x128xf32>
    %select_n3A_104 = arith.select %gt3A_91, %select_n3A_86, %select_n3A_103 : vector<256x128xi1>, vector<256x128xf32>
    %select_n3A_105 = arith.select %gt3A_92, %broadcast_in_dim3A_90, %select_n3A_85 : vector<256x128xi1>, vector<256x128xi32>
    %select_n3A_106 = arith.select %gt3A_91, %select_n3A_87, %select_n3A_105 : vector<256x128xi1>, vector<256x128xi32>
    %select_n3A_107 = arith.select %gt3A_91, %slice3A_88, %select_n3A_86 : vector<256x128xi1>, vector<256x128xf32>
    %select_n3A_108 = arith.select %gt3A_91, %broadcast_in_dim3A_90, %select_n3A_87 : vector<256x128xi1>, vector<256x128xi32>
    %slice3A_109 = vector.extract_strided_slice %sub3A_21 {offsets = [0, 512], sizes = [256, 128], strides = [1, 1]} : vector<256x2048xf32> to vector<256x128xf32>
    %broadcast_in_dim3A_110 = arith.constant 4 : i32
    %broadcast_in_dim3A_111 = vector.broadcast %broadcast_in_dim3A_110 : i32 to vector<256x128xi32>
    %gt3A_112 = arith.cmpf ogt, %slice3A_109, %select_n3A_107 : vector<256x128xf32>
    %gt3A_113 = arith.cmpf ogt, %slice3A_109, %select_n3A_104 : vector<256x128xf32>
    %gt3A_114 = arith.cmpf ogt, %slice3A_109, %select_n3A_100 : vector<256x128xf32>
    %gt3A_115 = arith.cmpf ogt, %slice3A_109, %select_n3A_96 : vector<256x128xf32>
    %select_n3A_116 = arith.select %gt3A_115, %slice3A_109, %select_n3A_96 : vector<256x128xi1>, vector<256x128xf32>
    %select_n3A_117 = arith.select %gt3A_114, %select_n3A_100, %select_n3A_116 : vector<256x128xi1>, vector<256x128xf32>
    %select_n3A_118 = arith.select %gt3A_115, %broadcast_in_dim3A_111, %select_n3A_98 : vector<256x128xi1>, vector<256x128xi32>
    %select_n3A_119 = arith.select %gt3A_114, %select_n3A_102, %select_n3A_118 : vector<256x128xi1>, vector<256x128xi32>
    %select_n3A_120 = arith.select %gt3A_114, %slice3A_109, %select_n3A_100 : vector<256x128xi1>, vector<256x128xf32>
    %select_n3A_121 = arith.select %gt3A_113, %select_n3A_104, %select_n3A_120 : vector<256x128xi1>, vector<256x128xf32>
    %select_n3A_122 = arith.select %gt3A_114, %broadcast_in_dim3A_111, %select_n3A_102 : vector<256x128xi1>, vector<256x128xi32>
    %select_n3A_123 = arith.select %gt3A_113, %select_n3A_106, %select_n3A_122 : vector<256x128xi1>, vector<256x128xi32>
    %select_n3A_124 = arith.select %gt3A_113, %slice3A_109, %select_n3A_104 : vector<256x128xi1>, vector<256x128xf32>
    %select_n3A_125 = arith.select %gt3A_112, %select_n3A_107, %select_n3A_124 : vector<256x128xi1>, vector<256x128xf32>
    %select_n3A_126 = arith.select %gt3A_113, %broadcast_in_dim3A_111, %select_n3A_106 : vector<256x128xi1>, vector<256x128xi32>
    %select_n3A_127 = arith.select %gt3A_112, %select_n3A_108, %select_n3A_126 : vector<256x128xi1>, vector<256x128xi32>
    %select_n3A_128 = arith.select %gt3A_112, %slice3A_109, %select_n3A_107 : vector<256x128xi1>, vector<256x128xf32>
    %select_n3A_129 = arith.select %gt3A_112, %broadcast_in_dim3A_111, %select_n3A_108 : vector<256x128xi1>, vector<256x128xi32>
    %slice3A_130 = vector.extract_strided_slice %sub3A_21 {offsets = [0, 640], sizes = [256, 128], strides = [1, 1]} : vector<256x2048xf32> to vector<256x128xf32>
    %broadcast_in_dim3A_131 = arith.constant 5 : i32
    %broadcast_in_dim3A_132 = vector.broadcast %broadcast_in_dim3A_131 : i32 to vector<256x128xi32>
    %gt3A_133 = arith.cmpf ogt, %slice3A_130, %select_n3A_128 : vector<256x128xf32>
    %gt3A_134 = arith.cmpf ogt, %slice3A_130, %select_n3A_125 : vector<256x128xf32>
    %gt3A_135 = arith.cmpf ogt, %slice3A_130, %select_n3A_121 : vector<256x128xf32>
    %gt3A_136 = arith.cmpf ogt, %slice3A_130, %select_n3A_117 : vector<256x128xf32>
    %select_n3A_137 = arith.select %gt3A_136, %slice3A_130, %select_n3A_117 : vector<256x128xi1>, vector<256x128xf32>
    %select_n3A_138 = arith.select %gt3A_135, %select_n3A_121, %select_n3A_137 : vector<256x128xi1>, vector<256x128xf32>
    %select_n3A_139 = arith.select %gt3A_136, %broadcast_in_dim3A_132, %select_n3A_119 : vector<256x128xi1>, vector<256x128xi32>
    %select_n3A_140 = arith.select %gt3A_135, %select_n3A_123, %select_n3A_139 : vector<256x128xi1>, vector<256x128xi32>
    %select_n3A_141 = arith.select %gt3A_135, %slice3A_130, %select_n3A_121 : vector<256x128xi1>, vector<256x128xf32>
    %select_n3A_142 = arith.select %gt3A_134, %select_n3A_125, %select_n3A_141 : vector<256x128xi1>, vector<256x128xf32>
    %select_n3A_143 = arith.select %gt3A_135, %broadcast_in_dim3A_132, %select_n3A_123 : vector<256x128xi1>, vector<256x128xi32>
    %select_n3A_144 = arith.select %gt3A_134, %select_n3A_127, %select_n3A_143 : vector<256x128xi1>, vector<256x128xi32>
    %select_n3A_145 = arith.select %gt3A_134, %slice3A_130, %select_n3A_125 : vector<256x128xi1>, vector<256x128xf32>
    %select_n3A_146 = arith.select %gt3A_133, %select_n3A_128, %select_n3A_145 : vector<256x128xi1>, vector<256x128xf32>
    %select_n3A_147 = arith.select %gt3A_134, %broadcast_in_dim3A_132, %select_n3A_127 : vector<256x128xi1>, vector<256x128xi32>
    %select_n3A_148 = arith.select %gt3A_133, %select_n3A_129, %select_n3A_147 : vector<256x128xi1>, vector<256x128xi32>
    %select_n3A_149 = arith.select %gt3A_133, %slice3A_130, %select_n3A_128 : vector<256x128xi1>, vector<256x128xf32>
    %select_n3A_150 = arith.select %gt3A_133, %broadcast_in_dim3A_132, %select_n3A_129 : vector<256x128xi1>, vector<256x128xi32>
    %slice3A_151 = vector.extract_strided_slice %sub3A_21 {offsets = [0, 768], sizes = [256, 128], strides = [1, 1]} : vector<256x2048xf32> to vector<256x128xf32>
    %broadcast_in_dim3A_152 = arith.constant 6 : i32
    %broadcast_in_dim3A_153 = vector.broadcast %broadcast_in_dim3A_152 : i32 to vector<256x128xi32>
    %gt3A_154 = arith.cmpf ogt, %slice3A_151, %select_n3A_149 : vector<256x128xf32>
    %gt3A_155 = arith.cmpf ogt, %slice3A_151, %select_n3A_146 : vector<256x128xf32>
    %gt3A_156 = arith.cmpf ogt, %slice3A_151, %select_n3A_142 : vector<256x128xf32>
    %gt3A_157 = arith.cmpf ogt, %slice3A_151, %select_n3A_138 : vector<256x128xf32>
    %select_n3A_158 = arith.select %gt3A_157, %slice3A_151, %select_n3A_138 : vector<256x128xi1>, vector<256x128xf32>
    %select_n3A_159 = arith.select %gt3A_156, %select_n3A_142, %select_n3A_158 : vector<256x128xi1>, vector<256x128xf32>
    %select_n3A_160 = arith.select %gt3A_157, %broadcast_in_dim3A_153, %select_n3A_140 : vector<256x128xi1>, vector<256x128xi32>
    %select_n3A_161 = arith.select %gt3A_156, %select_n3A_144, %select_n3A_160 : vector<256x128xi1>, vector<256x128xi32>
    %select_n3A_162 = arith.select %gt3A_156, %slice3A_151, %select_n3A_142 : vector<256x128xi1>, vector<256x128xf32>
    %select_n3A_163 = arith.select %gt3A_155, %select_n3A_146, %select_n3A_162 : vector<256x128xi1>, vector<256x128xf32>
    %select_n3A_164 = arith.select %gt3A_156, %broadcast_in_dim3A_153, %select_n3A_144 : vector<256x128xi1>, vector<256x128xi32>
    %select_n3A_165 = arith.select %gt3A_155, %select_n3A_148, %select_n3A_164 : vector<256x128xi1>, vector<256x128xi32>
    %select_n3A_166 = arith.select %gt3A_155, %slice3A_151, %select_n3A_146 : vector<256x128xi1>, vector<256x128xf32>
    %select_n3A_167 = arith.select %gt3A_154, %select_n3A_149, %select_n3A_166 : vector<256x128xi1>, vector<256x128xf32>
    %select_n3A_168 = arith.select %gt3A_155, %broadcast_in_dim3A_153, %select_n3A_148 : vector<256x128xi1>, vector<256x128xi32>
    %select_n3A_169 = arith.select %gt3A_154, %select_n3A_150, %select_n3A_168 : vector<256x128xi1>, vector<256x128xi32>
    %select_n3A_170 = arith.select %gt3A_154, %slice3A_151, %select_n3A_149 : vector<256x128xi1>, vector<256x128xf32>
    %select_n3A_171 = arith.select %gt3A_154, %broadcast_in_dim3A_153, %select_n3A_150 : vector<256x128xi1>, vector<256x128xi32>
    %slice3A_172 = vector.extract_strided_slice %sub3A_21 {offsets = [0, 896], sizes = [256, 128], strides = [1, 1]} : vector<256x2048xf32> to vector<256x128xf32>
    %broadcast_in_dim3A_173 = arith.constant 7 : i32
    %broadcast_in_dim3A_174 = vector.broadcast %broadcast_in_dim3A_173 : i32 to vector<256x128xi32>
    %gt3A_175 = arith.cmpf ogt, %slice3A_172, %select_n3A_170 : vector<256x128xf32>
    %gt3A_176 = arith.cmpf ogt, %slice3A_172, %select_n3A_167 : vector<256x128xf32>
    %gt3A_177 = arith.cmpf ogt, %slice3A_172, %select_n3A_163 : vector<256x128xf32>
    %gt3A_178 = arith.cmpf ogt, %slice3A_172, %select_n3A_159 : vector<256x128xf32>
    %select_n3A_179 = arith.select %gt3A_178, %slice3A_172, %select_n3A_159 : vector<256x128xi1>, vector<256x128xf32>
    %select_n3A_180 = arith.select %gt3A_177, %select_n3A_163, %select_n3A_179 : vector<256x128xi1>, vector<256x128xf32>
    %select_n3A_181 = arith.select %gt3A_178, %broadcast_in_dim3A_174, %select_n3A_161 : vector<256x128xi1>, vector<256x128xi32>
    %select_n3A_182 = arith.select %gt3A_177, %select_n3A_165, %select_n3A_181 : vector<256x128xi1>, vector<256x128xi32>
    %select_n3A_183 = arith.select %gt3A_177, %slice3A_172, %select_n3A_163 : vector<256x128xi1>, vector<256x128xf32>
    %select_n3A_184 = arith.select %gt3A_176, %select_n3A_167, %select_n3A_183 : vector<256x128xi1>, vector<256x128xf32>
    %select_n3A_185 = arith.select %gt3A_177, %broadcast_in_dim3A_174, %select_n3A_165 : vector<256x128xi1>, vector<256x128xi32>
    %select_n3A_186 = arith.select %gt3A_176, %select_n3A_169, %select_n3A_185 : vector<256x128xi1>, vector<256x128xi32>
    %select_n3A_187 = arith.select %gt3A_176, %slice3A_172, %select_n3A_167 : vector<256x128xi1>, vector<256x128xf32>
    %select_n3A_188 = arith.select %gt3A_175, %select_n3A_170, %select_n3A_187 : vector<256x128xi1>, vector<256x128xf32>
    %select_n3A_189 = arith.select %gt3A_176, %broadcast_in_dim3A_174, %select_n3A_169 : vector<256x128xi1>, vector<256x128xi32>
    %select_n3A_190 = arith.select %gt3A_175, %select_n3A_171, %select_n3A_189 : vector<256x128xi1>, vector<256x128xi32>
    %select_n3A_191 = arith.select %gt3A_175, %slice3A_172, %select_n3A_170 : vector<256x128xi1>, vector<256x128xf32>
    %select_n3A_192 = arith.select %gt3A_175, %broadcast_in_dim3A_174, %select_n3A_171 : vector<256x128xi1>, vector<256x128xi32>
    %slice3A_193 = vector.extract_strided_slice %sub3A_21 {offsets = [0, 1024], sizes = [256, 128], strides = [1, 1]} : vector<256x2048xf32> to vector<256x128xf32>
    %broadcast_in_dim3A_194 = arith.constant 8 : i32
    %broadcast_in_dim3A_195 = vector.broadcast %broadcast_in_dim3A_194 : i32 to vector<256x128xi32>
    %gt3A_196 = arith.cmpf ogt, %slice3A_193, %select_n3A_191 : vector<256x128xf32>
    %gt3A_197 = arith.cmpf ogt, %slice3A_193, %select_n3A_188 : vector<256x128xf32>
    %gt3A_198 = arith.cmpf ogt, %slice3A_193, %select_n3A_184 : vector<256x128xf32>
    %gt3A_199 = arith.cmpf ogt, %slice3A_193, %select_n3A_180 : vector<256x128xf32>
    %select_n3A_200 = arith.select %gt3A_199, %slice3A_193, %select_n3A_180 : vector<256x128xi1>, vector<256x128xf32>
    %select_n3A_201 = arith.select %gt3A_198, %select_n3A_184, %select_n3A_200 : vector<256x128xi1>, vector<256x128xf32>
    %select_n3A_202 = arith.select %gt3A_199, %broadcast_in_dim3A_195, %select_n3A_182 : vector<256x128xi1>, vector<256x128xi32>
    %select_n3A_203 = arith.select %gt3A_198, %select_n3A_186, %select_n3A_202 : vector<256x128xi1>, vector<256x128xi32>
    %select_n3A_204 = arith.select %gt3A_198, %slice3A_193, %select_n3A_184 : vector<256x128xi1>, vector<256x128xf32>
    %select_n3A_205 = arith.select %gt3A_197, %select_n3A_188, %select_n3A_204 : vector<256x128xi1>, vector<256x128xf32>
    %select_n3A_206 = arith.select %gt3A_198, %broadcast_in_dim3A_195, %select_n3A_186 : vector<256x128xi1>, vector<256x128xi32>
    %select_n3A_207 = arith.select %gt3A_197, %select_n3A_190, %select_n3A_206 : vector<256x128xi1>, vector<256x128xi32>
    %select_n3A_208 = arith.select %gt3A_197, %slice3A_193, %select_n3A_188 : vector<256x128xi1>, vector<256x128xf32>
    %select_n3A_209 = arith.select %gt3A_196, %select_n3A_191, %select_n3A_208 : vector<256x128xi1>, vector<256x128xf32>
    %select_n3A_210 = arith.select %gt3A_197, %broadcast_in_dim3A_195, %select_n3A_190 : vector<256x128xi1>, vector<256x128xi32>
    %select_n3A_211 = arith.select %gt3A_196, %select_n3A_192, %select_n3A_210 : vector<256x128xi1>, vector<256x128xi32>
    %select_n3A_212 = arith.select %gt3A_196, %slice3A_193, %select_n3A_191 : vector<256x128xi1>, vector<256x128xf32>
    %select_n3A_213 = arith.select %gt3A_196, %broadcast_in_dim3A_195, %select_n3A_192 : vector<256x128xi1>, vector<256x128xi32>
    %slice3A_214 = vector.extract_strided_slice %sub3A_21 {offsets = [0, 1152], sizes = [256, 128], strides = [1, 1]} : vector<256x2048xf32> to vector<256x128xf32>
    %broadcast_in_dim3A_215 = arith.constant 9 : i32
    %broadcast_in_dim3A_216 = vector.broadcast %broadcast_in_dim3A_215 : i32 to vector<256x128xi32>
    %gt3A_217 = arith.cmpf ogt, %slice3A_214, %select_n3A_212 : vector<256x128xf32>
    %gt3A_218 = arith.cmpf ogt, %slice3A_214, %select_n3A_209 : vector<256x128xf32>
    %gt3A_219 = arith.cmpf ogt, %slice3A_214, %select_n3A_205 : vector<256x128xf32>
    %gt3A_220 = arith.cmpf ogt, %slice3A_214, %select_n3A_201 : vector<256x128xf32>
    %select_n3A_221 = arith.select %gt3A_220, %slice3A_214, %select_n3A_201 : vector<256x128xi1>, vector<256x128xf32>
    %select_n3A_222 = arith.select %gt3A_219, %select_n3A_205, %select_n3A_221 : vector<256x128xi1>, vector<256x128xf32>
    %select_n3A_223 = arith.select %gt3A_220, %broadcast_in_dim3A_216, %select_n3A_203 : vector<256x128xi1>, vector<256x128xi32>
    %select_n3A_224 = arith.select %gt3A_219, %select_n3A_207, %select_n3A_223 : vector<256x128xi1>, vector<256x128xi32>
    %select_n3A_225 = arith.select %gt3A_219, %slice3A_214, %select_n3A_205 : vector<256x128xi1>, vector<256x128xf32>
    %select_n3A_226 = arith.select %gt3A_218, %select_n3A_209, %select_n3A_225 : vector<256x128xi1>, vector<256x128xf32>
    %select_n3A_227 = arith.select %gt3A_219, %broadcast_in_dim3A_216, %select_n3A_207 : vector<256x128xi1>, vector<256x128xi32>
    %select_n3A_228 = arith.select %gt3A_218, %select_n3A_211, %select_n3A_227 : vector<256x128xi1>, vector<256x128xi32>
    %select_n3A_229 = arith.select %gt3A_218, %slice3A_214, %select_n3A_209 : vector<256x128xi1>, vector<256x128xf32>
    %select_n3A_230 = arith.select %gt3A_217, %select_n3A_212, %select_n3A_229 : vector<256x128xi1>, vector<256x128xf32>
    %select_n3A_231 = arith.select %gt3A_218, %broadcast_in_dim3A_216, %select_n3A_211 : vector<256x128xi1>, vector<256x128xi32>
    %select_n3A_232 = arith.select %gt3A_217, %select_n3A_213, %select_n3A_231 : vector<256x128xi1>, vector<256x128xi32>
    %select_n3A_233 = arith.select %gt3A_217, %slice3A_214, %select_n3A_212 : vector<256x128xi1>, vector<256x128xf32>
    %select_n3A_234 = arith.select %gt3A_217, %broadcast_in_dim3A_216, %select_n3A_213 : vector<256x128xi1>, vector<256x128xi32>
    %slice3A_235 = vector.extract_strided_slice %sub3A_21 {offsets = [0, 1280], sizes = [256, 128], strides = [1, 1]} : vector<256x2048xf32> to vector<256x128xf32>
    %broadcast_in_dim3A_236 = arith.constant 10 : i32
    %broadcast_in_dim3A_237 = vector.broadcast %broadcast_in_dim3A_236 : i32 to vector<256x128xi32>
    %gt3A_238 = arith.cmpf ogt, %slice3A_235, %select_n3A_233 : vector<256x128xf32>
    %gt3A_239 = arith.cmpf ogt, %slice3A_235, %select_n3A_230 : vector<256x128xf32>
    %gt3A_240 = arith.cmpf ogt, %slice3A_235, %select_n3A_226 : vector<256x128xf32>
    %gt3A_241 = arith.cmpf ogt, %slice3A_235, %select_n3A_222 : vector<256x128xf32>
    %select_n3A_242 = arith.select %gt3A_241, %slice3A_235, %select_n3A_222 : vector<256x128xi1>, vector<256x128xf32>
    %select_n3A_243 = arith.select %gt3A_240, %select_n3A_226, %select_n3A_242 : vector<256x128xi1>, vector<256x128xf32>
    %select_n3A_244 = arith.select %gt3A_241, %broadcast_in_dim3A_237, %select_n3A_224 : vector<256x128xi1>, vector<256x128xi32>
    %select_n3A_245 = arith.select %gt3A_240, %select_n3A_228, %select_n3A_244 : vector<256x128xi1>, vector<256x128xi32>
    %select_n3A_246 = arith.select %gt3A_240, %slice3A_235, %select_n3A_226 : vector<256x128xi1>, vector<256x128xf32>
    %select_n3A_247 = arith.select %gt3A_239, %select_n3A_230, %select_n3A_246 : vector<256x128xi1>, vector<256x128xf32>
    %select_n3A_248 = arith.select %gt3A_240, %broadcast_in_dim3A_237, %select_n3A_228 : vector<256x128xi1>, vector<256x128xi32>
    %select_n3A_249 = arith.select %gt3A_239, %select_n3A_232, %select_n3A_248 : vector<256x128xi1>, vector<256x128xi32>
    %select_n3A_250 = arith.select %gt3A_239, %slice3A_235, %select_n3A_230 : vector<256x128xi1>, vector<256x128xf32>
    %select_n3A_251 = arith.select %gt3A_238, %select_n3A_233, %select_n3A_250 : vector<256x128xi1>, vector<256x128xf32>
    %select_n3A_252 = arith.select %gt3A_239, %broadcast_in_dim3A_237, %select_n3A_232 : vector<256x128xi1>, vector<256x128xi32>
    %select_n3A_253 = arith.select %gt3A_238, %select_n3A_234, %select_n3A_252 : vector<256x128xi1>, vector<256x128xi32>
    %select_n3A_254 = arith.select %gt3A_238, %slice3A_235, %select_n3A_233 : vector<256x128xi1>, vector<256x128xf32>
    %select_n3A_255 = arith.select %gt3A_238, %broadcast_in_dim3A_237, %select_n3A_234 : vector<256x128xi1>, vector<256x128xi32>
    %slice3A_256 = vector.extract_strided_slice %sub3A_21 {offsets = [0, 1408], sizes = [256, 128], strides = [1, 1]} : vector<256x2048xf32> to vector<256x128xf32>
    %broadcast_in_dim3A_257 = arith.constant 11 : i32
    %broadcast_in_dim3A_258 = vector.broadcast %broadcast_in_dim3A_257 : i32 to vector<256x128xi32>
    %gt3A_259 = arith.cmpf ogt, %slice3A_256, %select_n3A_254 : vector<256x128xf32>
    %gt3A_260 = arith.cmpf ogt, %slice3A_256, %select_n3A_251 : vector<256x128xf32>
    %gt3A_261 = arith.cmpf ogt, %slice3A_256, %select_n3A_247 : vector<256x128xf32>
    %gt3A_262 = arith.cmpf ogt, %slice3A_256, %select_n3A_243 : vector<256x128xf32>
    %select_n3A_263 = arith.select %gt3A_262, %slice3A_256, %select_n3A_243 : vector<256x128xi1>, vector<256x128xf32>
    %select_n3A_264 = arith.select %gt3A_261, %select_n3A_247, %select_n3A_263 : vector<256x128xi1>, vector<256x128xf32>
    %select_n3A_265 = arith.select %gt3A_262, %broadcast_in_dim3A_258, %select_n3A_245 : vector<256x128xi1>, vector<256x128xi32>
    %select_n3A_266 = arith.select %gt3A_261, %select_n3A_249, %select_n3A_265 : vector<256x128xi1>, vector<256x128xi32>
    %select_n3A_267 = arith.select %gt3A_261, %slice3A_256, %select_n3A_247 : vector<256x128xi1>, vector<256x128xf32>
    %select_n3A_268 = arith.select %gt3A_260, %select_n3A_251, %select_n3A_267 : vector<256x128xi1>, vector<256x128xf32>
    %select_n3A_269 = arith.select %gt3A_261, %broadcast_in_dim3A_258, %select_n3A_249 : vector<256x128xi1>, vector<256x128xi32>
    %select_n3A_270 = arith.select %gt3A_260, %select_n3A_253, %select_n3A_269 : vector<256x128xi1>, vector<256x128xi32>
    %select_n3A_271 = arith.select %gt3A_260, %slice3A_256, %select_n3A_251 : vector<256x128xi1>, vector<256x128xf32>
    %select_n3A_272 = arith.select %gt3A_259, %select_n3A_254, %select_n3A_271 : vector<256x128xi1>, vector<256x128xf32>
    %select_n3A_273 = arith.select %gt3A_260, %broadcast_in_dim3A_258, %select_n3A_253 : vector<256x128xi1>, vector<256x128xi32>
    %select_n3A_274 = arith.select %gt3A_259, %select_n3A_255, %select_n3A_273 : vector<256x128xi1>, vector<256x128xi32>
    %select_n3A_275 = arith.select %gt3A_259, %slice3A_256, %select_n3A_254 : vector<256x128xi1>, vector<256x128xf32>
    %select_n3A_276 = arith.select %gt3A_259, %broadcast_in_dim3A_258, %select_n3A_255 : vector<256x128xi1>, vector<256x128xi32>
    %slice3A_277 = vector.extract_strided_slice %sub3A_21 {offsets = [0, 1536], sizes = [256, 128], strides = [1, 1]} : vector<256x2048xf32> to vector<256x128xf32>
    %broadcast_in_dim3A_278 = arith.constant 12 : i32
    %broadcast_in_dim3A_279 = vector.broadcast %broadcast_in_dim3A_278 : i32 to vector<256x128xi32>
    %gt3A_280 = arith.cmpf ogt, %slice3A_277, %select_n3A_275 : vector<256x128xf32>
    %gt3A_281 = arith.cmpf ogt, %slice3A_277, %select_n3A_272 : vector<256x128xf32>
    %gt3A_282 = arith.cmpf ogt, %slice3A_277, %select_n3A_268 : vector<256x128xf32>
    %gt3A_283 = arith.cmpf ogt, %slice3A_277, %select_n3A_264 : vector<256x128xf32>
    %select_n3A_284 = arith.select %gt3A_283, %slice3A_277, %select_n3A_264 : vector<256x128xi1>, vector<256x128xf32>
    %select_n3A_285 = arith.select %gt3A_282, %select_n3A_268, %select_n3A_284 : vector<256x128xi1>, vector<256x128xf32>
    %select_n3A_286 = arith.select %gt3A_283, %broadcast_in_dim3A_279, %select_n3A_266 : vector<256x128xi1>, vector<256x128xi32>
    %select_n3A_287 = arith.select %gt3A_282, %select_n3A_270, %select_n3A_286 : vector<256x128xi1>, vector<256x128xi32>
    %select_n3A_288 = arith.select %gt3A_282, %slice3A_277, %select_n3A_268 : vector<256x128xi1>, vector<256x128xf32>
    %select_n3A_289 = arith.select %gt3A_281, %select_n3A_272, %select_n3A_288 : vector<256x128xi1>, vector<256x128xf32>
    %select_n3A_290 = arith.select %gt3A_282, %broadcast_in_dim3A_279, %select_n3A_270 : vector<256x128xi1>, vector<256x128xi32>
    %select_n3A_291 = arith.select %gt3A_281, %select_n3A_274, %select_n3A_290 : vector<256x128xi1>, vector<256x128xi32>
    %select_n3A_292 = arith.select %gt3A_281, %slice3A_277, %select_n3A_272 : vector<256x128xi1>, vector<256x128xf32>
    %select_n3A_293 = arith.select %gt3A_280, %select_n3A_275, %select_n3A_292 : vector<256x128xi1>, vector<256x128xf32>
    %select_n3A_294 = arith.select %gt3A_281, %broadcast_in_dim3A_279, %select_n3A_274 : vector<256x128xi1>, vector<256x128xi32>
    %select_n3A_295 = arith.select %gt3A_280, %select_n3A_276, %select_n3A_294 : vector<256x128xi1>, vector<256x128xi32>
    %select_n3A_296 = arith.select %gt3A_280, %slice3A_277, %select_n3A_275 : vector<256x128xi1>, vector<256x128xf32>
    %select_n3A_297 = arith.select %gt3A_280, %broadcast_in_dim3A_279, %select_n3A_276 : vector<256x128xi1>, vector<256x128xi32>
    %slice3A_298 = vector.extract_strided_slice %sub3A_21 {offsets = [0, 1664], sizes = [256, 128], strides = [1, 1]} : vector<256x2048xf32> to vector<256x128xf32>
    %broadcast_in_dim3A_299 = arith.constant 13 : i32
    %broadcast_in_dim3A_300 = vector.broadcast %broadcast_in_dim3A_299 : i32 to vector<256x128xi32>
    %gt3A_301 = arith.cmpf ogt, %slice3A_298, %select_n3A_296 : vector<256x128xf32>
    %gt3A_302 = arith.cmpf ogt, %slice3A_298, %select_n3A_293 : vector<256x128xf32>
    %gt3A_303 = arith.cmpf ogt, %slice3A_298, %select_n3A_289 : vector<256x128xf32>
    %gt3A_304 = arith.cmpf ogt, %slice3A_298, %select_n3A_285 : vector<256x128xf32>
    %select_n3A_305 = arith.select %gt3A_304, %slice3A_298, %select_n3A_285 : vector<256x128xi1>, vector<256x128xf32>
    %select_n3A_306 = arith.select %gt3A_303, %select_n3A_289, %select_n3A_305 : vector<256x128xi1>, vector<256x128xf32>
    %select_n3A_307 = arith.select %gt3A_304, %broadcast_in_dim3A_300, %select_n3A_287 : vector<256x128xi1>, vector<256x128xi32>
    %select_n3A_308 = arith.select %gt3A_303, %select_n3A_291, %select_n3A_307 : vector<256x128xi1>, vector<256x128xi32>
    %select_n3A_309 = arith.select %gt3A_303, %slice3A_298, %select_n3A_289 : vector<256x128xi1>, vector<256x128xf32>
    %select_n3A_310 = arith.select %gt3A_302, %select_n3A_293, %select_n3A_309 : vector<256x128xi1>, vector<256x128xf32>
    %select_n3A_311 = arith.select %gt3A_303, %broadcast_in_dim3A_300, %select_n3A_291 : vector<256x128xi1>, vector<256x128xi32>
    %select_n3A_312 = arith.select %gt3A_302, %select_n3A_295, %select_n3A_311 : vector<256x128xi1>, vector<256x128xi32>
    %select_n3A_313 = arith.select %gt3A_302, %slice3A_298, %select_n3A_293 : vector<256x128xi1>, vector<256x128xf32>
    %select_n3A_314 = arith.select %gt3A_301, %select_n3A_296, %select_n3A_313 : vector<256x128xi1>, vector<256x128xf32>
    %select_n3A_315 = arith.select %gt3A_302, %broadcast_in_dim3A_300, %select_n3A_295 : vector<256x128xi1>, vector<256x128xi32>
    %select_n3A_316 = arith.select %gt3A_301, %select_n3A_297, %select_n3A_315 : vector<256x128xi1>, vector<256x128xi32>
    %select_n3A_317 = arith.select %gt3A_301, %slice3A_298, %select_n3A_296 : vector<256x128xi1>, vector<256x128xf32>
    %select_n3A_318 = arith.select %gt3A_301, %broadcast_in_dim3A_300, %select_n3A_297 : vector<256x128xi1>, vector<256x128xi32>
    %slice3A_319 = vector.extract_strided_slice %sub3A_21 {offsets = [0, 1792], sizes = [256, 128], strides = [1, 1]} : vector<256x2048xf32> to vector<256x128xf32>
    %broadcast_in_dim3A_320 = arith.constant 14 : i32
    %broadcast_in_dim3A_321 = vector.broadcast %broadcast_in_dim3A_320 : i32 to vector<256x128xi32>
    %gt3A_322 = arith.cmpf ogt, %slice3A_319, %select_n3A_317 : vector<256x128xf32>
    %gt3A_323 = arith.cmpf ogt, %slice3A_319, %select_n3A_314 : vector<256x128xf32>
    %gt3A_324 = arith.cmpf ogt, %slice3A_319, %select_n3A_310 : vector<256x128xf32>
    %gt3A_325 = arith.cmpf ogt, %slice3A_319, %select_n3A_306 : vector<256x128xf32>
    %select_n3A_326 = arith.select %gt3A_325, %slice3A_319, %select_n3A_306 : vector<256x128xi1>, vector<256x128xf32>
    %select_n3A_327 = arith.select %gt3A_324, %select_n3A_310, %select_n3A_326 : vector<256x128xi1>, vector<256x128xf32>
    %select_n3A_328 = arith.select %gt3A_325, %broadcast_in_dim3A_321, %select_n3A_308 : vector<256x128xi1>, vector<256x128xi32>
    %select_n3A_329 = arith.select %gt3A_324, %select_n3A_312, %select_n3A_328 : vector<256x128xi1>, vector<256x128xi32>
    %select_n3A_330 = arith.select %gt3A_324, %slice3A_319, %select_n3A_310 : vector<256x128xi1>, vector<256x128xf32>
    %select_n3A_331 = arith.select %gt3A_323, %select_n3A_314, %select_n3A_330 : vector<256x128xi1>, vector<256x128xf32>
    %select_n3A_332 = arith.select %gt3A_324, %broadcast_in_dim3A_321, %select_n3A_312 : vector<256x128xi1>, vector<256x128xi32>
    %select_n3A_333 = arith.select %gt3A_323, %select_n3A_316, %select_n3A_332 : vector<256x128xi1>, vector<256x128xi32>
    %select_n3A_334 = arith.select %gt3A_323, %slice3A_319, %select_n3A_314 : vector<256x128xi1>, vector<256x128xf32>
    %select_n3A_335 = arith.select %gt3A_322, %select_n3A_317, %select_n3A_334 : vector<256x128xi1>, vector<256x128xf32>
    %select_n3A_336 = arith.select %gt3A_323, %broadcast_in_dim3A_321, %select_n3A_316 : vector<256x128xi1>, vector<256x128xi32>
    %select_n3A_337 = arith.select %gt3A_322, %select_n3A_318, %select_n3A_336 : vector<256x128xi1>, vector<256x128xi32>
    %select_n3A_338 = arith.select %gt3A_322, %slice3A_319, %select_n3A_317 : vector<256x128xi1>, vector<256x128xf32>
    %select_n3A_339 = arith.select %gt3A_322, %broadcast_in_dim3A_321, %select_n3A_318 : vector<256x128xi1>, vector<256x128xi32>
    %slice3A_340 = vector.extract_strided_slice %sub3A_21 {offsets = [0, 1920], sizes = [256, 128], strides = [1, 1]} : vector<256x2048xf32> to vector<256x128xf32>
    %broadcast_in_dim3A_341 = arith.constant 15 : i32
    %broadcast_in_dim3A_342 = vector.broadcast %broadcast_in_dim3A_341 : i32 to vector<256x128xi32>
    %gt3A_343 = arith.cmpf ogt, %slice3A_340, %select_n3A_338 : vector<256x128xf32>
    %gt3A_344 = arith.cmpf ogt, %slice3A_340, %select_n3A_335 : vector<256x128xf32>
    %gt3A_345 = arith.cmpf ogt, %slice3A_340, %select_n3A_331 : vector<256x128xf32>
    %gt3A_346 = arith.cmpf ogt, %slice3A_340, %select_n3A_327 : vector<256x128xf32>
    %select_n3A_347 = arith.select %gt3A_346, %slice3A_340, %select_n3A_327 : vector<256x128xi1>, vector<256x128xf32>
    %select_n3A_348 = arith.select %gt3A_345, %select_n3A_331, %select_n3A_347 : vector<256x128xi1>, vector<256x128xf32>
    %select_n3A_349 = arith.select %gt3A_346, %broadcast_in_dim3A_342, %select_n3A_329 : vector<256x128xi1>, vector<256x128xi32>
    %select_n3A_350 = arith.select %gt3A_345, %select_n3A_333, %select_n3A_349 : vector<256x128xi1>, vector<256x128xi32>
    %select_n3A_351 = arith.select %gt3A_345, %slice3A_340, %select_n3A_331 : vector<256x128xi1>, vector<256x128xf32>
    %select_n3A_352 = arith.select %gt3A_344, %select_n3A_335, %select_n3A_351 : vector<256x128xi1>, vector<256x128xf32>
    %select_n3A_353 = arith.select %gt3A_345, %broadcast_in_dim3A_342, %select_n3A_333 : vector<256x128xi1>, vector<256x128xi32>
    %select_n3A_354 = arith.select %gt3A_344, %select_n3A_337, %select_n3A_353 : vector<256x128xi1>, vector<256x128xi32>
    %select_n3A_355 = arith.select %gt3A_344, %slice3A_340, %select_n3A_335 : vector<256x128xi1>, vector<256x128xf32>
    %select_n3A_356 = arith.select %gt3A_343, %select_n3A_338, %select_n3A_355 : vector<256x128xi1>, vector<256x128xf32>
    %select_n3A_357 = arith.select %gt3A_344, %broadcast_in_dim3A_342, %select_n3A_337 : vector<256x128xi1>, vector<256x128xi32>
    %select_n3A_358 = arith.select %gt3A_343, %select_n3A_339, %select_n3A_357 : vector<256x128xi1>, vector<256x128xi32>
    %select_n3A_359 = arith.select %gt3A_343, %slice3A_340, %select_n3A_338 : vector<256x128xi1>, vector<256x128xf32>
    %select_n3A_360 = arith.select %gt3A_343, %broadcast_in_dim3A_342, %select_n3A_339 : vector<256x128xi1>, vector<256x128xi32>
    %iota3A = tpu.iota {dimensions = array<i32: 1>} : vector<256x128xi32>
    %reduce_max3A = arith.constant dense<0xFF800000> : vector<256xf32>
    %reduce_max3A_361 = vector.multi_reduction <maximumf>, %select_n3A_359, %reduce_max3A [1] : vector<256x128xf32> to vector<256xf32>
    %broadcast_in_dim3A_362 = vector.shape_cast %reduce_max3A_361 : vector<256xf32> to vector<256x1xf32>
    %eq3A = vector.broadcast %broadcast_in_dim3A_362 : vector<256x1xf32> to vector<256x128xf32>
    %eq3A_363 = arith.cmpf oeq, %select_n3A_359, %eq3A : vector<256x128xf32>
    %jit3A = arith.constant 128 : i32
    %broadcast_in_dim3A_364 = vector.broadcast %jit3A : i32 to vector<256x128xi32>
    %select_n3A_365 = arith.select %eq3A_363, %iota3A, %broadcast_in_dim3A_364 : vector<256x128xi1>, vector<256x128xi32>
    %reduce_min3A = arith.constant dense<2147483647> : vector<256xi32>
    %reduce_min3A_366 = vector.multi_reduction <minsi>, %select_n3A_365, %reduce_min3A [1] : vector<256x128xi32> to vector<256xi32>
    %broadcast_in_dim3A_367 = vector.shape_cast %reduce_min3A_366 : vector<256xi32> to vector<256x1xi32>
    %eq3A_368 = vector.broadcast %broadcast_in_dim3A_367 : vector<256x1xi32> to vector<256x128xi32>
    %eq3A_369 = arith.cmpi eq, %iota3A, %eq3A_368 : vector<256x128xi32>
    %jit3A_370 = arith.constant 0 : i32
    %broadcast_in_dim3A_371 = vector.broadcast %jit3A_370 : i32 to vector<256x128xi32>
    %select_n3A_372 = arith.select %eq3A_369, %select_n3A_360, %broadcast_in_dim3A_371 : vector<256x128xi1>, vector<256x128xi32>
    %reduce_max3A_373 = arith.constant dense<-2147483648> : vector<256xi32>
    %reduce_max3A_374 = vector.multi_reduction <maxsi>, %select_n3A_372, %reduce_max3A_373 [1] : vector<256x128xi32> to vector<256xi32>
    %broadcast_in_dim3A_375 = vector.shape_cast %reduce_max3A_374 : vector<256xi32> to vector<256x1xi32>
    %mul3A_376 = arith.constant 128 : i32
    %mul3A_377 = vector.broadcast %mul3A_376 : i32 to vector<256x1xi32>
    %mul3A_378 = arith.muli %broadcast_in_dim3A_375, %mul3A_377 : vector<256x1xi32>
    %add3A_379 = arith.addi %mul3A_378, %broadcast_in_dim3A_367 : vector<256x1xi32>
    %add3A_380 = vector.broadcast %mul3A_23 : i32 to vector<256x1xi32>
    %add3A_381 = arith.addi %add3A_379, %add3A_380 : vector<256x1xi32>
    %eq3A_382 = arith.constant 0 : i32
    %eq3A_383 = vector.broadcast %eq3A_382 : i32 to vector<256x128xi32>
    %eq3A_384 = arith.cmpi eq, %broadcast_in_dim3A_27, %eq3A_383 : vector<256x128xi32>
    %eq3A_385 = arith.constant 1 : i32
    %eq3A_386 = vector.broadcast %eq3A_385 : i32 to vector<256x128xi32>
    %eq3A_387 = arith.cmpi eq, %broadcast_in_dim3A_27, %eq3A_386 : vector<256x128xi32>
    %eq3A_388 = arith.constant 2 : i32
    %eq3A_389 = vector.broadcast %eq3A_388 : i32 to vector<256x128xi32>
    %eq3A_390 = arith.cmpi eq, %broadcast_in_dim3A_27, %eq3A_389 : vector<256x128xi32>
    %select_n3A_391 = arith.select %eq3A_390, %select_n3A_348, %broadcast_in_dim3A_25 : vector<256x128xi1>, vector<256x128xf32>
    %select_n3A_392 = arith.select %eq3A_387, %select_n3A_352, %select_n3A_391 : vector<256x128xi1>, vector<256x128xf32>
    %select_n3A_393 = arith.select %eq3A_384, %select_n3A_356, %select_n3A_392 : vector<256x128xi1>, vector<256x128xf32>
    %eq3A_394 = arith.constant 0 : i32
    %eq3A_395 = vector.broadcast %eq3A_394 : i32 to vector<256x128xi32>
    %eq3A_396 = arith.cmpi eq, %broadcast_in_dim3A_27, %eq3A_395 : vector<256x128xi32>
    %eq3A_397 = arith.constant 1 : i32
    %eq3A_398 = vector.broadcast %eq3A_397 : i32 to vector<256x128xi32>
    %eq3A_399 = arith.cmpi eq, %broadcast_in_dim3A_27, %eq3A_398 : vector<256x128xi32>
    %select_n3A_400 = arith.select %eq3A_399, %select_n3A_354, %select_n3A_350 : vector<256x128xi1>, vector<256x128xi32>
    %select_n3A_401 = arith.select %eq3A_396, %select_n3A_358, %select_n3A_400 : vector<256x128xi1>, vector<256x128xi32>
    %select_n3A_402 = arith.select %eq3A_369, %select_n3A_393, %select_n3A_359 : vector<256x128xi1>, vector<256x128xf32>
    %select_n3A_403 = arith.select %eq3A_369, %select_n3A_401, %select_n3A_360 : vector<256x128xi1>, vector<256x128xi32>
    %convert_element_type3A_404 = arith.extui %eq3A_369 : vector<256x128xi1> to vector<256x128xi32>
    %add3A_405 = arith.addi %broadcast_in_dim3A_27, %convert_element_type3A_404 : vector<256x128xi32>
    %reduce_max3A_406 = arith.constant dense<0xFF800000> : vector<256xf32>
    %reduce_max3A_407 = vector.multi_reduction <maximumf>, %select_n3A_402, %reduce_max3A_406 [1] : vector<256x128xf32> to vector<256xf32>
    %broadcast_in_dim3A_408 = vector.shape_cast %reduce_max3A_407 : vector<256xf32> to vector<256x1xf32>
    %eq3A_409 = vector.broadcast %broadcast_in_dim3A_408 : vector<256x1xf32> to vector<256x128xf32>
    %eq3A_410 = arith.cmpf oeq, %select_n3A_402, %eq3A_409 : vector<256x128xf32>
    %jit3A_411 = arith.constant 128 : i32
    %broadcast_in_dim3A_412 = vector.broadcast %jit3A_411 : i32 to vector<256x128xi32>
    %select_n3A_413 = arith.select %eq3A_410, %iota3A, %broadcast_in_dim3A_412 : vector<256x128xi1>, vector<256x128xi32>
    %reduce_min3A_414 = arith.constant dense<2147483647> : vector<256xi32>
    %reduce_min3A_415 = vector.multi_reduction <minsi>, %select_n3A_413, %reduce_min3A_414 [1] : vector<256x128xi32> to vector<256xi32>
    %broadcast_in_dim3A_416 = vector.shape_cast %reduce_min3A_415 : vector<256xi32> to vector<256x1xi32>
    %eq3A_417 = vector.broadcast %broadcast_in_dim3A_416 : vector<256x1xi32> to vector<256x128xi32>
    %eq3A_418 = arith.cmpi eq, %iota3A, %eq3A_417 : vector<256x128xi32>
    %jit3A_419 = arith.constant 0 : i32
    %broadcast_in_dim3A_420 = vector.broadcast %jit3A_419 : i32 to vector<256x128xi32>
    %select_n3A_421 = arith.select %eq3A_418, %select_n3A_403, %broadcast_in_dim3A_420 : vector<256x128xi1>, vector<256x128xi32>
    %reduce_max3A_422 = arith.constant dense<-2147483648> : vector<256xi32>
    %reduce_max3A_423 = vector.multi_reduction <maxsi>, %select_n3A_421, %reduce_max3A_422 [1] : vector<256x128xi32> to vector<256xi32>
    %broadcast_in_dim3A_424 = vector.shape_cast %reduce_max3A_423 : vector<256xi32> to vector<256x1xi32>
    %mul3A_425 = arith.constant 128 : i32
    %mul3A_426 = vector.broadcast %mul3A_425 : i32 to vector<256x1xi32>
    %mul3A_427 = arith.muli %broadcast_in_dim3A_424, %mul3A_426 : vector<256x1xi32>
    %add3A_428 = arith.addi %mul3A_427, %broadcast_in_dim3A_416 : vector<256x1xi32>
    %add3A_429 = vector.broadcast %mul3A_23 : i32 to vector<256x1xi32>
    %add3A_430 = arith.addi %add3A_428, %add3A_429 : vector<256x1xi32>
    %eq3A_431 = arith.constant 0 : i32
    %eq3A_432 = vector.broadcast %eq3A_431 : i32 to vector<256x128xi32>
    %eq3A_433 = arith.cmpi eq, %add3A_405, %eq3A_432 : vector<256x128xi32>
    %eq3A_434 = arith.constant 1 : i32
    %eq3A_435 = vector.broadcast %eq3A_434 : i32 to vector<256x128xi32>
    %eq3A_436 = arith.cmpi eq, %add3A_405, %eq3A_435 : vector<256x128xi32>
    %eq3A_437 = arith.constant 2 : i32
    %eq3A_438 = vector.broadcast %eq3A_437 : i32 to vector<256x128xi32>
    %eq3A_439 = arith.cmpi eq, %add3A_405, %eq3A_438 : vector<256x128xi32>
    %select_n3A_440 = arith.select %eq3A_439, %select_n3A_348, %broadcast_in_dim3A_25 : vector<256x128xi1>, vector<256x128xf32>
    %select_n3A_441 = arith.select %eq3A_436, %select_n3A_352, %select_n3A_440 : vector<256x128xi1>, vector<256x128xf32>
    %select_n3A_442 = arith.select %eq3A_433, %select_n3A_356, %select_n3A_441 : vector<256x128xi1>, vector<256x128xf32>
    %eq3A_443 = arith.constant 0 : i32
    %eq3A_444 = vector.broadcast %eq3A_443 : i32 to vector<256x128xi32>
    %eq3A_445 = arith.cmpi eq, %add3A_405, %eq3A_444 : vector<256x128xi32>
    %eq3A_446 = arith.constant 1 : i32
    %eq3A_447 = vector.broadcast %eq3A_446 : i32 to vector<256x128xi32>
    %eq3A_448 = arith.cmpi eq, %add3A_405, %eq3A_447 : vector<256x128xi32>
    %select_n3A_449 = arith.select %eq3A_448, %select_n3A_354, %select_n3A_350 : vector<256x128xi1>, vector<256x128xi32>
    %select_n3A_450 = arith.select %eq3A_445, %select_n3A_358, %select_n3A_449 : vector<256x128xi1>, vector<256x128xi32>
    %select_n3A_451 = arith.select %eq3A_418, %select_n3A_442, %select_n3A_402 : vector<256x128xi1>, vector<256x128xf32>
    %select_n3A_452 = arith.select %eq3A_418, %select_n3A_450, %select_n3A_403 : vector<256x128xi1>, vector<256x128xi32>
    %convert_element_type3A_453 = arith.extui %eq3A_418 : vector<256x128xi1> to vector<256x128xi32>
    %add3A_454 = arith.addi %add3A_405, %convert_element_type3A_453 : vector<256x128xi32>
    %reduce_max3A_455 = arith.constant dense<0xFF800000> : vector<256xf32>
    %reduce_max3A_456 = vector.multi_reduction <maximumf>, %select_n3A_451, %reduce_max3A_455 [1] : vector<256x128xf32> to vector<256xf32>
    %broadcast_in_dim3A_457 = vector.shape_cast %reduce_max3A_456 : vector<256xf32> to vector<256x1xf32>
    %eq3A_458 = vector.broadcast %broadcast_in_dim3A_457 : vector<256x1xf32> to vector<256x128xf32>
    %eq3A_459 = arith.cmpf oeq, %select_n3A_451, %eq3A_458 : vector<256x128xf32>
    %jit3A_460 = arith.constant 128 : i32
    %broadcast_in_dim3A_461 = vector.broadcast %jit3A_460 : i32 to vector<256x128xi32>
    %select_n3A_462 = arith.select %eq3A_459, %iota3A, %broadcast_in_dim3A_461 : vector<256x128xi1>, vector<256x128xi32>
    %reduce_min3A_463 = arith.constant dense<2147483647> : vector<256xi32>
    %reduce_min3A_464 = vector.multi_reduction <minsi>, %select_n3A_462, %reduce_min3A_463 [1] : vector<256x128xi32> to vector<256xi32>
    %broadcast_in_dim3A_465 = vector.shape_cast %reduce_min3A_464 : vector<256xi32> to vector<256x1xi32>
    %eq3A_466 = vector.broadcast %broadcast_in_dim3A_465 : vector<256x1xi32> to vector<256x128xi32>
    %eq3A_467 = arith.cmpi eq, %iota3A, %eq3A_466 : vector<256x128xi32>
    %jit3A_468 = arith.constant 0 : i32
    %broadcast_in_dim3A_469 = vector.broadcast %jit3A_468 : i32 to vector<256x128xi32>
    %select_n3A_470 = arith.select %eq3A_467, %select_n3A_452, %broadcast_in_dim3A_469 : vector<256x128xi1>, vector<256x128xi32>
    %reduce_max3A_471 = arith.constant dense<-2147483648> : vector<256xi32>
    %reduce_max3A_472 = vector.multi_reduction <maxsi>, %select_n3A_470, %reduce_max3A_471 [1] : vector<256x128xi32> to vector<256xi32>
    %broadcast_in_dim3A_473 = vector.shape_cast %reduce_max3A_472 : vector<256xi32> to vector<256x1xi32>
    %mul3A_474 = arith.constant 128 : i32
    %mul3A_475 = vector.broadcast %mul3A_474 : i32 to vector<256x1xi32>
    %mul3A_476 = arith.muli %broadcast_in_dim3A_473, %mul3A_475 : vector<256x1xi32>
    %add3A_477 = arith.addi %mul3A_476, %broadcast_in_dim3A_465 : vector<256x1xi32>
    %add3A_478 = vector.broadcast %mul3A_23 : i32 to vector<256x1xi32>
    %add3A_479 = arith.addi %add3A_477, %add3A_478 : vector<256x1xi32>
    %eq3A_480 = arith.constant 0 : i32
    %eq3A_481 = vector.broadcast %eq3A_480 : i32 to vector<256x128xi32>
    %eq3A_482 = arith.cmpi eq, %add3A_454, %eq3A_481 : vector<256x128xi32>
    %eq3A_483 = arith.constant 1 : i32
    %eq3A_484 = vector.broadcast %eq3A_483 : i32 to vector<256x128xi32>
    %eq3A_485 = arith.cmpi eq, %add3A_454, %eq3A_484 : vector<256x128xi32>
    %eq3A_486 = arith.constant 2 : i32
    %eq3A_487 = vector.broadcast %eq3A_486 : i32 to vector<256x128xi32>
    %eq3A_488 = arith.cmpi eq, %add3A_454, %eq3A_487 : vector<256x128xi32>
    %select_n3A_489 = arith.select %eq3A_488, %select_n3A_348, %broadcast_in_dim3A_25 : vector<256x128xi1>, vector<256x128xf32>
    %select_n3A_490 = arith.select %eq3A_485, %select_n3A_352, %select_n3A_489 : vector<256x128xi1>, vector<256x128xf32>
    %select_n3A_491 = arith.select %eq3A_482, %select_n3A_356, %select_n3A_490 : vector<256x128xi1>, vector<256x128xf32>
    %eq3A_492 = arith.constant 0 : i32
    %eq3A_493 = vector.broadcast %eq3A_492 : i32 to vector<256x128xi32>
    %eq3A_494 = arith.cmpi eq, %add3A_454, %eq3A_493 : vector<256x128xi32>
    %eq3A_495 = arith.constant 1 : i32
    %eq3A_496 = vector.broadcast %eq3A_495 : i32 to vector<256x128xi32>
    %eq3A_497 = arith.cmpi eq, %add3A_454, %eq3A_496 : vector<256x128xi32>
    %select_n3A_498 = arith.select %eq3A_497, %select_n3A_354, %select_n3A_350 : vector<256x128xi1>, vector<256x128xi32>
    %select_n3A_499 = arith.select %eq3A_494, %select_n3A_358, %select_n3A_498 : vector<256x128xi1>, vector<256x128xi32>
    %select_n3A_500 = arith.select %eq3A_467, %select_n3A_491, %select_n3A_451 : vector<256x128xi1>, vector<256x128xf32>
    %select_n3A_501 = arith.select %eq3A_467, %select_n3A_499, %select_n3A_452 : vector<256x128xi1>, vector<256x128xi32>
    %convert_element_type3A_502 = arith.extui %eq3A_467 : vector<256x128xi1> to vector<256x128xi32>
    %add3A_503 = arith.addi %add3A_454, %convert_element_type3A_502 : vector<256x128xi32>
    %reduce_max3A_504 = arith.constant dense<0xFF800000> : vector<256xf32>
    %reduce_max3A_505 = vector.multi_reduction <maximumf>, %select_n3A_500, %reduce_max3A_504 [1] : vector<256x128xf32> to vector<256xf32>
    %broadcast_in_dim3A_506 = vector.shape_cast %reduce_max3A_505 : vector<256xf32> to vector<256x1xf32>
    %eq3A_507 = vector.broadcast %broadcast_in_dim3A_506 : vector<256x1xf32> to vector<256x128xf32>
    %eq3A_508 = arith.cmpf oeq, %select_n3A_500, %eq3A_507 : vector<256x128xf32>
    %jit3A_509 = arith.constant 128 : i32
    %broadcast_in_dim3A_510 = vector.broadcast %jit3A_509 : i32 to vector<256x128xi32>
    %select_n3A_511 = arith.select %eq3A_508, %iota3A, %broadcast_in_dim3A_510 : vector<256x128xi1>, vector<256x128xi32>
    %reduce_min3A_512 = arith.constant dense<2147483647> : vector<256xi32>
    %reduce_min3A_513 = vector.multi_reduction <minsi>, %select_n3A_511, %reduce_min3A_512 [1] : vector<256x128xi32> to vector<256xi32>
    %broadcast_in_dim3A_514 = vector.shape_cast %reduce_min3A_513 : vector<256xi32> to vector<256x1xi32>
    %eq3A_515 = vector.broadcast %broadcast_in_dim3A_514 : vector<256x1xi32> to vector<256x128xi32>
    %eq3A_516 = arith.cmpi eq, %iota3A, %eq3A_515 : vector<256x128xi32>
    %jit3A_517 = arith.constant 0 : i32
    %broadcast_in_dim3A_518 = vector.broadcast %jit3A_517 : i32 to vector<256x128xi32>
    %select_n3A_519 = arith.select %eq3A_516, %select_n3A_501, %broadcast_in_dim3A_518 : vector<256x128xi1>, vector<256x128xi32>
    %reduce_max3A_520 = arith.constant dense<-2147483648> : vector<256xi32>
    %reduce_max3A_521 = vector.multi_reduction <maxsi>, %select_n3A_519, %reduce_max3A_520 [1] : vector<256x128xi32> to vector<256xi32>
    %broadcast_in_dim3A_522 = vector.shape_cast %reduce_max3A_521 : vector<256xi32> to vector<256x1xi32>
    %mul3A_523 = arith.constant 128 : i32
    %mul3A_524 = vector.broadcast %mul3A_523 : i32 to vector<256x1xi32>
    %mul3A_525 = arith.muli %broadcast_in_dim3A_522, %mul3A_524 : vector<256x1xi32>
    %add3A_526 = arith.addi %mul3A_525, %broadcast_in_dim3A_514 : vector<256x1xi32>
    %add3A_527 = vector.broadcast %mul3A_23 : i32 to vector<256x1xi32>
    %add3A_528 = arith.addi %add3A_526, %add3A_527 : vector<256x1xi32>
    %eq3A_529 = arith.constant 0 : i32
    %eq3A_530 = vector.broadcast %eq3A_529 : i32 to vector<256x128xi32>
    %eq3A_531 = arith.cmpi eq, %add3A_503, %eq3A_530 : vector<256x128xi32>
    %eq3A_532 = arith.constant 1 : i32
    %eq3A_533 = vector.broadcast %eq3A_532 : i32 to vector<256x128xi32>
    %eq3A_534 = arith.cmpi eq, %add3A_503, %eq3A_533 : vector<256x128xi32>
    %eq3A_535 = arith.constant 2 : i32
    %eq3A_536 = vector.broadcast %eq3A_535 : i32 to vector<256x128xi32>
    %eq3A_537 = arith.cmpi eq, %add3A_503, %eq3A_536 : vector<256x128xi32>
    %select_n3A_538 = arith.select %eq3A_537, %select_n3A_348, %broadcast_in_dim3A_25 : vector<256x128xi1>, vector<256x128xf32>
    %select_n3A_539 = arith.select %eq3A_534, %select_n3A_352, %select_n3A_538 : vector<256x128xi1>, vector<256x128xf32>
    %select_n3A_540 = arith.select %eq3A_531, %select_n3A_356, %select_n3A_539 : vector<256x128xi1>, vector<256x128xf32>
    %eq3A_541 = arith.constant 0 : i32
    %eq3A_542 = vector.broadcast %eq3A_541 : i32 to vector<256x128xi32>
    %eq3A_543 = arith.cmpi eq, %add3A_503, %eq3A_542 : vector<256x128xi32>
    %eq3A_544 = arith.constant 1 : i32
    %eq3A_545 = vector.broadcast %eq3A_544 : i32 to vector<256x128xi32>
    %eq3A_546 = arith.cmpi eq, %add3A_503, %eq3A_545 : vector<256x128xi32>
    %select_n3A_547 = arith.select %eq3A_546, %select_n3A_354, %select_n3A_350 : vector<256x128xi1>, vector<256x128xi32>
    %select_n3A_548 = arith.select %eq3A_543, %select_n3A_358, %select_n3A_547 : vector<256x128xi1>, vector<256x128xi32>
    %select_n3A_549 = arith.select %eq3A_516, %select_n3A_540, %select_n3A_500 : vector<256x128xi1>, vector<256x128xf32>
    %select_n3A_550 = arith.select %eq3A_516, %select_n3A_548, %select_n3A_501 : vector<256x128xi1>, vector<256x128xi32>
    %convert_element_type3A_551 = arith.extui %eq3A_516 : vector<256x128xi1> to vector<256x128xi32>
    %add3A_552 = arith.addi %add3A_503, %convert_element_type3A_551 : vector<256x128xi32>
    %reduce_max3A_553 = arith.constant dense<0xFF800000> : vector<256xf32>
    %reduce_max3A_554 = vector.multi_reduction <maximumf>, %select_n3A_549, %reduce_max3A_553 [1] : vector<256x128xf32> to vector<256xf32>
    %broadcast_in_dim3A_555 = vector.shape_cast %reduce_max3A_554 : vector<256xf32> to vector<256x1xf32>
    %eq3A_556 = vector.broadcast %broadcast_in_dim3A_555 : vector<256x1xf32> to vector<256x128xf32>
    %eq3A_557 = arith.cmpf oeq, %select_n3A_549, %eq3A_556 : vector<256x128xf32>
    %jit3A_558 = arith.constant 128 : i32
    %broadcast_in_dim3A_559 = vector.broadcast %jit3A_558 : i32 to vector<256x128xi32>
    %select_n3A_560 = arith.select %eq3A_557, %iota3A, %broadcast_in_dim3A_559 : vector<256x128xi1>, vector<256x128xi32>
    %reduce_min3A_561 = arith.constant dense<2147483647> : vector<256xi32>
    %reduce_min3A_562 = vector.multi_reduction <minsi>, %select_n3A_560, %reduce_min3A_561 [1] : vector<256x128xi32> to vector<256xi32>
    %broadcast_in_dim3A_563 = vector.shape_cast %reduce_min3A_562 : vector<256xi32> to vector<256x1xi32>
    %eq3A_564 = vector.broadcast %broadcast_in_dim3A_563 : vector<256x1xi32> to vector<256x128xi32>
    %eq3A_565 = arith.cmpi eq, %iota3A, %eq3A_564 : vector<256x128xi32>
    %jit3A_566 = arith.constant 0 : i32
    %broadcast_in_dim3A_567 = vector.broadcast %jit3A_566 : i32 to vector<256x128xi32>
    %select_n3A_568 = arith.select %eq3A_565, %select_n3A_550, %broadcast_in_dim3A_567 : vector<256x128xi1>, vector<256x128xi32>
    %reduce_max3A_569 = arith.constant dense<-2147483648> : vector<256xi32>
    %reduce_max3A_570 = vector.multi_reduction <maxsi>, %select_n3A_568, %reduce_max3A_569 [1] : vector<256x128xi32> to vector<256xi32>
    %broadcast_in_dim3A_571 = vector.shape_cast %reduce_max3A_570 : vector<256xi32> to vector<256x1xi32>
    %mul3A_572 = arith.constant 128 : i32
    %mul3A_573 = vector.broadcast %mul3A_572 : i32 to vector<256x1xi32>
    %mul3A_574 = arith.muli %broadcast_in_dim3A_571, %mul3A_573 : vector<256x1xi32>
    %add3A_575 = arith.addi %mul3A_574, %broadcast_in_dim3A_563 : vector<256x1xi32>
    %add3A_576 = vector.broadcast %mul3A_23 : i32 to vector<256x1xi32>
    %add3A_577 = arith.addi %add3A_575, %add3A_576 : vector<256x1xi32>
    %eq3A_578 = arith.constant 0 : i32
    %eq3A_579 = vector.broadcast %eq3A_578 : i32 to vector<256x128xi32>
    %eq3A_580 = arith.cmpi eq, %add3A_552, %eq3A_579 : vector<256x128xi32>
    %eq3A_581 = arith.constant 1 : i32
    %eq3A_582 = vector.broadcast %eq3A_581 : i32 to vector<256x128xi32>
    %eq3A_583 = arith.cmpi eq, %add3A_552, %eq3A_582 : vector<256x128xi32>
    %eq3A_584 = arith.constant 2 : i32
    %eq3A_585 = vector.broadcast %eq3A_584 : i32 to vector<256x128xi32>
    %eq3A_586 = arith.cmpi eq, %add3A_552, %eq3A_585 : vector<256x128xi32>
    %select_n3A_587 = arith.select %eq3A_586, %select_n3A_348, %broadcast_in_dim3A_25 : vector<256x128xi1>, vector<256x128xf32>
    %select_n3A_588 = arith.select %eq3A_583, %select_n3A_352, %select_n3A_587 : vector<256x128xi1>, vector<256x128xf32>
    %select_n3A_589 = arith.select %eq3A_580, %select_n3A_356, %select_n3A_588 : vector<256x128xi1>, vector<256x128xf32>
    %eq3A_590 = arith.constant 0 : i32
    %eq3A_591 = vector.broadcast %eq3A_590 : i32 to vector<256x128xi32>
    %eq3A_592 = arith.cmpi eq, %add3A_552, %eq3A_591 : vector<256x128xi32>
    %eq3A_593 = arith.constant 1 : i32
    %eq3A_594 = vector.broadcast %eq3A_593 : i32 to vector<256x128xi32>
    %eq3A_595 = arith.cmpi eq, %add3A_552, %eq3A_594 : vector<256x128xi32>
    %select_n3A_596 = arith.select %eq3A_595, %select_n3A_354, %select_n3A_350 : vector<256x128xi1>, vector<256x128xi32>
    %select_n3A_597 = arith.select %eq3A_592, %select_n3A_358, %select_n3A_596 : vector<256x128xi1>, vector<256x128xi32>
    %select_n3A_598 = arith.select %eq3A_565, %select_n3A_589, %select_n3A_549 : vector<256x128xi1>, vector<256x128xf32>
    %select_n3A_599 = arith.select %eq3A_565, %select_n3A_597, %select_n3A_550 : vector<256x128xi1>, vector<256x128xi32>
    %convert_element_type3A_600 = arith.extui %eq3A_565 : vector<256x128xi1> to vector<256x128xi32>
    %add3A_601 = arith.addi %add3A_552, %convert_element_type3A_600 : vector<256x128xi32>
    %reduce_max3A_602 = arith.constant dense<0xFF800000> : vector<256xf32>
    %reduce_max3A_603 = vector.multi_reduction <maximumf>, %select_n3A_598, %reduce_max3A_602 [1] : vector<256x128xf32> to vector<256xf32>
    %broadcast_in_dim3A_604 = vector.shape_cast %reduce_max3A_603 : vector<256xf32> to vector<256x1xf32>
    %eq3A_605 = vector.broadcast %broadcast_in_dim3A_604 : vector<256x1xf32> to vector<256x128xf32>
    %eq3A_606 = arith.cmpf oeq, %select_n3A_598, %eq3A_605 : vector<256x128xf32>
    %jit3A_607 = arith.constant 128 : i32
    %broadcast_in_dim3A_608 = vector.broadcast %jit3A_607 : i32 to vector<256x128xi32>
    %select_n3A_609 = arith.select %eq3A_606, %iota3A, %broadcast_in_dim3A_608 : vector<256x128xi1>, vector<256x128xi32>
    %reduce_min3A_610 = arith.constant dense<2147483647> : vector<256xi32>
    %reduce_min3A_611 = vector.multi_reduction <minsi>, %select_n3A_609, %reduce_min3A_610 [1] : vector<256x128xi32> to vector<256xi32>
    %broadcast_in_dim3A_612 = vector.shape_cast %reduce_min3A_611 : vector<256xi32> to vector<256x1xi32>
    %eq3A_613 = vector.broadcast %broadcast_in_dim3A_612 : vector<256x1xi32> to vector<256x128xi32>
    %eq3A_614 = arith.cmpi eq, %iota3A, %eq3A_613 : vector<256x128xi32>
    %jit3A_615 = arith.constant 0 : i32
    %broadcast_in_dim3A_616 = vector.broadcast %jit3A_615 : i32 to vector<256x128xi32>
    %select_n3A_617 = arith.select %eq3A_614, %select_n3A_599, %broadcast_in_dim3A_616 : vector<256x128xi1>, vector<256x128xi32>
    %reduce_max3A_618 = arith.constant dense<-2147483648> : vector<256xi32>
    %reduce_max3A_619 = vector.multi_reduction <maxsi>, %select_n3A_617, %reduce_max3A_618 [1] : vector<256x128xi32> to vector<256xi32>
    %broadcast_in_dim3A_620 = vector.shape_cast %reduce_max3A_619 : vector<256xi32> to vector<256x1xi32>
    %mul3A_621 = arith.constant 128 : i32
    %mul3A_622 = vector.broadcast %mul3A_621 : i32 to vector<256x1xi32>
    %mul3A_623 = arith.muli %broadcast_in_dim3A_620, %mul3A_622 : vector<256x1xi32>
    %add3A_624 = arith.addi %mul3A_623, %broadcast_in_dim3A_612 : vector<256x1xi32>
    %add3A_625 = vector.broadcast %mul3A_23 : i32 to vector<256x1xi32>
    %add3A_626 = arith.addi %add3A_624, %add3A_625 : vector<256x1xi32>
    %eq3A_627 = arith.constant 0 : i32
    %eq3A_628 = vector.broadcast %eq3A_627 : i32 to vector<256x128xi32>
    %eq3A_629 = arith.cmpi eq, %add3A_601, %eq3A_628 : vector<256x128xi32>
    %eq3A_630 = arith.constant 1 : i32
    %eq3A_631 = vector.broadcast %eq3A_630 : i32 to vector<256x128xi32>
    %eq3A_632 = arith.cmpi eq, %add3A_601, %eq3A_631 : vector<256x128xi32>
    %eq3A_633 = arith.constant 2 : i32
    %eq3A_634 = vector.broadcast %eq3A_633 : i32 to vector<256x128xi32>
    %eq3A_635 = arith.cmpi eq, %add3A_601, %eq3A_634 : vector<256x128xi32>
    %select_n3A_636 = arith.select %eq3A_635, %select_n3A_348, %broadcast_in_dim3A_25 : vector<256x128xi1>, vector<256x128xf32>
    %select_n3A_637 = arith.select %eq3A_632, %select_n3A_352, %select_n3A_636 : vector<256x128xi1>, vector<256x128xf32>
    %select_n3A_638 = arith.select %eq3A_629, %select_n3A_356, %select_n3A_637 : vector<256x128xi1>, vector<256x128xf32>
    %eq3A_639 = arith.constant 0 : i32
    %eq3A_640 = vector.broadcast %eq3A_639 : i32 to vector<256x128xi32>
    %eq3A_641 = arith.cmpi eq, %add3A_601, %eq3A_640 : vector<256x128xi32>
    %eq3A_642 = arith.constant 1 : i32
    %eq3A_643 = vector.broadcast %eq3A_642 : i32 to vector<256x128xi32>
    %eq3A_644 = arith.cmpi eq, %add3A_601, %eq3A_643 : vector<256x128xi32>
    %select_n3A_645 = arith.select %eq3A_644, %select_n3A_354, %select_n3A_350 : vector<256x128xi1>, vector<256x128xi32>
    %select_n3A_646 = arith.select %eq3A_641, %select_n3A_358, %select_n3A_645 : vector<256x128xi1>, vector<256x128xi32>
    %select_n3A_647 = arith.select %eq3A_614, %select_n3A_638, %select_n3A_598 : vector<256x128xi1>, vector<256x128xf32>
    %select_n3A_648 = arith.select %eq3A_614, %select_n3A_646, %select_n3A_599 : vector<256x128xi1>, vector<256x128xi32>
    %convert_element_type3A_649 = arith.extui %eq3A_614 : vector<256x128xi1> to vector<256x128xi32>
    %add3A_650 = arith.addi %add3A_601, %convert_element_type3A_649 : vector<256x128xi32>
    %reduce_max3A_651 = arith.constant dense<0xFF800000> : vector<256xf32>
    %reduce_max3A_652 = vector.multi_reduction <maximumf>, %select_n3A_647, %reduce_max3A_651 [1] : vector<256x128xf32> to vector<256xf32>
    %broadcast_in_dim3A_653 = vector.shape_cast %reduce_max3A_652 : vector<256xf32> to vector<256x1xf32>
    %eq3A_654 = vector.broadcast %broadcast_in_dim3A_653 : vector<256x1xf32> to vector<256x128xf32>
    %eq3A_655 = arith.cmpf oeq, %select_n3A_647, %eq3A_654 : vector<256x128xf32>
    %jit3A_656 = arith.constant 128 : i32
    %broadcast_in_dim3A_657 = vector.broadcast %jit3A_656 : i32 to vector<256x128xi32>
    %select_n3A_658 = arith.select %eq3A_655, %iota3A, %broadcast_in_dim3A_657 : vector<256x128xi1>, vector<256x128xi32>
    %reduce_min3A_659 = arith.constant dense<2147483647> : vector<256xi32>
    %reduce_min3A_660 = vector.multi_reduction <minsi>, %select_n3A_658, %reduce_min3A_659 [1] : vector<256x128xi32> to vector<256xi32>
    %broadcast_in_dim3A_661 = vector.shape_cast %reduce_min3A_660 : vector<256xi32> to vector<256x1xi32>
    %eq3A_662 = vector.broadcast %broadcast_in_dim3A_661 : vector<256x1xi32> to vector<256x128xi32>
    %eq3A_663 = arith.cmpi eq, %iota3A, %eq3A_662 : vector<256x128xi32>
    %jit3A_664 = arith.constant 0 : i32
    %broadcast_in_dim3A_665 = vector.broadcast %jit3A_664 : i32 to vector<256x128xi32>
    %select_n3A_666 = arith.select %eq3A_663, %select_n3A_648, %broadcast_in_dim3A_665 : vector<256x128xi1>, vector<256x128xi32>
    %reduce_max3A_667 = arith.constant dense<-2147483648> : vector<256xi32>
    %reduce_max3A_668 = vector.multi_reduction <maxsi>, %select_n3A_666, %reduce_max3A_667 [1] : vector<256x128xi32> to vector<256xi32>
    %broadcast_in_dim3A_669 = vector.shape_cast %reduce_max3A_668 : vector<256xi32> to vector<256x1xi32>
    %mul3A_670 = arith.constant 128 : i32
    %mul3A_671 = vector.broadcast %mul3A_670 : i32 to vector<256x1xi32>
    %mul3A_672 = arith.muli %broadcast_in_dim3A_669, %mul3A_671 : vector<256x1xi32>
    %add3A_673 = arith.addi %mul3A_672, %broadcast_in_dim3A_661 : vector<256x1xi32>
    %add3A_674 = vector.broadcast %mul3A_23 : i32 to vector<256x1xi32>
    %add3A_675 = arith.addi %add3A_673, %add3A_674 : vector<256x1xi32>
    %eq3A_676 = arith.constant 0 : i32
    %eq3A_677 = vector.broadcast %eq3A_676 : i32 to vector<256x128xi32>
    %eq3A_678 = arith.cmpi eq, %add3A_650, %eq3A_677 : vector<256x128xi32>
    %eq3A_679 = arith.constant 1 : i32
    %eq3A_680 = vector.broadcast %eq3A_679 : i32 to vector<256x128xi32>
    %eq3A_681 = arith.cmpi eq, %add3A_650, %eq3A_680 : vector<256x128xi32>
    %eq3A_682 = arith.constant 2 : i32
    %eq3A_683 = vector.broadcast %eq3A_682 : i32 to vector<256x128xi32>
    %eq3A_684 = arith.cmpi eq, %add3A_650, %eq3A_683 : vector<256x128xi32>
    %select_n3A_685 = arith.select %eq3A_684, %select_n3A_348, %broadcast_in_dim3A_25 : vector<256x128xi1>, vector<256x128xf32>
    %select_n3A_686 = arith.select %eq3A_681, %select_n3A_352, %select_n3A_685 : vector<256x128xi1>, vector<256x128xf32>
    %select_n3A_687 = arith.select %eq3A_678, %select_n3A_356, %select_n3A_686 : vector<256x128xi1>, vector<256x128xf32>
    %eq3A_688 = arith.constant 0 : i32
    %eq3A_689 = vector.broadcast %eq3A_688 : i32 to vector<256x128xi32>
    %eq3A_690 = arith.cmpi eq, %add3A_650, %eq3A_689 : vector<256x128xi32>
    %eq3A_691 = arith.constant 1 : i32
    %eq3A_692 = vector.broadcast %eq3A_691 : i32 to vector<256x128xi32>
    %eq3A_693 = arith.cmpi eq, %add3A_650, %eq3A_692 : vector<256x128xi32>
    %select_n3A_694 = arith.select %eq3A_693, %select_n3A_354, %select_n3A_350 : vector<256x128xi1>, vector<256x128xi32>
    %select_n3A_695 = arith.select %eq3A_690, %select_n3A_358, %select_n3A_694 : vector<256x128xi1>, vector<256x128xi32>
    %select_n3A_696 = arith.select %eq3A_663, %select_n3A_687, %select_n3A_647 : vector<256x128xi1>, vector<256x128xf32>
    %select_n3A_697 = arith.select %eq3A_663, %select_n3A_695, %select_n3A_648 : vector<256x128xi1>, vector<256x128xi32>
    %convert_element_type3A_698 = arith.extui %eq3A_663 : vector<256x128xi1> to vector<256x128xi32>
    %add3A_699 = arith.addi %add3A_650, %convert_element_type3A_698 : vector<256x128xi32>
    %reduce_max3A_700 = arith.constant dense<0xFF800000> : vector<256xf32>
    %reduce_max3A_701 = vector.multi_reduction <maximumf>, %select_n3A_696, %reduce_max3A_700 [1] : vector<256x128xf32> to vector<256xf32>
    %broadcast_in_dim3A_702 = vector.shape_cast %reduce_max3A_701 : vector<256xf32> to vector<256x1xf32>
    %eq3A_703 = vector.broadcast %broadcast_in_dim3A_702 : vector<256x1xf32> to vector<256x128xf32>
    %eq3A_704 = arith.cmpf oeq, %select_n3A_696, %eq3A_703 : vector<256x128xf32>
    %jit3A_705 = arith.constant 128 : i32
    %broadcast_in_dim3A_706 = vector.broadcast %jit3A_705 : i32 to vector<256x128xi32>
    %select_n3A_707 = arith.select %eq3A_704, %iota3A, %broadcast_in_dim3A_706 : vector<256x128xi1>, vector<256x128xi32>
    %reduce_min3A_708 = arith.constant dense<2147483647> : vector<256xi32>
    %reduce_min3A_709 = vector.multi_reduction <minsi>, %select_n3A_707, %reduce_min3A_708 [1] : vector<256x128xi32> to vector<256xi32>
    %broadcast_in_dim3A_710 = vector.shape_cast %reduce_min3A_709 : vector<256xi32> to vector<256x1xi32>
    %eq3A_711 = vector.broadcast %broadcast_in_dim3A_710 : vector<256x1xi32> to vector<256x128xi32>
    %eq3A_712 = arith.cmpi eq, %iota3A, %eq3A_711 : vector<256x128xi32>
    %jit3A_713 = arith.constant 0 : i32
    %broadcast_in_dim3A_714 = vector.broadcast %jit3A_713 : i32 to vector<256x128xi32>
    %select_n3A_715 = arith.select %eq3A_712, %select_n3A_697, %broadcast_in_dim3A_714 : vector<256x128xi1>, vector<256x128xi32>
    %reduce_max3A_716 = arith.constant dense<-2147483648> : vector<256xi32>
    %reduce_max3A_717 = vector.multi_reduction <maxsi>, %select_n3A_715, %reduce_max3A_716 [1] : vector<256x128xi32> to vector<256xi32>
    %broadcast_in_dim3A_718 = vector.shape_cast %reduce_max3A_717 : vector<256xi32> to vector<256x1xi32>
    %mul3A_719 = arith.constant 128 : i32
    %mul3A_720 = vector.broadcast %mul3A_719 : i32 to vector<256x1xi32>
    %mul3A_721 = arith.muli %broadcast_in_dim3A_718, %mul3A_720 : vector<256x1xi32>
    %add3A_722 = arith.addi %mul3A_721, %broadcast_in_dim3A_710 : vector<256x1xi32>
    %add3A_723 = vector.broadcast %mul3A_23 : i32 to vector<256x1xi32>
    %add3A_724 = arith.addi %add3A_722, %add3A_723 : vector<256x1xi32>
    %eq3A_725 = arith.constant 0 : i32
    %eq3A_726 = vector.broadcast %eq3A_725 : i32 to vector<256x128xi32>
    %eq3A_727 = arith.cmpi eq, %add3A_699, %eq3A_726 : vector<256x128xi32>
    %eq3A_728 = arith.constant 1 : i32
    %eq3A_729 = vector.broadcast %eq3A_728 : i32 to vector<256x128xi32>
    %eq3A_730 = arith.cmpi eq, %add3A_699, %eq3A_729 : vector<256x128xi32>
    %eq3A_731 = arith.constant 2 : i32
    %eq3A_732 = vector.broadcast %eq3A_731 : i32 to vector<256x128xi32>
    %eq3A_733 = arith.cmpi eq, %add3A_699, %eq3A_732 : vector<256x128xi32>
    %select_n3A_734 = arith.select %eq3A_733, %select_n3A_348, %broadcast_in_dim3A_25 : vector<256x128xi1>, vector<256x128xf32>
    %select_n3A_735 = arith.select %eq3A_730, %select_n3A_352, %select_n3A_734 : vector<256x128xi1>, vector<256x128xf32>
    %select_n3A_736 = arith.select %eq3A_727, %select_n3A_356, %select_n3A_735 : vector<256x128xi1>, vector<256x128xf32>
    %eq3A_737 = arith.constant 0 : i32
    %eq3A_738 = vector.broadcast %eq3A_737 : i32 to vector<256x128xi32>
    %eq3A_739 = arith.cmpi eq, %add3A_699, %eq3A_738 : vector<256x128xi32>
    %eq3A_740 = arith.constant 1 : i32
    %eq3A_741 = vector.broadcast %eq3A_740 : i32 to vector<256x128xi32>
    %eq3A_742 = arith.cmpi eq, %add3A_699, %eq3A_741 : vector<256x128xi32>
    %select_n3A_743 = arith.select %eq3A_742, %select_n3A_354, %select_n3A_350 : vector<256x128xi1>, vector<256x128xi32>
    %select_n3A_744 = arith.select %eq3A_739, %select_n3A_358, %select_n3A_743 : vector<256x128xi1>, vector<256x128xi32>
    %select_n3A_745 = arith.select %eq3A_712, %select_n3A_736, %select_n3A_696 : vector<256x128xi1>, vector<256x128xf32>
    %select_n3A_746 = arith.select %eq3A_712, %select_n3A_744, %select_n3A_697 : vector<256x128xi1>, vector<256x128xi32>
    %convert_element_type3A_747 = arith.extui %eq3A_712 : vector<256x128xi1> to vector<256x128xi32>
    %add3A_748 = arith.addi %add3A_699, %convert_element_type3A_747 : vector<256x128xi32>
    %reduce_max3A_749 = arith.constant dense<0xFF800000> : vector<256xf32>
    %reduce_max3A_750 = vector.multi_reduction <maximumf>, %select_n3A_745, %reduce_max3A_749 [1] : vector<256x128xf32> to vector<256xf32>
    %broadcast_in_dim3A_751 = vector.shape_cast %reduce_max3A_750 : vector<256xf32> to vector<256x1xf32>
    %eq3A_752 = vector.broadcast %broadcast_in_dim3A_751 : vector<256x1xf32> to vector<256x128xf32>
    %eq3A_753 = arith.cmpf oeq, %select_n3A_745, %eq3A_752 : vector<256x128xf32>
    %jit3A_754 = arith.constant 128 : i32
    %broadcast_in_dim3A_755 = vector.broadcast %jit3A_754 : i32 to vector<256x128xi32>
    %select_n3A_756 = arith.select %eq3A_753, %iota3A, %broadcast_in_dim3A_755 : vector<256x128xi1>, vector<256x128xi32>
    %reduce_min3A_757 = arith.constant dense<2147483647> : vector<256xi32>
    %reduce_min3A_758 = vector.multi_reduction <minsi>, %select_n3A_756, %reduce_min3A_757 [1] : vector<256x128xi32> to vector<256xi32>
    %broadcast_in_dim3A_759 = vector.shape_cast %reduce_min3A_758 : vector<256xi32> to vector<256x1xi32>
    %eq3A_760 = vector.broadcast %broadcast_in_dim3A_759 : vector<256x1xi32> to vector<256x128xi32>
    %eq3A_761 = arith.cmpi eq, %iota3A, %eq3A_760 : vector<256x128xi32>
    %jit3A_762 = arith.constant 0 : i32
    %broadcast_in_dim3A_763 = vector.broadcast %jit3A_762 : i32 to vector<256x128xi32>
    %select_n3A_764 = arith.select %eq3A_761, %select_n3A_746, %broadcast_in_dim3A_763 : vector<256x128xi1>, vector<256x128xi32>
    %reduce_max3A_765 = arith.constant dense<-2147483648> : vector<256xi32>
    %reduce_max3A_766 = vector.multi_reduction <maxsi>, %select_n3A_764, %reduce_max3A_765 [1] : vector<256x128xi32> to vector<256xi32>
    %broadcast_in_dim3A_767 = vector.shape_cast %reduce_max3A_766 : vector<256xi32> to vector<256x1xi32>
    %mul3A_768 = arith.constant 128 : i32
    %mul3A_769 = vector.broadcast %mul3A_768 : i32 to vector<256x1xi32>
    %mul3A_770 = arith.muli %broadcast_in_dim3A_767, %mul3A_769 : vector<256x1xi32>
    %add3A_771 = arith.addi %mul3A_770, %broadcast_in_dim3A_759 : vector<256x1xi32>
    %add3A_772 = vector.broadcast %mul3A_23 : i32 to vector<256x1xi32>
    %add3A_773 = arith.addi %add3A_771, %add3A_772 : vector<256x1xi32>
    %eq3A_774 = arith.constant 0 : i32
    %eq3A_775 = vector.broadcast %eq3A_774 : i32 to vector<256x128xi32>
    %eq3A_776 = arith.cmpi eq, %add3A_748, %eq3A_775 : vector<256x128xi32>
    %eq3A_777 = arith.constant 1 : i32
    %eq3A_778 = vector.broadcast %eq3A_777 : i32 to vector<256x128xi32>
    %eq3A_779 = arith.cmpi eq, %add3A_748, %eq3A_778 : vector<256x128xi32>
    %eq3A_780 = arith.constant 2 : i32
    %eq3A_781 = vector.broadcast %eq3A_780 : i32 to vector<256x128xi32>
    %eq3A_782 = arith.cmpi eq, %add3A_748, %eq3A_781 : vector<256x128xi32>
    %select_n3A_783 = arith.select %eq3A_782, %select_n3A_348, %broadcast_in_dim3A_25 : vector<256x128xi1>, vector<256x128xf32>
    %select_n3A_784 = arith.select %eq3A_779, %select_n3A_352, %select_n3A_783 : vector<256x128xi1>, vector<256x128xf32>
    %select_n3A_785 = arith.select %eq3A_776, %select_n3A_356, %select_n3A_784 : vector<256x128xi1>, vector<256x128xf32>
    %eq3A_786 = arith.constant 0 : i32
    %eq3A_787 = vector.broadcast %eq3A_786 : i32 to vector<256x128xi32>
    %eq3A_788 = arith.cmpi eq, %add3A_748, %eq3A_787 : vector<256x128xi32>
    %eq3A_789 = arith.constant 1 : i32
    %eq3A_790 = vector.broadcast %eq3A_789 : i32 to vector<256x128xi32>
    %eq3A_791 = arith.cmpi eq, %add3A_748, %eq3A_790 : vector<256x128xi32>
    %select_n3A_792 = arith.select %eq3A_791, %select_n3A_354, %select_n3A_350 : vector<256x128xi1>, vector<256x128xi32>
    %select_n3A_793 = arith.select %eq3A_788, %select_n3A_358, %select_n3A_792 : vector<256x128xi1>, vector<256x128xi32>
    %select_n3A_794 = arith.select %eq3A_761, %select_n3A_785, %select_n3A_745 : vector<256x128xi1>, vector<256x128xf32>
    %select_n3A_795 = arith.select %eq3A_761, %select_n3A_793, %select_n3A_746 : vector<256x128xi1>, vector<256x128xi32>
    %convert_element_type3A_796 = arith.extui %eq3A_761 : vector<256x128xi1> to vector<256x128xi32>
    %add3A_797 = arith.addi %add3A_748, %convert_element_type3A_796 : vector<256x128xi32>
    %reduce_max3A_798 = arith.constant dense<0xFF800000> : vector<256xf32>
    %reduce_max3A_799 = vector.multi_reduction <maximumf>, %select_n3A_794, %reduce_max3A_798 [1] : vector<256x128xf32> to vector<256xf32>
    %broadcast_in_dim3A_800 = vector.shape_cast %reduce_max3A_799 : vector<256xf32> to vector<256x1xf32>
    %eq3A_801 = vector.broadcast %broadcast_in_dim3A_800 : vector<256x1xf32> to vector<256x128xf32>
    %eq3A_802 = arith.cmpf oeq, %select_n3A_794, %eq3A_801 : vector<256x128xf32>
    %jit3A_803 = arith.constant 128 : i32
    %broadcast_in_dim3A_804 = vector.broadcast %jit3A_803 : i32 to vector<256x128xi32>
    %select_n3A_805 = arith.select %eq3A_802, %iota3A, %broadcast_in_dim3A_804 : vector<256x128xi1>, vector<256x128xi32>
    %reduce_min3A_806 = arith.constant dense<2147483647> : vector<256xi32>
    %reduce_min3A_807 = vector.multi_reduction <minsi>, %select_n3A_805, %reduce_min3A_806 [1] : vector<256x128xi32> to vector<256xi32>
    %broadcast_in_dim3A_808 = vector.shape_cast %reduce_min3A_807 : vector<256xi32> to vector<256x1xi32>
    %eq3A_809 = vector.broadcast %broadcast_in_dim3A_808 : vector<256x1xi32> to vector<256x128xi32>
    %eq3A_810 = arith.cmpi eq, %iota3A, %eq3A_809 : vector<256x128xi32>
    %jit3A_811 = arith.constant 0 : i32
    %broadcast_in_dim3A_812 = vector.broadcast %jit3A_811 : i32 to vector<256x128xi32>
    %select_n3A_813 = arith.select %eq3A_810, %select_n3A_795, %broadcast_in_dim3A_812 : vector<256x128xi1>, vector<256x128xi32>
    %reduce_max3A_814 = arith.constant dense<-2147483648> : vector<256xi32>
    %reduce_max3A_815 = vector.multi_reduction <maxsi>, %select_n3A_813, %reduce_max3A_814 [1] : vector<256x128xi32> to vector<256xi32>
    %broadcast_in_dim3A_816 = vector.shape_cast %reduce_max3A_815 : vector<256xi32> to vector<256x1xi32>
    %mul3A_817 = arith.constant 128 : i32
    %mul3A_818 = vector.broadcast %mul3A_817 : i32 to vector<256x1xi32>
    %mul3A_819 = arith.muli %broadcast_in_dim3A_816, %mul3A_818 : vector<256x1xi32>
    %add3A_820 = arith.addi %mul3A_819, %broadcast_in_dim3A_808 : vector<256x1xi32>
    %add3A_821 = vector.broadcast %mul3A_23 : i32 to vector<256x1xi32>
    %add3A_822 = arith.addi %add3A_820, %add3A_821 : vector<256x1xi32>
    %eq3A_823 = arith.constant 0 : i32
    %eq3A_824 = vector.broadcast %eq3A_823 : i32 to vector<256x128xi32>
    %eq3A_825 = arith.cmpi eq, %add3A_797, %eq3A_824 : vector<256x128xi32>
    %eq3A_826 = arith.constant 1 : i32
    %eq3A_827 = vector.broadcast %eq3A_826 : i32 to vector<256x128xi32>
    %eq3A_828 = arith.cmpi eq, %add3A_797, %eq3A_827 : vector<256x128xi32>
    %eq3A_829 = arith.constant 2 : i32
    %eq3A_830 = vector.broadcast %eq3A_829 : i32 to vector<256x128xi32>
    %eq3A_831 = arith.cmpi eq, %add3A_797, %eq3A_830 : vector<256x128xi32>
    %select_n3A_832 = arith.select %eq3A_831, %select_n3A_348, %broadcast_in_dim3A_25 : vector<256x128xi1>, vector<256x128xf32>
    %select_n3A_833 = arith.select %eq3A_828, %select_n3A_352, %select_n3A_832 : vector<256x128xi1>, vector<256x128xf32>
    %select_n3A_834 = arith.select %eq3A_825, %select_n3A_356, %select_n3A_833 : vector<256x128xi1>, vector<256x128xf32>
    %eq3A_835 = arith.constant 0 : i32
    %eq3A_836 = vector.broadcast %eq3A_835 : i32 to vector<256x128xi32>
    %eq3A_837 = arith.cmpi eq, %add3A_797, %eq3A_836 : vector<256x128xi32>
    %eq3A_838 = arith.constant 1 : i32
    %eq3A_839 = vector.broadcast %eq3A_838 : i32 to vector<256x128xi32>
    %eq3A_840 = arith.cmpi eq, %add3A_797, %eq3A_839 : vector<256x128xi32>
    %select_n3A_841 = arith.select %eq3A_840, %select_n3A_354, %select_n3A_350 : vector<256x128xi1>, vector<256x128xi32>
    %select_n3A_842 = arith.select %eq3A_837, %select_n3A_358, %select_n3A_841 : vector<256x128xi1>, vector<256x128xi32>
    %select_n3A_843 = arith.select %eq3A_810, %select_n3A_834, %select_n3A_794 : vector<256x128xi1>, vector<256x128xf32>
    %select_n3A_844 = arith.select %eq3A_810, %select_n3A_842, %select_n3A_795 : vector<256x128xi1>, vector<256x128xi32>
    %convert_element_type3A_845 = arith.extui %eq3A_810 : vector<256x128xi1> to vector<256x128xi32>
    %add3A_846 = arith.addi %add3A_797, %convert_element_type3A_845 : vector<256x128xi32>
    %reduce_max3A_847 = arith.constant dense<0xFF800000> : vector<256xf32>
    %reduce_max3A_848 = vector.multi_reduction <maximumf>, %select_n3A_843, %reduce_max3A_847 [1] : vector<256x128xf32> to vector<256xf32>
    %broadcast_in_dim3A_849 = vector.shape_cast %reduce_max3A_848 : vector<256xf32> to vector<256x1xf32>
    %eq3A_850 = vector.broadcast %broadcast_in_dim3A_849 : vector<256x1xf32> to vector<256x128xf32>
    %eq3A_851 = arith.cmpf oeq, %select_n3A_843, %eq3A_850 : vector<256x128xf32>
    %jit3A_852 = arith.constant 128 : i32
    %broadcast_in_dim3A_853 = vector.broadcast %jit3A_852 : i32 to vector<256x128xi32>
    %select_n3A_854 = arith.select %eq3A_851, %iota3A, %broadcast_in_dim3A_853 : vector<256x128xi1>, vector<256x128xi32>
    %reduce_min3A_855 = arith.constant dense<2147483647> : vector<256xi32>
    %reduce_min3A_856 = vector.multi_reduction <minsi>, %select_n3A_854, %reduce_min3A_855 [1] : vector<256x128xi32> to vector<256xi32>
    %broadcast_in_dim3A_857 = vector.shape_cast %reduce_min3A_856 : vector<256xi32> to vector<256x1xi32>
    %eq3A_858 = vector.broadcast %broadcast_in_dim3A_857 : vector<256x1xi32> to vector<256x128xi32>
    %eq3A_859 = arith.cmpi eq, %iota3A, %eq3A_858 : vector<256x128xi32>
    %jit3A_860 = arith.constant 0 : i32
    %broadcast_in_dim3A_861 = vector.broadcast %jit3A_860 : i32 to vector<256x128xi32>
    %select_n3A_862 = arith.select %eq3A_859, %select_n3A_844, %broadcast_in_dim3A_861 : vector<256x128xi1>, vector<256x128xi32>
    %reduce_max3A_863 = arith.constant dense<-2147483648> : vector<256xi32>
    %reduce_max3A_864 = vector.multi_reduction <maxsi>, %select_n3A_862, %reduce_max3A_863 [1] : vector<256x128xi32> to vector<256xi32>
    %broadcast_in_dim3A_865 = vector.shape_cast %reduce_max3A_864 : vector<256xi32> to vector<256x1xi32>
    %mul3A_866 = arith.constant 128 : i32
    %mul3A_867 = vector.broadcast %mul3A_866 : i32 to vector<256x1xi32>
    %mul3A_868 = arith.muli %broadcast_in_dim3A_865, %mul3A_867 : vector<256x1xi32>
    %add3A_869 = arith.addi %mul3A_868, %broadcast_in_dim3A_857 : vector<256x1xi32>
    %add3A_870 = vector.broadcast %mul3A_23 : i32 to vector<256x1xi32>
    %add3A_871 = arith.addi %add3A_869, %add3A_870 : vector<256x1xi32>
    %eq3A_872 = arith.constant 0 : i32
    %eq3A_873 = vector.broadcast %eq3A_872 : i32 to vector<256x128xi32>
    %eq3A_874 = arith.cmpi eq, %add3A_846, %eq3A_873 : vector<256x128xi32>
    %eq3A_875 = arith.constant 1 : i32
    %eq3A_876 = vector.broadcast %eq3A_875 : i32 to vector<256x128xi32>
    %eq3A_877 = arith.cmpi eq, %add3A_846, %eq3A_876 : vector<256x128xi32>
    %eq3A_878 = arith.constant 2 : i32
    %eq3A_879 = vector.broadcast %eq3A_878 : i32 to vector<256x128xi32>
    %eq3A_880 = arith.cmpi eq, %add3A_846, %eq3A_879 : vector<256x128xi32>
    %select_n3A_881 = arith.select %eq3A_880, %select_n3A_348, %broadcast_in_dim3A_25 : vector<256x128xi1>, vector<256x128xf32>
    %select_n3A_882 = arith.select %eq3A_877, %select_n3A_352, %select_n3A_881 : vector<256x128xi1>, vector<256x128xf32>
    %select_n3A_883 = arith.select %eq3A_874, %select_n3A_356, %select_n3A_882 : vector<256x128xi1>, vector<256x128xf32>
    %eq3A_884 = arith.constant 0 : i32
    %eq3A_885 = vector.broadcast %eq3A_884 : i32 to vector<256x128xi32>
    %eq3A_886 = arith.cmpi eq, %add3A_846, %eq3A_885 : vector<256x128xi32>
    %eq3A_887 = arith.constant 1 : i32
    %eq3A_888 = vector.broadcast %eq3A_887 : i32 to vector<256x128xi32>
    %eq3A_889 = arith.cmpi eq, %add3A_846, %eq3A_888 : vector<256x128xi32>
    %select_n3A_890 = arith.select %eq3A_889, %select_n3A_354, %select_n3A_350 : vector<256x128xi1>, vector<256x128xi32>
    %select_n3A_891 = arith.select %eq3A_886, %select_n3A_358, %select_n3A_890 : vector<256x128xi1>, vector<256x128xi32>
    %select_n3A_892 = arith.select %eq3A_859, %select_n3A_883, %select_n3A_843 : vector<256x128xi1>, vector<256x128xf32>
    %select_n3A_893 = arith.select %eq3A_859, %select_n3A_891, %select_n3A_844 : vector<256x128xi1>, vector<256x128xi32>
    %convert_element_type3A_894 = arith.extui %eq3A_859 : vector<256x128xi1> to vector<256x128xi32>
    %add3A_895 = arith.addi %add3A_846, %convert_element_type3A_894 : vector<256x128xi32>
    %reduce_max3A_896 = arith.constant dense<0xFF800000> : vector<256xf32>
    %reduce_max3A_897 = vector.multi_reduction <maximumf>, %select_n3A_892, %reduce_max3A_896 [1] : vector<256x128xf32> to vector<256xf32>
    %broadcast_in_dim3A_898 = vector.shape_cast %reduce_max3A_897 : vector<256xf32> to vector<256x1xf32>
    %eq3A_899 = vector.broadcast %broadcast_in_dim3A_898 : vector<256x1xf32> to vector<256x128xf32>
    %eq3A_900 = arith.cmpf oeq, %select_n3A_892, %eq3A_899 : vector<256x128xf32>
    %jit3A_901 = arith.constant 128 : i32
    %broadcast_in_dim3A_902 = vector.broadcast %jit3A_901 : i32 to vector<256x128xi32>
    %select_n3A_903 = arith.select %eq3A_900, %iota3A, %broadcast_in_dim3A_902 : vector<256x128xi1>, vector<256x128xi32>
    %reduce_min3A_904 = arith.constant dense<2147483647> : vector<256xi32>
    %reduce_min3A_905 = vector.multi_reduction <minsi>, %select_n3A_903, %reduce_min3A_904 [1] : vector<256x128xi32> to vector<256xi32>
    %broadcast_in_dim3A_906 = vector.shape_cast %reduce_min3A_905 : vector<256xi32> to vector<256x1xi32>
    %eq3A_907 = vector.broadcast %broadcast_in_dim3A_906 : vector<256x1xi32> to vector<256x128xi32>
    %eq3A_908 = arith.cmpi eq, %iota3A, %eq3A_907 : vector<256x128xi32>
    %jit3A_909 = arith.constant 0 : i32
    %broadcast_in_dim3A_910 = vector.broadcast %jit3A_909 : i32 to vector<256x128xi32>
    %select_n3A_911 = arith.select %eq3A_908, %select_n3A_893, %broadcast_in_dim3A_910 : vector<256x128xi1>, vector<256x128xi32>
    %reduce_max3A_912 = arith.constant dense<-2147483648> : vector<256xi32>
    %reduce_max3A_913 = vector.multi_reduction <maxsi>, %select_n3A_911, %reduce_max3A_912 [1] : vector<256x128xi32> to vector<256xi32>
    %broadcast_in_dim3A_914 = vector.shape_cast %reduce_max3A_913 : vector<256xi32> to vector<256x1xi32>
    %mul3A_915 = arith.constant 128 : i32
    %mul3A_916 = vector.broadcast %mul3A_915 : i32 to vector<256x1xi32>
    %mul3A_917 = arith.muli %broadcast_in_dim3A_914, %mul3A_916 : vector<256x1xi32>
    %add3A_918 = arith.addi %mul3A_917, %broadcast_in_dim3A_906 : vector<256x1xi32>
    %add3A_919 = vector.broadcast %mul3A_23 : i32 to vector<256x1xi32>
    %add3A_920 = arith.addi %add3A_918, %add3A_919 : vector<256x1xi32>
    %eq3A_921 = arith.constant 0 : i32
    %eq3A_922 = vector.broadcast %eq3A_921 : i32 to vector<256x128xi32>
    %eq3A_923 = arith.cmpi eq, %add3A_895, %eq3A_922 : vector<256x128xi32>
    %eq3A_924 = arith.constant 1 : i32
    %eq3A_925 = vector.broadcast %eq3A_924 : i32 to vector<256x128xi32>
    %eq3A_926 = arith.cmpi eq, %add3A_895, %eq3A_925 : vector<256x128xi32>
    %eq3A_927 = arith.constant 2 : i32
    %eq3A_928 = vector.broadcast %eq3A_927 : i32 to vector<256x128xi32>
    %eq3A_929 = arith.cmpi eq, %add3A_895, %eq3A_928 : vector<256x128xi32>
    %select_n3A_930 = arith.select %eq3A_929, %select_n3A_348, %broadcast_in_dim3A_25 : vector<256x128xi1>, vector<256x128xf32>
    %select_n3A_931 = arith.select %eq3A_926, %select_n3A_352, %select_n3A_930 : vector<256x128xi1>, vector<256x128xf32>
    %select_n3A_932 = arith.select %eq3A_923, %select_n3A_356, %select_n3A_931 : vector<256x128xi1>, vector<256x128xf32>
    %eq3A_933 = arith.constant 0 : i32
    %eq3A_934 = vector.broadcast %eq3A_933 : i32 to vector<256x128xi32>
    %eq3A_935 = arith.cmpi eq, %add3A_895, %eq3A_934 : vector<256x128xi32>
    %eq3A_936 = arith.constant 1 : i32
    %eq3A_937 = vector.broadcast %eq3A_936 : i32 to vector<256x128xi32>
    %eq3A_938 = arith.cmpi eq, %add3A_895, %eq3A_937 : vector<256x128xi32>
    %select_n3A_939 = arith.select %eq3A_938, %select_n3A_354, %select_n3A_350 : vector<256x128xi1>, vector<256x128xi32>
    %select_n3A_940 = arith.select %eq3A_935, %select_n3A_358, %select_n3A_939 : vector<256x128xi1>, vector<256x128xi32>
    %select_n3A_941 = arith.select %eq3A_908, %select_n3A_932, %select_n3A_892 : vector<256x128xi1>, vector<256x128xf32>
    %select_n3A_942 = arith.select %eq3A_908, %select_n3A_940, %select_n3A_893 : vector<256x128xi1>, vector<256x128xi32>
    %convert_element_type3A_943 = arith.extui %eq3A_908 : vector<256x128xi1> to vector<256x128xi32>
    %add3A_944 = arith.addi %add3A_895, %convert_element_type3A_943 : vector<256x128xi32>
    %reduce_max3A_945 = arith.constant dense<0xFF800000> : vector<256xf32>
    %reduce_max3A_946 = vector.multi_reduction <maximumf>, %select_n3A_941, %reduce_max3A_945 [1] : vector<256x128xf32> to vector<256xf32>
    %broadcast_in_dim3A_947 = vector.shape_cast %reduce_max3A_946 : vector<256xf32> to vector<256x1xf32>
    %eq3A_948 = vector.broadcast %broadcast_in_dim3A_947 : vector<256x1xf32> to vector<256x128xf32>
    %eq3A_949 = arith.cmpf oeq, %select_n3A_941, %eq3A_948 : vector<256x128xf32>
    %jit3A_950 = arith.constant 128 : i32
    %broadcast_in_dim3A_951 = vector.broadcast %jit3A_950 : i32 to vector<256x128xi32>
    %select_n3A_952 = arith.select %eq3A_949, %iota3A, %broadcast_in_dim3A_951 : vector<256x128xi1>, vector<256x128xi32>
    %reduce_min3A_953 = arith.constant dense<2147483647> : vector<256xi32>
    %reduce_min3A_954 = vector.multi_reduction <minsi>, %select_n3A_952, %reduce_min3A_953 [1] : vector<256x128xi32> to vector<256xi32>
    %broadcast_in_dim3A_955 = vector.shape_cast %reduce_min3A_954 : vector<256xi32> to vector<256x1xi32>
    %eq3A_956 = vector.broadcast %broadcast_in_dim3A_955 : vector<256x1xi32> to vector<256x128xi32>
    %eq3A_957 = arith.cmpi eq, %iota3A, %eq3A_956 : vector<256x128xi32>
    %jit3A_958 = arith.constant 0 : i32
    %broadcast_in_dim3A_959 = vector.broadcast %jit3A_958 : i32 to vector<256x128xi32>
    %select_n3A_960 = arith.select %eq3A_957, %select_n3A_942, %broadcast_in_dim3A_959 : vector<256x128xi1>, vector<256x128xi32>
    %reduce_max3A_961 = arith.constant dense<-2147483648> : vector<256xi32>
    %reduce_max3A_962 = vector.multi_reduction <maxsi>, %select_n3A_960, %reduce_max3A_961 [1] : vector<256x128xi32> to vector<256xi32>
    %broadcast_in_dim3A_963 = vector.shape_cast %reduce_max3A_962 : vector<256xi32> to vector<256x1xi32>
    %mul3A_964 = arith.constant 128 : i32
    %mul3A_965 = vector.broadcast %mul3A_964 : i32 to vector<256x1xi32>
    %mul3A_966 = arith.muli %broadcast_in_dim3A_963, %mul3A_965 : vector<256x1xi32>
    %add3A_967 = arith.addi %mul3A_966, %broadcast_in_dim3A_955 : vector<256x1xi32>
    %add3A_968 = vector.broadcast %mul3A_23 : i32 to vector<256x1xi32>
    %add3A_969 = arith.addi %add3A_967, %add3A_968 : vector<256x1xi32>
    %eq3A_970 = arith.constant 0 : i32
    %eq3A_971 = vector.broadcast %eq3A_970 : i32 to vector<256x128xi32>
    %eq3A_972 = arith.cmpi eq, %add3A_944, %eq3A_971 : vector<256x128xi32>
    %eq3A_973 = arith.constant 1 : i32
    %eq3A_974 = vector.broadcast %eq3A_973 : i32 to vector<256x128xi32>
    %eq3A_975 = arith.cmpi eq, %add3A_944, %eq3A_974 : vector<256x128xi32>
    %eq3A_976 = arith.constant 2 : i32
    %eq3A_977 = vector.broadcast %eq3A_976 : i32 to vector<256x128xi32>
    %eq3A_978 = arith.cmpi eq, %add3A_944, %eq3A_977 : vector<256x128xi32>
    %select_n3A_979 = arith.select %eq3A_978, %select_n3A_348, %broadcast_in_dim3A_25 : vector<256x128xi1>, vector<256x128xf32>
    %select_n3A_980 = arith.select %eq3A_975, %select_n3A_352, %select_n3A_979 : vector<256x128xi1>, vector<256x128xf32>
    %select_n3A_981 = arith.select %eq3A_972, %select_n3A_356, %select_n3A_980 : vector<256x128xi1>, vector<256x128xf32>
    %eq3A_982 = arith.constant 0 : i32
    %eq3A_983 = vector.broadcast %eq3A_982 : i32 to vector<256x128xi32>
    %eq3A_984 = arith.cmpi eq, %add3A_944, %eq3A_983 : vector<256x128xi32>
    %eq3A_985 = arith.constant 1 : i32
    %eq3A_986 = vector.broadcast %eq3A_985 : i32 to vector<256x128xi32>
    %eq3A_987 = arith.cmpi eq, %add3A_944, %eq3A_986 : vector<256x128xi32>
    %select_n3A_988 = arith.select %eq3A_987, %select_n3A_354, %select_n3A_350 : vector<256x128xi1>, vector<256x128xi32>
    %select_n3A_989 = arith.select %eq3A_984, %select_n3A_358, %select_n3A_988 : vector<256x128xi1>, vector<256x128xi32>
    %select_n3A_990 = arith.select %eq3A_957, %select_n3A_981, %select_n3A_941 : vector<256x128xi1>, vector<256x128xf32>
    %select_n3A_991 = arith.select %eq3A_957, %select_n3A_989, %select_n3A_942 : vector<256x128xi1>, vector<256x128xi32>
    %convert_element_type3A_992 = arith.extui %eq3A_957 : vector<256x128xi1> to vector<256x128xi32>
    %add3A_993 = arith.addi %add3A_944, %convert_element_type3A_992 : vector<256x128xi32>
    %reduce_max3A_994 = arith.constant dense<0xFF800000> : vector<256xf32>
    %reduce_max3A_995 = vector.multi_reduction <maximumf>, %select_n3A_990, %reduce_max3A_994 [1] : vector<256x128xf32> to vector<256xf32>
    %broadcast_in_dim3A_996 = vector.shape_cast %reduce_max3A_995 : vector<256xf32> to vector<256x1xf32>
    %eq3A_997 = vector.broadcast %broadcast_in_dim3A_996 : vector<256x1xf32> to vector<256x128xf32>
    %eq3A_998 = arith.cmpf oeq, %select_n3A_990, %eq3A_997 : vector<256x128xf32>
    %jit3A_999 = arith.constant 128 : i32
    %broadcast_in_dim3A_1000 = vector.broadcast %jit3A_999 : i32 to vector<256x128xi32>
    %select_n3A_1001 = arith.select %eq3A_998, %iota3A, %broadcast_in_dim3A_1000 : vector<256x128xi1>, vector<256x128xi32>
    %reduce_min3A_1002 = arith.constant dense<2147483647> : vector<256xi32>
    %reduce_min3A_1003 = vector.multi_reduction <minsi>, %select_n3A_1001, %reduce_min3A_1002 [1] : vector<256x128xi32> to vector<256xi32>
    %broadcast_in_dim3A_1004 = vector.shape_cast %reduce_min3A_1003 : vector<256xi32> to vector<256x1xi32>
    %eq3A_1005 = vector.broadcast %broadcast_in_dim3A_1004 : vector<256x1xi32> to vector<256x128xi32>
    %eq3A_1006 = arith.cmpi eq, %iota3A, %eq3A_1005 : vector<256x128xi32>
    %jit3A_1007 = arith.constant 0 : i32
    %broadcast_in_dim3A_1008 = vector.broadcast %jit3A_1007 : i32 to vector<256x128xi32>
    %select_n3A_1009 = arith.select %eq3A_1006, %select_n3A_991, %broadcast_in_dim3A_1008 : vector<256x128xi1>, vector<256x128xi32>
    %reduce_max3A_1010 = arith.constant dense<-2147483648> : vector<256xi32>
    %reduce_max3A_1011 = vector.multi_reduction <maxsi>, %select_n3A_1009, %reduce_max3A_1010 [1] : vector<256x128xi32> to vector<256xi32>
    %broadcast_in_dim3A_1012 = vector.shape_cast %reduce_max3A_1011 : vector<256xi32> to vector<256x1xi32>
    %mul3A_1013 = arith.constant 128 : i32
    %mul3A_1014 = vector.broadcast %mul3A_1013 : i32 to vector<256x1xi32>
    %mul3A_1015 = arith.muli %broadcast_in_dim3A_1012, %mul3A_1014 : vector<256x1xi32>
    %add3A_1016 = arith.addi %mul3A_1015, %broadcast_in_dim3A_1004 : vector<256x1xi32>
    %add3A_1017 = vector.broadcast %mul3A_23 : i32 to vector<256x1xi32>
    %add3A_1018 = arith.addi %add3A_1016, %add3A_1017 : vector<256x1xi32>
    %eq3A_1019 = arith.constant 0 : i32
    %eq3A_1020 = vector.broadcast %eq3A_1019 : i32 to vector<256x128xi32>
    %eq3A_1021 = arith.cmpi eq, %add3A_993, %eq3A_1020 : vector<256x128xi32>
    %eq3A_1022 = arith.constant 1 : i32
    %eq3A_1023 = vector.broadcast %eq3A_1022 : i32 to vector<256x128xi32>
    %eq3A_1024 = arith.cmpi eq, %add3A_993, %eq3A_1023 : vector<256x128xi32>
    %eq3A_1025 = arith.constant 2 : i32
    %eq3A_1026 = vector.broadcast %eq3A_1025 : i32 to vector<256x128xi32>
    %eq3A_1027 = arith.cmpi eq, %add3A_993, %eq3A_1026 : vector<256x128xi32>
    %select_n3A_1028 = arith.select %eq3A_1027, %select_n3A_348, %broadcast_in_dim3A_25 : vector<256x128xi1>, vector<256x128xf32>
    %select_n3A_1029 = arith.select %eq3A_1024, %select_n3A_352, %select_n3A_1028 : vector<256x128xi1>, vector<256x128xf32>
    %select_n3A_1030 = arith.select %eq3A_1021, %select_n3A_356, %select_n3A_1029 : vector<256x128xi1>, vector<256x128xf32>
    %eq3A_1031 = arith.constant 0 : i32
    %eq3A_1032 = vector.broadcast %eq3A_1031 : i32 to vector<256x128xi32>
    %eq3A_1033 = arith.cmpi eq, %add3A_993, %eq3A_1032 : vector<256x128xi32>
    %eq3A_1034 = arith.constant 1 : i32
    %eq3A_1035 = vector.broadcast %eq3A_1034 : i32 to vector<256x128xi32>
    %eq3A_1036 = arith.cmpi eq, %add3A_993, %eq3A_1035 : vector<256x128xi32>
    %select_n3A_1037 = arith.select %eq3A_1036, %select_n3A_354, %select_n3A_350 : vector<256x128xi1>, vector<256x128xi32>
    %select_n3A_1038 = arith.select %eq3A_1033, %select_n3A_358, %select_n3A_1037 : vector<256x128xi1>, vector<256x128xi32>
    %select_n3A_1039 = arith.select %eq3A_1006, %select_n3A_1030, %select_n3A_990 : vector<256x128xi1>, vector<256x128xf32>
    %select_n3A_1040 = arith.select %eq3A_1006, %select_n3A_1038, %select_n3A_991 : vector<256x128xi1>, vector<256x128xi32>
    %convert_element_type3A_1041 = arith.extui %eq3A_1006 : vector<256x128xi1> to vector<256x128xi32>
    %add3A_1042 = arith.addi %add3A_993, %convert_element_type3A_1041 : vector<256x128xi32>
    %reduce_max3A_1043 = arith.constant dense<0xFF800000> : vector<256xf32>
    %reduce_max3A_1044 = vector.multi_reduction <maximumf>, %select_n3A_1039, %reduce_max3A_1043 [1] : vector<256x128xf32> to vector<256xf32>
    %broadcast_in_dim3A_1045 = vector.shape_cast %reduce_max3A_1044 : vector<256xf32> to vector<256x1xf32>
    %eq3A_1046 = vector.broadcast %broadcast_in_dim3A_1045 : vector<256x1xf32> to vector<256x128xf32>
    %eq3A_1047 = arith.cmpf oeq, %select_n3A_1039, %eq3A_1046 : vector<256x128xf32>
    %jit3A_1048 = arith.constant 128 : i32
    %broadcast_in_dim3A_1049 = vector.broadcast %jit3A_1048 : i32 to vector<256x128xi32>
    %select_n3A_1050 = arith.select %eq3A_1047, %iota3A, %broadcast_in_dim3A_1049 : vector<256x128xi1>, vector<256x128xi32>
    %reduce_min3A_1051 = arith.constant dense<2147483647> : vector<256xi32>
    %reduce_min3A_1052 = vector.multi_reduction <minsi>, %select_n3A_1050, %reduce_min3A_1051 [1] : vector<256x128xi32> to vector<256xi32>
    %broadcast_in_dim3A_1053 = vector.shape_cast %reduce_min3A_1052 : vector<256xi32> to vector<256x1xi32>
    %eq3A_1054 = vector.broadcast %broadcast_in_dim3A_1053 : vector<256x1xi32> to vector<256x128xi32>
    %eq3A_1055 = arith.cmpi eq, %iota3A, %eq3A_1054 : vector<256x128xi32>
    %jit3A_1056 = arith.constant 0 : i32
    %broadcast_in_dim3A_1057 = vector.broadcast %jit3A_1056 : i32 to vector<256x128xi32>
    %select_n3A_1058 = arith.select %eq3A_1055, %select_n3A_1040, %broadcast_in_dim3A_1057 : vector<256x128xi1>, vector<256x128xi32>
    %reduce_max3A_1059 = arith.constant dense<-2147483648> : vector<256xi32>
    %reduce_max3A_1060 = vector.multi_reduction <maxsi>, %select_n3A_1058, %reduce_max3A_1059 [1] : vector<256x128xi32> to vector<256xi32>
    %broadcast_in_dim3A_1061 = vector.shape_cast %reduce_max3A_1060 : vector<256xi32> to vector<256x1xi32>
    %mul3A_1062 = arith.constant 128 : i32
    %mul3A_1063 = vector.broadcast %mul3A_1062 : i32 to vector<256x1xi32>
    %mul3A_1064 = arith.muli %broadcast_in_dim3A_1061, %mul3A_1063 : vector<256x1xi32>
    %add3A_1065 = arith.addi %mul3A_1064, %broadcast_in_dim3A_1053 : vector<256x1xi32>
    %add3A_1066 = vector.broadcast %mul3A_23 : i32 to vector<256x1xi32>
    %add3A_1067 = arith.addi %add3A_1065, %add3A_1066 : vector<256x1xi32>
    %eq3A_1068 = arith.constant 0 : i32
    %eq3A_1069 = vector.broadcast %eq3A_1068 : i32 to vector<256x128xi32>
    %eq3A_1070 = arith.cmpi eq, %add3A_1042, %eq3A_1069 : vector<256x128xi32>
    %eq3A_1071 = arith.constant 1 : i32
    %eq3A_1072 = vector.broadcast %eq3A_1071 : i32 to vector<256x128xi32>
    %eq3A_1073 = arith.cmpi eq, %add3A_1042, %eq3A_1072 : vector<256x128xi32>
    %eq3A_1074 = arith.constant 2 : i32
    %eq3A_1075 = vector.broadcast %eq3A_1074 : i32 to vector<256x128xi32>
    %eq3A_1076 = arith.cmpi eq, %add3A_1042, %eq3A_1075 : vector<256x128xi32>
    %select_n3A_1077 = arith.select %eq3A_1076, %select_n3A_348, %broadcast_in_dim3A_25 : vector<256x128xi1>, vector<256x128xf32>
    %select_n3A_1078 = arith.select %eq3A_1073, %select_n3A_352, %select_n3A_1077 : vector<256x128xi1>, vector<256x128xf32>
    %select_n3A_1079 = arith.select %eq3A_1070, %select_n3A_356, %select_n3A_1078 : vector<256x128xi1>, vector<256x128xf32>
    %eq3A_1080 = arith.constant 0 : i32
    %eq3A_1081 = vector.broadcast %eq3A_1080 : i32 to vector<256x128xi32>
    %eq3A_1082 = arith.cmpi eq, %add3A_1042, %eq3A_1081 : vector<256x128xi32>
    %eq3A_1083 = arith.constant 1 : i32
    %eq3A_1084 = vector.broadcast %eq3A_1083 : i32 to vector<256x128xi32>
    %eq3A_1085 = arith.cmpi eq, %add3A_1042, %eq3A_1084 : vector<256x128xi32>
    %select_n3A_1086 = arith.select %eq3A_1085, %select_n3A_354, %select_n3A_350 : vector<256x128xi1>, vector<256x128xi32>
    %select_n3A_1087 = arith.select %eq3A_1082, %select_n3A_358, %select_n3A_1086 : vector<256x128xi1>, vector<256x128xi32>
    %select_n3A_1088 = arith.select %eq3A_1055, %select_n3A_1079, %select_n3A_1039 : vector<256x128xi1>, vector<256x128xf32>
    %select_n3A_1089 = arith.select %eq3A_1055, %select_n3A_1087, %select_n3A_1040 : vector<256x128xi1>, vector<256x128xi32>
    %convert_element_type3A_1090 = arith.extui %eq3A_1055 : vector<256x128xi1> to vector<256x128xi32>
    %add3A_1091 = arith.addi %add3A_1042, %convert_element_type3A_1090 : vector<256x128xi32>
    %reduce_max3A_1092 = arith.constant dense<0xFF800000> : vector<256xf32>
    %reduce_max3A_1093 = vector.multi_reduction <maximumf>, %select_n3A_1088, %reduce_max3A_1092 [1] : vector<256x128xf32> to vector<256xf32>
    %broadcast_in_dim3A_1094 = vector.shape_cast %reduce_max3A_1093 : vector<256xf32> to vector<256x1xf32>
    %eq3A_1095 = vector.broadcast %broadcast_in_dim3A_1094 : vector<256x1xf32> to vector<256x128xf32>
    %eq3A_1096 = arith.cmpf oeq, %select_n3A_1088, %eq3A_1095 : vector<256x128xf32>
    %jit3A_1097 = arith.constant 128 : i32
    %broadcast_in_dim3A_1098 = vector.broadcast %jit3A_1097 : i32 to vector<256x128xi32>
    %select_n3A_1099 = arith.select %eq3A_1096, %iota3A, %broadcast_in_dim3A_1098 : vector<256x128xi1>, vector<256x128xi32>
    %reduce_min3A_1100 = arith.constant dense<2147483647> : vector<256xi32>
    %reduce_min3A_1101 = vector.multi_reduction <minsi>, %select_n3A_1099, %reduce_min3A_1100 [1] : vector<256x128xi32> to vector<256xi32>
    %broadcast_in_dim3A_1102 = vector.shape_cast %reduce_min3A_1101 : vector<256xi32> to vector<256x1xi32>
    %eq3A_1103 = vector.broadcast %broadcast_in_dim3A_1102 : vector<256x1xi32> to vector<256x128xi32>
    %eq3A_1104 = arith.cmpi eq, %iota3A, %eq3A_1103 : vector<256x128xi32>
    %jit3A_1105 = arith.constant 0 : i32
    %broadcast_in_dim3A_1106 = vector.broadcast %jit3A_1105 : i32 to vector<256x128xi32>
    %select_n3A_1107 = arith.select %eq3A_1104, %select_n3A_1089, %broadcast_in_dim3A_1106 : vector<256x128xi1>, vector<256x128xi32>
    %reduce_max3A_1108 = arith.constant dense<-2147483648> : vector<256xi32>
    %reduce_max3A_1109 = vector.multi_reduction <maxsi>, %select_n3A_1107, %reduce_max3A_1108 [1] : vector<256x128xi32> to vector<256xi32>
    %broadcast_in_dim3A_1110 = vector.shape_cast %reduce_max3A_1109 : vector<256xi32> to vector<256x1xi32>
    %mul3A_1111 = arith.constant 128 : i32
    %mul3A_1112 = vector.broadcast %mul3A_1111 : i32 to vector<256x1xi32>
    %mul3A_1113 = arith.muli %broadcast_in_dim3A_1110, %mul3A_1112 : vector<256x1xi32>
    %add3A_1114 = arith.addi %mul3A_1113, %broadcast_in_dim3A_1102 : vector<256x1xi32>
    %add3A_1115 = vector.broadcast %mul3A_23 : i32 to vector<256x1xi32>
    %add3A_1116 = arith.addi %add3A_1114, %add3A_1115 : vector<256x1xi32>
    %eq3A_1117 = arith.constant 0 : i32
    %eq3A_1118 = vector.broadcast %eq3A_1117 : i32 to vector<256x128xi32>
    %eq3A_1119 = arith.cmpi eq, %add3A_1091, %eq3A_1118 : vector<256x128xi32>
    %eq3A_1120 = arith.constant 1 : i32
    %eq3A_1121 = vector.broadcast %eq3A_1120 : i32 to vector<256x128xi32>
    %eq3A_1122 = arith.cmpi eq, %add3A_1091, %eq3A_1121 : vector<256x128xi32>
    %eq3A_1123 = arith.constant 2 : i32
    %eq3A_1124 = vector.broadcast %eq3A_1123 : i32 to vector<256x128xi32>
    %eq3A_1125 = arith.cmpi eq, %add3A_1091, %eq3A_1124 : vector<256x128xi32>
    %select_n3A_1126 = arith.select %eq3A_1125, %select_n3A_348, %broadcast_in_dim3A_25 : vector<256x128xi1>, vector<256x128xf32>
    %select_n3A_1127 = arith.select %eq3A_1122, %select_n3A_352, %select_n3A_1126 : vector<256x128xi1>, vector<256x128xf32>
    %select_n3A_1128 = arith.select %eq3A_1119, %select_n3A_356, %select_n3A_1127 : vector<256x128xi1>, vector<256x128xf32>
    %eq3A_1129 = arith.constant 0 : i32
    %eq3A_1130 = vector.broadcast %eq3A_1129 : i32 to vector<256x128xi32>
    %eq3A_1131 = arith.cmpi eq, %add3A_1091, %eq3A_1130 : vector<256x128xi32>
    %eq3A_1132 = arith.constant 1 : i32
    %eq3A_1133 = vector.broadcast %eq3A_1132 : i32 to vector<256x128xi32>
    %eq3A_1134 = arith.cmpi eq, %add3A_1091, %eq3A_1133 : vector<256x128xi32>
    %select_n3A_1135 = arith.select %eq3A_1134, %select_n3A_354, %select_n3A_350 : vector<256x128xi1>, vector<256x128xi32>
    %select_n3A_1136 = arith.select %eq3A_1131, %select_n3A_358, %select_n3A_1135 : vector<256x128xi1>, vector<256x128xi32>
    %select_n3A_1137 = arith.select %eq3A_1104, %select_n3A_1128, %select_n3A_1088 : vector<256x128xi1>, vector<256x128xf32>
    %select_n3A_1138 = arith.select %eq3A_1104, %select_n3A_1136, %select_n3A_1089 : vector<256x128xi1>, vector<256x128xi32>
    %convert_element_type3A_1139 = arith.extui %eq3A_1104 : vector<256x128xi1> to vector<256x128xi32>
    %add3A_1140 = arith.addi %add3A_1091, %convert_element_type3A_1139 : vector<256x128xi32>
    %reduce_max3A_1141 = arith.constant dense<0xFF800000> : vector<256xf32>
    %reduce_max3A_1142 = vector.multi_reduction <maximumf>, %select_n3A_1137, %reduce_max3A_1141 [1] : vector<256x128xf32> to vector<256xf32>
    %broadcast_in_dim3A_1143 = vector.shape_cast %reduce_max3A_1142 : vector<256xf32> to vector<256x1xf32>
    %eq3A_1144 = vector.broadcast %broadcast_in_dim3A_1143 : vector<256x1xf32> to vector<256x128xf32>
    %eq3A_1145 = arith.cmpf oeq, %select_n3A_1137, %eq3A_1144 : vector<256x128xf32>
    %jit3A_1146 = arith.constant 128 : i32
    %broadcast_in_dim3A_1147 = vector.broadcast %jit3A_1146 : i32 to vector<256x128xi32>
    %select_n3A_1148 = arith.select %eq3A_1145, %iota3A, %broadcast_in_dim3A_1147 : vector<256x128xi1>, vector<256x128xi32>
    %reduce_min3A_1149 = arith.constant dense<2147483647> : vector<256xi32>
    %reduce_min3A_1150 = vector.multi_reduction <minsi>, %select_n3A_1148, %reduce_min3A_1149 [1] : vector<256x128xi32> to vector<256xi32>
    %broadcast_in_dim3A_1151 = vector.shape_cast %reduce_min3A_1150 : vector<256xi32> to vector<256x1xi32>
    %eq3A_1152 = vector.broadcast %broadcast_in_dim3A_1151 : vector<256x1xi32> to vector<256x128xi32>
    %eq3A_1153 = arith.cmpi eq, %iota3A, %eq3A_1152 : vector<256x128xi32>
    %jit3A_1154 = arith.constant 0 : i32
    %broadcast_in_dim3A_1155 = vector.broadcast %jit3A_1154 : i32 to vector<256x128xi32>
    %select_n3A_1156 = arith.select %eq3A_1153, %select_n3A_1138, %broadcast_in_dim3A_1155 : vector<256x128xi1>, vector<256x128xi32>
    %reduce_max3A_1157 = arith.constant dense<-2147483648> : vector<256xi32>
    %reduce_max3A_1158 = vector.multi_reduction <maxsi>, %select_n3A_1156, %reduce_max3A_1157 [1] : vector<256x128xi32> to vector<256xi32>
    %broadcast_in_dim3A_1159 = vector.shape_cast %reduce_max3A_1158 : vector<256xi32> to vector<256x1xi32>
    %mul3A_1160 = arith.constant 128 : i32
    %mul3A_1161 = vector.broadcast %mul3A_1160 : i32 to vector<256x1xi32>
    %mul3A_1162 = arith.muli %broadcast_in_dim3A_1159, %mul3A_1161 : vector<256x1xi32>
    %add3A_1163 = arith.addi %mul3A_1162, %broadcast_in_dim3A_1151 : vector<256x1xi32>
    %add3A_1164 = vector.broadcast %mul3A_23 : i32 to vector<256x1xi32>
    %add3A_1165 = arith.addi %add3A_1163, %add3A_1164 : vector<256x1xi32>
    %eq3A_1166 = arith.constant 0 : i32
    %eq3A_1167 = vector.broadcast %eq3A_1166 : i32 to vector<256x128xi32>
    %eq3A_1168 = arith.cmpi eq, %add3A_1140, %eq3A_1167 : vector<256x128xi32>
    %eq3A_1169 = arith.constant 1 : i32
    %eq3A_1170 = vector.broadcast %eq3A_1169 : i32 to vector<256x128xi32>
    %eq3A_1171 = arith.cmpi eq, %add3A_1140, %eq3A_1170 : vector<256x128xi32>
    %eq3A_1172 = arith.constant 2 : i32
    %eq3A_1173 = vector.broadcast %eq3A_1172 : i32 to vector<256x128xi32>
    %eq3A_1174 = arith.cmpi eq, %add3A_1140, %eq3A_1173 : vector<256x128xi32>
    %select_n3A_1175 = arith.select %eq3A_1174, %select_n3A_348, %broadcast_in_dim3A_25 : vector<256x128xi1>, vector<256x128xf32>
    %select_n3A_1176 = arith.select %eq3A_1171, %select_n3A_352, %select_n3A_1175 : vector<256x128xi1>, vector<256x128xf32>
    %select_n3A_1177 = arith.select %eq3A_1168, %select_n3A_356, %select_n3A_1176 : vector<256x128xi1>, vector<256x128xf32>
    %eq3A_1178 = arith.constant 0 : i32
    %eq3A_1179 = vector.broadcast %eq3A_1178 : i32 to vector<256x128xi32>
    %eq3A_1180 = arith.cmpi eq, %add3A_1140, %eq3A_1179 : vector<256x128xi32>
    %eq3A_1181 = arith.constant 1 : i32
    %eq3A_1182 = vector.broadcast %eq3A_1181 : i32 to vector<256x128xi32>
    %eq3A_1183 = arith.cmpi eq, %add3A_1140, %eq3A_1182 : vector<256x128xi32>
    %select_n3A_1184 = arith.select %eq3A_1183, %select_n3A_354, %select_n3A_350 : vector<256x128xi1>, vector<256x128xi32>
    %select_n3A_1185 = arith.select %eq3A_1180, %select_n3A_358, %select_n3A_1184 : vector<256x128xi1>, vector<256x128xi32>
    %select_n3A_1186 = arith.select %eq3A_1153, %select_n3A_1177, %select_n3A_1137 : vector<256x128xi1>, vector<256x128xf32>
    %select_n3A_1187 = arith.select %eq3A_1153, %select_n3A_1185, %select_n3A_1138 : vector<256x128xi1>, vector<256x128xi32>
    %convert_element_type3A_1188 = arith.extui %eq3A_1153 : vector<256x128xi1> to vector<256x128xi32>
    %add3A_1189 = arith.addi %add3A_1140, %convert_element_type3A_1188 : vector<256x128xi32>
    %reduce_max3A_1190 = arith.constant dense<0xFF800000> : vector<256xf32>
    %reduce_max3A_1191 = vector.multi_reduction <maximumf>, %select_n3A_1186, %reduce_max3A_1190 [1] : vector<256x128xf32> to vector<256xf32>
    %broadcast_in_dim3A_1192 = vector.shape_cast %reduce_max3A_1191 : vector<256xf32> to vector<256x1xf32>
    %eq3A_1193 = vector.broadcast %broadcast_in_dim3A_1192 : vector<256x1xf32> to vector<256x128xf32>
    %eq3A_1194 = arith.cmpf oeq, %select_n3A_1186, %eq3A_1193 : vector<256x128xf32>
    %jit3A_1195 = arith.constant 128 : i32
    %broadcast_in_dim3A_1196 = vector.broadcast %jit3A_1195 : i32 to vector<256x128xi32>
    %select_n3A_1197 = arith.select %eq3A_1194, %iota3A, %broadcast_in_dim3A_1196 : vector<256x128xi1>, vector<256x128xi32>
    %reduce_min3A_1198 = arith.constant dense<2147483647> : vector<256xi32>
    %reduce_min3A_1199 = vector.multi_reduction <minsi>, %select_n3A_1197, %reduce_min3A_1198 [1] : vector<256x128xi32> to vector<256xi32>
    %broadcast_in_dim3A_1200 = vector.shape_cast %reduce_min3A_1199 : vector<256xi32> to vector<256x1xi32>
    %eq3A_1201 = vector.broadcast %broadcast_in_dim3A_1200 : vector<256x1xi32> to vector<256x128xi32>
    %eq3A_1202 = arith.cmpi eq, %iota3A, %eq3A_1201 : vector<256x128xi32>
    %jit3A_1203 = arith.constant 0 : i32
    %broadcast_in_dim3A_1204 = vector.broadcast %jit3A_1203 : i32 to vector<256x128xi32>
    %select_n3A_1205 = arith.select %eq3A_1202, %select_n3A_1187, %broadcast_in_dim3A_1204 : vector<256x128xi1>, vector<256x128xi32>
    %reduce_max3A_1206 = arith.constant dense<-2147483648> : vector<256xi32>
    %reduce_max3A_1207 = vector.multi_reduction <maxsi>, %select_n3A_1205, %reduce_max3A_1206 [1] : vector<256x128xi32> to vector<256xi32>
    %broadcast_in_dim3A_1208 = vector.shape_cast %reduce_max3A_1207 : vector<256xi32> to vector<256x1xi32>
    %mul3A_1209 = arith.constant 128 : i32
    %mul3A_1210 = vector.broadcast %mul3A_1209 : i32 to vector<256x1xi32>
    %mul3A_1211 = arith.muli %broadcast_in_dim3A_1208, %mul3A_1210 : vector<256x1xi32>
    %add3A_1212 = arith.addi %mul3A_1211, %broadcast_in_dim3A_1200 : vector<256x1xi32>
    %add3A_1213 = vector.broadcast %mul3A_23 : i32 to vector<256x1xi32>
    %add3A_1214 = arith.addi %add3A_1212, %add3A_1213 : vector<256x1xi32>
    %eq3A_1215 = arith.constant 0 : i32
    %eq3A_1216 = vector.broadcast %eq3A_1215 : i32 to vector<256x128xi32>
    %eq3A_1217 = arith.cmpi eq, %add3A_1189, %eq3A_1216 : vector<256x128xi32>
    %eq3A_1218 = arith.constant 1 : i32
    %eq3A_1219 = vector.broadcast %eq3A_1218 : i32 to vector<256x128xi32>
    %eq3A_1220 = arith.cmpi eq, %add3A_1189, %eq3A_1219 : vector<256x128xi32>
    %eq3A_1221 = arith.constant 2 : i32
    %eq3A_1222 = vector.broadcast %eq3A_1221 : i32 to vector<256x128xi32>
    %eq3A_1223 = arith.cmpi eq, %add3A_1189, %eq3A_1222 : vector<256x128xi32>
    %select_n3A_1224 = arith.select %eq3A_1223, %select_n3A_348, %broadcast_in_dim3A_25 : vector<256x128xi1>, vector<256x128xf32>
    %select_n3A_1225 = arith.select %eq3A_1220, %select_n3A_352, %select_n3A_1224 : vector<256x128xi1>, vector<256x128xf32>
    %select_n3A_1226 = arith.select %eq3A_1217, %select_n3A_356, %select_n3A_1225 : vector<256x128xi1>, vector<256x128xf32>
    %eq3A_1227 = arith.constant 0 : i32
    %eq3A_1228 = vector.broadcast %eq3A_1227 : i32 to vector<256x128xi32>
    %eq3A_1229 = arith.cmpi eq, %add3A_1189, %eq3A_1228 : vector<256x128xi32>
    %eq3A_1230 = arith.constant 1 : i32
    %eq3A_1231 = vector.broadcast %eq3A_1230 : i32 to vector<256x128xi32>
    %eq3A_1232 = arith.cmpi eq, %add3A_1189, %eq3A_1231 : vector<256x128xi32>
    %select_n3A_1233 = arith.select %eq3A_1232, %select_n3A_354, %select_n3A_350 : vector<256x128xi1>, vector<256x128xi32>
    %select_n3A_1234 = arith.select %eq3A_1229, %select_n3A_358, %select_n3A_1233 : vector<256x128xi1>, vector<256x128xi32>
    %select_n3A_1235 = arith.select %eq3A_1202, %select_n3A_1226, %select_n3A_1186 : vector<256x128xi1>, vector<256x128xf32>
    %select_n3A_1236 = arith.select %eq3A_1202, %select_n3A_1234, %select_n3A_1187 : vector<256x128xi1>, vector<256x128xi32>
    %convert_element_type3A_1237 = arith.extui %eq3A_1202 : vector<256x128xi1> to vector<256x128xi32>
    %add3A_1238 = arith.addi %add3A_1189, %convert_element_type3A_1237 : vector<256x128xi32>
    %reduce_max3A_1239 = arith.constant dense<0xFF800000> : vector<256xf32>
    %reduce_max3A_1240 = vector.multi_reduction <maximumf>, %select_n3A_1235, %reduce_max3A_1239 [1] : vector<256x128xf32> to vector<256xf32>
    %broadcast_in_dim3A_1241 = vector.shape_cast %reduce_max3A_1240 : vector<256xf32> to vector<256x1xf32>
    %eq3A_1242 = vector.broadcast %broadcast_in_dim3A_1241 : vector<256x1xf32> to vector<256x128xf32>
    %eq3A_1243 = arith.cmpf oeq, %select_n3A_1235, %eq3A_1242 : vector<256x128xf32>
    %jit3A_1244 = arith.constant 128 : i32
    %broadcast_in_dim3A_1245 = vector.broadcast %jit3A_1244 : i32 to vector<256x128xi32>
    %select_n3A_1246 = arith.select %eq3A_1243, %iota3A, %broadcast_in_dim3A_1245 : vector<256x128xi1>, vector<256x128xi32>
    %reduce_min3A_1247 = arith.constant dense<2147483647> : vector<256xi32>
    %reduce_min3A_1248 = vector.multi_reduction <minsi>, %select_n3A_1246, %reduce_min3A_1247 [1] : vector<256x128xi32> to vector<256xi32>
    %broadcast_in_dim3A_1249 = vector.shape_cast %reduce_min3A_1248 : vector<256xi32> to vector<256x1xi32>
    %eq3A_1250 = vector.broadcast %broadcast_in_dim3A_1249 : vector<256x1xi32> to vector<256x128xi32>
    %eq3A_1251 = arith.cmpi eq, %iota3A, %eq3A_1250 : vector<256x128xi32>
    %jit3A_1252 = arith.constant 0 : i32
    %broadcast_in_dim3A_1253 = vector.broadcast %jit3A_1252 : i32 to vector<256x128xi32>
    %select_n3A_1254 = arith.select %eq3A_1251, %select_n3A_1236, %broadcast_in_dim3A_1253 : vector<256x128xi1>, vector<256x128xi32>
    %reduce_max3A_1255 = arith.constant dense<-2147483648> : vector<256xi32>
    %reduce_max3A_1256 = vector.multi_reduction <maxsi>, %select_n3A_1254, %reduce_max3A_1255 [1] : vector<256x128xi32> to vector<256xi32>
    %broadcast_in_dim3A_1257 = vector.shape_cast %reduce_max3A_1256 : vector<256xi32> to vector<256x1xi32>
    %mul3A_1258 = arith.constant 128 : i32
    %mul3A_1259 = vector.broadcast %mul3A_1258 : i32 to vector<256x1xi32>
    %mul3A_1260 = arith.muli %broadcast_in_dim3A_1257, %mul3A_1259 : vector<256x1xi32>
    %add3A_1261 = arith.addi %mul3A_1260, %broadcast_in_dim3A_1249 : vector<256x1xi32>
    %add3A_1262 = vector.broadcast %mul3A_23 : i32 to vector<256x1xi32>
    %add3A_1263 = arith.addi %add3A_1261, %add3A_1262 : vector<256x1xi32>
    %eq3A_1264 = arith.constant 0 : i32
    %eq3A_1265 = vector.broadcast %eq3A_1264 : i32 to vector<256x128xi32>
    %eq3A_1266 = arith.cmpi eq, %add3A_1238, %eq3A_1265 : vector<256x128xi32>
    %eq3A_1267 = arith.constant 1 : i32
    %eq3A_1268 = vector.broadcast %eq3A_1267 : i32 to vector<256x128xi32>
    %eq3A_1269 = arith.cmpi eq, %add3A_1238, %eq3A_1268 : vector<256x128xi32>
    %eq3A_1270 = arith.constant 2 : i32
    %eq3A_1271 = vector.broadcast %eq3A_1270 : i32 to vector<256x128xi32>
    %eq3A_1272 = arith.cmpi eq, %add3A_1238, %eq3A_1271 : vector<256x128xi32>
    %select_n3A_1273 = arith.select %eq3A_1272, %select_n3A_348, %broadcast_in_dim3A_25 : vector<256x128xi1>, vector<256x128xf32>
    %select_n3A_1274 = arith.select %eq3A_1269, %select_n3A_352, %select_n3A_1273 : vector<256x128xi1>, vector<256x128xf32>
    %select_n3A_1275 = arith.select %eq3A_1266, %select_n3A_356, %select_n3A_1274 : vector<256x128xi1>, vector<256x128xf32>
    %eq3A_1276 = arith.constant 0 : i32
    %eq3A_1277 = vector.broadcast %eq3A_1276 : i32 to vector<256x128xi32>
    %eq3A_1278 = arith.cmpi eq, %add3A_1238, %eq3A_1277 : vector<256x128xi32>
    %eq3A_1279 = arith.constant 1 : i32
    %eq3A_1280 = vector.broadcast %eq3A_1279 : i32 to vector<256x128xi32>
    %eq3A_1281 = arith.cmpi eq, %add3A_1238, %eq3A_1280 : vector<256x128xi32>
    %select_n3A_1282 = arith.select %eq3A_1281, %select_n3A_354, %select_n3A_350 : vector<256x128xi1>, vector<256x128xi32>
    %select_n3A_1283 = arith.select %eq3A_1278, %select_n3A_358, %select_n3A_1282 : vector<256x128xi1>, vector<256x128xi32>
    %select_n3A_1284 = arith.select %eq3A_1251, %select_n3A_1275, %select_n3A_1235 : vector<256x128xi1>, vector<256x128xf32>
    %select_n3A_1285 = arith.select %eq3A_1251, %select_n3A_1283, %select_n3A_1236 : vector<256x128xi1>, vector<256x128xi32>
    %reduce_max3A_1286 = arith.constant dense<0xFF800000> : vector<256xf32>
    %reduce_max3A_1287 = vector.multi_reduction <maximumf>, %select_n3A_1284, %reduce_max3A_1286 [1] : vector<256x128xf32> to vector<256xf32>
    %broadcast_in_dim3A_1288 = vector.shape_cast %reduce_max3A_1287 : vector<256xf32> to vector<256x1xf32>
    %eq3A_1289 = vector.broadcast %broadcast_in_dim3A_1288 : vector<256x1xf32> to vector<256x128xf32>
    %eq3A_1290 = arith.cmpf oeq, %select_n3A_1284, %eq3A_1289 : vector<256x128xf32>
    %jit3A_1291 = arith.constant 128 : i32
    %broadcast_in_dim3A_1292 = vector.broadcast %jit3A_1291 : i32 to vector<256x128xi32>
    %select_n3A_1293 = arith.select %eq3A_1290, %iota3A, %broadcast_in_dim3A_1292 : vector<256x128xi1>, vector<256x128xi32>
    %reduce_min3A_1294 = arith.constant dense<2147483647> : vector<256xi32>
    %reduce_min3A_1295 = vector.multi_reduction <minsi>, %select_n3A_1293, %reduce_min3A_1294 [1] : vector<256x128xi32> to vector<256xi32>
    %broadcast_in_dim3A_1296 = vector.shape_cast %reduce_min3A_1295 : vector<256xi32> to vector<256x1xi32>
    %eq3A_1297 = vector.broadcast %broadcast_in_dim3A_1296 : vector<256x1xi32> to vector<256x128xi32>
    %eq3A_1298 = arith.cmpi eq, %iota3A, %eq3A_1297 : vector<256x128xi32>
    %jit3A_1299 = arith.constant 0 : i32
    %broadcast_in_dim3A_1300 = vector.broadcast %jit3A_1299 : i32 to vector<256x128xi32>
    %select_n3A_1301 = arith.select %eq3A_1298, %select_n3A_1285, %broadcast_in_dim3A_1300 : vector<256x128xi1>, vector<256x128xi32>
    %reduce_max3A_1302 = arith.constant dense<-2147483648> : vector<256xi32>
    %reduce_max3A_1303 = vector.multi_reduction <maxsi>, %select_n3A_1301, %reduce_max3A_1302 [1] : vector<256x128xi32> to vector<256xi32>
    %broadcast_in_dim3A_1304 = vector.shape_cast %reduce_max3A_1303 : vector<256xi32> to vector<256x1xi32>
    %mul3A_1305 = arith.constant 128 : i32
    %mul3A_1306 = vector.broadcast %mul3A_1305 : i32 to vector<256x1xi32>
    %mul3A_1307 = arith.muli %broadcast_in_dim3A_1304, %mul3A_1306 : vector<256x1xi32>
    %add3A_1308 = arith.addi %mul3A_1307, %broadcast_in_dim3A_1296 : vector<256x1xi32>
    %add3A_1309 = vector.broadcast %mul3A_23 : i32 to vector<256x1xi32>
    %add3A_1310 = arith.addi %add3A_1308, %add3A_1309 : vector<256x1xi32>
    %concatenate3A = tpu.concatenate %add3A_381, %add3A_430, %add3A_479, %add3A_528, %add3A_577, %add3A_626, %add3A_675, %add3A_724, %add3A_773, %add3A_822, %add3A_871, %add3A_920, %add3A_969, %add3A_1018, %add3A_1067, %add3A_1116, %add3A_1165, %add3A_1214, %add3A_1263, %add3A_1310 in 1 : vector<256x1xi32>, vector<256x1xi32>, vector<256x1xi32>, vector<256x1xi32>, vector<256x1xi32>, vector<256x1xi32>, vector<256x1xi32>, vector<256x1xi32>, vector<256x1xi32>, vector<256x1xi32>, vector<256x1xi32>, vector<256x1xi32>, vector<256x1xi32>, vector<256x1xi32>, vector<256x1xi32>, vector<256x1xi32>, vector<256x1xi32>, vector<256x1xi32>, vector<256x1xi32>, vector<256x1xi32> -> vector<256x20xi32>
    %swap3A = arith.constant 0 : index
    %swap3A_1311 = arith.constant 0 : index
    %swap3A_1312 = vector.load %arg5[%swap3A, %swap3A_1311] : memref<256x20xi32, #tpu.memory_space<vmem>>, vector<256x20xi32>
    tpu.vector_store %arg5[%swap3A, %swap3A_1311], %concatenate3A {strides = array<i32>} : memref<256x20xi32, #tpu.memory_space<vmem>>, vector<256x20xi32>,
    return
  }
  func.func @transform_0(%arg0: i32, %arg1: i32) -> (i32, i32) {
    %add3A = arith.constant 2 : i32
    %add3A_0 = arith.addi %arg0, %add3A : i32
    %mul3A = arith.constant 8 : i32
    %mul3A_1 = arith.muli %add3A_0, %mul3A : i32
    %add3A_2 = arith.addi %mul3A_1, %arg1 : i32
    %c0_i32 = arith.constant 0 : i32
    %c0_i32_3 = arith.constant 0 : i32
    return %add3A_2, %c0_i32 : i32, i32
  }
  func.func @transform_1(%arg0: i32, %arg1: i32) -> (i32, i32) {
    %add3A = arith.constant 2 : i32
    %add3A_0 = arith.addi %arg0, %add3A : i32
    %c0_i32 = arith.constant 0 : i32
    %c0_i32_1 = arith.constant 0 : i32
    return %add3A_0, %c0_i32 : i32, i32
  }
  func.func @transform_2(%arg0: i32, %arg1: i32) -> (i32, i32, i32) {
    %add3A = arith.constant 2 : i32
    %add3A_0 = arith.addi %arg0, %add3A : i32
    %c0_i32 = arith.constant 0 : i32
    %c0_i32_1 = arith.constant 0 : i32
    %c0_i32_2 = arith.constant 0 : i32
    return %add3A_0, %c0_i32, %c0_i32_1 : i32, i32, i32
  }
  func.func @transform_3(%arg0: i32, %arg1: i32) -> (i32, i32) {
    %mul3A = arith.constant 8 : i32
    %mul3A_0 = arith.muli %arg0, %mul3A : i32
    %add3A = arith.addi %mul3A_0, %arg1 : i32
    %c0_i32 = arith.constant 0 : i32
    %c0_i32_1 = arith.constant 0 : i32
    return %add3A, %c0_i32 : i32, i32
  }
}

module attributes {stable_mosaic.version = 14 : i64} {
  func.func @_conv_kernel(%arg0: i32, %arg1: memref<20x512x128xf32, #tpu.memory_space<vmem>>, %arg2: memref<512x128xf32, #tpu.memory_space<vmem>>, %arg3: memref<256x128xf32, #tpu.memory_space<vmem>>, %arg4: memref<512x128xf32, #tpu.memory_space<vmem>>, %arg5: memref<8x128xf32, #tpu.memory_space<vmem>>) attributes {dimension_semantics = [#tpu.dimension_semantics<arbitrary>], iteration_bounds = array<i64: 8>, scalar_prefetch = 0 : i64, scratch_operands = 0 : i64, tpu.core_type = #tpu.core_type<tc>, window_params = [{transform_indices = @transform_0, window_bounds = array<i64: 20, 512, 128>}, {transform_indices = @transform_1, window_bounds = array<i64: 512, 128>}, {pipeline_mode = #tpu.pipeline_mode<synchronous>, transform_indices = @transform_2, window_bounds = array<i64: 256, 128>}, {transform_indices = @transform_3, window_bounds = array<i64: 512, 128>}, {pipeline_mode = #tpu.pipeline_mode<synchronous>, transform_indices = @transform_4, window_bounds = array<i64: 8, 128>}]} {
    %get3A = arith.constant 0 : index
    %get3A_0 = arith.constant 0 : index
    %get3A_1 = arith.constant 0 : index
    %get3A_2 = vector.load %arg1[%get3A, %get3A_0, %get3A_1] : memref<20x512x128xf32, #tpu.memory_space<vmem>>, vector<20x512x128xf32>
    %get3A_3 = arith.constant 0 : index
    %get3A_4 = arith.constant 0 : index
    %get3A_5 = vector.load %arg2[%get3A_3, %get3A_4] : memref<512x128xf32, #tpu.memory_space<vmem>>, vector<512x128xf32>
    %broadcast_in_dim3A = vector.shape_cast %get3A_5 : vector<512x128xf32> to vector<1x512x128xf32>
    %sub3A = vector.broadcast %broadcast_in_dim3A : vector<1x512x128xf32> to vector<20x512x128xf32>
    %sub3A_6 = arith.subf %get3A_2, %sub3A : vector<20x512x128xf32>
    %convert_element_type3A = arith.truncf %sub3A_6 : vector<20x512x128xf32> to vector<20x512x128xbf16>
    %reshape3A = vector.shape_cast %convert_element_type3A : vector<20x512x128xbf16> to vector<10240x128xbf16>
    %broadcast_in_dim3A_7 = vector.shape_cast %get3A_5 : vector<512x128xf32> to vector<1x512x128xf32>
    %broadcast_in_dim3A_8 = vector.shape_cast %broadcast_in_dim3A_7 : vector<1x512x128xf32> to vector<1x512x128xf32>
    %broadcast_in_dim3A_9 = vector.broadcast %broadcast_in_dim3A_8 : vector<1x512x128xf32> to vector<20x512x128xf32>
    %convert_element_type3A_10 = arith.truncf %broadcast_in_dim3A_9 : vector<20x512x128xf32> to vector<20x512x128xbf16>
    %reshape3A_11 = vector.shape_cast %convert_element_type3A_10 : vector<20x512x128xbf16> to vector<10240x128xbf16>
    %concatenate3A = tpu.concatenate %reshape3A, %reshape3A_11 in 1 : vector<10240x128xbf16>, vector<10240x128xbf16> -> vector<10240x256xbf16>
    %get3A_12 = arith.constant 0 : index
    %get3A_13 = arith.constant 0 : index
    %get3A_14 = vector.load %arg3[%get3A_12, %get3A_13] : memref<256x128xf32, #tpu.memory_space<vmem>>, vector<256x128xf32>
    %convert_element_type3A_15 = arith.truncf %get3A_14 : vector<256x128xf32> to vector<256x128xbf16>
    %dot_general3A = arith.constant dense<0.000000e+00> : vector<10240x128xf32>
    %dot_general3A_16 = tpu.matmul %concatenate3A, %convert_element_type3A_15, %dot_general3A {dimension_numbers = #tpu.dot_dimension_numbers<[1], [0], [0], [1], [0, 0, 1, 1], [], []>, transpose_lhs_hint = false} : vector<10240x256xbf16>, vector<256x128xbf16>, vector<10240x128xf32> -> vector<10240x128xf32>
    %reshape3A_17 = vector.shape_cast %dot_general3A_16 : vector<10240x128xf32> to vector<20x512x128xf32>
    %reduce_max3A = arith.constant dense<0xFF800000> : vector<512x128xf32>
    %reduce_max3A_18 = vector.multi_reduction <maximumf>, %reshape3A_17, %reduce_max3A [0] : vector<20x512x128xf32> to vector<512x128xf32>
    %swap3A = arith.constant 0 : index
    %swap3A_19 = arith.constant 0 : index
    %swap3A_20 = vector.load %arg4[%swap3A, %swap3A_19] : memref<512x128xf32, #tpu.memory_space<vmem>>, vector<512x128xf32>
    tpu.vector_store %arg4[%swap3A, %swap3A_19], %reduce_max3A_18 {strides = array<i32>} : memref<512x128xf32, #tpu.memory_space<vmem>>, vector<512x128xf32>,
    %reduce_sum3A = arith.constant dense<0.000000e+00> : vector<128xf32>
    %reduce_sum3A_21 = vector.multi_reduction <add>, %dot_general3A_16, %reduce_sum3A [0] : vector<10240x128xf32> to vector<128xf32>
    %broadcast_in_dim3A_22 = vector.shape_cast %reduce_sum3A_21 : vector<128xf32> to vector<1x128xf32>
    %mul3A = arith.mulf %dot_general3A_16, %dot_general3A_16 : vector<10240x128xf32>
    %reduce_sum3A_23 = arith.constant dense<0.000000e+00> : vector<128xf32>
    %reduce_sum3A_24 = vector.multi_reduction <add>, %mul3A, %reduce_sum3A_23 [0] : vector<10240x128xf32> to vector<128xf32>
    %broadcast_in_dim3A_25 = vector.shape_cast %reduce_sum3A_24 : vector<128xf32> to vector<1x128xf32>
    %broadcast_in_dim3A_26 = arith.constant 0.000000e+00 : f32
    %broadcast_in_dim3A_27 = vector.broadcast %broadcast_in_dim3A_26 : f32 to vector<6x128xf32>
    %concatenate3A_28 = tpu.concatenate %broadcast_in_dim3A_22, %broadcast_in_dim3A_25, %broadcast_in_dim3A_27 in 0 : vector<1x128xf32>, vector<1x128xf32>, vector<6x128xf32> -> vector<8x128xf32>
    %eq3A = arith.constant 0 : i32
    %eq3A_29 = arith.cmpi eq, %arg0, %eq3A : i32
    %convert_element_type3A_30 = arith.extui %eq3A_29 : i1 to i32
    %cond3A = arith.constant 0 : i32
    %cond3A_31 = arith.cmpi ne, %convert_element_type3A_30, %cond3A : i32
    scf.if %cond3A_31 {
      %swap3A_36 = arith.constant 0 : index
      %swap3A_37 = arith.constant 0 : index
      %swap3A_38 = vector.load %arg5[%swap3A_36, %swap3A_37] : memref<8x128xf32, #tpu.memory_space<vmem>>, vector<8x128xf32>
      tpu.vector_store %arg5[%swap3A_36, %swap3A_37], %concatenate3A_28 {strides = array<i32>} : memref<8x128xf32, #tpu.memory_space<vmem>>, vector<8x128xf32>,
    } else {
    }
    %ne3A = arith.constant 0 : i32
    %ne3A_32 = arith.cmpi ne, %arg0, %ne3A : i32
    %convert_element_type3A_33 = arith.extui %ne3A_32 : i1 to i32
    %cond3A_34 = arith.constant 0 : i32
    %cond3A_35 = arith.cmpi ne, %convert_element_type3A_33, %cond3A_34 : i32
    scf.if %cond3A_35 {
      %get3A_36 = arith.constant 0 : index
      %get3A_37 = arith.constant 0 : index
      %get3A_38 = vector.load %arg5[%get3A_36, %get3A_37] : memref<8x128xf32, #tpu.memory_space<vmem>>, vector<8x128xf32>
      %add3A = arith.addf %get3A_38, %concatenate3A_28 : vector<8x128xf32>
      %swap3A_39 = arith.constant 0 : index
      %swap3A_40 = arith.constant 0 : index
      %swap3A_41 = vector.load %arg5[%swap3A_39, %swap3A_40] : memref<8x128xf32, #tpu.memory_space<vmem>>, vector<8x128xf32>
      tpu.vector_store %arg5[%swap3A_39, %swap3A_40], %add3A {strides = array<i32>} : memref<8x128xf32, #tpu.memory_space<vmem>>, vector<8x128xf32>,
    } else {
    }
    return
  }
  func.func @transform_0(%arg0: i32) -> (i32, i32, i32) {
    %c0_i32 = arith.constant 0 : i32
    %c0_i32_0 = arith.constant 0 : i32
    %c0_i32_1 = arith.constant 0 : i32
    return %c0_i32, %arg0, %c0_i32_0 : i32, i32, i32
  }
  func.func @transform_1(%arg0: i32) -> (i32, i32) {
    %add3A = arith.constant 0 : i32
    %add3A_0 = arith.addi %arg0, %add3A : i32
    %c0_i32 = arith.constant 0 : i32
    %c0_i32_1 = arith.constant 0 : i32
    return %add3A_0, %c0_i32 : i32, i32
  }
  func.func @transform_2(%arg0: i32) -> (i32, i32) {
    %c0_i32 = arith.constant 0 : i32
    %c0_i32_0 = arith.constant 0 : i32
    %c0_i32_1 = arith.constant 0 : i32
    return %c0_i32, %c0_i32_0 : i32, i32
  }
  func.func @transform_3(%arg0: i32) -> (i32, i32) {
    %c0_i32 = arith.constant 0 : i32
    %c0_i32_0 = arith.constant 0 : i32
    return %arg0, %c0_i32 : i32, i32
  }
  func.func @transform_4(%arg0: i32) -> (i32, i32) {
    %c0_i32 = arith.constant 0 : i32
    %c0_i32_0 = arith.constant 0 : i32
    %c0_i32_1 = arith.constant 0 : i32
    return %c0_i32, %c0_i32_0 : i32, i32
  }
}

module attributes {stable_mosaic.version = 14 : i64} {
  func.func @_conv_kernel(%arg0: i32, %arg1: memref<20x512x128xf32, #tpu.memory_space<vmem>>, %arg2: memref<512x128xf32, #tpu.memory_space<vmem>>, %arg3: memref<256x128xf32, #tpu.memory_space<vmem>>, %arg4: memref<512x128xf32, #tpu.memory_space<vmem>>, %arg5: memref<8x128xf32, #tpu.memory_space<vmem>>) attributes {dimension_semantics = [#tpu.dimension_semantics<arbitrary>], iteration_bounds = array<i64: 8>, scalar_prefetch = 0 : i64, scratch_operands = 0 : i64, tpu.core_type = #tpu.core_type<tc>, window_params = [{transform_indices = @transform_0, window_bounds = array<i64: 20, 512, 128>}, {transform_indices = @transform_1, window_bounds = array<i64: 512, 128>}, {pipeline_mode = #tpu.pipeline_mode<synchronous>, transform_indices = @transform_2, window_bounds = array<i64: 256, 128>}, {transform_indices = @transform_3, window_bounds = array<i64: 512, 128>}, {pipeline_mode = #tpu.pipeline_mode<synchronous>, transform_indices = @transform_4, window_bounds = array<i64: 8, 128>}]} {
    %get3A = arith.constant 0 : index
    %get3A_0 = arith.constant 0 : index
    %get3A_1 = arith.constant 0 : index
    %get3A_2 = vector.load %arg1[%get3A, %get3A_0, %get3A_1] : memref<20x512x128xf32, #tpu.memory_space<vmem>>, vector<20x512x128xf32>
    %get3A_3 = arith.constant 0 : index
    %get3A_4 = arith.constant 0 : index
    %get3A_5 = vector.load %arg2[%get3A_3, %get3A_4] : memref<512x128xf32, #tpu.memory_space<vmem>>, vector<512x128xf32>
    %broadcast_in_dim3A = vector.shape_cast %get3A_5 : vector<512x128xf32> to vector<1x512x128xf32>
    %sub3A = vector.broadcast %broadcast_in_dim3A : vector<1x512x128xf32> to vector<20x512x128xf32>
    %sub3A_6 = arith.subf %get3A_2, %sub3A : vector<20x512x128xf32>
    %convert_element_type3A = arith.truncf %sub3A_6 : vector<20x512x128xf32> to vector<20x512x128xbf16>
    %reshape3A = vector.shape_cast %convert_element_type3A : vector<20x512x128xbf16> to vector<10240x128xbf16>
    %broadcast_in_dim3A_7 = vector.shape_cast %get3A_5 : vector<512x128xf32> to vector<1x512x128xf32>
    %broadcast_in_dim3A_8 = vector.shape_cast %broadcast_in_dim3A_7 : vector<1x512x128xf32> to vector<1x512x128xf32>
    %broadcast_in_dim3A_9 = vector.broadcast %broadcast_in_dim3A_8 : vector<1x512x128xf32> to vector<20x512x128xf32>
    %convert_element_type3A_10 = arith.truncf %broadcast_in_dim3A_9 : vector<20x512x128xf32> to vector<20x512x128xbf16>
    %reshape3A_11 = vector.shape_cast %convert_element_type3A_10 : vector<20x512x128xbf16> to vector<10240x128xbf16>
    %concatenate3A = tpu.concatenate %reshape3A, %reshape3A_11 in 1 : vector<10240x128xbf16>, vector<10240x128xbf16> -> vector<10240x256xbf16>
    %get3A_12 = arith.constant 0 : index
    %get3A_13 = arith.constant 0 : index
    %get3A_14 = vector.load %arg3[%get3A_12, %get3A_13] : memref<256x128xf32, #tpu.memory_space<vmem>>, vector<256x128xf32>
    %convert_element_type3A_15 = arith.truncf %get3A_14 : vector<256x128xf32> to vector<256x128xbf16>
    %dot_general3A = arith.constant dense<0.000000e+00> : vector<10240x128xf32>
    %dot_general3A_16 = tpu.matmul %concatenate3A, %convert_element_type3A_15, %dot_general3A {dimension_numbers = #tpu.dot_dimension_numbers<[1], [0], [0], [1], [0, 0, 1, 1], [], []>, transpose_lhs_hint = false} : vector<10240x256xbf16>, vector<256x128xbf16>, vector<10240x128xf32> -> vector<10240x128xf32>
    %reshape3A_17 = vector.shape_cast %dot_general3A_16 : vector<10240x128xf32> to vector<20x512x128xf32>
    %reduce_max3A = arith.constant dense<0xFF800000> : vector<512x128xf32>
    %reduce_max3A_18 = vector.multi_reduction <maximumf>, %reshape3A_17, %reduce_max3A [0] : vector<20x512x128xf32> to vector<512x128xf32>
    %swap3A = arith.constant 0 : index
    %swap3A_19 = arith.constant 0 : index
    %swap3A_20 = vector.load %arg4[%swap3A, %swap3A_19] : memref<512x128xf32, #tpu.memory_space<vmem>>, vector<512x128xf32>
    tpu.vector_store %arg4[%swap3A, %swap3A_19], %reduce_max3A_18 {strides = array<i32>} : memref<512x128xf32, #tpu.memory_space<vmem>>, vector<512x128xf32>,
    %reduce_sum3A = arith.constant dense<0.000000e+00> : vector<128xf32>
    %reduce_sum3A_21 = vector.multi_reduction <add>, %dot_general3A_16, %reduce_sum3A [0] : vector<10240x128xf32> to vector<128xf32>
    %broadcast_in_dim3A_22 = vector.shape_cast %reduce_sum3A_21 : vector<128xf32> to vector<1x128xf32>
    %mul3A = arith.mulf %dot_general3A_16, %dot_general3A_16 : vector<10240x128xf32>
    %reduce_sum3A_23 = arith.constant dense<0.000000e+00> : vector<128xf32>
    %reduce_sum3A_24 = vector.multi_reduction <add>, %mul3A, %reduce_sum3A_23 [0] : vector<10240x128xf32> to vector<128xf32>
    %broadcast_in_dim3A_25 = vector.shape_cast %reduce_sum3A_24 : vector<128xf32> to vector<1x128xf32>
    %broadcast_in_dim3A_26 = arith.constant 0.000000e+00 : f32
    %broadcast_in_dim3A_27 = vector.broadcast %broadcast_in_dim3A_26 : f32 to vector<6x128xf32>
    %concatenate3A_28 = tpu.concatenate %broadcast_in_dim3A_22, %broadcast_in_dim3A_25, %broadcast_in_dim3A_27 in 0 : vector<1x128xf32>, vector<1x128xf32>, vector<6x128xf32> -> vector<8x128xf32>
    %eq3A = arith.constant 0 : i32
    %eq3A_29 = arith.cmpi eq, %arg0, %eq3A : i32
    %convert_element_type3A_30 = arith.extui %eq3A_29 : i1 to i32
    %cond3A = arith.constant 0 : i32
    %cond3A_31 = arith.cmpi ne, %convert_element_type3A_30, %cond3A : i32
    scf.if %cond3A_31 {
      %swap3A_36 = arith.constant 0 : index
      %swap3A_37 = arith.constant 0 : index
      %swap3A_38 = vector.load %arg5[%swap3A_36, %swap3A_37] : memref<8x128xf32, #tpu.memory_space<vmem>>, vector<8x128xf32>
      tpu.vector_store %arg5[%swap3A_36, %swap3A_37], %concatenate3A_28 {strides = array<i32>} : memref<8x128xf32, #tpu.memory_space<vmem>>, vector<8x128xf32>,
    } else {
    }
    %ne3A = arith.constant 0 : i32
    %ne3A_32 = arith.cmpi ne, %arg0, %ne3A : i32
    %convert_element_type3A_33 = arith.extui %ne3A_32 : i1 to i32
    %cond3A_34 = arith.constant 0 : i32
    %cond3A_35 = arith.cmpi ne, %convert_element_type3A_33, %cond3A_34 : i32
    scf.if %cond3A_35 {
      %get3A_36 = arith.constant 0 : index
      %get3A_37 = arith.constant 0 : index
      %get3A_38 = vector.load %arg5[%get3A_36, %get3A_37] : memref<8x128xf32, #tpu.memory_space<vmem>>, vector<8x128xf32>
      %add3A = arith.addf %get3A_38, %concatenate3A_28 : vector<8x128xf32>
      %swap3A_39 = arith.constant 0 : index
      %swap3A_40 = arith.constant 0 : index
      %swap3A_41 = vector.load %arg5[%swap3A_39, %swap3A_40] : memref<8x128xf32, #tpu.memory_space<vmem>>, vector<8x128xf32>
      tpu.vector_store %arg5[%swap3A_39, %swap3A_40], %add3A {strides = array<i32>} : memref<8x128xf32, #tpu.memory_space<vmem>>, vector<8x128xf32>,
    } else {
    }
    return
  }
  func.func @transform_0(%arg0: i32) -> (i32, i32, i32) {
    %c0_i32 = arith.constant 0 : i32
    %c0_i32_0 = arith.constant 0 : i32
    %c0_i32_1 = arith.constant 0 : i32
    return %c0_i32, %arg0, %c0_i32_0 : i32, i32, i32
  }
  func.func @transform_1(%arg0: i32) -> (i32, i32) {
    %add3A = arith.constant 8 : i32
    %add3A_0 = arith.addi %arg0, %add3A : i32
    %c0_i32 = arith.constant 0 : i32
    %c0_i32_1 = arith.constant 0 : i32
    return %add3A_0, %c0_i32 : i32, i32
  }
  func.func @transform_2(%arg0: i32) -> (i32, i32) {
    %c0_i32 = arith.constant 0 : i32
    %c0_i32_0 = arith.constant 0 : i32
    %c0_i32_1 = arith.constant 0 : i32
    return %c0_i32, %c0_i32_0 : i32, i32
  }
  func.func @transform_3(%arg0: i32) -> (i32, i32) {
    %c0_i32 = arith.constant 0 : i32
    %c0_i32_0 = arith.constant 0 : i32
    return %arg0, %c0_i32 : i32, i32
  }
  func.func @transform_4(%arg0: i32) -> (i32, i32) {
    %c0_i32 = arith.constant 0 : i32
    %c0_i32_0 = arith.constant 0 : i32
    %c0_i32_1 = arith.constant 0 : i32
    return %c0_i32, %c0_i32_0 : i32, i32
  }
}

module attributes {stable_mosaic.version = 14 : i64} {
  func.func @_affine_kernel(%arg0: i32, %arg1: memref<2048x128xf32, #tpu.memory_space<vmem>>, %arg2: memref<1x128xf32, #tpu.memory_space<vmem>>, %arg3: memref<1x128xf32, #tpu.memory_space<vmem>>, %arg4: memref<1x128xf32, #tpu.memory_space<vmem>>, %arg5: memref<1x128xf32, #tpu.memory_space<vmem>>, %arg6: memref<2048x128xf32, #tpu.memory_space<vmem>>) attributes {dimension_semantics = [#tpu.dimension_semantics<arbitrary>], iteration_bounds = array<i64: 4>, scalar_prefetch = 0 : i64, scratch_operands = 0 : i64, tpu.core_type = #tpu.core_type<tc>, window_params = [{transform_indices = @transform_0, window_bounds = array<i64: 2048, 128>}, {pipeline_mode = #tpu.pipeline_mode<synchronous>, transform_indices = @transform_1, window_bounds = array<i64: 1, 128>}, {pipeline_mode = #tpu.pipeline_mode<synchronous>, transform_indices = @transform_2, window_bounds = array<i64: 1, 128>}, {pipeline_mode = #tpu.pipeline_mode<synchronous>, transform_indices = @transform_3, window_bounds = array<i64: 1, 128>}, {pipeline_mode = #tpu.pipeline_mode<synchronous>, transform_indices = @transform_4, window_bounds = array<i64: 1, 128>}, {transform_indices = @transform_5, window_bounds = array<i64: 2048, 128>}]} {
    %get3A = arith.constant 0 : index
    %get3A_0 = arith.constant 0 : index
    %get3A_1 = vector.load %arg1[%get3A, %get3A_0] : memref<2048x128xf32, #tpu.memory_space<vmem>>, vector<2048x128xf32>
    %get3A_2 = arith.constant 0 : index
    %get3A_3 = arith.constant 0 : index
    %get3A_4 = vector.load %arg2[%get3A_2, %get3A_3] : memref<1x128xf32, #tpu.memory_space<vmem>>, vector<1x128xf32>
    %sub3A = vector.broadcast %get3A_4 : vector<1x128xf32> to vector<2048x128xf32>
    %sub3A_5 = arith.subf %get3A_1, %sub3A : vector<2048x128xf32>
    %get3A_6 = arith.constant 0 : index
    %get3A_7 = arith.constant 0 : index
    %get3A_8 = vector.load %arg3[%get3A_6, %get3A_7] : memref<1x128xf32, #tpu.memory_space<vmem>>, vector<1x128xf32>
    %div3A = vector.broadcast %get3A_8 : vector<1x128xf32> to vector<2048x128xf32>
    %div3A_9 = arith.divf %sub3A_5, %div3A : vector<2048x128xf32>
    %get3A_10 = arith.constant 0 : index
    %get3A_11 = arith.constant 0 : index
    %get3A_12 = vector.load %arg4[%get3A_10, %get3A_11] : memref<1x128xf32, #tpu.memory_space<vmem>>, vector<1x128xf32>
    %mul3A = vector.broadcast %get3A_12 : vector<1x128xf32> to vector<2048x128xf32>
    %mul3A_13 = arith.mulf %div3A_9, %mul3A : vector<2048x128xf32>
    %get3A_14 = arith.constant 0 : index
    %get3A_15 = arith.constant 0 : index
    %get3A_16 = vector.load %arg5[%get3A_14, %get3A_15] : memref<1x128xf32, #tpu.memory_space<vmem>>, vector<1x128xf32>
    %add3A = vector.broadcast %get3A_16 : vector<1x128xf32> to vector<2048x128xf32>
    %add3A_17 = arith.addf %mul3A_13, %add3A : vector<2048x128xf32>
    %gt3A = arith.constant 0.000000e+00 : f32
    %gt3A_18 = vector.broadcast %gt3A : f32 to vector<2048x128xf32>
    %gt3A_19 = arith.cmpf ogt, %add3A_17, %gt3A_18 : vector<2048x128xf32>
    %mul3A_20 = arith.constant 2.000000e-01 : f32
    %mul3A_21 = vector.broadcast %mul3A_20 : f32 to vector<2048x128xf32>
    %mul3A_22 = arith.mulf %mul3A_21, %add3A_17 : vector<2048x128xf32>
    %select_n3A = arith.select %gt3A_19, %add3A_17, %mul3A_22 : vector<2048x128xi1>, vector<2048x128xf32>
    %swap3A = arith.constant 0 : index
    %swap3A_23 = arith.constant 0 : index
    %swap3A_24 = vector.load %arg6[%swap3A, %swap3A_23] : memref<2048x128xf32, #tpu.memory_space<vmem>>, vector<2048x128xf32>
    tpu.vector_store %arg6[%swap3A, %swap3A_23], %select_n3A {strides = array<i32>} : memref<2048x128xf32, #tpu.memory_space<vmem>>, vector<2048x128xf32>,
    return
  }
  func.func @transform_0(%arg0: i32) -> (i32, i32) {
    %c0_i32 = arith.constant 0 : i32
    %c0_i32_0 = arith.constant 0 : i32
    return %arg0, %c0_i32 : i32, i32
  }
  func.func @transform_1(%arg0: i32) -> (i32, i32) {
    %c0_i32 = arith.constant 0 : i32
    %c0_i32_0 = arith.constant 0 : i32
    %c0_i32_1 = arith.constant 0 : i32
    return %c0_i32, %c0_i32_0 : i32, i32
  }
  func.func @transform_2(%arg0: i32) -> (i32, i32) {
    %c0_i32 = arith.constant 0 : i32
    %c0_i32_0 = arith.constant 0 : i32
    %c0_i32_1 = arith.constant 0 : i32
    return %c0_i32, %c0_i32_0 : i32, i32
  }
  func.func @transform_3(%arg0: i32) -> (i32, i32) {
    %c0_i32 = arith.constant 0 : i32
    %c0_i32_0 = arith.constant 0 : i32
    %c0_i32_1 = arith.constant 0 : i32
    return %c0_i32, %c0_i32_0 : i32, i32
  }
  func.func @transform_4(%arg0: i32) -> (i32, i32) {
    %c0_i32 = arith.constant 0 : i32
    %c0_i32_0 = arith.constant 0 : i32
    %c0_i32_1 = arith.constant 0 : i32
    return %c0_i32, %c0_i32_0 : i32, i32
  }
  func.func @transform_5(%arg0: i32) -> (i32, i32) {
    %c0_i32 = arith.constant 0 : i32
    %c0_i32_0 = arith.constant 0 : i32
    return %arg0, %c0_i32 : i32, i32
  }
}

</mosaic_0001>

<sc_bundles>
// kernel: kernel.16.cloned.1.call-start
scs
__scs_entry_jumppad:
0x0: {  	(pc) =	sbr.rel $0x88, $3  }
0x1: {  	(tag) =	ssettag $0x0;
	lr =	simm.s32 $0x1  }
0x2: {  	[smem:$0x3F9A] =	sst lr;
	_ =	strace $0xD0000000  }
0x3: {  	_ = 	snop  }
0x4: {  	_ = 	snop  }
0x5: {  	_ = 	snop  }
0x6: {  	_ = 	snop  }
0x7: {  	_ = 	snop  }
__scs_overlays_trampoline_lowered:
0x8: {  	[smem:$0x3FA9] =	sst s0  }
0x9: {  	[smem:$0x3FAA] =	sst s1  }
0xa: {  	[smem:$0x3FAB] =	sst s2  }
0xb: {  	[smem:$0x3FAC] =	sst s3  }
0xc: {  	[smem:$0x3FAD] =	sst s4  }
0xd: {  	[smem:$0x3FAE] =	sst s5  }
0xe: {  	[smem:$0x3FAF] =	sst s6  }
0xf: {  	[smem:$0x3FB0] =	sst s7  }
0x10: {  	[smem:$0x3FB1] =	sst s8  }
0x11: {  	[smem:$0x3FB2] =	sst s9;
	s0 =	simm.s32 @!p0 $0x0  }
0x12: {  	s1 =	sld [smem:$0x3F98];
	s0 =	simm.s32 @p0 $0x1  }
0x13: {  	[smem:$0x3FB3] =	sst s0;
	s0 =	simm.s32 @!p1 $0x0  }
0x14: {  	s2 =	sld [smem:$0x3F97];
	s0 =	simm.s32 @p1 $0x1  }
0x15: {  	[smem:$0x3FB4] =	sst s0;
	s0 =	simm.s32 @!p2 $0x0  }
0x16: {  	s3 =	sld [smem:$0x3FDB];
	s0 =	simm.s32 @p2 $0x1  }
0x17: {  	s4 =	simm.s32 $0x1BF5;
	[smem:$0x3FB6] =	sst s0  }
0x18: {  	s0 =	sld [smem:$0x3F99];
	_ =	swait.ge [sflag:s4], $0x0  }
0x19: {  	s7 =	sld [smem:$0x3F9A]  }
0x1a: {  	s8 =	sadd.s32 $0xFFFFE003, lr  }
0x1b: {  	s9 =	sadd.s32 $0xFFFFFEF7, lr;
	s5 =	simm.s32 $0xFFFFFFFF;
	p2 =	slt.u32 s8, $0xFFFFF086  }
0x1c: {  	p1 =	slt.u32 s9, $0xF7A;
	s5 =	simm.s32 @!p2 $0x0  }
0x1d: {  	s5 =	simm.s32 @p1 $0x1;
	p0 =	seq.s32 s7, s2  }
0x1e: {  	s7 =	smul.u32 @!p0 $0xF7A, s2;
	p2 =	seq.s32 @!p0 s5, $0x0  }
0x1f: {  	s9 =	smul.u32 $0xF7A, s1;
	s8 =	simm.s32 @!p0 $0x1BF5;
	p2 =	por !p2, p0  }
0x20: {  	[sflag:s8] =	ssyncset.s32 @!p0 $0xFFFFF086;
	s6 =	sadd.s32 @!p0 s3, s7;
	s7 =	simm.s32 @!p0 $0x108  }
0x21: {  	s3 =	sadd.s32 s3, s9;
	s6 =	sadd.s32 @!p0 $0x88, s6;
	s7 =	simm.s32 @p2 $0x1082  }
0x22: {  	[simem:s7], [sflag:s8] =	dma.local @!p0 [hbm:s6], $0xF7A  }
0x23: {  	s9 =	sor.u32 $0xD0000000, s2;
	s6 =	simm.s32 $0x108;
	_ =	swait.ge @!p0 [sflag:s8], $0x0  }
0x24: {  	s3 =	sadd.s32 $0x88, s3;
	s6 =	simm.s32 @!p1 $0x1082;
	[sflag:s4] =	ssyncset.s32 $0xFFFFF086  }
0x25: {  	[simem:s6], [sflag:s4] =	dma.local [hbm:s3], $0xF7A  }
0x26: {  	[smem:$0x3F9A] =	sst s1;
	(tag) =	ssettag s2;
	_ =	strace s9  }
0x27: {  	s1 =	sld [smem:$0x3FAA]  }
0x28: {  	s2 =	sld [smem:$0x3FAB]  }
0x29: {  	s4 =	sld [smem:$0x3FAD]  }
0x2a: {  	p0 =	seq.s32 s5, $0x0;
	s5 =	sld [smem:$0x3FAE]  }
0x2b: {  	s6 =	sld [smem:$0x3FAF]  }
0x2c: {  	s7 =	sld [smem:$0x3FB0]  }
0x2d: {  	s3 =	simm.s32 $0x108;
	s8 =	sld [smem:$0x3FB1]  }
0x2e: {  	s3 =	simm.s32 @!p0 $0x1082;
	s9 =	sld [smem:$0x3FB2]  }
0x2f: {  	lr =	sadd.s32 s0, s3;
	s0 =	sld [smem:$0x3FA9]  }
0x30: {  	s3 =	sld [smem:$0x3FAC]  }
0x31: {  	[smem:$0x3FB5] =	sst s10  }
0x32: {  	s10 =	sld [smem:$0x3FB3];
	_ =	sdelay $0x3  }
0x33: {  	p0 =	seq.s32 s10, $0x1;
	s10 =	sld [smem:$0x3FB5];
	_ =	sdelay $0x3  }
0x34: {  	[smem:$0x3FB5] =	sst s10  }
0x35: {  	s10 =	sld [smem:$0x3FB4];
	_ =	sdelay $0x3  }
0x36: {  	p1 =	seq.s32 s10, $0x1;
	s10 =	sld [smem:$0x3FB5];
	_ =	sdelay $0x3  }
0x37: {  	[smem:$0x3FB5] =	sst s10  }
0x38: {  	s10 =	sld [smem:$0x3FB6]  }
0x39: {  	_ = 	snop;
	(pc) =	sbr.ind lr, $3  }
0x3a: {  	_ = 	snop  }
0x3b: {  	_ = 	snop  }
0x3c: {  	p2 =	seq.s32 s10, $0x1;
	s10 =	sld [smem:$0x3FB5]  }
0x3d: {  	_ =	shalt  }
0x3e: {  	_ =	shalt  }
0x3f: {  	_ =	shalt  }
0x40: {  	_ =	shalt  }
0x41: {  	_ =	shalt  }
0x42: {  	_ =	shalt  }
0x43: {  	_ =	shalt  }
0x44: {  	_ =	shalt  }
0x45: {  	_ =	shalt  }
0x46: {  	_ =	shalt  }
0x47: {  	_ =	shalt  }
0x48: {  	_ =	shalt  }
0x49: {  	_ =	shalt  }
0x4a: {  	_ =	shalt  }
0x4b: {  	_ =	shalt  }
0x4c: {  	_ =	shalt  }
0x4d: {  	_ =	shalt  }
0x4e: {  	_ =	shalt  }
0x4f: {  	_ =	shalt  }
0x50: {  	_ =	shalt  }
0x51: {  	_ =	shalt  }
0x52: {  	_ =	shalt  }
0x53: {  	_ =	shalt  }
0x54: {  	_ =	shalt  }
0x55: {  	_ =	shalt  }
0x56: {  	_ =	shalt  }
0x57: {  	_ =	shalt  }
0x58: {  	_ =	shalt  }
0x59: {  	_ =	shalt  }
0x5a: {  	_ =	shalt  }
0x5b: {  	_ =	shalt  }
0x5c: {  	_ =	shalt  }
0x5d: {  	_ =	shalt  }
0x5e: {  	_ =	shalt  }
0x5f: {  	_ =	shalt  }
0x60: {  	_ =	shalt  }
0x61: {  	_ =	shalt  }
0x62: {  	_ =	shalt  }
0x63: {  	_ =	shalt  }
0x64: {  	_ =	shalt  }
0x65: {  	_ =	shalt  }
0x66: {  	_ =	shalt  }
0x67: {  	_ =	shalt  }
0x68: {  	_ =	shalt  }
0x69: {  	_ =	shalt  }
0x6a: {  	_ =	shalt  }
0x6b: {  	_ =	shalt  }
0x6c: {  	_ =	shalt  }
0x6d: {  	_ =	shalt  }
0x6e: {  	_ =	shalt  }
0x6f: {  	_ =	shalt  }
0x70: {  	_ =	shalt  }
0x71: {  	_ =	shalt  }
0x72: {  	_ =	shalt  }
0x73: {  	_ =	shalt  }
0x74: {  	_ =	shalt  }
0x75: {  	_ =	shalt  }
0x76: {  	_ =	shalt  }
0x77: {  	_ =	shalt  }
0x78: {  	_ =	shalt  }
0x79: {  	_ =	shalt  }
0x7a: {  	_ =	shalt  }
0x7b: {  	_ =	shalt  }
0x7c: {  	_ =	shalt  }
0x7d: {  	_ =	shalt  }
0x7e: {  	_ =	shalt  }
0x7f: {  	_ =	shalt  }
0x80: {  	_ =	shalt  }
0x81: {  	_ =	shalt  }
0x82: {  	_ =	shalt  }
0x83: {  	_ =	shalt  }
0x84: {  	_ =	shalt  }
0x85: {  	_ =	shalt  }
0x86: {  	_ =	shalt  }
0x87: {  	_ =	shalt  }
.Lfunc_end0:
.L_simem_size_0:
called_computation_lowered:
.L_overlay_start_0:
0x88: {  	s2 =	sld [smem:$0x3FD9]  }
0x89: {  	s3 =	sld [smem:$0x3FFE];
	_ =	sdelay $0x1  }
0x8a: {  	s1 =	srdreg.scid  }
0x8b: {  	s0 =	sand.u32 $0x1, s1  }
0x8c: {  	s17 =	sshll.u32 s0, $0xA;
	s2 =	sadd.s32 s3, s2  }
0x8d: {  	s2 =	sadd.s32 s2, s17  }
0x8e: {  	[smem:$0x3FC1] =	sst s2  }
0x8f: {  	_ = 	snop  }
0x90: {  	s2 =	sld [smem:$0x3FD0];
	(tm) =	ssettm $0x1  }
0x91: {  	s18 =	sld [smem:$0x3FFB];
	_ =	sdelay $0x3  }
0x92: {  	_ =	strace s18  }
0x93: {  	s3 =	sld [smem:$0x3FFC];
	_ =	sdelay $0x3  }
0x94: {  	_ =	strace s3  }
0x95: {  	s3 =	sld [smem:$0x3FFD];
	_ =	sdelay $0x3  }
0x96: {  	_ =	strace s3  }
0x97: {  	_ =	strace $0x8FFFFFFF  }
0x98: {  	s19 =	sld [smem:$0x3FDB];
	_ =	sdelay $0x1  }
0x99: {  	s4 =	simm.s32 $_scs_section_size  }
0x9a: {  	s5 =	simm.s32 $_size__tile_overlayer_lowered;
	s6 =	simm.s32 $_tile_overlayer_lowered  }
0x9b: {  	s22 =	simm.s32 $0x1BFF;
	s21 =	sshll.u32 s6, $0x1;
	s3 =	sadd.s32 s4, s19  }
0x9c: {  	s7 =	simm.s32 $0x0;
	s20 =	sshll.u32 s5, $0x1;
	s5 =	sadd.s32 s21, s3  }
0x9d: {  	[timem:s7], [sflag:s22] =	dma.local [hbm:s5], s20  }
0x9e: {  	_ =	swait.ge [sflag:s22], s20  }
0x9f: {  	s4 =	ssub.s32 $0x0, s20;
	[sflag:s22] =	ssyncset.done $0x0  }
0xa0: {  	[sflag:s22] =	ssyncadd.s32 s4;
	_ =	sdelay $0x1  }
0xa1: {  	s23 =	simm.s32 $0x1B8B  }
0xa2: {  	_ =	swait.ge [sflag:s23], $0x1  }
0xa3: {  	[sflag:s23] =	ssyncset.done $0x0  }
0xa4: {  	s25 =	simm.s32 $0x1B8E;
	s24 =	sld [smem:$0x3FFE];
	[sflag:s23] =	ssyncadd.s32 $0xFFFFFFFF  }
0xa5: {  	s26 =	simm.s32 $execute0_lowered;
	[smem:$0x3FD2] =	sst s25  }
0xa6: {  	s5 =	sshll.u32 s26, $0x1;
	_ =	strace $0x80000046;
	[dreg:$0x1] =	wrdreg $0xFFFFFFFF  }
0xa7: {  	s28 =	simm.s32 $_size_execute0_lowered;
	s3 =	sadd.s32 s3, s5;
	[dreg:$0x0] =	wrdreg $0x0  }
0xa8: {  	s5 =	sshll.u32 s28, $0x1;
	[dreg:$0x2] =	wrdreg s3  }
0xa9: {  	[dreg:$0x3] =	wrdreg s5  }
0xaa: {  	[dreg:$0x4] =	wrdreg $0xC0  }
0xab: {  	_ =	task [dreg:s7], $0x5FFFF  }
0xac: {  	[dreg:$0x1] =	wrdreg $0xFFFFFFFF  }
0xad: {  	[dreg:$0x0] =	wrdreg $0x60  }
0xae: {  	[dreg:$0x2] =	wrdreg s2  }
0xaf: {  	[dreg:$0x3] =	wrdreg s24  }
0xb0: {  	[dreg:$0x4] =	wrdreg $0x9  }
0xb1: {  	_ =	task.clear_ibuf [dreg:s7], $0x5FFFF;
	_ =	strace $0x90000046  }
0xb2: {  	s29 =	simm.s32 $0x9;
	_ =	strace $0x8000004F  }
0xb3: {  	_ =	swait.ge [sflag:s29], $0x1  }
0xb4: {  	[sflag:s29] =	ssyncadd.s32 $0xFFFFFFFF  }
0xb5: {  	_ =	strace $0x9000004F  }
0xb6: {  	_ =	sfence  }
0xb7: {  	s30 =	sld [smem:$0x0];
	_ =	sdelay $0x2  }
0xb8: {  	s31 =	sshll.u32 s1, $0xD;
	s1 =	sshrl.u32 s1, $0x2  }
0xb9: {  	s3 =	sand.u32 $0x4000, s31;
	s1 =	sadd.s32 s1, s30  }
0xba: {  	s0 =	sor.u32 s3, s0;
	s1 =	sshll.u32 s1, $0x11  }
0xbb: {  	s0 =	sor.u32 s1, s0  }
0xbc: {  	s0 =	sadd.s32 $0x8F2B, s0  }
0xbd: {  	[sflag:s0] =	ssyncadd.remote.s32 $0x1  }
0xbe: {  	_ =	sfence.sel $0xFFFF  }
0xbf: {  	[dreg:$0x0] =	wrdreg $0xFFFFFFFF;
	(pc) =	sbr.abs _section_cstart, $3  }
0xc0: {  	[dreg:$0x1] =	wrdreg $0xFFFFFFFF  }
0xc1: {  	_ =	task.clear_ibuf [dreg:s7], $0x2FFFF;
	_ =	strace $0x9FFFFFFF  }
0xc2: {  	(tm) =	ssettm $0x7FFFFFFF  }
0xc3: {  	_ =	shalt  }
tec
execute0_lowered:
.L_overlay_start_1:
0x0: {  	(tag) =	ssettag $0x1  }
0x1: {  	s0 =	rddreg [dreg:$0x0]  }
0x2: {  	s3 =	rddreg [dreg:$0x1];
	s1 =	srdreg.scid;
	s2 =	simm.s32 $0x0  }
0x3: {  	s31 =	simm.s32 $0x100;
	s9 =	simm.s32 $0x4;
	[dreg:$0x3] =	wrdreg s0  }
0x4: {  	s10 =	simm.s32 $0x0;
	s0 =	rddreg [dreg:$0x2];
	s4 =	sand.u32 $0x1, s1  }
0x5: {  	[smem:$0x7FF] =	sst s2;
	s1 =	stileid.u32;
	s6 =	sadd.s32 $0x5600, s3  }
0x6: {  	s3 =	sadd.s32 $0x2E00, s3;
	s5 =	sshll.u32 s4, $0x4;
	_ =	strace $0x80000047  }
0x7: {  	s4 =	ssub.s32 $0x2, s4;
	[dreg:$0x5] =	wrdreg s6;
	s5 =	sor.u32 s1, s5  }
0x8: {  	[dreg:$0x4] =	wrdreg s31;
	s7 =	sshrl.u32 s4, $0x1;
	s8 =	smul.u32 $0x140, s5  }
0x9: {  	s30 =	ssub.s32 s4, s7;
	s4 =	smul.u32 $0xA, s5;
	s7 =	simm.s32 $0x1  }
0xa: {  	s6 =	smax.u32 s30, $0x1;
	s5 =	sadd.s32 s3, s8;
	s8 =	simm.s32 $0x5  }
.LBB2_1:
0xb: {  	_ =	strace $0x80000048;
	s11 =	simm.s32 $0x1;
	p0 =	por $0x0, $0x0  }
0xc: {  	[tilespmem:s2], [sflag:$0x1] =	stream.linear.gather [hbm4b:s5+s2], $0x100, $0x200038;
	[tilespmem:$0x10200] =	vst v63  }
0xd: {  	s11 =	simm.s32 @p0 $0x0  }
0xe: {  	p4 =	por $0x1, $0x1;
	s20 =	sand.u32 $0x1, s2;
	p1 =	sne.s32 s11, $0x0  }
0xf: {  	p2 =	por $0x1, $0x1;
	s18 =	simm.s32 $0x8;
	p0 =	por !p4, !p1  }
0x10: {  	s16 =	simm.s32 $0x0;
	p5 =	por $0x0, $0x0;
	p0 =	por !p0, !p0  }
0x11: {  	s23 =	sadd.s32 $0x0, s4;
	s30 =	sadd.s32 $0x1, s20;
	s12 =	sadd.s32 @p0 s4, s11  }
0x12: {  	_ =	strace $0x90000048;
	s13 =	sand.u32 @p0 $0x1, s7;
	s12 =	sshll.u32 @p0 s12, $0x5  }
0x13: {  	_ =	strace @p0 $0x80000049;
	s15 =	simm.s32 @p0 $0x0;
	s12 =	sand.u32 @p0 $0x1FFFFFE0, s12  }
0x14: {  	s14 =	sshll.u32 @p0 s13, $0x8;
	s13 =	sadd.s32 @p0 $0x1, s13;
	s12 =	sadd.s32 @p0 s3, s12  }
0x15: {  	[tilespmem:s14], [sflag:s13] =	stream.linear.gather @p0 [hbm4b:s12+s15], $0x100, $0x200038;
	[tilespmem:$0x10200] =	vst v63  }
0x16: {  	p3 =	por p2, p2;
	s21 =	sshll.u32 s20, $0xF;
	_ =	strace @p0 $0x90000049  }
0x17: {  	s16 =	sand.u32 $0x100, s16;
	p2 =	por p5, p5;
	_ =	strace $0x8000004A  }
0x18: {  	s17 =	sadd.s32 $0x1, s11;
	s22 =	sor.u32 $0x200, s21;
	_ =	swait.ge [sflag:s30], $0x100  }
0x19: {  	s21 =	simm.s32 $0x1;
	p6 =	por p1, p1;
	[sflag:s30] =	ssyncset.done $0x0  }
0x1a: {  	p1 =	por p3, p3;
	p4 =	por $0x1, $0x1;
	[sflag:s30] =	ssyncadd.s32 $0xFFFFFF00  }
0x1b: {  	s12 =	simm.s32 $0x9;
	s15 =	sand.u32 @!p3 $0x1, s2;
	_ =	strace $0x9000004A  }
0x1c: {  	s13 =	simm.s32 $0x1;
	p3 =	seq.s32 s17, $0xA;
	_ =	strace $0x8000004B  }
0x1d: {  	s13 =	simm.s32 @!p0 $0x0;
	s17 =	simm.s32 @p3 $0x0;
	s19 =	rddreg [dreg:$0x4]  }
0x1e: {  	p0 =	por $0x0, $0x0;
	s14 =	sadd.s32 $0x1, s13;
	s31 =	rddreg [dreg:$0x3]  }
0x1f: {  	[tilespmem:s22], [sflag:$0x5] =	stream.indirect.gather [hbm4b:s31+s19], $0x80, s16, s19, $0x2000b8;
	[tilespmem:$0x10200] =	vst v63  }
0x20: {  	p3 =	sne.s32 s11, s17;
	s21 =	simm.s32 @!p0 $0x0;
	_ =	swait.ge [sflag:s8], $0x8000  }
0x21: {  	p5 =	por !p4, !p3;
	p4 =	por $0x0, $0x0;
	[sflag:s8] =	ssyncset.done $0x0  }
0x22: {  	s13 =	simm.s32 $0x0;
	p6 =	por p4, p6;
	[sflag:s8] =	ssyncadd.s32 $0xFFFF8000  }
0x23: {  	s16 =	simm.s32 $0x0;
	s19 =	simm.s32 $0x0;
	_ =	strace $0x9000004B  }
.LBB2_2:
0x24: {  	_ =	strace @p6 $0x8000004C;
	s13 =	sadd.s32 s21, s13;
	s21 =	smov.u32 s12  }
0x25: {  	s12 =	smov.u32 s18;
	s18 =	sadd.s32 $0xFFFFFFFF, s18;
	p0 =	por p3, p3  }
0x26: {  	s28 =	sshll.u32 @p6 s23, $0xC;
	s20 =	sadd.s32 @p6 $0x3, s20;
	s24 =	simm.s32 @!p0 $0x0  }
0x27: {  	s25 =	rddreg [dreg:$0x5];
	s28 =	sand.u32 @p6 $0x1FFFF000, s28;
	s24 =	simm.s32 @p0 $0x1  }
0x28: {  	s25 =	sadd.s32 @p6 s25, s28;
	s28 =	simm.s32 @p6 $0x0;
	p0 =	sne.s32 s18, $0x0  }
0x29: {  	[hbm4b:s25+s28] =	stream.linear.scatter @p6 [tilespmem:s22], [sflag:s20], $0x8000, $0x200038;
	[tilespmem:$0x10200] =	vst v63  }
0x2a: {  	s20 =	sadd.s32 @!p1 $0x3, s15;
	s15 =	simm.s32 @!p0 $0x0  }
0x2b: {  	s26 =	simm.s32 $0x1;
	[smem:$0x7FC] =	sst s24;
	s15 =	simm.s32 @p0 $0x1  }
0x2c: {  	s26 =	simm.s32 @!p6 $0x0;
	_ =	strace @p6 $0x9000004C;
	[smem:$0x7FD] =	sst s15  }
0x2d: {  	p5 =	por !p5, !p5;
	s19 =	sadd.s32 s26, s19;
	_ =	strace @!p1 $0x8000004D  }
0x2e: {  	s24 =	sand.u32 @!p2 $0x1, s13;
	s22 =	sand.u32 @p5 $0x1, s14;
	_ =	swait.ge @!p1 [sflag:s20], $0x8000  }
0x2f: {  	s15 =	smov.u32 s24;
	s24 =	sadd.s32 @p5 s4, s17;
	[sflag:s20] =	ssyncset.done @!p1 $0x0  }
0x30: {  	s25 =	sshll.u32 @p5 s22, $0x8;
	s24 =	sshll.u32 @p5 s24, $0x5;
	[sflag:s20] =	ssyncadd.s32 @!p1 $0xFFFF8000  }
0x31: {  	s20 =	sadd.s32 @p5 $0x1, s22;
	s22 =	sand.u32 @p5 $0x1FFFFFE0, s24;
	_ =	strace @!p1 $0x9000004D  }
0x32: {  	s24 =	simm.s32 @p5 $0x0;
	s22 =	sadd.s32 @p5 s3, s22;
	_ =	strace @p5 $0x80000049  }
0x33: {  	[tilespmem:s25], [sflag:s20] =	stream.linear.gather @p5 [hbm4b:s22+s24], $0x100, $0x200038;
	[tilespmem:$0x10200] =	vst v63  }
0x34: {  	s16 =	sadd.s32 s26, s16;
	s26 =	sand.u32 $0x1, s19;
	_ =	strace @p5 $0x90000049  }
0x35: {  	s24 =	sadd.s32 $0x1, s26;
	_ =	strace $0x8000004A  }
0x36: {  	_ =	swait.ge [sflag:s24], $0x100  }
0x37: {  	[sflag:s24] =	ssyncset.done $0x0  }
0x38: {  	s20 =	simm.s32 $0x1;
	[sflag:s24] =	ssyncadd.s32 $0xFFFFFF00  }
0x39: {  	s20 =	simm.s32 @!p5 $0x0;
	_ =	strace $0x9000004A  }
0x3a: {  	s14 =	sadd.s32 s20, s14;
	s20 =	sand.u32 $0x1, s16;
	_ =	strace $0x8000004B  }
0x3b: {  	s29 =	sshll.u32 s19, $0x8;
	s25 =	sshll.u32 s20, $0xF;
	s26 =	rddreg [dreg:$0x4]  }
0x3c: {  	s29 =	sand.u32 $0x100, s29;
	s22 =	sor.u32 $0x200, s25;
	s30 =	rddreg [dreg:$0x3]  }
0x3d: {  	[tilespmem:s22], [sflag:$0x5] =	stream.indirect.gather [hbm4b:s30+s26], $0x80, s29, s26, $0x2000b8;
	[tilespmem:$0x10200] =	vst v63  }
0x3e: {  	_ =	swait.ge [sflag:s8], $0x8000  }
0x3f: {  	s31 =	sadd.s32 $0x1, s17;
	[sflag:s8] =	ssyncset.done $0x0  }
0x40: {  	s23 =	sadd.s32 s4, s11;
	s11 =	smov.u32 s17;
	[sflag:s8] =	ssyncadd.s32 $0xFFFF8000  }
0x41: {  	p3 =	seq.s32 s31, $0xA;
	s17 =	smov.u32 s31;
	_ =	strace $0x9000004B  }
0x42: {  	s17 =	simm.s32 @p3 $0x0;
	s31 =	sld [smem:$0x7FD]  }
0x43: {  	p6 =	sne.s32 s12, $0x1;
	p0 =	sne.s32 s21, $0xA;
	p3 =	sne.s32 s11, s17  }
0x44: {  	p5 =	por !p6, !p3;
	p6 =	seq.s32 s21, $0x1;
	s21 =	simm.s32 $0x1  }
0x45: {  	s21 =	simm.s32 @!p0 $0x0;
	p0 =	seq.s32 s31, $0x1  }
.Ltmp0:
0x46: {  	s30 =	sld [smem:$0x7FC];
	(pc) =	sbr.rel @p0 .LBB2_2-.Ltmp0, $4  }
0x47: {  	_ = 	snop  }
0x48: {  	p4 =	seq.s32 s12, $0xA  }
0x49: {  	p1 =	por p2, p2;
	p2 =	por p4, p4;
	p4 =	seq.s32 s30, $0x1  }
0x4a: {  	p6 =	por p6, p4  }
0x4b: {  	_ =	strace @p6 $0x8000004C;
	s23 =	sshll.u32 @p6 s23, $0xC  }
0x4c: {  	s18 =	rddreg [dreg:$0x5];
	s23 =	sand.u32 @p6 $0x1FFFF000, s23  }
0x4d: {  	s20 =	sadd.s32 @p6 $0x3, s20;
	s18 =	sadd.s32 @p6 s18, s23;
	s23 =	simm.s32 @p6 $0x0  }
0x4e: {  	[hbm4b:s18+s23] =	stream.linear.scatter @p6 [tilespmem:s22], [sflag:s20], $0x8000, $0x200038;
	[tilespmem:$0x10200] =	vst v63  }
0x4f: {  	p0 =	por !p5, !p5;
	_ =	strace @p6 $0x9000004C  }
0x50: {  	s15 =	sadd.s32 @!p1 $0x3, s15;
	s17 =	sadd.s32 @p0 s4, s17;
	_ =	strace @!p1 $0x8000004D  }
0x51: {  	s14 =	sand.u32 @p0 $0x1, s14;
	s17 =	sshll.u32 @p0 s17, $0x5;
	_ =	swait.ge @!p1 [sflag:s15], $0x8000  }
0x52: {  	s18 =	simm.s32 $0x1;
	s20 =	sshll.u32 @p0 s14, $0x8;
	[sflag:s15] =	ssyncset.done @!p1 $0x0  }
0x53: {  	s14 =	sadd.s32 @p0 $0x1, s14;
	s18 =	simm.s32 @!p6 $0x0;
	[sflag:s15] =	ssyncadd.s32 @!p1 $0xFFFF8000  }
0x54: {  	s19 =	sadd.s32 s18, s19;
	s15 =	sand.u32 @p0 $0x1FFFFFE0, s17;
	_ =	strace @!p1 $0x9000004D  }
0x55: {  	s17 =	simm.s32 @p0 $0x0;
	s15 =	sadd.s32 @p0 s3, s15;
	_ =	strace @p0 $0x80000049  }
0x56: {  	[tilespmem:s20], [sflag:s14] =	stream.linear.gather @p0 [hbm4b:s15+s17], $0x100, $0x200038;
	[tilespmem:$0x10200] =	vst v63  }
0x57: {  	s25 =	sand.u32 $0x1, s19;
	_ =	strace @p0 $0x90000049  }
0x58: {  	s14 =	sadd.s32 $0x1, s25;
	_ =	strace $0x8000004A  }
0x59: {  	_ =	swait.ge [sflag:s14], $0x100  }
0x5a: {  	[sflag:s14] =	ssyncset.done $0x0  }
0x5b: {  	[sflag:s14] =	ssyncadd.s32 $0xFFFFFF00  }
0x5c: {  	s26 =	sadd.s32 s18, s16;
	_ =	strace $0x9000004A  }
0x5d: {  	s14 =	sand.u32 $0x1, s26;
	_ =	strace $0x8000004B  }
0x5e: {  	s30 =	sshll.u32 s19, $0x8;
	s31 =	sshll.u32 s14, $0xF;
	s28 =	rddreg [dreg:$0x4]  }
0x5f: {  	s17 =	sand.u32 $0x100, s30;
	s18 =	sor.u32 $0x200, s31;
	s29 =	rddreg [dreg:$0x3]  }
0x60: {  	[tilespmem:s18], [sflag:$0x5] =	stream.indirect.gather [hbm4b:s29+s28], $0x80, s17, s28, $0x2000b8;
	[tilespmem:$0x10200] =	vst v63  }
0x61: {  	_ =	swait.ge [sflag:s8], $0x8000  }
0x62: {  	[sflag:s8] =	ssyncset.done $0x0  }
0x63: {  	p5 =	por p3, p3;
	p6 =	seq.s32 s12, $0x1;
	[sflag:s8] =	ssyncadd.s32 $0xFFFF8000  }
0x64: {  	s11 =	sadd.s32 s4, s11;
	p0 =	por p6, p5;
	_ =	strace $0x9000004B  }
0x65: {  	s11 =	sshll.u32 @p0 s11, $0xC;
	_ =	strace @p0 $0x8000004C  }
0x66: {  	s13 =	sadd.s32 s21, s13;
	s11 =	sand.u32 @p0 $0x1FFFF000, s11;
	s12 =	rddreg [dreg:$0x5]  }
0x67: {  	s14 =	sadd.s32 @p0 $0x3, s14;
	s11 =	sadd.s32 @p0 s12, s11;
	s12 =	simm.s32 @p0 $0x0  }
0x68: {  	[hbm4b:s11+s12] =	stream.linear.scatter @p0 [tilespmem:s18], [sflag:s14], $0x8000, $0x200038;
	[tilespmem:$0x10200] =	vst v63  }
0x69: {  	p1 =	por p2, p2;
	s11 =	sand.u32 @!p2 $0x1, s13;
	_ =	strace @p0 $0x9000004C  }
0x6a: {  	s11 =	sadd.s32 @!p1 $0x3, s11;
	_ =	strace @!p1 $0x8000004D  }
0x6b: {  	_ =	swait.ge @!p1 [sflag:s11], $0x8000  }
0x6c: {  	[sflag:s11] =	ssyncset.done @!p1 $0x0  }
0x6d: {  	s10 =	sadd.s32 $0x1, s10;
	[sflag:s11] =	ssyncadd.s32 @!p1 $0xFFFF8000  }
0x6e: {  	p0 =	sne.s32 s10, s6;
	_ =	strace @!p1 $0x9000004D  }
.Ltmp1:
0x6f: {  	_ =	strace $0x8000004E;
	(pc) =	sbr.rel @p0 .LBB2_1-.Ltmp1, $4  }
0x70: {  	_ =	swait.ge [sflag:s9], $0x8000  }
0x71: {  	[sflag:s9] =	ssyncset.done $0x0  }
0x72: {  	[sflag:s9] =	ssyncadd.s32 $0xFFFF8000  }
0x73: {  	_ =	strace $0x9000004E  }
0x74: {  	_ =	sfence.sel $0x180000  }
0x75: {  	[bflag:$0x0] =	sbarrier.arrive $0xFFFF  }
0x76: {  	p0 =	sne.s32 s1, $0x0;
	_ =	strace $0x90000047  }
0x77: {  	s0 =	sadd.s32 @!p0 $0x100000, s0;
	[bflag:$0x2] =	sbarrier.arrive $0xFFFF  }
0x78: {  	[sflag:s0] =	ssyncadd.tile.s32 @!p0 $0x1;
	_ =	shalt  }
.Lfunc_end2:
_tile_overlayer_lowered:
.L_overlay_start_2:
0x79: {  	(tag) =	ssettag $0x2  }
0x7a: {  	s0 =	rddreg [dreg:$0x0];
	s2 =	stileid.u32  }
0x7b: {  	s1 =	rddreg [dreg:$0x1];
	p0 =	sne.s32 s2, $0x0  }
0x7c: {  	s3 =	rddreg [dreg:$0x2];
	[bflag:$0x3] =	sbarrier.arrive $0xFFFF;
	s2 =	simm.s32 @!p0 $0x1C01  }
0x7d: {  	[timem:s3], [sflag:s2] =	dma.local @!p0 [hbm:s0], s1  }
0x7e: {  	s0 =	simm.s32 @!p0 $0x1  }
0x7f: {  	_ =	swait.ge @!p0 [sflag:s0], s1  }
0x80: {  	s1 =	ssub.s32 @!p0 $0x0, s1;
	[sflag:s0] =	ssyncset.done @!p0 $0x0  }
0x81: {  	[sflag:s0] =	ssyncadd.s32 @!p0 s1  }
0x82: {  	[bflag:$0x3] =	sbarrier.arrive $0xFFFF  }
0x83: {  	_ =	shalt  }

// kernel: kernel.19.cloned.1.call-start
scs
__scs_entry_jumppad:
0x0: {  	(pc) =	sbr.rel $0x88, $3  }
0x1: {  	(tag) =	ssettag $0x0;
	lr =	simm.s32 $0x1  }
0x2: {  	[smem:$0x3F9A] =	sst lr;
	_ =	strace $0xD0000000  }
0x3: {  	_ = 	snop  }
0x4: {  	_ = 	snop  }
0x5: {  	_ = 	snop  }
0x6: {  	_ = 	snop  }
0x7: {  	_ = 	snop  }
__scs_overlays_trampoline_lowered:
0x8: {  	[smem:$0x3FA9] =	sst s0  }
0x9: {  	[smem:$0x3FAA] =	sst s1  }
0xa: {  	[smem:$0x3FAB] =	sst s2  }
0xb: {  	[smem:$0x3FAC] =	sst s3  }
0xc: {  	[smem:$0x3FAD] =	sst s4  }
0xd: {  	[smem:$0x3FAE] =	sst s5  }
0xe: {  	[smem:$0x3FAF] =	sst s6  }
0xf: {  	[smem:$0x3FB0] =	sst s7  }
0x10: {  	[smem:$0x3FB1] =	sst s8  }
0x11: {  	[smem:$0x3FB2] =	sst s9;
	s0 =	simm.s32 @!p0 $0x0  }
0x12: {  	s1 =	sld [smem:$0x3F98];
	s0 =	simm.s32 @p0 $0x1  }
0x13: {  	[smem:$0x3FB3] =	sst s0;
	s0 =	simm.s32 @!p1 $0x0  }
0x14: {  	s2 =	sld [smem:$0x3F97];
	s0 =	simm.s32 @p1 $0x1  }
0x15: {  	[smem:$0x3FB4] =	sst s0;
	s0 =	simm.s32 @!p2 $0x0  }
0x16: {  	s3 =	sld [smem:$0x3FDB];
	s0 =	simm.s32 @p2 $0x1  }
0x17: {  	s4 =	simm.s32 $0x1BF5;
	[smem:$0x3FB6] =	sst s0  }
0x18: {  	s0 =	sld [smem:$0x3F99];
	_ =	swait.ge [sflag:s4], $0x0  }
0x19: {  	s7 =	sld [smem:$0x3F9A]  }
0x1a: {  	s8 =	sadd.s32 $0xFFFFE003, lr  }
0x1b: {  	s9 =	sadd.s32 $0xFFFFFEF7, lr;
	s5 =	simm.s32 $0xFFFFFFFF;
	p2 =	slt.u32 s8, $0xFFFFF086  }
0x1c: {  	p1 =	slt.u32 s9, $0xF7A;
	s5 =	simm.s32 @!p2 $0x0  }
0x1d: {  	s5 =	simm.s32 @p1 $0x1;
	p0 =	seq.s32 s7, s2  }
0x1e: {  	s7 =	smul.u32 @!p0 $0xF7A, s2;
	p2 =	seq.s32 @!p0 s5, $0x0  }
0x1f: {  	s9 =	smul.u32 $0xF7A, s1;
	s8 =	simm.s32 @!p0 $0x1BF5;
	p2 =	por !p2, p0  }
0x20: {  	[sflag:s8] =	ssyncset.s32 @!p0 $0xFFFFF086;
	s6 =	sadd.s32 @!p0 s3, s7;
	s7 =	simm.s32 @!p0 $0x108  }
0x21: {  	s3 =	sadd.s32 s3, s9;
	s6 =	sadd.s32 @!p0 $0x88, s6;
	s7 =	simm.s32 @p2 $0x1082  }
0x22: {  	[simem:s7], [sflag:s8] =	dma.local @!p0 [hbm:s6], $0xF7A  }
0x23: {  	s9 =	sor.u32 $0xD0000000, s2;
	s6 =	simm.s32 $0x108;
	_ =	swait.ge @!p0 [sflag:s8], $0x0  }
0x24: {  	s3 =	sadd.s32 $0x88, s3;
	s6 =	simm.s32 @!p1 $0x1082;
	[sflag:s4] =	ssyncset.s32 $0xFFFFF086  }
0x25: {  	[simem:s6], [sflag:s4] =	dma.local [hbm:s3], $0xF7A  }
0x26: {  	[smem:$0x3F9A] =	sst s1;
	(tag) =	ssettag s2;
	_ =	strace s9  }
0x27: {  	s1 =	sld [smem:$0x3FAA]  }
0x28: {  	s2 =	sld [smem:$0x3FAB]  }
0x29: {  	s4 =	sld [smem:$0x3FAD]  }
0x2a: {  	p0 =	seq.s32 s5, $0x0;
	s5 =	sld [smem:$0x3FAE]  }
0x2b: {  	s6 =	sld [smem:$0x3FAF]  }
0x2c: {  	s7 =	sld [smem:$0x3FB0]  }
0x2d: {  	s3 =	simm.s32 $0x108;
	s8 =	sld [smem:$0x3FB1]  }
0x2e: {  	s3 =	simm.s32 @!p0 $0x1082;
	s9 =	sld [smem:$0x3FB2]  }
0x2f: {  	lr =	sadd.s32 s0, s3;
	s0 =	sld [smem:$0x3FA9]  }
0x30: {  	s3 =	sld [smem:$0x3FAC]  }
0x31: {  	[smem:$0x3FB5] =	sst s10  }
0x32: {  	s10 =	sld [smem:$0x3FB3];
	_ =	sdelay $0x3  }
0x33: {  	p0 =	seq.s32 s10, $0x1;
	s10 =	sld [smem:$0x3FB5];
	_ =	sdelay $0x3  }
0x34: {  	[smem:$0x3FB5] =	sst s10  }
0x35: {  	s10 =	sld [smem:$0x3FB4];
	_ =	sdelay $0x3  }
0x36: {  	p1 =	seq.s32 s10, $0x1;
	s10 =	sld [smem:$0x3FB5];
	_ =	sdelay $0x3  }
0x37: {  	[smem:$0x3FB5] =	sst s10  }
0x38: {  	s10 =	sld [smem:$0x3FB6]  }
0x39: {  	_ = 	snop;
	(pc) =	sbr.ind lr, $3  }
0x3a: {  	_ = 	snop  }
0x3b: {  	_ = 	snop  }
0x3c: {  	p2 =	seq.s32 s10, $0x1;
	s10 =	sld [smem:$0x3FB5]  }
0x3d: {  	_ =	shalt  }
0x3e: {  	_ =	shalt  }
0x3f: {  	_ =	shalt  }
0x40: {  	_ =	shalt  }
0x41: {  	_ =	shalt  }
0x42: {  	_ =	shalt  }
0x43: {  	_ =	shalt  }
0x44: {  	_ =	shalt  }
0x45: {  	_ =	shalt  }
0x46: {  	_ =	shalt  }
0x47: {  	_ =	shalt  }
0x48: {  	_ =	shalt  }
0x49: {  	_ =	shalt  }
0x4a: {  	_ =	shalt  }
0x4b: {  	_ =	shalt  }
0x4c: {  	_ =	shalt  }
0x4d: {  	_ =	shalt  }
0x4e: {  	_ =	shalt  }
0x4f: {  	_ =	shalt  }
0x50: {  	_ =	shalt  }
0x51: {  	_ =	shalt  }
0x52: {  	_ =	shalt  }
0x53: {  	_ =	shalt  }
0x54: {  	_ =	shalt  }
0x55: {  	_ =	shalt  }
0x56: {  	_ =	shalt  }
0x57: {  	_ =	shalt  }
0x58: {  	_ =	shalt  }
0x59: {  	_ =	shalt  }
0x5a: {  	_ =	shalt  }
0x5b: {  	_ =	shalt  }
0x5c: {  	_ =	shalt  }
0x5d: {  	_ =	shalt  }
0x5e: {  	_ =	shalt  }
0x5f: {  	_ =	shalt  }
0x60: {  	_ =	shalt  }
0x61: {  	_ =	shalt  }
0x62: {  	_ =	shalt  }
0x63: {  	_ =	shalt  }
0x64: {  	_ =	shalt  }
0x65: {  	_ =	shalt  }
0x66: {  	_ =	shalt  }
0x67: {  	_ =	shalt  }
0x68: {  	_ =	shalt  }
0x69: {  	_ =	shalt  }
0x6a: {  	_ =	shalt  }
0x6b: {  	_ =	shalt  }
0x6c: {  	_ =	shalt  }
0x6d: {  	_ =	shalt  }
0x6e: {  	_ =	shalt  }
0x6f: {  	_ =	shalt  }
0x70: {  	_ =	shalt  }
0x71: {  	_ =	shalt  }
0x72: {  	_ =	shalt  }
0x73: {  	_ =	shalt  }
0x74: {  	_ =	shalt  }
0x75: {  	_ =	shalt  }
0x76: {  	_ =	shalt  }
0x77: {  	_ =	shalt  }
0x78: {  	_ =	shalt  }
0x79: {  	_ =	shalt  }
0x7a: {  	_ =	shalt  }
0x7b: {  	_ =	shalt  }
0x7c: {  	_ =	shalt  }
0x7d: {  	_ =	shalt  }
0x7e: {  	_ =	shalt  }
0x7f: {  	_ =	shalt  }
0x80: {  	_ =	shalt  }
0x81: {  	_ =	shalt  }
0x82: {  	_ =	shalt  }
0x83: {  	_ =	shalt  }
0x84: {  	_ =	shalt  }
0x85: {  	_ =	shalt  }
0x86: {  	_ =	shalt  }
0x87: {  	_ =	shalt  }
.Lfunc_end0:
.L_simem_size_0:
called_computation.1_lowered:
.L_overlay_start_0:
0x88: {  	s2 =	sld [smem:$0x3FD9]  }
0x89: {  	s3 =	sld [smem:$0x3FFE];
	_ =	sdelay $0x1  }
0x8a: {  	s1 =	srdreg.scid  }
0x8b: {  	s0 =	sand.u32 $0x1, s1  }
0x8c: {  	s17 =	sshll.u32 s0, $0xA;
	s2 =	sadd.s32 s3, s2  }
0x8d: {  	s2 =	sadd.s32 s2, s17  }
0x8e: {  	[smem:$0x3FC1] =	sst s2  }
0x8f: {  	_ = 	snop  }
0x90: {  	s18 =	sld [smem:$0x3FD0];
	(tm) =	ssettm $0x1  }
0x91: {  	s19 =	sld [smem:$0x3FFB];
	_ =	sdelay $0x3  }
0x92: {  	_ =	strace s19  }
0x93: {  	s2 =	sld [smem:$0x3FFC];
	_ =	sdelay $0x3  }
0x94: {  	_ =	strace s2  }
0x95: {  	s2 =	sld [smem:$0x3FFD];
	_ =	sdelay $0x3  }
0x96: {  	_ =	strace s2  }
0x97: {  	_ =	strace $0x8FFFFFFF  }
0x98: {  	s20 =	sld [smem:$0x3FDB];
	_ =	sdelay $0x1  }
0x99: {  	s4 =	simm.s32 $_scs_section_size  }
0x9a: {  	s5 =	simm.s32 $_size__tile_overlayer_lowered;
	s6 =	simm.s32 $_tile_overlayer_lowered  }
0x9b: {  	s7 =	simm.s32 $0x1BFF;
	s21 =	sshll.u32 s6, $0x1;
	s4 =	sadd.s32 s4, s20  }
0x9c: {  	s22 =	simm.s32 $0x0;
	s5 =	sshll.u32 s5, $0x1;
	s6 =	sadd.s32 s21, s4  }
0x9d: {  	[timem:s22], [sflag:s7] =	dma.local [hbm:s6], s5  }
0x9e: {  	_ =	swait.ge [sflag:s7], s5  }
0x9f: {  	s5 =	ssub.s32 $0x0, s5;
	[sflag:s7] =	ssyncset.done $0x0  }
0xa0: {  	[sflag:s7] =	ssyncadd.s32 s5;
	_ =	sdelay $0x1  }
0xa1: {  	s23 =	simm.s32 $0x1B8B  }
0xa2: {  	_ =	swait.ge [sflag:s23], $0x1  }
0xa3: {  	[sflag:s23] =	ssyncset.done $0x0  }
0xa4: {  	[sflag:s23] =	ssyncadd.s32 $0xFFFFFFFF  }
0xa5: {  	s5 =	sld [smem:$0x0]  }
0xa6: {  	s6 =	sand.u32 $0xFFFFFFFE, s1  }
0xa7: {  	p0 =	sne.s32 s1, s6  }
0xa8: {  	s6 =	sshll.u32 @p0 s6, $0xE  }
0xa9: {  	s6 =	sadd.s32 @p0 $0x11B8D, s6;
	s7 =	sshll.u32 @p0 s5, $0x11  }
0xaa: {  	s6 =	sor.u32 @p0 s7, s6  }
0xab: {  	[sflag:s6] =	ssyncadd.remote.s32 @p0 $0x1;
	_ =	sdelay $0x1  }
0xac: {  	s6 =	simm.s32 @p0 $0x1B8D  }
0xad: {  	_ =	swait.eq @p0 [sflag:s6], $0x1  }
0xae: {  	[sflag:s6] =	ssyncadd.s32 @p0 $0xFFFFFFFF  }
0xaf: {  	s7 =	sshll.u32 @!p0 s1, $0xE  }
0xb0: {  	s7 =	sor.u32 @!p0 $0x4000, s7;
	s6 =	simm.s32 @!p0 $0x1B8D  }
0xb1: {  	s5 =	sshll.u32 @!p0 s5, $0x11;
	s7 =	sadd.s32 @!p0 $0x11B8D, s7;
	_ =	swait.eq @!p0 [sflag:s6], $0x1  }
0xb2: {  	s5 =	sor.u32 @!p0 s5, s7;
	[sflag:s6] =	ssyncadd.s32 @!p0 $0xFFFFFFFF  }
0xb3: {  	s25 =	simm.s32 $0x1B8E;
	s24 =	sld [smem:$0x3FFE];
	[sflag:s5] =	ssyncadd.remote.s32 @!p0 $0x1  }
0xb4: {  	s26 =	simm.s32 $execute0_lowered;
	[smem:$0x3FD2] =	sst s25  }
0xb5: {  	s6 =	sshll.u32 s26, $0x1;
	_ =	strace $0x80000050;
	[dreg:$0x1] =	wrdreg $0xFFFFFFFF  }
0xb6: {  	s28 =	simm.s32 $_size_execute0_lowered;
	s4 =	sadd.s32 s4, s6;
	[dreg:$0x0] =	wrdreg $0x0  }
0xb7: {  	s6 =	sshll.u32 s28, $0x1;
	[dreg:$0x2] =	wrdreg s4  }
0xb8: {  	[dreg:$0x3] =	wrdreg s6  }
0xb9: {  	[dreg:$0x4] =	wrdreg $0xC0  }
0xba: {  	_ =	task [dreg:s22], $0x5FFFF  }
0xbb: {  	[dreg:$0x1] =	wrdreg $0xFFFFFFFF  }
0xbc: {  	[dreg:$0x0] =	wrdreg $0x60  }
0xbd: {  	[dreg:$0x2] =	wrdreg s18  }
0xbe: {  	[dreg:$0x3] =	wrdreg s24  }
0xbf: {  	[dreg:$0x4] =	wrdreg $0xA  }
0xc0: {  	_ =	task.clear_ibuf [dreg:s22], $0x5FFFF;
	_ =	strace $0x90000050  }
0xc1: {  	s29 =	simm.s32 $0xA;
	_ =	strace $0x80000059  }
0xc2: {  	_ =	swait.ge [sflag:s29], $0x1  }
0xc3: {  	[sflag:s29] =	ssyncadd.s32 $0xFFFFFFFF  }
0xc4: {  	_ =	strace $0x90000059  }
0xc5: {  	_ =	sfence  }
0xc6: {  	s30 =	sld [smem:$0x0];
	_ =	sdelay $0x2  }
0xc7: {  	s31 =	sshll.u32 s1, $0xD;
	s1 =	sshrl.u32 s1, $0x2  }
0xc8: {  	s4 =	sand.u32 $0x4000, s31;
	s1 =	sadd.s32 s1, s30  }
0xc9: {  	s0 =	sor.u32 s4, s0;
	s1 =	sshll.u32 s1, $0x11  }
0xca: {  	s0 =	sor.u32 s1, s0  }
0xcb: {  	s0 =	sadd.s32 $0x8F2B, s0  }
0xcc: {  	[sflag:s0] =	ssyncadd.remote.s32 $0x1  }
0xcd: {  	_ =	sfence.sel $0xFFFF  }
0xce: {  	[dreg:$0x0] =	wrdreg $0xFFFFFFFF;
	(pc) =	sbr.abs _section_cstart, $3  }
0xcf: {  	[dreg:$0x1] =	wrdreg $0xFFFFFFFF  }
0xd0: {  	_ =	task.clear_ibuf [dreg:s22], $0x2FFFF;
	_ =	strace $0x9FFFFFFF  }
0xd1: {  	(tm) =	ssettm $0x7FFFFFFF  }
tec
execute0_lowered:
.L_overlay_start_1:
0x0: {  	(tag) =	ssettag $0x1  }
0x1: {  	s0 =	rddreg [dreg:$0x0]  }
0x2: {  	s3 =	rddreg [dreg:$0x1];
	s1 =	srdreg.scid;
	s2 =	simm.s32 $0x0  }
0x3: {  	s31 =	simm.s32 $0x100;
	s9 =	simm.s32 $0x4;
	[dreg:$0x3] =	wrdreg s0  }
0x4: {  	s10 =	simm.s32 $0x0;
	s0 =	rddreg [dreg:$0x2];
	s4 =	sand.u32 $0x1, s1  }
0x5: {  	[smem:$0x7FF] =	sst s2;
	s1 =	stileid.u32;
	s6 =	sadd.s32 $0x147E00, s3  }
0x6: {  	s3 =	sadd.s32 $0x145600, s3;
	s5 =	sshll.u32 s4, $0x4;
	_ =	strace $0x80000051  }
0x7: {  	s4 =	ssub.s32 $0x2, s4;
	[dreg:$0x5] =	wrdreg s6;
	s5 =	sor.u32 s1, s5  }
0x8: {  	[dreg:$0x4] =	wrdreg s31;
	s7 =	sshrl.u32 s4, $0x1;
	s8 =	smul.u32 $0x140, s5  }
0x9: {  	s30 =	ssub.s32 s4, s7;
	s4 =	smul.u32 $0xA, s5;
	s7 =	simm.s32 $0x1  }
0xa: {  	s6 =	smax.u32 s30, $0x1;
	s5 =	sadd.s32 s3, s8;
	s8 =	simm.s32 $0x5  }
.LBB2_1:
0xb: {  	_ =	strace $0x80000052;
	s11 =	simm.s32 $0x1;
	p0 =	por $0x0, $0x0  }
0xc: {  	[tilespmem:s2], [sflag:$0x1] =	stream.linear.gather [hbm4b:s5+s2], $0x100, $0x200038;
	[tilespmem:$0x10200] =	vst v63  }
0xd: {  	s11 =	simm.s32 @p0 $0x0  }
0xe: {  	p4 =	por $0x1, $0x1;
	s20 =	sand.u32 $0x1, s2;
	p1 =	sne.s32 s11, $0x0  }
0xf: {  	p2 =	por $0x1, $0x1;
	s18 =	simm.s32 $0x8;
	p0 =	por !p4, !p1  }
0x10: {  	s16 =	simm.s32 $0x0;
	p5 =	por $0x0, $0x0;
	p0 =	por !p0, !p0  }
0x11: {  	s23 =	sadd.s32 $0x0, s4;
	s30 =	sadd.s32 $0x1, s20;
	s12 =	sadd.s32 @p0 s4, s11  }
0x12: {  	_ =	strace $0x90000052;
	s13 =	sand.u32 @p0 $0x1, s7;
	s12 =	sshll.u32 @p0 s12, $0x5  }
0x13: {  	_ =	strace @p0 $0x80000053;
	s15 =	simm.s32 @p0 $0x0;
	s12 =	sand.u32 @p0 $0x1FFFFFE0, s12  }
0x14: {  	s14 =	sshll.u32 @p0 s13, $0x8;
	s13 =	sadd.s32 @p0 $0x1, s13;
	s12 =	sadd.s32 @p0 s3, s12  }
0x15: {  	[tilespmem:s14], [sflag:s13] =	stream.linear.gather @p0 [hbm4b:s12+s15], $0x100, $0x200038;
	[tilespmem:$0x10200] =	vst v63  }
0x16: {  	p3 =	por p2, p2;
	s21 =	sshll.u32 s20, $0xF;
	_ =	strace @p0 $0x90000053  }
0x17: {  	s16 =	sand.u32 $0x100, s16;
	p2 =	por p5, p5;
	_ =	strace $0x80000054  }
0x18: {  	s17 =	sadd.s32 $0x1, s11;
	s22 =	sor.u32 $0x200, s21;
	_ =	swait.ge [sflag:s30], $0x100  }
0x19: {  	s21 =	simm.s32 $0x1;
	p6 =	por p1, p1;
	[sflag:s30] =	ssyncset.done $0x0  }
0x1a: {  	p1 =	por p3, p3;
	p4 =	por $0x1, $0x1;
	[sflag:s30] =	ssyncadd.s32 $0xFFFFFF00  }
0x1b: {  	s12 =	simm.s32 $0x9;
	s15 =	sand.u32 @!p3 $0x1, s2;
	_ =	strace $0x90000054  }
0x1c: {  	s13 =	simm.s32 $0x1;
	p3 =	seq.s32 s17, $0xA;
	_ =	strace $0x80000055  }
0x1d: {  	s13 =	simm.s32 @!p0 $0x0;
	s17 =	simm.s32 @p3 $0x0;
	s19 =	rddreg [dreg:$0x4]  }
0x1e: {  	p0 =	por $0x0, $0x0;
	s14 =	sadd.s32 $0x1, s13;
	s31 =	rddreg [dreg:$0x3]  }
0x1f: {  	[tilespmem:s22], [sflag:$0x5] =	stream.indirect.gather [hbm4b:s31+s19], $0x80, s16, s19, $0x2000b8;
	[tilespmem:$0x10200] =	vst v63  }
0x20: {  	p3 =	sne.s32 s11, s17;
	s21 =	simm.s32 @!p0 $0x0;
	_ =	swait.ge [sflag:s8], $0x8000  }
0x21: {  	p5 =	por !p4, !p3;
	p4 =	por $0x0, $0x0;
	[sflag:s8] =	ssyncset.done $0x0  }
0x22: {  	s13 =	simm.s32 $0x0;
	p6 =	por p4, p6;
	[sflag:s8] =	ssyncadd.s32 $0xFFFF8000  }
0x23: {  	s16 =	simm.s32 $0x0;
	s19 =	simm.s32 $0x0;
	_ =	strace $0x90000055  }
.LBB2_2:
0x24: {  	_ =	strace @p6 $0x80000056;
	s13 =	sadd.s32 s21, s13;
	s21 =	smov.u32 s12  }
0x25: {  	s12 =	smov.u32 s18;
	s18 =	sadd.s32 $0xFFFFFFFF, s18;
	p0 =	por p3, p3  }
0x26: {  	s28 =	sshll.u32 @p6 s23, $0xC;
	s20 =	sadd.s32 @p6 $0x3, s20;
	s24 =	simm.s32 @!p0 $0x0  }
0x27: {  	s25 =	rddreg [dreg:$0x5];
	s28 =	sand.u32 @p6 $0x1FFFF000, s28;
	s24 =	simm.s32 @p0 $0x1  }
0x28: {  	s25 =	sadd.s32 @p6 s25, s28;
	s28 =	simm.s32 @p6 $0x0;
	p0 =	sne.s32 s18, $0x0  }
0x29: {  	[hbm4b:s25+s28] =	stream.linear.scatter @p6 [tilespmem:s22], [sflag:s20], $0x8000, $0x200038;
	[tilespmem:$0x10200] =	vst v63  }
0x2a: {  	s20 =	sadd.s32 @!p1 $0x3, s15;
	s15 =	simm.s32 @!p0 $0x0  }
0x2b: {  	s26 =	simm.s32 $0x1;
	[smem:$0x7FC] =	sst s24;
	s15 =	simm.s32 @p0 $0x1  }
0x2c: {  	s26 =	simm.s32 @!p6 $0x0;
	_ =	strace @p6 $0x90000056;
	[smem:$0x7FD] =	sst s15  }
0x2d: {  	p5 =	por !p5, !p5;
	s19 =	sadd.s32 s26, s19;
	_ =	strace @!p1 $0x80000057  }
0x2e: {  	s24 =	sand.u32 @!p2 $0x1, s13;
	s22 =	sand.u32 @p5 $0x1, s14;
	_ =	swait.ge @!p1 [sflag:s20], $0x8000  }
0x2f: {  	s15 =	smov.u32 s24;
	s24 =	sadd.s32 @p5 s4, s17;
	[sflag:s20] =	ssyncset.done @!p1 $0x0  }
0x30: {  	s25 =	sshll.u32 @p5 s22, $0x8;
	s24 =	sshll.u32 @p5 s24, $0x5;
	[sflag:s20] =	ssyncadd.s32 @!p1 $0xFFFF8000  }
0x31: {  	s20 =	sadd.s32 @p5 $0x1, s22;
	s22 =	sand.u32 @p5 $0x1FFFFFE0, s24;
	_ =	strace @!p1 $0x90000057  }
0x32: {  	s24 =	simm.s32 @p5 $0x0;
	s22 =	sadd.s32 @p5 s3, s22;
	_ =	strace @p5 $0x80000053  }
0x33: {  	[tilespmem:s25], [sflag:s20] =	stream.linear.gather @p5 [hbm4b:s22+s24], $0x100, $0x200038;
	[tilespmem:$0x10200] =	vst v63  }
0x34: {  	s16 =	sadd.s32 s26, s16;
	s26 =	sand.u32 $0x1, s19;
	_ =	strace @p5 $0x90000053  }
0x35: {  	s24 =	sadd.s32 $0x1, s26;
	_ =	strace $0x80000054  }
0x36: {  	_ =	swait.ge [sflag:s24], $0x100  }
0x37: {  	[sflag:s24] =	ssyncset.done $0x0  }
0x38: {  	s20 =	simm.s32 $0x1;
	[sflag:s24] =	ssyncadd.s32 $0xFFFFFF00  }
0x39: {  	s20 =	simm.s32 @!p5 $0x0;
	_ =	strace $0x90000054  }
0x3a: {  	s14 =	sadd.s32 s20, s14;
	s20 =	sand.u32 $0x1, s16;
	_ =	strace $0x80000055  }
0x3b: {  	s29 =	sshll.u32 s19, $0x8;
	s25 =	sshll.u32 s20, $0xF;
	s26 =	rddreg [dreg:$0x4]  }
0x3c: {  	s29 =	sand.u32 $0x100, s29;
	s22 =	sor.u32 $0x200, s25;
	s30 =	rddreg [dreg:$0x3]  }
0x3d: {  	[tilespmem:s22], [sflag:$0x5] =	stream.indirect.gather [hbm4b:s30+s26], $0x80, s29, s26, $0x2000b8;
	[tilespmem:$0x10200] =	vst v63  }
0x3e: {  	_ =	swait.ge [sflag:s8], $0x8000  }
0x3f: {  	s31 =	sadd.s32 $0x1, s17;
	[sflag:s8] =	ssyncset.done $0x0  }
0x40: {  	s23 =	sadd.s32 s4, s11;
	s11 =	smov.u32 s17;
	[sflag:s8] =	ssyncadd.s32 $0xFFFF8000  }
0x41: {  	p3 =	seq.s32 s31, $0xA;
	s17 =	smov.u32 s31;
	_ =	strace $0x90000055  }
0x42: {  	s17 =	simm.s32 @p3 $0x0;
	s31 =	sld [smem:$0x7FD]  }
0x43: {  	p6 =	sne.s32 s12, $0x1;
	p0 =	sne.s32 s21, $0xA;
	p3 =	sne.s32 s11, s17  }
0x44: {  	p5 =	por !p6, !p3;
	p6 =	seq.s32 s21, $0x1;
	s21 =	simm.s32 $0x1  }
0x45: {  	s21 =	simm.s32 @!p0 $0x0;
	p0 =	seq.s32 s31, $0x1  }
.Ltmp0:
0x46: {  	s30 =	sld [smem:$0x7FC];
	(pc) =	sbr.rel @p0 .LBB2_2-.Ltmp0, $4  }
0x47: {  	_ = 	snop  }
0x48: {  	p4 =	seq.s32 s12, $0xA  }
0x49: {  	p1 =	por p2, p2;
	p2 =	por p4, p4;
	p4 =	seq.s32 s30, $0x1  }
0x4a: {  	p6 =	por p6, p4  }
0x4b: {  	_ =	strace @p6 $0x80000056;
	s23 =	sshll.u32 @p6 s23, $0xC  }
0x4c: {  	s18 =	rddreg [dreg:$0x5];
	s23 =	sand.u32 @p6 $0x1FFFF000, s23  }
0x4d: {  	s20 =	sadd.s32 @p6 $0x3, s20;
	s18 =	sadd.s32 @p6 s18, s23;
	s23 =	simm.s32 @p6 $0x0  }
0x4e: {  	[hbm4b:s18+s23] =	stream.linear.scatter @p6 [tilespmem:s22], [sflag:s20], $0x8000, $0x200038;
	[tilespmem:$0x10200] =	vst v63  }
0x4f: {  	p0 =	por !p5, !p5;
	_ =	strace @p6 $0x90000056  }
0x50: {  	s15 =	sadd.s32 @!p1 $0x3, s15;
	s17 =	sadd.s32 @p0 s4, s17;
	_ =	strace @!p1 $0x80000057  }
0x51: {  	s14 =	sand.u32 @p0 $0x1, s14;
	s17 =	sshll.u32 @p0 s17, $0x5;
	_ =	swait.ge @!p1 [sflag:s15], $0x8000  }
0x52: {  	s18 =	simm.s32 $0x1;
	s20 =	sshll.u32 @p0 s14, $0x8;
	[sflag:s15] =	ssyncset.done @!p1 $0x0  }
0x53: {  	s14 =	sadd.s32 @p0 $0x1, s14;
	s18 =	simm.s32 @!p6 $0x0;
	[sflag:s15] =	ssyncadd.s32 @!p1 $0xFFFF8000  }
0x54: {  	s19 =	sadd.s32 s18, s19;
	s15 =	sand.u32 @p0 $0x1FFFFFE0, s17;
	_ =	strace @!p1 $0x90000057  }
0x55: {  	s17 =	simm.s32 @p0 $0x0;
	s15 =	sadd.s32 @p0 s3, s15;
	_ =	strace @p0 $0x80000053  }
0x56: {  	[tilespmem:s20], [sflag:s14] =	stream.linear.gather @p0 [hbm4b:s15+s17], $0x100, $0x200038;
	[tilespmem:$0x10200] =	vst v63  }
0x57: {  	s25 =	sand.u32 $0x1, s19;
	_ =	strace @p0 $0x90000053  }
0x58: {  	s14 =	sadd.s32 $0x1, s25;
	_ =	strace $0x80000054  }
0x59: {  	_ =	swait.ge [sflag:s14], $0x100  }
0x5a: {  	[sflag:s14] =	ssyncset.done $0x0  }
0x5b: {  	[sflag:s14] =	ssyncadd.s32 $0xFFFFFF00  }
0x5c: {  	s26 =	sadd.s32 s18, s16;
	_ =	strace $0x90000054  }
0x5d: {  	s14 =	sand.u32 $0x1, s26;
	_ =	strace $0x80000055  }
0x5e: {  	s30 =	sshll.u32 s19, $0x8;
	s31 =	sshll.u32 s14, $0xF;
	s28 =	rddreg [dreg:$0x4]  }
0x5f: {  	s17 =	sand.u32 $0x100, s30;
	s18 =	sor.u32 $0x200, s31;
	s29 =	rddreg [dreg:$0x3]  }
0x60: {  	[tilespmem:s18], [sflag:$0x5] =	stream.indirect.gather [hbm4b:s29+s28], $0x80, s17, s28, $0x2000b8;
	[tilespmem:$0x10200] =	vst v63  }
0x61: {  	_ =	swait.ge [sflag:s8], $0x8000  }
0x62: {  	[sflag:s8] =	ssyncset.done $0x0  }
0x63: {  	p5 =	por p3, p3;
	p6 =	seq.s32 s12, $0x1;
	[sflag:s8] =	ssyncadd.s32 $0xFFFF8000  }
0x64: {  	s11 =	sadd.s32 s4, s11;
	p0 =	por p6, p5;
	_ =	strace $0x90000055  }
0x65: {  	s11 =	sshll.u32 @p0 s11, $0xC;
	_ =	strace @p0 $0x80000056  }
0x66: {  	s13 =	sadd.s32 s21, s13;
	s11 =	sand.u32 @p0 $0x1FFFF000, s11;
	s12 =	rddreg [dreg:$0x5]  }
0x67: {  	s14 =	sadd.s32 @p0 $0x3, s14;
	s11 =	sadd.s32 @p0 s12, s11;
	s12 =	simm.s32 @p0 $0x0  }
0x68: {  	[hbm4b:s11+s12] =	stream.linear.scatter @p0 [tilespmem:s18], [sflag:s14], $0x8000, $0x200038;
	[tilespmem:$0x10200] =	vst v63  }
0x69: {  	p1 =	por p2, p2;
	s11 =	sand.u32 @!p2 $0x1, s13;
	_ =	strace @p0 $0x90000056  }
0x6a: {  	s11 =	sadd.s32 @!p1 $0x3, s11;
	_ =	strace @!p1 $0x80000057  }
0x6b: {  	_ =	swait.ge @!p1 [sflag:s11], $0x8000  }
0x6c: {  	[sflag:s11] =	ssyncset.done @!p1 $0x0  }
0x6d: {  	s10 =	sadd.s32 $0x1, s10;
	[sflag:s11] =	ssyncadd.s32 @!p1 $0xFFFF8000  }
0x6e: {  	p0 =	sne.s32 s10, s6;
	_ =	strace @!p1 $0x90000057  }
.Ltmp1:
0x6f: {  	_ =	strace $0x80000058;
	(pc) =	sbr.rel @p0 .LBB2_1-.Ltmp1, $4  }
0x70: {  	_ =	swait.ge [sflag:s9], $0x8000  }
0x71: {  	[sflag:s9] =	ssyncset.done $0x0  }
0x72: {  	[sflag:s9] =	ssyncadd.s32 $0xFFFF8000  }
0x73: {  	_ =	strace $0x90000058  }
0x74: {  	_ =	sfence.sel $0x180000  }
0x75: {  	[bflag:$0x0] =	sbarrier.arrive $0xFFFF  }
0x76: {  	p0 =	sne.s32 s1, $0x0;
	_ =	strace $0x90000051  }
0x77: {  	s0 =	sadd.s32 @!p0 $0x100000, s0;
	[bflag:$0x2] =	sbarrier.arrive $0xFFFF  }
0x78: {  	[sflag:s0] =	ssyncadd.tile.s32 @!p0 $0x1;
	_ =	shalt  }
.Lfunc_end2:
_tile_overlayer_lowered:
.L_overlay_start_2:
0x79: {  	(tag) =	ssettag $0x2  }
0x7a: {  	s0 =	rddreg [dreg:$0x0];
	s2 =	stileid.u32  }
0x7b: {  	s1 =	rddreg [dreg:$0x1];
	p0 =	sne.s32 s2, $0x0  }
0x7c: {  	s3 =	rddreg [dreg:$0x2];
	[bflag:$0x3] =	sbarrier.arrive $0xFFFF;
	s2 =	simm.s32 @!p0 $0x1C01  }
0x7d: {  	[timem:s3], [sflag:s2] =	dma.local @!p0 [hbm:s0], s1  }
0x7e: {  	s0 =	simm.s32 @!p0 $0x1  }
0x7f: {  	_ =	swait.ge @!p0 [sflag:s0], s1  }
0x80: {  	s1 =	ssub.s32 @!p0 $0x0, s1;
	[sflag:s0] =	ssyncset.done @!p0 $0x0  }
0x81: {  	[sflag:s0] =	ssyncadd.s32 @!p0 s1  }
0x82: {  	[bflag:$0x3] =	sbarrier.arrive $0xFFFF  }
0x83: {  	_ =	shalt  }

// kernel: kernel.22.cloned.1.call-start
scs
__scs_entry_jumppad:
0x0: {  	(pc) =	sbr.rel $0x88, $3  }
0x1: {  	(tag) =	ssettag $0x0;
	lr =	simm.s32 $0x1  }
0x2: {  	[smem:$0x3F9A] =	sst lr;
	_ =	strace $0xD0000000  }
0x3: {  	_ = 	snop  }
0x4: {  	_ = 	snop  }
0x5: {  	_ = 	snop  }
0x6: {  	_ = 	snop  }
0x7: {  	_ = 	snop  }
__scs_overlays_trampoline_lowered:
0x8: {  	[smem:$0x3FA9] =	sst s0  }
0x9: {  	[smem:$0x3FAA] =	sst s1  }
0xa: {  	[smem:$0x3FAB] =	sst s2  }
0xb: {  	[smem:$0x3FAC] =	sst s3  }
0xc: {  	[smem:$0x3FAD] =	sst s4  }
0xd: {  	[smem:$0x3FAE] =	sst s5  }
0xe: {  	[smem:$0x3FAF] =	sst s6  }
0xf: {  	[smem:$0x3FB0] =	sst s7  }
0x10: {  	[smem:$0x3FB1] =	sst s8  }
0x11: {  	[smem:$0x3FB2] =	sst s9;
	s0 =	simm.s32 @!p0 $0x0  }
0x12: {  	s1 =	sld [smem:$0x3F98];
	s0 =	simm.s32 @p0 $0x1  }
0x13: {  	[smem:$0x3FB3] =	sst s0;
	s0 =	simm.s32 @!p1 $0x0  }
0x14: {  	s2 =	sld [smem:$0x3F97];
	s0 =	simm.s32 @p1 $0x1  }
0x15: {  	[smem:$0x3FB4] =	sst s0;
	s0 =	simm.s32 @!p2 $0x0  }
0x16: {  	s3 =	sld [smem:$0x3FDB];
	s0 =	simm.s32 @p2 $0x1  }
0x17: {  	s4 =	simm.s32 $0x1BF5;
	[smem:$0x3FB6] =	sst s0  }
0x18: {  	s0 =	sld [smem:$0x3F99];
	_ =	swait.ge [sflag:s4], $0x0  }
0x19: {  	s7 =	sld [smem:$0x3F9A]  }
0x1a: {  	s8 =	sadd.s32 $0xFFFFE003, lr  }
0x1b: {  	s9 =	sadd.s32 $0xFFFFFEF7, lr;
	s5 =	simm.s32 $0xFFFFFFFF;
	p2 =	slt.u32 s8, $0xFFFFF086  }
0x1c: {  	p1 =	slt.u32 s9, $0xF7A;
	s5 =	simm.s32 @!p2 $0x0  }
0x1d: {  	s5 =	simm.s32 @p1 $0x1;
	p0 =	seq.s32 s7, s2  }
0x1e: {  	s7 =	smul.u32 @!p0 $0xF7A, s2;
	p2 =	seq.s32 @!p0 s5, $0x0  }
0x1f: {  	s9 =	smul.u32 $0xF7A, s1;
	s8 =	simm.s32 @!p0 $0x1BF5;
	p2 =	por !p2, p0  }
0x20: {  	[sflag:s8] =	ssyncset.s32 @!p0 $0xFFFFF086;
	s6 =	sadd.s32 @!p0 s3, s7;
	s7 =	simm.s32 @!p0 $0x108  }
0x21: {  	s3 =	sadd.s32 s3, s9;
	s6 =	sadd.s32 @!p0 $0x88, s6;
	s7 =	simm.s32 @p2 $0x1082  }
0x22: {  	[simem:s7], [sflag:s8] =	dma.local @!p0 [hbm:s6], $0xF7A  }
0x23: {  	s9 =	sor.u32 $0xD0000000, s2;
	s6 =	simm.s32 $0x108;
	_ =	swait.ge @!p0 [sflag:s8], $0x0  }
0x24: {  	s3 =	sadd.s32 $0x88, s3;
	s6 =	simm.s32 @!p1 $0x1082;
	[sflag:s4] =	ssyncset.s32 $0xFFFFF086  }
0x25: {  	[simem:s6], [sflag:s4] =	dma.local [hbm:s3], $0xF7A  }
0x26: {  	[smem:$0x3F9A] =	sst s1;
	(tag) =	ssettag s2;
	_ =	strace s9  }
0x27: {  	s1 =	sld [smem:$0x3FAA]  }
0x28: {  	s2 =	sld [smem:$0x3FAB]  }
0x29: {  	s4 =	sld [smem:$0x3FAD]  }
0x2a: {  	p0 =	seq.s32 s5, $0x0;
	s5 =	sld [smem:$0x3FAE]  }
0x2b: {  	s6 =	sld [smem:$0x3FAF]  }
0x2c: {  	s7 =	sld [smem:$0x3FB0]  }
0x2d: {  	s3 =	simm.s32 $0x108;
	s8 =	sld [smem:$0x3FB1]  }
0x2e: {  	s3 =	simm.s32 @!p0 $0x1082;
	s9 =	sld [smem:$0x3FB2]  }
0x2f: {  	lr =	sadd.s32 s0, s3;
	s0 =	sld [smem:$0x3FA9]  }
0x30: {  	s3 =	sld [smem:$0x3FAC]  }
0x31: {  	[smem:$0x3FB5] =	sst s10  }
0x32: {  	s10 =	sld [smem:$0x3FB3];
	_ =	sdelay $0x3  }
0x33: {  	p0 =	seq.s32 s10, $0x1;
	s10 =	sld [smem:$0x3FB5];
	_ =	sdelay $0x3  }
0x34: {  	[smem:$0x3FB5] =	sst s10  }
0x35: {  	s10 =	sld [smem:$0x3FB4];
	_ =	sdelay $0x3  }
0x36: {  	p1 =	seq.s32 s10, $0x1;
	s10 =	sld [smem:$0x3FB5];
	_ =	sdelay $0x3  }
0x37: {  	[smem:$0x3FB5] =	sst s10  }
0x38: {  	s10 =	sld [smem:$0x3FB6]  }
0x39: {  	_ = 	snop;
	(pc) =	sbr.ind lr, $3  }
0x3a: {  	_ = 	snop  }
0x3b: {  	_ = 	snop  }
0x3c: {  	p2 =	seq.s32 s10, $0x1;
	s10 =	sld [smem:$0x3FB5]  }
0x3d: {  	_ =	shalt  }
0x3e: {  	_ =	shalt  }
0x3f: {  	_ =	shalt  }
0x40: {  	_ =	shalt  }
0x41: {  	_ =	shalt  }
0x42: {  	_ =	shalt  }
0x43: {  	_ =	shalt  }
0x44: {  	_ =	shalt  }
0x45: {  	_ =	shalt  }
0x46: {  	_ =	shalt  }
0x47: {  	_ =	shalt  }
0x48: {  	_ =	shalt  }
0x49: {  	_ =	shalt  }
0x4a: {  	_ =	shalt  }
0x4b: {  	_ =	shalt  }
0x4c: {  	_ =	shalt  }
0x4d: {  	_ =	shalt  }
0x4e: {  	_ =	shalt  }
0x4f: {  	_ =	shalt  }
0x50: {  	_ =	shalt  }
0x51: {  	_ =	shalt  }
0x52: {  	_ =	shalt  }
0x53: {  	_ =	shalt  }
0x54: {  	_ =	shalt  }
0x55: {  	_ =	shalt  }
0x56: {  	_ =	shalt  }
0x57: {  	_ =	shalt  }
0x58: {  	_ =	shalt  }
0x59: {  	_ =	shalt  }
0x5a: {  	_ =	shalt  }
0x5b: {  	_ =	shalt  }
0x5c: {  	_ =	shalt  }
0x5d: {  	_ =	shalt  }
0x5e: {  	_ =	shalt  }
0x5f: {  	_ =	shalt  }
0x60: {  	_ =	shalt  }
0x61: {  	_ =	shalt  }
0x62: {  	_ =	shalt  }
0x63: {  	_ =	shalt  }
0x64: {  	_ =	shalt  }
0x65: {  	_ =	shalt  }
0x66: {  	_ =	shalt  }
0x67: {  	_ =	shalt  }
0x68: {  	_ =	shalt  }
0x69: {  	_ =	shalt  }
0x6a: {  	_ =	shalt  }
0x6b: {  	_ =	shalt  }
0x6c: {  	_ =	shalt  }
0x6d: {  	_ =	shalt  }
0x6e: {  	_ =	shalt  }
0x6f: {  	_ =	shalt  }
0x70: {  	_ =	shalt  }
0x71: {  	_ =	shalt  }
0x72: {  	_ =	shalt  }
0x73: {  	_ =	shalt  }
0x74: {  	_ =	shalt  }
0x75: {  	_ =	shalt  }
0x76: {  	_ =	shalt  }
0x77: {  	_ =	shalt  }
0x78: {  	_ =	shalt  }
0x79: {  	_ =	shalt  }
0x7a: {  	_ =	shalt  }
0x7b: {  	_ =	shalt  }
0x7c: {  	_ =	shalt  }
0x7d: {  	_ =	shalt  }
0x7e: {  	_ =	shalt  }
0x7f: {  	_ =	shalt  }
0x80: {  	_ =	shalt  }
0x81: {  	_ =	shalt  }
0x82: {  	_ =	shalt  }
0x83: {  	_ =	shalt  }
0x84: {  	_ =	shalt  }
0x85: {  	_ =	shalt  }
0x86: {  	_ =	shalt  }
0x87: {  	_ =	shalt  }
.Lfunc_end0:
.L_simem_size_0:
called_computation.2_lowered:
.L_overlay_start_0:
0x88: {  	s2 =	sld [smem:$0x3FD9]  }
0x89: {  	s3 =	sld [smem:$0x3FFE];
	_ =	sdelay $0x1  }
0x8a: {  	s1 =	srdreg.scid  }
0x8b: {  	s0 =	sand.u32 $0x1, s1  }
0x8c: {  	s17 =	sshll.u32 s0, $0xA;
	s2 =	sadd.s32 s3, s2  }
0x8d: {  	s2 =	sadd.s32 s2, s17  }
0x8e: {  	[smem:$0x3FC1] =	sst s2  }
0x8f: {  	_ = 	snop  }
0x90: {  	s2 =	sld [smem:$0x3FD0];
	(tm) =	ssettm $0x1  }
0x91: {  	s18 =	sld [smem:$0x3FFB];
	_ =	sdelay $0x3  }
0x92: {  	_ =	strace s18  }
0x93: {  	s3 =	sld [smem:$0x3FFC];
	_ =	sdelay $0x3  }
0x94: {  	_ =	strace s3  }
0x95: {  	s3 =	sld [smem:$0x3FFD];
	_ =	sdelay $0x3  }
0x96: {  	_ =	strace s3  }
0x97: {  	_ =	strace $0x8FFFFFFF  }
0x98: {  	s19 =	sld [smem:$0x3FDB];
	_ =	sdelay $0x1  }
0x99: {  	s4 =	simm.s32 $_scs_section_size  }
0x9a: {  	s5 =	simm.s32 $_size__tile_overlayer_lowered;
	s6 =	simm.s32 $_tile_overlayer_lowered  }
0x9b: {  	s22 =	simm.s32 $0x1BFF;
	s21 =	sshll.u32 s6, $0x1;
	s3 =	sadd.s32 s4, s19  }
0x9c: {  	s7 =	simm.s32 $0x0;
	s20 =	sshll.u32 s5, $0x1;
	s5 =	sadd.s32 s21, s3  }
0x9d: {  	[timem:s7], [sflag:s22] =	dma.local [hbm:s5], s20  }
0x9e: {  	_ =	swait.ge [sflag:s22], s20  }
0x9f: {  	s4 =	ssub.s32 $0x0, s20;
	[sflag:s22] =	ssyncset.done $0x0  }
0xa0: {  	[sflag:s22] =	ssyncadd.s32 s4;
	_ =	sdelay $0x1  }
0xa1: {  	s23 =	simm.s32 $0x1B8B  }
0xa2: {  	_ =	swait.ge [sflag:s23], $0x1  }
0xa3: {  	[sflag:s23] =	ssyncset.done $0x0  }
0xa4: {  	s25 =	simm.s32 $0x1B8E;
	s24 =	sld [smem:$0x3FFE];
	[sflag:s23] =	ssyncadd.s32 $0xFFFFFFFF  }
0xa5: {  	s26 =	simm.s32 $execute0_lowered;
	[smem:$0x3FD2] =	sst s25  }
0xa6: {  	s5 =	sshll.u32 s26, $0x1;
	_ =	strace $0x8000005A;
	[dreg:$0x1] =	wrdreg $0xFFFFFFFF  }
0xa7: {  	s28 =	simm.s32 $_size_execute0_lowered;
	s3 =	sadd.s32 s3, s5;
	[dreg:$0x0] =	wrdreg $0x0  }
0xa8: {  	s5 =	sshll.u32 s28, $0x1;
	[dreg:$0x2] =	wrdreg s3  }
0xa9: {  	[dreg:$0x3] =	wrdreg s5  }
0xaa: {  	[dreg:$0x4] =	wrdreg $0xC0  }
0xab: {  	_ =	task [dreg:s7], $0x5FFFF  }
0xac: {  	[dreg:$0x1] =	wrdreg $0xFFFFFFFF  }
0xad: {  	[dreg:$0x0] =	wrdreg $0x60  }
0xae: {  	[dreg:$0x2] =	wrdreg s2  }
0xaf: {  	[dreg:$0x3] =	wrdreg s24  }
0xb0: {  	[dreg:$0x4] =	wrdreg $0x9  }
0xb1: {  	_ =	task.clear_ibuf [dreg:s7], $0x5FFFF;
	_ =	strace $0x9000005A  }
0xb2: {  	s29 =	simm.s32 $0x9;
	_ =	strace $0x80000063  }
0xb3: {  	_ =	swait.ge [sflag:s29], $0x1  }
0xb4: {  	[sflag:s29] =	ssyncadd.s32 $0xFFFFFFFF  }
0xb5: {  	_ =	strace $0x90000063  }
0xb6: {  	_ =	sfence  }
0xb7: {  	s30 =	sld [smem:$0x0];
	_ =	sdelay $0x2  }
0xb8: {  	s31 =	sshll.u32 s1, $0xD;
	s1 =	sshrl.u32 s1, $0x2  }
0xb9: {  	s3 =	sand.u32 $0x4000, s31;
	s1 =	sadd.s32 s1, s30  }
0xba: {  	s0 =	sor.u32 s3, s0;
	s1 =	sshll.u32 s1, $0x11  }
0xbb: {  	s0 =	sor.u32 s1, s0  }
0xbc: {  	s0 =	sadd.s32 $0x8F2B, s0  }
0xbd: {  	[sflag:s0] =	ssyncadd.remote.s32 $0x1  }
0xbe: {  	_ =	sfence.sel $0xFFFF  }
0xbf: {  	[dreg:$0x0] =	wrdreg $0xFFFFFFFF;
	(pc) =	sbr.abs _section_cstart, $3  }
0xc0: {  	[dreg:$0x1] =	wrdreg $0xFFFFFFFF  }
0xc1: {  	_ =	task.clear_ibuf [dreg:s7], $0x2FFFF;
	_ =	strace $0x9FFFFFFF  }
0xc2: {  	(tm) =	ssettm $0x7FFFFFFF  }
0xc3: {  	_ =	shalt  }
tec
execute0_lowered:
.L_overlay_start_1:
0x0: {  	(tag) =	ssettag $0x1  }
0x1: {  	s0 =	rddreg [dreg:$0x0]  }
0x2: {  	s3 =	rddreg [dreg:$0x1];
	s1 =	srdreg.scid;
	s2 =	simm.s32 $0x0  }
0x3: {  	s31 =	simm.s32 $0x100;
	s9 =	simm.s32 $0x4;
	[dreg:$0x3] =	wrdreg s0  }
0x4: {  	s10 =	simm.s32 $0x0;
	s0 =	rddreg [dreg:$0x2];
	s4 =	sand.u32 $0x1, s1  }
0x5: {  	[smem:$0x7FF] =	sst s2;
	s1 =	stileid.u32;
	s6 =	sadd.s32 $0x5600, s3  }
0x6: {  	s3 =	sadd.s32 $0x2E00, s3;
	s5 =	sshll.u32 s4, $0x4;
	_ =	strace $0x8000005B  }
0x7: {  	s4 =	ssub.s32 $0x2, s4;
	[dreg:$0x5] =	wrdreg s6;
	s5 =	sor.u32 s1, s5  }
0x8: {  	[dreg:$0x4] =	wrdreg s31;
	s7 =	sshrl.u32 s4, $0x1;
	s8 =	smul.u32 $0x140, s5  }
0x9: {  	s30 =	ssub.s32 s4, s7;
	s4 =	smul.u32 $0xA, s5;
	s7 =	simm.s32 $0x1  }
0xa: {  	s6 =	smax.u32 s30, $0x1;
	s5 =	sadd.s32 s3, s8;
	s8 =	simm.s32 $0x5  }
.LBB2_1:
0xb: {  	_ =	strace $0x8000005C;
	s11 =	simm.s32 $0x1;
	p0 =	por $0x0, $0x0  }
0xc: {  	[tilespmem:s2], [sflag:$0x1] =	stream.linear.gather [hbm4b:s5+s2], $0x100, $0x200038;
	[tilespmem:$0x10200] =	vst v63  }
0xd: {  	s11 =	simm.s32 @p0 $0x0  }
0xe: {  	p4 =	por $0x1, $0x1;
	s20 =	sand.u32 $0x1, s2;
	p1 =	sne.s32 s11, $0x0  }
0xf: {  	p2 =	por $0x1, $0x1;
	s18 =	simm.s32 $0x8;
	p0 =	por !p4, !p1  }
0x10: {  	s16 =	simm.s32 $0x0;
	p5 =	por $0x0, $0x0;
	p0 =	por !p0, !p0  }
0x11: {  	s23 =	sadd.s32 $0x0, s4;
	s30 =	sadd.s32 $0x1, s20;
	s12 =	sadd.s32 @p0 s4, s11  }
0x12: {  	_ =	strace $0x9000005C;
	s13 =	sand.u32 @p0 $0x1, s7;
	s12 =	sshll.u32 @p0 s12, $0x5  }
0x13: {  	_ =	strace @p0 $0x8000005D;
	s15 =	simm.s32 @p0 $0x0;
	s12 =	sand.u32 @p0 $0x1FFFFFE0, s12  }
0x14: {  	s14 =	sshll.u32 @p0 s13, $0x8;
	s13 =	sadd.s32 @p0 $0x1, s13;
	s12 =	sadd.s32 @p0 s3, s12  }
0x15: {  	[tilespmem:s14], [sflag:s13] =	stream.linear.gather @p0 [hbm4b:s12+s15], $0x100, $0x200038;
	[tilespmem:$0x10200] =	vst v63  }
0x16: {  	p3 =	por p2, p2;
	s21 =	sshll.u32 s20, $0xF;
	_ =	strace @p0 $0x9000005D  }
0x17: {  	s16 =	sand.u32 $0x100, s16;
	p2 =	por p5, p5;
	_ =	strace $0x8000005E  }
0x18: {  	s17 =	sadd.s32 $0x1, s11;
	s22 =	sor.u32 $0x200, s21;
	_ =	swait.ge [sflag:s30], $0x100  }
0x19: {  	s21 =	simm.s32 $0x1;
	p6 =	por p1, p1;
	[sflag:s30] =	ssyncset.done $0x0  }
0x1a: {  	p1 =	por p3, p3;
	p4 =	por $0x1, $0x1;
	[sflag:s30] =	ssyncadd.s32 $0xFFFFFF00  }
0x1b: {  	s12 =	simm.s32 $0x9;
	s15 =	sand.u32 @!p3 $0x1, s2;
	_ =	strace $0x9000005E  }
0x1c: {  	s13 =	simm.s32 $0x1;
	p3 =	seq.s32 s17, $0xA;
	_ =	strace $0x8000005F  }
0x1d: {  	s13 =	simm.s32 @!p0 $0x0;
	s17 =	simm.s32 @p3 $0x0;
	s19 =	rddreg [dreg:$0x4]  }
0x1e: {  	p0 =	por $0x0, $0x0;
	s14 =	sadd.s32 $0x1, s13;
	s31 =	rddreg [dreg:$0x3]  }
0x1f: {  	[tilespmem:s22], [sflag:$0x5] =	stream.indirect.gather [hbm4b:s31+s19], $0x80, s16, s19, $0x2000b8;
	[tilespmem:$0x10200] =	vst v63  }
0x20: {  	p3 =	sne.s32 s11, s17;
	s21 =	simm.s32 @!p0 $0x0;
	_ =	swait.ge [sflag:s8], $0x8000  }
0x21: {  	p5 =	por !p4, !p3;
	p4 =	por $0x0, $0x0;
	[sflag:s8] =	ssyncset.done $0x0  }
0x22: {  	s13 =	simm.s32 $0x0;
	p6 =	por p4, p6;
	[sflag:s8] =	ssyncadd.s32 $0xFFFF8000  }
0x23: {  	s16 =	simm.s32 $0x0;
	s19 =	simm.s32 $0x0;
	_ =	strace $0x9000005F  }
.LBB2_2:
0x24: {  	_ =	strace @p6 $0x80000060;
	s13 =	sadd.s32 s21, s13;
	s21 =	smov.u32 s12  }
0x25: {  	s12 =	smov.u32 s18;
	s18 =	sadd.s32 $0xFFFFFFFF, s18;
	p0 =	por p3, p3  }
0x26: {  	s28 =	sshll.u32 @p6 s23, $0xC;
	s20 =	sadd.s32 @p6 $0x3, s20;
	s24 =	simm.s32 @!p0 $0x0  }
0x27: {  	s25 =	rddreg [dreg:$0x5];
	s28 =	sand.u32 @p6 $0x1FFFF000, s28;
	s24 =	simm.s32 @p0 $0x1  }
0x28: {  	s25 =	sadd.s32 @p6 s25, s28;
	s28 =	simm.s32 @p6 $0x0;
	p0 =	sne.s32 s18, $0x0  }
0x29: {  	[hbm4b:s25+s28] =	stream.linear.scatter @p6 [tilespmem:s22], [sflag:s20], $0x8000, $0x200038;
	[tilespmem:$0x10200] =	vst v63  }
0x2a: {  	s20 =	sadd.s32 @!p1 $0x3, s15;
	s15 =	simm.s32 @!p0 $0x0  }
0x2b: {  	s26 =	simm.s32 $0x1;
	[smem:$0x7FC] =	sst s24;
	s15 =	simm.s32 @p0 $0x1  }
0x2c: {  	s26 =	simm.s32 @!p6 $0x0;
	_ =	strace @p6 $0x90000060;
	[smem:$0x7FD] =	sst s15  }
0x2d: {  	p5 =	por !p5, !p5;
	s19 =	sadd.s32 s26, s19;
	_ =	strace @!p1 $0x80000061  }
0x2e: {  	s24 =	sand.u32 @!p2 $0x1, s13;
	s22 =	sand.u32 @p5 $0x1, s14;
	_ =	swait.ge @!p1 [sflag:s20], $0x8000  }
0x2f: {  	s15 =	smov.u32 s24;
	s24 =	sadd.s32 @p5 s4, s17;
	[sflag:s20] =	ssyncset.done @!p1 $0x0  }
0x30: {  	s25 =	sshll.u32 @p5 s22, $0x8;
	s24 =	sshll.u32 @p5 s24, $0x5;
	[sflag:s20] =	ssyncadd.s32 @!p1 $0xFFFF8000  }
0x31: {  	s20 =	sadd.s32 @p5 $0x1, s22;
	s22 =	sand.u32 @p5 $0x1FFFFFE0, s24;
	_ =	strace @!p1 $0x90000061  }
0x32: {  	s24 =	simm.s32 @p5 $0x0;
	s22 =	sadd.s32 @p5 s3, s22;
	_ =	strace @p5 $0x8000005D  }
0x33: {  	[tilespmem:s25], [sflag:s20] =	stream.linear.gather @p5 [hbm4b:s22+s24], $0x100, $0x200038;
	[tilespmem:$0x10200] =	vst v63  }
0x34: {  	s16 =	sadd.s32 s26, s16;
	s26 =	sand.u32 $0x1, s19;
	_ =	strace @p5 $0x9000005D  }
0x35: {  	s24 =	sadd.s32 $0x1, s26;
	_ =	strace $0x8000005E  }
0x36: {  	_ =	swait.ge [sflag:s24], $0x100  }
0x37: {  	[sflag:s24] =	ssyncset.done $0x0  }
0x38: {  	s20 =	simm.s32 $0x1;
	[sflag:s24] =	ssyncadd.s32 $0xFFFFFF00  }
0x39: {  	s20 =	simm.s32 @!p5 $0x0;
	_ =	strace $0x9000005E  }
0x3a: {  	s14 =	sadd.s32 s20, s14;
	s20 =	sand.u32 $0x1, s16;
	_ =	strace $0x8000005F  }
0x3b: {  	s29 =	sshll.u32 s19, $0x8;
	s25 =	sshll.u32 s20, $0xF;
	s26 =	rddreg [dreg:$0x4]  }
0x3c: {  	s29 =	sand.u32 $0x100, s29;
	s22 =	sor.u32 $0x200, s25;
	s30 =	rddreg [dreg:$0x3]  }
0x3d: {  	[tilespmem:s22], [sflag:$0x5] =	stream.indirect.gather [hbm4b:s30+s26], $0x80, s29, s26, $0x2000b8;
	[tilespmem:$0x10200] =	vst v63  }
0x3e: {  	_ =	swait.ge [sflag:s8], $0x8000  }
0x3f: {  	s31 =	sadd.s32 $0x1, s17;
	[sflag:s8] =	ssyncset.done $0x0  }
0x40: {  	s23 =	sadd.s32 s4, s11;
	s11 =	smov.u32 s17;
	[sflag:s8] =	ssyncadd.s32 $0xFFFF8000  }
0x41: {  	p3 =	seq.s32 s31, $0xA;
	s17 =	smov.u32 s31;
	_ =	strace $0x9000005F  }
0x42: {  	s17 =	simm.s32 @p3 $0x0;
	s31 =	sld [smem:$0x7FD]  }
0x43: {  	p6 =	sne.s32 s12, $0x1;
	p0 =	sne.s32 s21, $0xA;
	p3 =	sne.s32 s11, s17  }
0x44: {  	p5 =	por !p6, !p3;
	p6 =	seq.s32 s21, $0x1;
	s21 =	simm.s32 $0x1  }
0x45: {  	s21 =	simm.s32 @!p0 $0x0;
	p0 =	seq.s32 s31, $0x1  }
.Ltmp0:
0x46: {  	s30 =	sld [smem:$0x7FC];
	(pc) =	sbr.rel @p0 .LBB2_2-.Ltmp0, $4  }
0x47: {  	_ = 	snop  }
0x48: {  	p4 =	seq.s32 s12, $0xA  }
0x49: {  	p1 =	por p2, p2;
	p2 =	por p4, p4;
	p4 =	seq.s32 s30, $0x1  }
0x4a: {  	p6 =	por p6, p4  }
0x4b: {  	_ =	strace @p6 $0x80000060;
	s23 =	sshll.u32 @p6 s23, $0xC  }
0x4c: {  	s18 =	rddreg [dreg:$0x5];
	s23 =	sand.u32 @p6 $0x1FFFF000, s23  }
0x4d: {  	s20 =	sadd.s32 @p6 $0x3, s20;
	s18 =	sadd.s32 @p6 s18, s23;
	s23 =	simm.s32 @p6 $0x0  }
0x4e: {  	[hbm4b:s18+s23] =	stream.linear.scatter @p6 [tilespmem:s22], [sflag:s20], $0x8000, $0x200038;
	[tilespmem:$0x10200] =	vst v63  }
0x4f: {  	p0 =	por !p5, !p5;
	_ =	strace @p6 $0x90000060  }
0x50: {  	s15 =	sadd.s32 @!p1 $0x3, s15;
	s17 =	sadd.s32 @p0 s4, s17;
	_ =	strace @!p1 $0x80000061  }
0x51: {  	s14 =	sand.u32 @p0 $0x1, s14;
	s17 =	sshll.u32 @p0 s17, $0x5;
	_ =	swait.ge @!p1 [sflag:s15], $0x8000  }
0x52: {  	s18 =	simm.s32 $0x1;
	s20 =	sshll.u32 @p0 s14, $0x8;
	[sflag:s15] =	ssyncset.done @!p1 $0x0  }
0x53: {  	s14 =	sadd.s32 @p0 $0x1, s14;
	s18 =	simm.s32 @!p6 $0x0;
	[sflag:s15] =	ssyncadd.s32 @!p1 $0xFFFF8000  }
0x54: {  	s19 =	sadd.s32 s18, s19;
	s15 =	sand.u32 @p0 $0x1FFFFFE0, s17;
	_ =	strace @!p1 $0x90000061  }
0x55: {  	s17 =	simm.s32 @p0 $0x0;
	s15 =	sadd.s32 @p0 s3, s15;
	_ =	strace @p0 $0x8000005D  }
0x56: {  	[tilespmem:s20], [sflag:s14] =	stream.linear.gather @p0 [hbm4b:s15+s17], $0x100, $0x200038;
	[tilespmem:$0x10200] =	vst v63  }
0x57: {  	s25 =	sand.u32 $0x1, s19;
	_ =	strace @p0 $0x9000005D  }
0x58: {  	s14 =	sadd.s32 $0x1, s25;
	_ =	strace $0x8000005E  }
0x59: {  	_ =	swait.ge [sflag:s14], $0x100  }
0x5a: {  	[sflag:s14] =	ssyncset.done $0x0  }
0x5b: {  	[sflag:s14] =	ssyncadd.s32 $0xFFFFFF00  }
0x5c: {  	s26 =	sadd.s32 s18, s16;
	_ =	strace $0x9000005E  }
0x5d: {  	s14 =	sand.u32 $0x1, s26;
	_ =	strace $0x8000005F  }
0x5e: {  	s30 =	sshll.u32 s19, $0x8;
	s31 =	sshll.u32 s14, $0xF;
	s28 =	rddreg [dreg:$0x4]  }
0x5f: {  	s17 =	sand.u32 $0x100, s30;
	s18 =	sor.u32 $0x200, s31;
	s29 =	rddreg [dreg:$0x3]  }
0x60: {  	[tilespmem:s18], [sflag:$0x5] =	stream.indirect.gather [hbm4b:s29+s28], $0x80, s17, s28, $0x2000b8;
	[tilespmem:$0x10200] =	vst v63  }
0x61: {  	_ =	swait.ge [sflag:s8], $0x8000  }
0x62: {  	[sflag:s8] =	ssyncset.done $0x0  }
0x63: {  	p5 =	por p3, p3;
	p6 =	seq.s32 s12, $0x1;
	[sflag:s8] =	ssyncadd.s32 $0xFFFF8000  }
0x64: {  	s11 =	sadd.s32 s4, s11;
	p0 =	por p6, p5;
	_ =	strace $0x9000005F  }
0x65: {  	s11 =	sshll.u32 @p0 s11, $0xC;
	_ =	strace @p0 $0x80000060  }
0x66: {  	s13 =	sadd.s32 s21, s13;
	s11 =	sand.u32 @p0 $0x1FFFF000, s11;
	s12 =	rddreg [dreg:$0x5]  }
0x67: {  	s14 =	sadd.s32 @p0 $0x3, s14;
	s11 =	sadd.s32 @p0 s12, s11;
	s12 =	simm.s32 @p0 $0x0  }
0x68: {  	[hbm4b:s11+s12] =	stream.linear.scatter @p0 [tilespmem:s18], [sflag:s14], $0x8000, $0x200038;
	[tilespmem:$0x10200] =	vst v63  }
0x69: {  	p1 =	por p2, p2;
	s11 =	sand.u32 @!p2 $0x1, s13;
	_ =	strace @p0 $0x90000060  }
0x6a: {  	s11 =	sadd.s32 @!p1 $0x3, s11;
	_ =	strace @!p1 $0x80000061  }
0x6b: {  	_ =	swait.ge @!p1 [sflag:s11], $0x8000  }
0x6c: {  	[sflag:s11] =	ssyncset.done @!p1 $0x0  }
0x6d: {  	s10 =	sadd.s32 $0x1, s10;
	[sflag:s11] =	ssyncadd.s32 @!p1 $0xFFFF8000  }
0x6e: {  	p0 =	sne.s32 s10, s6;
	_ =	strace @!p1 $0x90000061  }
.Ltmp1:
0x6f: {  	_ =	strace $0x80000062;
	(pc) =	sbr.rel @p0 .LBB2_1-.Ltmp1, $4  }
0x70: {  	_ =	swait.ge [sflag:s9], $0x8000  }
0x71: {  	[sflag:s9] =	ssyncset.done $0x0  }
0x72: {  	[sflag:s9] =	ssyncadd.s32 $0xFFFF8000  }
0x73: {  	_ =	strace $0x90000062  }
0x74: {  	_ =	sfence.sel $0x180000  }
0x75: {  	[bflag:$0x0] =	sbarrier.arrive $0xFFFF  }
0x76: {  	p0 =	sne.s32 s1, $0x0;
	_ =	strace $0x9000005B  }
0x77: {  	s0 =	sadd.s32 @!p0 $0x100000, s0;
	[bflag:$0x2] =	sbarrier.arrive $0xFFFF  }
0x78: {  	[sflag:s0] =	ssyncadd.tile.s32 @!p0 $0x1;
	_ =	shalt  }
.Lfunc_end2:
_tile_overlayer_lowered:
.L_overlay_start_2:
0x79: {  	(tag) =	ssettag $0x2  }
0x7a: {  	s0 =	rddreg [dreg:$0x0];
	s2 =	stileid.u32  }
0x7b: {  	s1 =	rddreg [dreg:$0x1];
	p0 =	sne.s32 s2, $0x0  }
0x7c: {  	s3 =	rddreg [dreg:$0x2];
	[bflag:$0x3] =	sbarrier.arrive $0xFFFF;
	s2 =	simm.s32 @!p0 $0x1C01  }
0x7d: {  	[timem:s3], [sflag:s2] =	dma.local @!p0 [hbm:s0], s1  }
0x7e: {  	s0 =	simm.s32 @!p0 $0x1  }
0x7f: {  	_ =	swait.ge @!p0 [sflag:s0], s1  }
0x80: {  	s1 =	ssub.s32 @!p0 $0x0, s1;
	[sflag:s0] =	ssyncset.done @!p0 $0x0  }
0x81: {  	[sflag:s0] =	ssyncadd.s32 @!p0 s1  }
0x82: {  	[bflag:$0x3] =	sbarrier.arrive $0xFFFF  }
0x83: {  	_ =	shalt  }

// kernel: kernel.25.cloned.1.call-start
scs
__scs_entry_jumppad:
0x0: {  	(pc) =	sbr.rel $0x88, $3  }
0x1: {  	(tag) =	ssettag $0x0;
	lr =	simm.s32 $0x1  }
0x2: {  	[smem:$0x3F9A] =	sst lr;
	_ =	strace $0xD0000000  }
0x3: {  	_ = 	snop  }
0x4: {  	_ = 	snop  }
0x5: {  	_ = 	snop  }
0x6: {  	_ = 	snop  }
0x7: {  	_ = 	snop  }
__scs_overlays_trampoline_lowered:
0x8: {  	[smem:$0x3FA9] =	sst s0  }
0x9: {  	[smem:$0x3FAA] =	sst s1  }
0xa: {  	[smem:$0x3FAB] =	sst s2  }
0xb: {  	[smem:$0x3FAC] =	sst s3  }
0xc: {  	[smem:$0x3FAD] =	sst s4  }
0xd: {  	[smem:$0x3FAE] =	sst s5  }
0xe: {  	[smem:$0x3FAF] =	sst s6  }
0xf: {  	[smem:$0x3FB0] =	sst s7  }
0x10: {  	[smem:$0x3FB1] =	sst s8  }
0x11: {  	[smem:$0x3FB2] =	sst s9;
	s0 =	simm.s32 @!p0 $0x0  }
0x12: {  	s1 =	sld [smem:$0x3F98];
	s0 =	simm.s32 @p0 $0x1  }
0x13: {  	[smem:$0x3FB3] =	sst s0;
	s0 =	simm.s32 @!p1 $0x0  }
0x14: {  	s2 =	sld [smem:$0x3F97];
	s0 =	simm.s32 @p1 $0x1  }
0x15: {  	[smem:$0x3FB4] =	sst s0;
	s0 =	simm.s32 @!p2 $0x0  }
0x16: {  	s3 =	sld [smem:$0x3FDB];
	s0 =	simm.s32 @p2 $0x1  }
0x17: {  	s4 =	simm.s32 $0x1BF5;
	[smem:$0x3FB6] =	sst s0  }
0x18: {  	s0 =	sld [smem:$0x3F99];
	_ =	swait.ge [sflag:s4], $0x0  }
0x19: {  	s7 =	sld [smem:$0x3F9A]  }
0x1a: {  	s8 =	sadd.s32 $0xFFFFE003, lr  }
0x1b: {  	s9 =	sadd.s32 $0xFFFFFEF7, lr;
	s5 =	simm.s32 $0xFFFFFFFF;
	p2 =	slt.u32 s8, $0xFFFFF086  }
0x1c: {  	p1 =	slt.u32 s9, $0xF7A;
	s5 =	simm.s32 @!p2 $0x0  }
0x1d: {  	s5 =	simm.s32 @p1 $0x1;
	p0 =	seq.s32 s7, s2  }
0x1e: {  	s7 =	smul.u32 @!p0 $0xF7A, s2;
	p2 =	seq.s32 @!p0 s5, $0x0  }
0x1f: {  	s9 =	smul.u32 $0xF7A, s1;
	s8 =	simm.s32 @!p0 $0x1BF5;
	p2 =	por !p2, p0  }
0x20: {  	[sflag:s8] =	ssyncset.s32 @!p0 $0xFFFFF086;
	s6 =	sadd.s32 @!p0 s3, s7;
	s7 =	simm.s32 @!p0 $0x108  }
0x21: {  	s3 =	sadd.s32 s3, s9;
	s6 =	sadd.s32 @!p0 $0x88, s6;
	s7 =	simm.s32 @p2 $0x1082  }
0x22: {  	[simem:s7], [sflag:s8] =	dma.local @!p0 [hbm:s6], $0xF7A  }
0x23: {  	s9 =	sor.u32 $0xD0000000, s2;
	s6 =	simm.s32 $0x108;
	_ =	swait.ge @!p0 [sflag:s8], $0x0  }
0x24: {  	s3 =	sadd.s32 $0x88, s3;
	s6 =	simm.s32 @!p1 $0x1082;
	[sflag:s4] =	ssyncset.s32 $0xFFFFF086  }
0x25: {  	[simem:s6], [sflag:s4] =	dma.local [hbm:s3], $0xF7A  }
0x26: {  	[smem:$0x3F9A] =	sst s1;
	(tag) =	ssettag s2;
	_ =	strace s9  }
0x27: {  	s1 =	sld [smem:$0x3FAA]  }
0x28: {  	s2 =	sld [smem:$0x3FAB]  }
0x29: {  	s4 =	sld [smem:$0x3FAD]  }
0x2a: {  	p0 =	seq.s32 s5, $0x0;
	s5 =	sld [smem:$0x3FAE]  }
0x2b: {  	s6 =	sld [smem:$0x3FAF]  }
0x2c: {  	s7 =	sld [smem:$0x3FB0]  }
0x2d: {  	s3 =	simm.s32 $0x108;
	s8 =	sld [smem:$0x3FB1]  }
0x2e: {  	s3 =	simm.s32 @!p0 $0x1082;
	s9 =	sld [smem:$0x3FB2]  }
0x2f: {  	lr =	sadd.s32 s0, s3;
	s0 =	sld [smem:$0x3FA9]  }
0x30: {  	s3 =	sld [smem:$0x3FAC]  }
0x31: {  	[smem:$0x3FB5] =	sst s10  }
0x32: {  	s10 =	sld [smem:$0x3FB3];
	_ =	sdelay $0x3  }
0x33: {  	p0 =	seq.s32 s10, $0x1;
	s10 =	sld [smem:$0x3FB5];
	_ =	sdelay $0x3  }
0x34: {  	[smem:$0x3FB5] =	sst s10  }
0x35: {  	s10 =	sld [smem:$0x3FB4];
	_ =	sdelay $0x3  }
0x36: {  	p1 =	seq.s32 s10, $0x1;
	s10 =	sld [smem:$0x3FB5];
	_ =	sdelay $0x3  }
0x37: {  	[smem:$0x3FB5] =	sst s10  }
0x38: {  	s10 =	sld [smem:$0x3FB6]  }
0x39: {  	_ = 	snop;
	(pc) =	sbr.ind lr, $3  }
0x3a: {  	_ = 	snop  }
0x3b: {  	_ = 	snop  }
0x3c: {  	p2 =	seq.s32 s10, $0x1;
	s10 =	sld [smem:$0x3FB5]  }
0x3d: {  	_ =	shalt  }
0x3e: {  	_ =	shalt  }
0x3f: {  	_ =	shalt  }
0x40: {  	_ =	shalt  }
0x41: {  	_ =	shalt  }
0x42: {  	_ =	shalt  }
0x43: {  	_ =	shalt  }
0x44: {  	_ =	shalt  }
0x45: {  	_ =	shalt  }
0x46: {  	_ =	shalt  }
0x47: {  	_ =	shalt  }
0x48: {  	_ =	shalt  }
0x49: {  	_ =	shalt  }
0x4a: {  	_ =	shalt  }
0x4b: {  	_ =	shalt  }
0x4c: {  	_ =	shalt  }
0x4d: {  	_ =	shalt  }
0x4e: {  	_ =	shalt  }
0x4f: {  	_ =	shalt  }
0x50: {  	_ =	shalt  }
0x51: {  	_ =	shalt  }
0x52: {  	_ =	shalt  }
0x53: {  	_ =	shalt  }
0x54: {  	_ =	shalt  }
0x55: {  	_ =	shalt  }
0x56: {  	_ =	shalt  }
0x57: {  	_ =	shalt  }
0x58: {  	_ =	shalt  }
0x59: {  	_ =	shalt  }
0x5a: {  	_ =	shalt  }
0x5b: {  	_ =	shalt  }
0x5c: {  	_ =	shalt  }
0x5d: {  	_ =	shalt  }
0x5e: {  	_ =	shalt  }
0x5f: {  	_ =	shalt  }
0x60: {  	_ =	shalt  }
0x61: {  	_ =	shalt  }
0x62: {  	_ =	shalt  }
0x63: {  	_ =	shalt  }
0x64: {  	_ =	shalt  }
0x65: {  	_ =	shalt  }
0x66: {  	_ =	shalt  }
0x67: {  	_ =	shalt  }
0x68: {  	_ =	shalt  }
0x69: {  	_ =	shalt  }
0x6a: {  	_ =	shalt  }
0x6b: {  	_ =	shalt  }
0x6c: {  	_ =	shalt  }
0x6d: {  	_ =	shalt  }
0x6e: {  	_ =	shalt  }
0x6f: {  	_ =	shalt  }
0x70: {  	_ =	shalt  }
0x71: {  	_ =	shalt  }
0x72: {  	_ =	shalt  }
0x73: {  	_ =	shalt  }
0x74: {  	_ =	shalt  }
0x75: {  	_ =	shalt  }
0x76: {  	_ =	shalt  }
0x77: {  	_ =	shalt  }
0x78: {  	_ =	shalt  }
0x79: {  	_ =	shalt  }
0x7a: {  	_ =	shalt  }
0x7b: {  	_ =	shalt  }
0x7c: {  	_ =	shalt  }
0x7d: {  	_ =	shalt  }
0x7e: {  	_ =	shalt  }
0x7f: {  	_ =	shalt  }
0x80: {  	_ =	shalt  }
0x81: {  	_ =	shalt  }
0x82: {  	_ =	shalt  }
0x83: {  	_ =	shalt  }
0x84: {  	_ =	shalt  }
0x85: {  	_ =	shalt  }
0x86: {  	_ =	shalt  }
0x87: {  	_ =	shalt  }
.Lfunc_end0:
.L_simem_size_0:
called_computation.3_lowered:
.L_overlay_start_0:
0x88: {  	s2 =	sld [smem:$0x3FD9]  }
0x89: {  	s3 =	sld [smem:$0x3FFE];
	_ =	sdelay $0x1  }
0x8a: {  	s1 =	srdreg.scid  }
0x8b: {  	s0 =	sand.u32 $0x1, s1  }
0x8c: {  	s17 =	sshll.u32 s0, $0xA;
	s2 =	sadd.s32 s3, s2  }
0x8d: {  	s2 =	sadd.s32 s2, s17  }
0x8e: {  	[smem:$0x3FC1] =	sst s2  }
0x8f: {  	_ = 	snop  }
0x90: {  	s18 =	sld [smem:$0x3FD0];
	(tm) =	ssettm $0x1  }
0x91: {  	s19 =	sld [smem:$0x3FFB];
	_ =	sdelay $0x3  }
0x92: {  	_ =	strace s19  }
0x93: {  	s2 =	sld [smem:$0x3FFC];
	_ =	sdelay $0x3  }
0x94: {  	_ =	strace s2  }
0x95: {  	s2 =	sld [smem:$0x3FFD];
	_ =	sdelay $0x3  }
0x96: {  	_ =	strace s2  }
0x97: {  	_ =	strace $0x8FFFFFFF  }
0x98: {  	s20 =	sld [smem:$0x3FDB];
	_ =	sdelay $0x1  }
0x99: {  	s4 =	simm.s32 $_scs_section_size  }
0x9a: {  	s5 =	simm.s32 $_size__tile_overlayer_lowered;
	s6 =	simm.s32 $_tile_overlayer_lowered  }
0x9b: {  	s7 =	simm.s32 $0x1BFF;
	s21 =	sshll.u32 s6, $0x1;
	s4 =	sadd.s32 s4, s20  }
0x9c: {  	s22 =	simm.s32 $0x0;
	s5 =	sshll.u32 s5, $0x1;
	s6 =	sadd.s32 s21, s4  }
0x9d: {  	[timem:s22], [sflag:s7] =	dma.local [hbm:s6], s5  }
0x9e: {  	_ =	swait.ge [sflag:s7], s5  }
0x9f: {  	s5 =	ssub.s32 $0x0, s5;
	[sflag:s7] =	ssyncset.done $0x0  }
0xa0: {  	[sflag:s7] =	ssyncadd.s32 s5;
	_ =	sdelay $0x1  }
0xa1: {  	s23 =	simm.s32 $0x1B8B  }
0xa2: {  	_ =	swait.ge [sflag:s23], $0x1  }
0xa3: {  	[sflag:s23] =	ssyncset.done $0x0  }
0xa4: {  	[sflag:s23] =	ssyncadd.s32 $0xFFFFFFFF  }
0xa5: {  	s5 =	sld [smem:$0x0]  }
0xa6: {  	s6 =	sand.u32 $0xFFFFFFFE, s1  }
0xa7: {  	p0 =	sne.s32 s1, s6  }
0xa8: {  	s6 =	sshll.u32 @p0 s6, $0xE  }
0xa9: {  	s6 =	sadd.s32 @p0 $0x11B8D, s6;
	s7 =	sshll.u32 @p0 s5, $0x11  }
0xaa: {  	s6 =	sor.u32 @p0 s7, s6  }
0xab: {  	[sflag:s6] =	ssyncadd.remote.s32 @p0 $0x1;
	_ =	sdelay $0x1  }
0xac: {  	s6 =	simm.s32 @p0 $0x1B8D  }
0xad: {  	_ =	swait.eq @p0 [sflag:s6], $0x1  }
0xae: {  	[sflag:s6] =	ssyncadd.s32 @p0 $0xFFFFFFFF  }
0xaf: {  	s7 =	sshll.u32 @!p0 s1, $0xE  }
0xb0: {  	s7 =	sor.u32 @!p0 $0x4000, s7;
	s6 =	simm.s32 @!p0 $0x1B8D  }
0xb1: {  	s5 =	sshll.u32 @!p0 s5, $0x11;
	s7 =	sadd.s32 @!p0 $0x11B8D, s7;
	_ =	swait.eq @!p0 [sflag:s6], $0x1  }
0xb2: {  	s5 =	sor.u32 @!p0 s5, s7;
	[sflag:s6] =	ssyncadd.s32 @!p0 $0xFFFFFFFF  }
0xb3: {  	s25 =	simm.s32 $0x1B8E;
	s24 =	sld [smem:$0x3FFE];
	[sflag:s5] =	ssyncadd.remote.s32 @!p0 $0x1  }
0xb4: {  	s26 =	simm.s32 $execute0_lowered;
	[smem:$0x3FD2] =	sst s25  }
0xb5: {  	s6 =	sshll.u32 s26, $0x1;
	_ =	strace $0x80000064;
	[dreg:$0x1] =	wrdreg $0xFFFFFFFF  }
0xb6: {  	s28 =	simm.s32 $_size_execute0_lowered;
	s4 =	sadd.s32 s4, s6;
	[dreg:$0x0] =	wrdreg $0x0  }
0xb7: {  	s6 =	sshll.u32 s28, $0x1;
	[dreg:$0x2] =	wrdreg s4  }
0xb8: {  	[dreg:$0x3] =	wrdreg s6  }
0xb9: {  	[dreg:$0x4] =	wrdreg $0xC0  }
0xba: {  	_ =	task [dreg:s22], $0x5FFFF  }
0xbb: {  	[dreg:$0x1] =	wrdreg $0xFFFFFFFF  }
0xbc: {  	[dreg:$0x0] =	wrdreg $0x60  }
0xbd: {  	[dreg:$0x2] =	wrdreg s18  }
0xbe: {  	[dreg:$0x3] =	wrdreg s24  }
0xbf: {  	[dreg:$0x4] =	wrdreg $0xA  }
0xc0: {  	_ =	task.clear_ibuf [dreg:s22], $0x5FFFF;
	_ =	strace $0x90000064  }
0xc1: {  	s29 =	simm.s32 $0xA;
	_ =	strace $0x8000006D  }
0xc2: {  	_ =	swait.ge [sflag:s29], $0x1  }
0xc3: {  	[sflag:s29] =	ssyncadd.s32 $0xFFFFFFFF  }
0xc4: {  	_ =	strace $0x9000006D  }
0xc5: {  	_ =	sfence  }
0xc6: {  	s30 =	sld [smem:$0x0];
	_ =	sdelay $0x2  }
0xc7: {  	s31 =	sshll.u32 s1, $0xD;
	s1 =	sshrl.u32 s1, $0x2  }
0xc8: {  	s4 =	sand.u32 $0x4000, s31;
	s1 =	sadd.s32 s1, s30  }
0xc9: {  	s0 =	sor.u32 s4, s0;
	s1 =	sshll.u32 s1, $0x11  }
0xca: {  	s0 =	sor.u32 s1, s0  }
0xcb: {  	s0 =	sadd.s32 $0x8F2B, s0  }
0xcc: {  	[sflag:s0] =	ssyncadd.remote.s32 $0x1  }
0xcd: {  	_ =	sfence.sel $0xFFFF  }
0xce: {  	[dreg:$0x0] =	wrdreg $0xFFFFFFFF;
	(pc) =	sbr.abs _section_cstart, $3  }
0xcf: {  	[dreg:$0x1] =	wrdreg $0xFFFFFFFF  }
0xd0: {  	_ =	task.clear_ibuf [dreg:s22], $0x2FFFF;
	_ =	strace $0x9FFFFFFF  }
0xd1: {  	(tm) =	ssettm $0x7FFFFFFF  }
tec
execute0_lowered:
.L_overlay_start_1:
0x0: {  	(tag) =	ssettag $0x1  }
0x1: {  	s0 =	rddreg [dreg:$0x0]  }
0x2: {  	s3 =	rddreg [dreg:$0x1];
	s1 =	srdreg.scid;
	s2 =	simm.s32 $0x0  }
0x3: {  	s31 =	simm.s32 $0x100;
	s9 =	simm.s32 $0x4;
	[dreg:$0x3] =	wrdreg s0  }
0x4: {  	s10 =	simm.s32 $0x0;
	s0 =	rddreg [dreg:$0x2];
	s4 =	sand.u32 $0x1, s1  }
0x5: {  	[smem:$0x7FF] =	sst s2;
	s1 =	stileid.u32;
	s6 =	sadd.s32 $0x147E00, s3  }
0x6: {  	s3 =	sadd.s32 $0x145600, s3;
	s5 =	sshll.u32 s4, $0x4;
	_ =	strace $0x80000065  }
0x7: {  	s4 =	ssub.s32 $0x2, s4;
	[dreg:$0x5] =	wrdreg s6;
	s5 =	sor.u32 s1, s5  }
0x8: {  	[dreg:$0x4] =	wrdreg s31;
	s7 =	sshrl.u32 s4, $0x1;
	s8 =	smul.u32 $0x140, s5  }
0x9: {  	s30 =	ssub.s32 s4, s7;
	s4 =	smul.u32 $0xA, s5;
	s7 =	simm.s32 $0x1  }
0xa: {  	s6 =	smax.u32 s30, $0x1;
	s5 =	sadd.s32 s3, s8;
	s8 =	simm.s32 $0x5  }
.LBB2_1:
0xb: {  	_ =	strace $0x80000066;
	s11 =	simm.s32 $0x1;
	p0 =	por $0x0, $0x0  }
0xc: {  	[tilespmem:s2], [sflag:$0x1] =	stream.linear.gather [hbm4b:s5+s2], $0x100, $0x200038;
	[tilespmem:$0x10200] =	vst v63  }
0xd: {  	s11 =	simm.s32 @p0 $0x0  }
0xe: {  	p4 =	por $0x1, $0x1;
	s20 =	sand.u32 $0x1, s2;
	p1 =	sne.s32 s11, $0x0  }
0xf: {  	p2 =	por $0x1, $0x1;
	s18 =	simm.s32 $0x8;
	p0 =	por !p4, !p1  }
0x10: {  	s16 =	simm.s32 $0x0;
	p5 =	por $0x0, $0x0;
	p0 =	por !p0, !p0  }
0x11: {  	s23 =	sadd.s32 $0x0, s4;
	s30 =	sadd.s32 $0x1, s20;
	s12 =	sadd.s32 @p0 s4, s11  }
0x12: {  	_ =	strace $0x90000066;
	s13 =	sand.u32 @p0 $0x1, s7;
	s12 =	sshll.u32 @p0 s12, $0x5  }
0x13: {  	_ =	strace @p0 $0x80000067;
	s15 =	simm.s32 @p0 $0x0;
	s12 =	sand.u32 @p0 $0x1FFFFFE0, s12  }
0x14: {  	s14 =	sshll.u32 @p0 s13, $0x8;
	s13 =	sadd.s32 @p0 $0x1, s13;
	s12 =	sadd.s32 @p0 s3, s12  }
0x15: {  	[tilespmem:s14], [sflag:s13] =	stream.linear.gather @p0 [hbm4b:s12+s15], $0x100, $0x200038;
	[tilespmem:$0x10200] =	vst v63  }
0x16: {  	p3 =	por p2, p2;
	s21 =	sshll.u32 s20, $0xF;
	_ =	strace @p0 $0x90000067  }
0x17: {  	s16 =	sand.u32 $0x100, s16;
	p2 =	por p5, p5;
	_ =	strace $0x80000068  }
0x18: {  	s17 =	sadd.s32 $0x1, s11;
	s22 =	sor.u32 $0x200, s21;
	_ =	swait.ge [sflag:s30], $0x100  }
0x19: {  	s21 =	simm.s32 $0x1;
	p6 =	por p1, p1;
	[sflag:s30] =	ssyncset.done $0x0  }
0x1a: {  	p1 =	por p3, p3;
	p4 =	por $0x1, $0x1;
	[sflag:s30] =	ssyncadd.s32 $0xFFFFFF00  }
0x1b: {  	s12 =	simm.s32 $0x9;
	s15 =	sand.u32 @!p3 $0x1, s2;
	_ =	strace $0x90000068  }
0x1c: {  	s13 =	simm.s32 $0x1;
	p3 =	seq.s32 s17, $0xA;
	_ =	strace $0x80000069  }
0x1d: {  	s13 =	simm.s32 @!p0 $0x0;
	s17 =	simm.s32 @p3 $0x0;
	s19 =	rddreg [dreg:$0x4]  }
0x1e: {  	p0 =	por $0x0, $0x0;
	s14 =	sadd.s32 $0x1, s13;
	s31 =	rddreg [dreg:$0x3]  }
0x1f: {  	[tilespmem:s22], [sflag:$0x5] =	stream.indirect.gather [hbm4b:s31+s19], $0x80, s16, s19, $0x2000b8;
	[tilespmem:$0x10200] =	vst v63  }
0x20: {  	p3 =	sne.s32 s11, s17;
	s21 =	simm.s32 @!p0 $0x0;
	_ =	swait.ge [sflag:s8], $0x8000  }
0x21: {  	p5 =	por !p4, !p3;
	p4 =	por $0x0, $0x0;
	[sflag:s8] =	ssyncset.done $0x0  }
0x22: {  	s13 =	simm.s32 $0x0;
	p6 =	por p4, p6;
	[sflag:s8] =	ssyncadd.s32 $0xFFFF8000  }
0x23: {  	s16 =	simm.s32 $0x0;
	s19 =	simm.s32 $0x0;
	_ =	strace $0x90000069  }
.LBB2_2:
0x24: {  	_ =	strace @p6 $0x8000006A;
	s13 =	sadd.s32 s21, s13;
	s21 =	smov.u32 s12  }
0x25: {  	s12 =	smov.u32 s18;
	s18 =	sadd.s32 $0xFFFFFFFF, s18;
	p0 =	por p3, p3  }
0x26: {  	s28 =	sshll.u32 @p6 s23, $0xC;
	s20 =	sadd.s32 @p6 $0x3, s20;
	s24 =	simm.s32 @!p0 $0x0  }
0x27: {  	s25 =	rddreg [dreg:$0x5];
	s28 =	sand.u32 @p6 $0x1FFFF000, s28;
	s24 =	simm.s32 @p0 $0x1  }
0x28: {  	s25 =	sadd.s32 @p6 s25, s28;
	s28 =	simm.s32 @p6 $0x0;
	p0 =	sne.s32 s18, $0x0  }
0x29: {  	[hbm4b:s25+s28] =	stream.linear.scatter @p6 [tilespmem:s22], [sflag:s20], $0x8000, $0x200038;
	[tilespmem:$0x10200] =	vst v63  }
0x2a: {  	s20 =	sadd.s32 @!p1 $0x3, s15;
	s15 =	simm.s32 @!p0 $0x0  }
0x2b: {  	s26 =	simm.s32 $0x1;
	[smem:$0x7FC] =	sst s24;
	s15 =	simm.s32 @p0 $0x1  }
0x2c: {  	s26 =	simm.s32 @!p6 $0x0;
	_ =	strace @p6 $0x9000006A;
	[smem:$0x7FD] =	sst s15  }
0x2d: {  	p5 =	por !p5, !p5;
	s19 =	sadd.s32 s26, s19;
	_ =	strace @!p1 $0x8000006B  }
0x2e: {  	s24 =	sand.u32 @!p2 $0x1, s13;
	s22 =	sand.u32 @p5 $0x1, s14;
	_ =	swait.ge @!p1 [sflag:s20], $0x8000  }
0x2f: {  	s15 =	smov.u32 s24;
	s24 =	sadd.s32 @p5 s4, s17;
	[sflag:s20] =	ssyncset.done @!p1 $0x0  }
0x30: {  	s25 =	sshll.u32 @p5 s22, $0x8;
	s24 =	sshll.u32 @p5 s24, $0x5;
	[sflag:s20] =	ssyncadd.s32 @!p1 $0xFFFF8000  }
0x31: {  	s20 =	sadd.s32 @p5 $0x1, s22;
	s22 =	sand.u32 @p5 $0x1FFFFFE0, s24;
	_ =	strace @!p1 $0x9000006B  }
0x32: {  	s24 =	simm.s32 @p5 $0x0;
	s22 =	sadd.s32 @p5 s3, s22;
	_ =	strace @p5 $0x80000067  }
0x33: {  	[tilespmem:s25], [sflag:s20] =	stream.linear.gather @p5 [hbm4b:s22+s24], $0x100, $0x200038;
	[tilespmem:$0x10200] =	vst v63  }
0x34: {  	s16 =	sadd.s32 s26, s16;
	s26 =	sand.u32 $0x1, s19;
	_ =	strace @p5 $0x90000067  }
0x35: {  	s24 =	sadd.s32 $0x1, s26;
	_ =	strace $0x80000068  }
0x36: {  	_ =	swait.ge [sflag:s24], $0x100  }
0x37: {  	[sflag:s24] =	ssyncset.done $0x0  }
0x38: {  	s20 =	simm.s32 $0x1;
	[sflag:s24] =	ssyncadd.s32 $0xFFFFFF00  }
0x39: {  	s20 =	simm.s32 @!p5 $0x0;
	_ =	strace $0x90000068  }
0x3a: {  	s14 =	sadd.s32 s20, s14;
	s20 =	sand.u32 $0x1, s16;
	_ =	strace $0x80000069  }
0x3b: {  	s29 =	sshll.u32 s19, $0x8;
	s25 =	sshll.u32 s20, $0xF;
	s26 =	rddreg [dreg:$0x4]  }
0x3c: {  	s29 =	sand.u32 $0x100, s29;
	s22 =	sor.u32 $0x200, s25;
	s30 =	rddreg [dreg:$0x3]  }
0x3d: {  	[tilespmem:s22], [sflag:$0x5] =	stream.indirect.gather [hbm4b:s30+s26], $0x80, s29, s26, $0x2000b8;
	[tilespmem:$0x10200] =	vst v63  }
0x3e: {  	_ =	swait.ge [sflag:s8], $0x8000  }
0x3f: {  	s31 =	sadd.s32 $0x1, s17;
	[sflag:s8] =	ssyncset.done $0x0  }
0x40: {  	s23 =	sadd.s32 s4, s11;
	s11 =	smov.u32 s17;
	[sflag:s8] =	ssyncadd.s32 $0xFFFF8000  }
0x41: {  	p3 =	seq.s32 s31, $0xA;
	s17 =	smov.u32 s31;
	_ =	strace $0x90000069  }
0x42: {  	s17 =	simm.s32 @p3 $0x0;
	s31 =	sld [smem:$0x7FD]  }
0x43: {  	p6 =	sne.s32 s12, $0x1;
	p0 =	sne.s32 s21, $0xA;
	p3 =	sne.s32 s11, s17  }
0x44: {  	p5 =	por !p6, !p3;
	p6 =	seq.s32 s21, $0x1;
	s21 =	simm.s32 $0x1  }
0x45: {  	s21 =	simm.s32 @!p0 $0x0;
	p0 =	seq.s32 s31, $0x1  }
.Ltmp0:
0x46: {  	s30 =	sld [smem:$0x7FC];
	(pc) =	sbr.rel @p0 .LBB2_2-.Ltmp0, $4  }
0x47: {  	_ = 	snop  }
0x48: {  	p4 =	seq.s32 s12, $0xA  }
0x49: {  	p1 =	por p2, p2;
	p2 =	por p4, p4;
	p4 =	seq.s32 s30, $0x1  }
0x4a: {  	p6 =	por p6, p4  }
0x4b: {  	_ =	strace @p6 $0x8000006A;
	s23 =	sshll.u32 @p6 s23, $0xC  }
0x4c: {  	s18 =	rddreg [dreg:$0x5];
	s23 =	sand.u32 @p6 $0x1FFFF000, s23  }
0x4d: {  	s20 =	sadd.s32 @p6 $0x3, s20;
	s18 =	sadd.s32 @p6 s18, s23;
	s23 =	simm.s32 @p6 $0x0  }
0x4e: {  	[hbm4b:s18+s23] =	stream.linear.scatter @p6 [tilespmem:s22], [sflag:s20], $0x8000, $0x200038;
	[tilespmem:$0x10200] =	vst v63  }
0x4f: {  	p0 =	por !p5, !p5;
	_ =	strace @p6 $0x9000006A  }
0x50: {  	s15 =	sadd.s32 @!p1 $0x3, s15;
	s17 =	sadd.s32 @p0 s4, s17;
	_ =	strace @!p1 $0x8000006B  }
0x51: {  	s14 =	sand.u32 @p0 $0x1, s14;
	s17 =	sshll.u32 @p0 s17, $0x5;
	_ =	swait.ge @!p1 [sflag:s15], $0x8000  }
0x52: {  	s18 =	simm.s32 $0x1;
	s20 =	sshll.u32 @p0 s14, $0x8;
	[sflag:s15] =	ssyncset.done @!p1 $0x0  }
0x53: {  	s14 =	sadd.s32 @p0 $0x1, s14;
	s18 =	simm.s32 @!p6 $0x0;
	[sflag:s15] =	ssyncadd.s32 @!p1 $0xFFFF8000  }
0x54: {  	s19 =	sadd.s32 s18, s19;
	s15 =	sand.u32 @p0 $0x1FFFFFE0, s17;
	_ =	strace @!p1 $0x9000006B  }
0x55: {  	s17 =	simm.s32 @p0 $0x0;
	s15 =	sadd.s32 @p0 s3, s15;
	_ =	strace @p0 $0x80000067  }
0x56: {  	[tilespmem:s20], [sflag:s14] =	stream.linear.gather @p0 [hbm4b:s15+s17], $0x100, $0x200038;
	[tilespmem:$0x10200] =	vst v63  }
0x57: {  	s25 =	sand.u32 $0x1, s19;
	_ =	strace @p0 $0x90000067  }
0x58: {  	s14 =	sadd.s32 $0x1, s25;
	_ =	strace $0x80000068  }
0x59: {  	_ =	swait.ge [sflag:s14], $0x100  }
0x5a: {  	[sflag:s14] =	ssyncset.done $0x0  }
0x5b: {  	[sflag:s14] =	ssyncadd.s32 $0xFFFFFF00  }
0x5c: {  	s26 =	sadd.s32 s18, s16;
	_ =	strace $0x90000068  }
0x5d: {  	s14 =	sand.u32 $0x1, s26;
	_ =	strace $0x80000069  }
0x5e: {  	s30 =	sshll.u32 s19, $0x8;
	s31 =	sshll.u32 s14, $0xF;
	s28 =	rddreg [dreg:$0x4]  }
0x5f: {  	s17 =	sand.u32 $0x100, s30;
	s18 =	sor.u32 $0x200, s31;
	s29 =	rddreg [dreg:$0x3]  }
0x60: {  	[tilespmem:s18], [sflag:$0x5] =	stream.indirect.gather [hbm4b:s29+s28], $0x80, s17, s28, $0x2000b8;
	[tilespmem:$0x10200] =	vst v63  }
0x61: {  	_ =	swait.ge [sflag:s8], $0x8000  }
0x62: {  	[sflag:s8] =	ssyncset.done $0x0  }
0x63: {  	p5 =	por p3, p3;
	p6 =	seq.s32 s12, $0x1;
	[sflag:s8] =	ssyncadd.s32 $0xFFFF8000  }
0x64: {  	s11 =	sadd.s32 s4, s11;
	p0 =	por p6, p5;
	_ =	strace $0x90000069  }
0x65: {  	s11 =	sshll.u32 @p0 s11, $0xC;
	_ =	strace @p0 $0x8000006A  }
0x66: {  	s13 =	sadd.s32 s21, s13;
	s11 =	sand.u32 @p0 $0x1FFFF000, s11;
	s12 =	rddreg [dreg:$0x5]  }
0x67: {  	s14 =	sadd.s32 @p0 $0x3, s14;
	s11 =	sadd.s32 @p0 s12, s11;
	s12 =	simm.s32 @p0 $0x0  }
0x68: {  	[hbm4b:s11+s12] =	stream.linear.scatter @p0 [tilespmem:s18], [sflag:s14], $0x8000, $0x200038;
	[tilespmem:$0x10200] =	vst v63  }
0x69: {  	p1 =	por p2, p2;
	s11 =	sand.u32 @!p2 $0x1, s13;
	_ =	strace @p0 $0x9000006A  }
0x6a: {  	s11 =	sadd.s32 @!p1 $0x3, s11;
	_ =	strace @!p1 $0x8000006B  }
0x6b: {  	_ =	swait.ge @!p1 [sflag:s11], $0x8000  }
0x6c: {  	[sflag:s11] =	ssyncset.done @!p1 $0x0  }
0x6d: {  	s10 =	sadd.s32 $0x1, s10;
	[sflag:s11] =	ssyncadd.s32 @!p1 $0xFFFF8000  }
0x6e: {  	p0 =	sne.s32 s10, s6;
	_ =	strace @!p1 $0x9000006B  }
.Ltmp1:
0x6f: {  	_ =	strace $0x8000006C;
	(pc) =	sbr.rel @p0 .LBB2_1-.Ltmp1, $4  }
0x70: {  	_ =	swait.ge [sflag:s9], $0x8000  }
0x71: {  	[sflag:s9] =	ssyncset.done $0x0  }
0x72: {  	[sflag:s9] =	ssyncadd.s32 $0xFFFF8000  }
0x73: {  	_ =	strace $0x9000006C  }
0x74: {  	_ =	sfence.sel $0x180000  }
0x75: {  	[bflag:$0x0] =	sbarrier.arrive $0xFFFF  }
0x76: {  	p0 =	sne.s32 s1, $0x0;
	_ =	strace $0x90000065  }
0x77: {  	s0 =	sadd.s32 @!p0 $0x100000, s0;
	[bflag:$0x2] =	sbarrier.arrive $0xFFFF  }
0x78: {  	[sflag:s0] =	ssyncadd.tile.s32 @!p0 $0x1;
	_ =	shalt  }
.Lfunc_end2:
_tile_overlayer_lowered:
.L_overlay_start_2:
0x79: {  	(tag) =	ssettag $0x2  }
0x7a: {  	s0 =	rddreg [dreg:$0x0];
	s2 =	stileid.u32  }
0x7b: {  	s1 =	rddreg [dreg:$0x1];
	p0 =	sne.s32 s2, $0x0  }
0x7c: {  	s3 =	rddreg [dreg:$0x2];
	[bflag:$0x3] =	sbarrier.arrive $0xFFFF;
	s2 =	simm.s32 @!p0 $0x1C01  }
0x7d: {  	[timem:s3], [sflag:s2] =	dma.local @!p0 [hbm:s0], s1  }
0x7e: {  	s0 =	simm.s32 @!p0 $0x1  }
0x7f: {  	_ =	swait.ge @!p0 [sflag:s0], s1  }
0x80: {  	s1 =	ssub.s32 @!p0 $0x0, s1;
	[sflag:s0] =	ssyncset.done @!p0 $0x0  }
0x81: {  	[sflag:s0] =	ssyncadd.s32 @!p0 s1  }
0x82: {  	[bflag:$0x3] =	sbarrier.arrive $0xFFFF  }
0x83: {  	_ =	shalt  }

</sc_bundles>
